<compile_context>
chip_gen: v7x
topology: tpu7x:2x2x1
jax: 0.10.2.dev20260603
libtpu: 0.0.44.dev20260713+nightly
codegen_flags: <defaults>
</compile_context>

<pallas_src>
import functools

import jax
import jax.numpy as jnp
from jax import lax
from jax.experimental import pallas as pl
from jax.experimental.pallas import tpu as pltpu
from jax.experimental.pallas import tpu_sc as plsc

N = 10000
E = 160000
IN = 256
H = 8
D = 64
OUT = H * D

NSC = 2
NT = 16
LB = 64
NBLK = 160
CHK = 32
NCHK = NBLK // CHK
EPAD = NT * NBLK * LB
NPAD = 10112
RPT = NPAD // NT
ROWS = 1024
RC = 400
NBC = N // RC
AW = 128
SW = 80
NPAIR = 40



def _a_body(h_ref, w_ref, a_ref, pt_ref, elt_ref):
    res = jnp.dot(h_ref[0], w_ref[0], preferred_element_type=jnp.float32)
    r3 = res.reshape(ROWS, H, D).transpose(1, 0, 2)
    pt_ref[0] = jnp.concatenate(
        [r3, jnp.ones((H, ROWS, 1), jnp.float32),
         jnp.zeros((H, ROWS, D - 1), jnp.float32)], axis=2)
    el = jnp.dot(h_ref[0], a_ref[0], preferred_element_type=jnp.float32)
    elt_ref[0] = el.T.reshape(2, H, ROWS)


def _projections(hs, ws, a8):
    return pl.pallas_call(
        _a_body,
        grid=(8, pl.cdiv(N, ROWS)),
        in_specs=[
            pl.BlockSpec((1, ROWS, IN), lambda j, r: (j, r, 0)),
            pl.BlockSpec((1, IN, OUT), lambda j, r: (j, 0, 0)),
            pl.BlockSpec((1, IN, 16), lambda j, r: (j, 0, 0)),
        ],
        out_specs=[
            pl.BlockSpec((1, H, ROWS, AW), lambda j, r: (j, 0, r, 0)),
            pl.BlockSpec((1, 2, H, ROWS), lambda j, r: (j, 0, 0, r)),
        ],
        out_shape=[
            jax.ShapeDtypeStruct((8, H, N, AW), jnp.float32),
            jax.ShapeDtypeStruct((8, 2, H, N), jnp.float32),
        ],
    )(hs, ws, a8)




def _agg_body(pt_hbm, elt_hbm, eip_hbm, acc_hbm,
              src_c, dst_c, exc_v, rows0, rows1, el_v, er_v,
              accum_sh, gs0, gs1, ss0, ss1):
    c = lax.axis_index("c")
    s = lax.axis_index("s")

    def scale(rv, bb):
        off = bb * LB

        def edge(e, _):
            bc = plsc.load_gather(exc_v,
                                  [jnp.full((16,), off + e, jnp.int32)])
            for q in range(5):
                rv[e, pl.ds(q * 16, 16)] = rv[e, pl.ds(q * 16, 16)] * bc
            return 0

        lax.fori_loop(0, LB, edge, 0, unroll=8)

    def pair_body(k, _):
        pid = c * (NPAIR // 2) + k
        g = pid // H
        h = pid % H
        sj = jnp.where(g < 2, g, 2 * g - 2)
        dj = jnp.where(g < 2, g, 2 * g - 1)
        pltpu.sync_copy(elt_hbm.at[sj, 0, h], el_v)
        pltpu.sync_copy(elt_hbm.at[dj, 1, h], er_v)
        pt_v = pt_hbm.at[sj, h]

        def zrows(i, _):
            z = jnp.zeros((16,), jnp.float32)
            for q in range(AW // 16):
                rows0[i, pl.ds(q * 16, 16)] = z
            return 0

        lax.fori_loop(0, LB, zrows, 0)

        def zacc(i, _):
            pltpu.sync_copy(rows0, accum_sh.at[pl.ds(s * RPT + i * LB, LB)])
            return 0

        lax.fori_loop(0, RPT // LB, zacc, 0)
        pltpu.sync_copy(rows0.at[pl.ds(0, RPT % LB)],
                        accum_sh.at[pl.ds(s * RPT + RPT - RPT % LB,
                                          RPT % LB)])
        plsc.subcore_barrier()

        def chunk(ch, _):
            pltpu.sync_copy(eip_hbm.at[g, 0, s, pl.ds(ch * CHK, CHK)], src_c)
            pltpu.sync_copy(eip_hbm.at[g, 1, s, pl.ds(ch * CHK, CHK)], dst_c)
            pltpu.async_copy(pt_v.at[src_c.at[0]], rows0, gs0)

            def exblk(b, _):

                def grp(i, _):
                    s16 = src_c[b, pl.ds(i * 16, 16)]
                    d16 = dst_c[b, pl.ds(i * 16, 16)]
                    x = plsc.load_gather(el_v, [s16]) + plsc.load_gather(
                        er_v, [d16])
                    x = jnp.maximum(x, 0.2 * x)
                    exc_v[pl.ds(b * LB + i * 16, 16)] = jnp.exp(x)
                    return 0

                lax.fori_loop(0, LB // 16, grp, 0, unroll=2)
                return 0

            lax.fori_loop(0, CHK, exblk, 0)

            def pairblk(i, _):
                b0 = 2 * i
                b1 = 2 * i + 1

                @pl.when(i > 0)
                def _():
                    pltpu.make_async_copy(
                        rows1, accum_sh.at[dst_c.at[b1]], ss1).wait()

                pltpu.async_copy(pt_v.at[src_c.at[b1]], rows1, gs1)
                pltpu.make_async_copy(pt_v.at[src_c.at[b0]], rows0,
                                      gs0).wait()
                scale(rows0, b0)
                pltpu.async_copy(rows0, accum_sh.at[dst_c.at[b0]], ss0,
                                 add=True)
                pltpu.make_async_copy(pt_v.at[src_c.at[b1]], rows1,
                                      gs1).wait()
                scale(rows1, b1)
                pltpu.async_copy(rows1, accum_sh.at[dst_c.at[b1]], ss1,
                                 add=True)

                @pl.when(i < CHK // 2 - 1)
                def _():
                    pltpu.make_async_copy(
                        rows0, accum_sh.at[dst_c.at[b0]], ss0).wait()
                    pltpu.async_copy(pt_v.at[src_c.at[b0 + 2]], rows0, gs0)

                return 0

            lax.fori_loop(0, CHK // 2, pairblk, 0)
            pltpu.make_async_copy(rows0, accum_sh.at[dst_c.at[CHK - 2]],
                                  ss0).wait()
            pltpu.make_async_copy(rows1, accum_sh.at[dst_c.at[CHK - 1]],
                                  ss1).wait()
            return 0

        lax.fori_loop(0, NCHK, chunk, 0)
        plsc.subcore_barrier()
        pltpu.sync_copy(accum_sh.at[pl.ds(s * RPT, RPT)],
                        acc_hbm.at[pid, pl.ds(s * RPT, RPT)])
        return 0

    lax.fori_loop(0, NPAIR // 2, pair_body, 0)


def _sc_agg(pt, elt, eip):
    f = functools.partial(
        pl.kernel,
        out_type=jax.ShapeDtypeStruct((NPAIR, NPAD, AW), jnp.float32),
        mesh=plsc.VectorSubcoreMesh(core_axis_name="c",
                                    subcore_axis_name="s",
                                    num_cores=NSC, num_subcores=NT),
        scratch_types=[
            pltpu.VMEM((CHK, LB), jnp.int32),
            pltpu.VMEM((CHK, LB), jnp.int32),
            pltpu.VMEM((CHK * LB,), jnp.float32),
            pltpu.VMEM((LB, AW), jnp.float32),
            pltpu.VMEM((LB, AW), jnp.float32),
            pltpu.VMEM((N,), jnp.float32),
            pltpu.VMEM((N,), jnp.float32),
            pltpu.VMEM_SHARED((NPAD, AW), jnp.float32),
            pltpu.SemaphoreType.DMA,
            pltpu.SemaphoreType.DMA,
            pltpu.SemaphoreType.DMA,
            pltpu.SemaphoreType.DMA,
        ],
        compiler_params=pltpu.CompilerParams(needs_layout_passes=False),
    )(_agg_body)
    return f(pt, elt, eip)




def _c_body(acc_ref, b5_ref, ws1_ref, bs1_ref, ws2_ref,
            word_ref, r4_ref, pw_ref):
    def heads(g):
        rs = []
        for h in range(8):
            a = acc_ref[g * 8 + h]
            num = a[:, 0:64]
            den = a[:, 64:65]
            x = num / (den + 1e-9) + b5_ref[g:g + 1, 64 * h:64 * h + 64]
            rs.append(jnp.where(x > 0, x, jnp.exp(jnp.minimum(x, 0.0)) - 1.0))
        return rs

    r0 = heads(0)
    s1 = sum(jnp.sum(r, axis=1, keepdims=True) for r in r0)
    s2 = sum(jnp.sum(r * r, axis=1, keepdims=True) for r in r0)
    mu = s1 / OUT
    var = s2 / OUT - mu * mu
    inv = lax.rsqrt(var + 1e-5)
    for h in range(8):
        word_ref[:, 64 * h:64 * h + 64] = (r0[h] - mu) * inv

    vals = []
    for p, g in enumerate([1, 2, 3, 4]):
        rg = heads(g)
        t = jnp.zeros((RC, OUT), jnp.float32)
        for h in range(8):
            r4_ref[p, :, 64 * h:64 * h + 64] = rg[h]
            t = t + jnp.dot(rg[h], ws1_ref[64 * h:64 * h + 64, :],
                            preferred_element_type=jnp.float32)
        t = jnp.tanh(t + bs1_ref[...])
        vals.append(jnp.sum(t * ws2_ref[...]))
    lanes = lax.broadcasted_iota(jnp.int32, (1, 128), 1)
    acc = jnp.zeros((1, 128), jnp.float32)
    for p in range(4):
        acc = acc + jnp.where(lanes == p, vals[p], 0.0)

    @pl.when(pl.program_id(0) == 0)
    def _():
        pw_ref[...] = jnp.zeros((8, 128), jnp.float32)

    pw_ref[0:1, :] = pw_ref[0:1, :] + acc


def _fuse1(acc, b5, ws1, bs1, ws2):
    return pl.pallas_call(
        _c_body,
        grid=(NBC,),
        in_specs=[
            pl.BlockSpec((NPAIR, RC, AW), lambda r: (0, r, 0)),
            pl.BlockSpec((5, OUT), lambda r: (0, 0)),
            pl.BlockSpec((OUT, OUT), lambda r: (0, 0)),
            pl.BlockSpec((1, OUT), lambda r: (0, 0)),
            pl.BlockSpec((1, OUT), lambda r: (0, 0)),
        ],
        out_specs=[
            pl.BlockSpec((RC, OUT), lambda r: (r, 0)),
            pl.BlockSpec((4, RC, OUT), lambda r: (0, r, 0)),
            pl.BlockSpec((8, 128), lambda r: (0, 0)),
        ],
        out_shape=[
            jax.ShapeDtypeStruct((N, OUT), jnp.float32),
            jax.ShapeDtypeStruct((4, N, OUT), jnp.float32),
            jax.ShapeDtypeStruct((8, 128), jnp.float32),
        ],
    )(acc, b5, ws1, bs1, ws2)




def _d_body(beta_ref, r4_ref, topic_ref, doc_ref):
    lanes = lax.broadcasted_iota(jnp.int32, (1, 128), 1)
    b = beta_ref[...]

    def pick(p):
        return jnp.sum(jnp.where(lanes == p, b, 0.0))

    def ln(x):
        mu = jnp.mean(x, axis=1, keepdims=True)
        var = jnp.mean(x * x, axis=1, keepdims=True) - mu * mu
        return (x - mu) * lax.rsqrt(var + 1e-5)

    topic_ref[...] = ln(pick(0) * r4_ref[0] + pick(1) * r4_ref[1])
    doc_ref[...] = ln(pick(2) * r4_ref[2] + pick(3) * r4_ref[3])


def _fuse2(beta, r4):
    return pl.pallas_call(
        _d_body,
        grid=(NBC,),
        in_specs=[
            pl.BlockSpec((1, 128), lambda r: (0, 0)),
            pl.BlockSpec((4, RC, OUT), lambda r: (0, r, 0)),
        ],
        out_specs=[
            pl.BlockSpec((RC, OUT), lambda r: (r, 0)),
            pl.BlockSpec((RC, OUT), lambda r: (r, 0)),
        ],
        out_shape=[
            jax.ShapeDtypeStruct((N, OUT), jnp.float32),
            jax.ShapeDtypeStruct((N, OUT), jnp.float32),
        ],
    )(beta, r4)




def _wl(W, a):
    return jnp.einsum('ihd,hd->ih', W.reshape(IN, H, D), a)


def _pad_ei(ei):
    pad = EPAD - E
    src = jnp.concatenate([ei[0], jnp.zeros((pad,), jnp.int32)])
    dst = jnp.concatenate([ei[1], jnp.full((pad,), N, jnp.int32)])
    return jnp.stack([src, dst]).reshape(2, NT, NBLK, LB)


def kernel(h_word, h_topic, h_doc, ei_ww, ei_tt, ei_wt, ei_td, ei_wd,
           W0, al0, ar0, b0, W1, al1, ar1, b1, W2, al2, ar2, b2,
           W3, al3, ar3, b3, W4, al4, ar4, b4, Ws1, bs1, Ws2):
    hs = jnp.stack([h_word, h_topic, h_word, h_topic, h_topic, h_doc,
                    h_word, h_doc])
    ws = jnp.stack([W0, W1, W2, W2, W3, W3, W4, W4])
    z = jnp.zeros((IN, H), jnp.float32)
    a8 = jnp.stack([
        jnp.concatenate([_wl(W0, al0), _wl(W0, ar0)], axis=1),
        jnp.concatenate([_wl(W1, al1), _wl(W1, ar1)], axis=1),
        jnp.concatenate([_wl(W2, al2), z], axis=1),
        jnp.concatenate([z, _wl(W2, ar2)], axis=1),
        jnp.concatenate([_wl(W3, al3), z], axis=1),
        jnp.concatenate([z, _wl(W3, ar3)], axis=1),
        jnp.concatenate([_wl(W4, al4), z], axis=1),
        jnp.concatenate([z, _wl(W4, ar4)], axis=1),
    ])
    eip = jnp.stack([_pad_ei(e) for e in
                     [ei_ww, ei_tt, ei_wt, ei_td, ei_wd]])

    pt, elt = _projections(hs, ws, a8)
    acc = _sc_agg(pt, elt, eip)

    b5 = jnp.stack([b0, b1, b2, b3, b4])
    word, r4, pw = _fuse1(acc, b5, Ws1, bs1.reshape(1, OUT),
                          Ws2.reshape(1, OUT))
    w4 = pw[0, :4] / N
    beta_t = jax.nn.softmax(w4[0:2])
    beta_d = jax.nn.softmax(w4[2:4])
    beta = jnp.pad(jnp.concatenate([beta_t, beta_d]),
                   (0, 124)).reshape(1, 128)
    topic, doc = _fuse2(beta, r4)
    return (word, doc, topic)

# --- scband reference (transcript-rebuilt; emitter-appended) ---
"""Pipeline reference for scband-hanlayer-85572928405589 (READ-ONLY COPY).

The authoritative reference and input builder live on the scoring server;
editing this copy changes nothing except your own understanding.
"""

import jax, jax.numpy as jnp
import numpy as np

N = 10000
E = 160000
IN = 256
H = 8
D = 64
OUT = H * D


def _ln(x):
    mu = jnp.mean(x, axis=-1, keepdims=True)
    var = jnp.var(x, axis=-1, keepdims=True)
    return (x - mu) / jnp.sqrt(var + 1e-5)


def _gat(h_src, h_dst, ei, W, al, ar, b, n_dst):
    fs = (h_src @ W).reshape(-1, H, D)
    fd = (h_dst @ W).reshape(-1, H, D)
    el = jnp.sum(fs * al[None], axis=-1)
    er = jnp.sum(fd * ar[None], axis=-1)
    src, dst = ei[0], ei[1]
    e = jax.nn.leaky_relu(el[src] + er[dst], negative_slope=0.2)
    m = jax.ops.segment_max(e, dst, num_segments=n_dst)
    m = jnp.where(jnp.isfinite(m), m, 0.0)
    ex = jnp.exp(e - m[dst])
    s = jax.ops.segment_sum(ex, dst, num_segments=n_dst)
    alpha = ex / (s[dst] + 1e-9)
    msg = alpha[:, :, None] * fs[src]
    out = jax.ops.segment_sum(msg, dst, num_segments=n_dst)
    out = out + b.reshape(1, H, D)
    out = jax.nn.elu(out)
    return out.reshape(n_dst, OUT)


def _sem_att(z, Ws1, bs1, Ws2):
    w = jnp.mean(jnp.tanh(z @ Ws1 + bs1) @ Ws2, axis=0)
    beta = jax.nn.softmax(w, axis=0)
    return jnp.sum(beta[None] * z, axis=1)


def setup_inputs(seed: int = 0):
    key = jax.random.key(seed)
    ks = jax.random.split(key, 40)
    inp = {}
    inp['h_word'] = jax.random.normal(ks[0], (N, IN), dtype=jnp.float32)
    inp['h_topic'] = jax.random.normal(ks[1], (N, IN), dtype=jnp.float32)
    inp['h_doc'] = jax.random.normal(ks[2], (N, IN), dtype=jnp.float32)
    for j, name in enumerate(['ei_ww', 'ei_tt', 'ei_wt', 'ei_td', 'ei_wd']):
        inp[name] = jax.random.randint(ks[3 + j], (2, E), 0, N, dtype=jnp.int32)
    for i in range(5):
        inp['W%d' % i] = jax.random.normal(ks[8 + i], (IN, OUT), dtype=jnp.float32) * 0.05
        inp['al%d' % i] = jax.random.normal(ks[13 + i], (H, D), dtype=jnp.float32) * 0.05
        inp['ar%d' % i] = jax.random.normal(ks[18 + i], (H, D), dtype=jnp.float32) * 0.05
        inp['b%d' % i] = jnp.zeros((OUT,), dtype=jnp.float32)
    inp['Ws1'] = jax.random.normal(ks[30], (OUT, OUT), dtype=jnp.float32) * 0.05
    inp['bs1'] = jnp.zeros((OUT,), dtype=jnp.float32)
    inp['Ws2'] = jax.random.normal(ks[31], (OUT, 1), dtype=jnp.float32) * 0.05
    return inp


def reference(h_word, h_topic, h_doc, ei_ww, ei_tt, ei_wt, ei_td, ei_wd,
              W0, al0, ar0, b0, W1, al1, ar1, b1, W2, al2, ar2, b2,
              W3, al3, ar3, b3, W4, al4, ar4, b4, Ws1, bs1, Ws2):
    r_ww = _gat(h_word, h_word, ei_ww, W0, al0, ar0, b0, N)
    r_tt = _gat(h_topic, h_topic, ei_tt, W1, al1, ar1, b1, N)
    r_wt = _gat(h_word, h_topic, ei_wt, W2, al2, ar2, b2, N)
    r_td = _gat(h_topic, h_doc, ei_td, W3, al3, ar3, b3, N)
    r_wd = _gat(h_word, h_doc, ei_wd, W4, al4, ar4, b4, N)
    z_doc = jnp.stack([r_td, r_wd], axis=1)
    sem_doc = _sem_att(z_doc, Ws1, bs1, Ws2)
    z_topic = jnp.stack([r_tt, r_wt], axis=1)
    sem_topic = _sem_att(z_topic, Ws1, bs1, Ws2)
    word = _ln(r_ww)
    doc = _ln(sem_doc)
    topic = _ln(sem_topic)
    return (word, doc, topic)

if __name__ == "__main__":
    import jax
    _d = setup_inputs()
    print(jax.jit(kernel)(*tuple(_d.values())))

</pallas_src>

<mosaic_0001>
#map = affine_map<(d0, d1) -> (0, 0, 0, 0)>
#map1 = affine_map<(d0, d1) -> (0, 0, 0, 0, 0)>
#map2 = affine_map<(d0, d1) -> (0, 0, 0)>
module attributes {stable_mosaic.version = 14 : i64} {
  func.func @_agg_body(%arg0: i32, %arg1: i32, %arg2: memref<8x8x10000x128xf32, #tpu.memory_space<hbm>>, %arg3: memref<8x2x8x10000xf32, #tpu.memory_space<hbm>>, %arg4: memref<5x2x16x160x64xi32, #tpu.memory_space<hbm>>, %arg5: memref<40x10112x128xf32, #tpu.memory_space<hbm>>, %arg6: memref<32x64xi32, #tpu.memory_space<vmem>>, %arg7: memref<32x64xi32, #tpu.memory_space<vmem>>, %arg8: memref<2048xf32, #tpu.memory_space<vmem>>, %arg9: memref<64x128xf32, #tpu.memory_space<vmem>>, %arg10: memref<64x128xf32, #tpu.memory_space<vmem>>, %arg11: memref<10000xf32, #tpu.memory_space<vmem>>, %arg12: memref<10000xf32, #tpu.memory_space<vmem>>, %arg13: memref<10112x128xf32, #tpu.memory_space<vmem_shared>>, %arg14: memref<!tpu.dma_semaphore, #tpu.memory_space<semaphore_mem>>, %arg15: memref<!tpu.dma_semaphore, #tpu.memory_space<semaphore_mem>>, %arg16: memref<!tpu.dma_semaphore, #tpu.memory_space<semaphore_mem>>, %arg17: memref<!tpu.dma_semaphore, #tpu.memory_space<semaphore_mem>>) attributes {dimension_semantics = [#tpu.dimension_semantics<core_parallel>, #tpu.dimension_semantics<subcore_parallel>], iteration_bounds = array<i64: 2, 16>, scalar_prefetch = 0 : i64, scratch_operands = 12 : i64, tpu.core_type = #tpu.core_type<sc_vector_subcore>, window_params = [{transform_indices = #map}, {transform_indices = #map}, {transform_indices = #map1}, {transform_indices = #map2}]} {
    %scan3A = arith.constant 0 : i32
    %scan3A_0 = arith.constant 0 : i32
    %scan3A_1 = arith.constant 20 : i32
    %scan3A_2 = arith.addi %scan3A_0, %scan3A_1 : i32
    %scan3A_3 = arith.constant 1 : i32
    %scan3A_4 = scf.for %scan3A_6 = %scan3A_0 to %scan3A_2 step %scan3A_3 iter_args(%scan3A_7 = %scan3A) -> (i32)  : i32 {
      %mul3A = arith.constant 20 : i32
      %mul3A_8 = arith.muli %arg0, %mul3A : i32
      %add3A = arith.addi %mul3A_8, %scan3A_6 : i32
      %jit3A = arith.constant 8 : i32
      %div3A = arith.divsi %add3A, %jit3A : i32
      %sign3A = arith.constant 0 : i32
      %sign3A_9 = arith.cmpi sgt, %add3A, %sign3A : i32
      %sign3A_10 = arith.extui %sign3A_9 : i1 to i32
      %sign3A_11 = arith.constant 0 : i32
      %sign3A_12 = arith.cmpi slt, %add3A, %sign3A_11 : i32
      %sign3A_13 = arith.extui %sign3A_12 : i1 to i32
      %sign3A_14 = arith.subi %sign3A_10, %sign3A_13 : i32
      %sign3A_15 = arith.constant 0 : i32
      %sign3A_16 = arith.cmpi sgt, %jit3A, %sign3A_15 : i32
      %sign3A_17 = arith.extui %sign3A_16 : i1 to i32
      %sign3A_18 = arith.constant 0 : i32
      %sign3A_19 = arith.cmpi slt, %jit3A, %sign3A_18 : i32
      %sign3A_20 = arith.extui %sign3A_19 : i1 to i32
      %sign3A_21 = arith.subi %sign3A_17, %sign3A_20 : i32
      %ne3A = arith.cmpi ne, %sign3A_14, %sign3A_21 : i32
      %rem3A = arith.remsi %add3A, %jit3A : i32
      %ne3A_22 = arith.constant 0 : i32
      %ne3A_23 = arith.cmpi ne, %rem3A, %ne3A_22 : i32
      %and3A = arith.andi %ne3A, %ne3A_23 : i1
      %sub3A = arith.constant 1 : i32
      %sub3A_24 = arith.subi %div3A, %sub3A : i32
      %select_n3A = arith.select %and3A, %sub3A_24, %div3A : i32
      %jit3A_25 = arith.constant 8 : i32
      %eq3A = arith.constant 0 : i32
      %eq3A_26 = arith.cmpi eq, %jit3A_25, %eq3A : i32
      %jit3A_27 = arith.constant 1 : i32
      %select_n3A_28 = arith.select %eq3A_26, %jit3A_27, %jit3A_25 : i32
      %rem3A_29 = arith.remsi %add3A, %select_n3A_28 : i32
      %ne3A_30 = arith.constant 0 : i32
      %ne3A_31 = arith.cmpi ne, %rem3A_29, %ne3A_30 : i32
      %lt3A = arith.constant 0 : i32
      %lt3A_32 = arith.cmpi slt, %rem3A_29, %lt3A : i32
      %lt3A_33 = arith.constant 0 : i32
      %lt3A_34 = arith.cmpi slt, %select_n3A_28, %lt3A_33 : i32
      %ne3A_35 = arith.xori %lt3A_32, %lt3A_34 : i1
      %and3A_36 = arith.andi %ne3A_35, %ne3A_31 : i1
      %add3A_37 = arith.addi %rem3A_29, %select_n3A_28 : i32
      %select_n3A_38 = arith.select %and3A_36, %add3A_37, %rem3A_29 : i32
      %lt3A_39 = arith.constant 2 : i32
      %lt3A_40 = arith.cmpi slt, %select_n3A, %lt3A_39 : i32
      %mul3A_41 = arith.constant 2 : i32
      %mul3A_42 = arith.muli %mul3A_41, %select_n3A : i32
      %sub3A_43 = arith.constant 2 : i32
      %sub3A_44 = arith.subi %mul3A_42, %sub3A_43 : i32
      %select_n3A_45 = arith.select %lt3A_40, %select_n3A, %sub3A_44 : i32
      %lt3A_46 = arith.constant 2 : i32
      %lt3A_47 = arith.cmpi slt, %select_n3A, %lt3A_46 : i32
      %mul3A_48 = arith.constant 2 : i32
      %mul3A_49 = arith.muli %mul3A_48, %select_n3A : i32
      %sub3A_50 = arith.constant 1 : i32
      %sub3A_51 = arith.subi %mul3A_49, %sub3A_50 : i32
      %select_n3A_52 = arith.select %lt3A_47, %select_n3A, %sub3A_51 : i32
      %run_scoped3A = arith.constant 0 : i32
      "tpu.region"() ({
        %run_scoped3A_87 = tpu.sem_alloc : memref<!tpu.dma_semaphore, #tpu.memory_space<semaphore_mem>>
        %dma_start3A = arith.constant 0 : i32
        %dma_start3A_88 = tpu.memref_slice %arg3[%select_n3A_45, %run_scoped3A, %select_n3A_38, %dma_start3A] : memref<8x2x8x10000xf32, #tpu.memory_space<hbm>> -> memref<1x1x1x10000xf32, #tpu.memory_space<hbm>>
        %dma_start3A_89 = tpu.memref_squeeze %dma_start3A_88 : memref<1x1x1x10000xf32, #tpu.memory_space<hbm>> -> memref<10000xf32, #tpu.memory_space<hbm>>
        %dma_start3A_90 = arith.constant 0 : i32
        %dma_start3A_91 = tpu.memref_slice %arg3[%select_n3A_45, %run_scoped3A, %select_n3A_38, %dma_start3A_90] : memref<8x2x8x10000xf32, #tpu.memory_space<hbm>> -> memref<1x1x1x10000xf32, #tpu.memory_space<hbm>>
        %dma_start3A_92 = tpu.memref_squeeze %dma_start3A_91 : memref<1x1x1x10000xf32, #tpu.memory_space<hbm>> -> memref<10000xf32, #tpu.memory_space<hbm>>
        tpu.enqueue_dma source(%dma_start3A_92 : memref<10000xf32, #tpu.memory_space<hbm>>) target(%arg11 : memref<10000xf32, #tpu.memory_space<vmem>>) target_semaphore(%run_scoped3A_87 : memref<!tpu.dma_semaphore, #tpu.memory_space<semaphore_mem>>)
        %dma_wait3A = arith.constant 0 : i32
        %dma_wait3A_93 = tpu.memref_slice %arg3[%select_n3A_45, %run_scoped3A, %select_n3A_38, %dma_wait3A] : memref<8x2x8x10000xf32, #tpu.memory_space<hbm>> -> memref<1x1x1x10000xf32, #tpu.memory_space<hbm>>
        %dma_wait3A_94 = tpu.memref_squeeze %dma_wait3A_93 : memref<1x1x1x10000xf32, #tpu.memory_space<hbm>> -> memref<10000xf32, #tpu.memory_space<hbm>>
        %dma_wait3A_95 = arith.constant 0 : i32
        %dma_wait3A_96 = tpu.memref_slice %arg3[%select_n3A_45, %run_scoped3A, %select_n3A_38, %dma_wait3A_95] : memref<8x2x8x10000xf32, #tpu.memory_space<hbm>> -> memref<1x1x1x10000xf32, #tpu.memory_space<hbm>>
        %dma_wait3A_97 = tpu.memref_squeeze %dma_wait3A_96 : memref<1x1x1x10000xf32, #tpu.memory_space<hbm>> -> memref<10000xf32, #tpu.memory_space<hbm>>
        tpu.wait_dma2 semaphore(%run_scoped3A_87 : memref<!tpu.dma_semaphore, #tpu.memory_space<semaphore_mem>>) src(%dma_wait3A_97 : memref<10000xf32, #tpu.memory_space<hbm>>) dst(%arg11 : memref<10000xf32, #tpu.memory_space<vmem>>)
        tpu.yield
      }) : () -> ()
      %run_scoped3A_53 = arith.constant 1 : i32
      "tpu.region"() ({
        %run_scoped3A_87 = tpu.sem_alloc : memref<!tpu.dma_semaphore, #tpu.memory_space<semaphore_mem>>
        %dma_start3A = arith.constant 0 : i32
        %dma_start3A_88 = tpu.memref_slice %arg3[%select_n3A_52, %run_scoped3A_53, %select_n3A_38, %dma_start3A] : memref<8x2x8x10000xf32, #tpu.memory_space<hbm>> -> memref<1x1x1x10000xf32, #tpu.memory_space<hbm>>
        %dma_start3A_89 = tpu.memref_squeeze %dma_start3A_88 : memref<1x1x1x10000xf32, #tpu.memory_space<hbm>> -> memref<10000xf32, #tpu.memory_space<hbm>>
        %dma_start3A_90 = arith.constant 0 : i32
        %dma_start3A_91 = tpu.memref_slice %arg3[%select_n3A_52, %run_scoped3A_53, %select_n3A_38, %dma_start3A_90] : memref<8x2x8x10000xf32, #tpu.memory_space<hbm>> -> memref<1x1x1x10000xf32, #tpu.memory_space<hbm>>
        %dma_start3A_92 = tpu.memref_squeeze %dma_start3A_91 : memref<1x1x1x10000xf32, #tpu.memory_space<hbm>> -> memref<10000xf32, #tpu.memory_space<hbm>>
        tpu.enqueue_dma source(%dma_start3A_92 : memref<10000xf32, #tpu.memory_space<hbm>>) target(%arg12 : memref<10000xf32, #tpu.memory_space<vmem>>) target_semaphore(%run_scoped3A_87 : memref<!tpu.dma_semaphore, #tpu.memory_space<semaphore_mem>>)
        %dma_wait3A = arith.constant 0 : i32
        %dma_wait3A_93 = tpu.memref_slice %arg3[%select_n3A_52, %run_scoped3A_53, %select_n3A_38, %dma_wait3A] : memref<8x2x8x10000xf32, #tpu.memory_space<hbm>> -> memref<1x1x1x10000xf32, #tpu.memory_space<hbm>>
        %dma_wait3A_94 = tpu.memref_squeeze %dma_wait3A_93 : memref<1x1x1x10000xf32, #tpu.memory_space<hbm>> -> memref<10000xf32, #tpu.memory_space<hbm>>
        %dma_wait3A_95 = arith.constant 0 : i32
        %dma_wait3A_96 = tpu.memref_slice %arg3[%select_n3A_52, %run_scoped3A_53, %select_n3A_38, %dma_wait3A_95] : memref<8x2x8x10000xf32, #tpu.memory_space<hbm>> -> memref<1x1x1x10000xf32, #tpu.memory_space<hbm>>
        %dma_wait3A_97 = tpu.memref_squeeze %dma_wait3A_96 : memref<1x1x1x10000xf32, #tpu.memory_space<hbm>> -> memref<10000xf32, #tpu.memory_space<hbm>>
        tpu.wait_dma2 semaphore(%run_scoped3A_87 : memref<!tpu.dma_semaphore, #tpu.memory_space<semaphore_mem>>) src(%dma_wait3A_97 : memref<10000xf32, #tpu.memory_space<hbm>>) dst(%arg12 : memref<10000xf32, #tpu.memory_space<vmem>>)
        tpu.yield
      }) : () -> ()
      %scan3A_54 = arith.constant 0 : i32
      %scan3A_55 = arith.constant 0 : i32
      %scan3A_56 = arith.constant 64 : i32
      %scan3A_57 = arith.addi %scan3A_55, %scan3A_56 : i32
      %scan3A_58 = arith.constant 1 : i32
      %scan3A_59 = scf.for %scan3A_87 = %scan3A_55 to %scan3A_57 step %scan3A_58 iter_args(%scan3A_88 = %scan3A_54) -> (i32)  : i32 {
        %broadcast_in_dim3A = arith.constant 0.000000e+00 : f32
        %broadcast_in_dim3A_89 = vector.broadcast %broadcast_in_dim3A : f32 to vector<16xf32>
        %swap3A = arith.index_cast %scan3A_87 : i32 to index
        %swap3A_90 = arith.constant 0 : index
        %swap3A_91 = tpu.vector_load %arg9[%swap3A, %swap3A_90] {strides = array<i32>} : memref<64x128xf32, #tpu.memory_space<vmem>>, vector<16xf32>,
        tpu.vector_store %arg9[%swap3A, %swap3A_90], %broadcast_in_dim3A_89 {strides = array<i32>} : memref<64x128xf32, #tpu.memory_space<vmem>>, vector<16xf32>,
        %swap3A_92 = arith.index_cast %scan3A_87 : i32 to index
        %swap3A_93 = arith.constant 16 : index
        %swap3A_94 = tpu.vector_load %arg9[%swap3A_92, %swap3A_93] {strides = array<i32>} : memref<64x128xf32, #tpu.memory_space<vmem>>, vector<16xf32>,
        tpu.vector_store %arg9[%swap3A_92, %swap3A_93], %broadcast_in_dim3A_89 {strides = array<i32>} : memref<64x128xf32, #tpu.memory_space<vmem>>, vector<16xf32>,
        %swap3A_95 = arith.index_cast %scan3A_87 : i32 to index
        %swap3A_96 = arith.constant 32 : index
        %swap3A_97 = tpu.vector_load %arg9[%swap3A_95, %swap3A_96] {strides = array<i32>} : memref<64x128xf32, #tpu.memory_space<vmem>>, vector<16xf32>,
        tpu.vector_store %arg9[%swap3A_95, %swap3A_96], %broadcast_in_dim3A_89 {strides = array<i32>} : memref<64x128xf32, #tpu.memory_space<vmem>>, vector<16xf32>,
        %swap3A_98 = arith.index_cast %scan3A_87 : i32 to index
        %swap3A_99 = arith.constant 48 : index
        %swap3A_100 = tpu.vector_load %arg9[%swap3A_98, %swap3A_99] {strides = array<i32>} : memref<64x128xf32, #tpu.memory_space<vmem>>, vector<16xf32>,
        tpu.vector_store %arg9[%swap3A_98, %swap3A_99], %broadcast_in_dim3A_89 {strides = array<i32>} : memref<64x128xf32, #tpu.memory_space<vmem>>, vector<16xf32>,
        %swap3A_101 = arith.index_cast %scan3A_87 : i32 to index
        %swap3A_102 = arith.constant 64 : index
        %swap3A_103 = tpu.vector_load %arg9[%swap3A_101, %swap3A_102] {strides = array<i32>} : memref<64x128xf32, #tpu.memory_space<vmem>>, vector<16xf32>,
        tpu.vector_store %arg9[%swap3A_101, %swap3A_102], %broadcast_in_dim3A_89 {strides = array<i32>} : memref<64x128xf32, #tpu.memory_space<vmem>>, vector<16xf32>,
        %swap3A_104 = arith.index_cast %scan3A_87 : i32 to index
        %swap3A_105 = arith.constant 80 : index
        %swap3A_106 = tpu.vector_load %arg9[%swap3A_104, %swap3A_105] {strides = array<i32>} : memref<64x128xf32, #tpu.memory_space<vmem>>, vector<16xf32>,
        tpu.vector_store %arg9[%swap3A_104, %swap3A_105], %broadcast_in_dim3A_89 {strides = array<i32>} : memref<64x128xf32, #tpu.memory_space<vmem>>, vector<16xf32>,
        %swap3A_107 = arith.index_cast %scan3A_87 : i32 to index
        %swap3A_108 = arith.constant 96 : index
        %swap3A_109 = tpu.vector_load %arg9[%swap3A_107, %swap3A_108] {strides = array<i32>} : memref<64x128xf32, #tpu.memory_space<vmem>>, vector<16xf32>,
        tpu.vector_store %arg9[%swap3A_107, %swap3A_108], %broadcast_in_dim3A_89 {strides = array<i32>} : memref<64x128xf32, #tpu.memory_space<vmem>>, vector<16xf32>,
        %swap3A_110 = arith.index_cast %scan3A_87 : i32 to index
        %swap3A_111 = arith.constant 112 : index
        %swap3A_112 = tpu.vector_load %arg9[%swap3A_110, %swap3A_111] {strides = array<i32>} : memref<64x128xf32, #tpu.memory_space<vmem>>, vector<16xf32>,
        tpu.vector_store %arg9[%swap3A_110, %swap3A_111], %broadcast_in_dim3A_89 {strides = array<i32>} : memref<64x128xf32, #tpu.memory_space<vmem>>, vector<16xf32>,
        %scan3A_113 = arith.constant 0 : i32
        scf.yield %scan3A_113 : i32
      }
      %scan3A_60 = arith.constant 64 : i32
      %scan3A_61 = arith.constant 0 : i32
      %scan3A_62 = arith.constant 0 : i32
      %scan3A_63 = arith.constant 9 : i32
      %scan3A_64 = arith.addi %scan3A_62, %scan3A_63 : i32
      %scan3A_65 = arith.constant 1 : i32
      %scan3A_66 = scf.for %scan3A_87 = %scan3A_62 to %scan3A_64 step %scan3A_65 iter_args(%scan3A_88 = %scan3A_61) -> (i32)  : i32 {
        %mul3A_89 = arith.constant 632 : i32
        %mul3A_90 = arith.muli %arg1, %mul3A_89 : i32
        %mul3A_91 = arith.constant 64 : i32
        %mul3A_92 = arith.muli %scan3A_87, %mul3A_91 : i32
        %add3A_93 = arith.addi %mul3A_90, %mul3A_92 : i32
        "tpu.region"() ({
          %run_scoped3A_95 = tpu.sem_alloc : memref<!tpu.dma_semaphore, #tpu.memory_space<semaphore_mem>>
          %dma_start3A = arith.constant 0 : i32
          %dma_start3A_96 = tpu.memref_slice %arg13[%add3A_93, %dma_start3A] : memref<10112x128xf32, #tpu.memory_space<vmem_shared>> -> memref<64x128xf32, #tpu.memory_space<vmem_shared>>
          %dma_start3A_97 = arith.constant 0 : i32
          %dma_start3A_98 = tpu.memref_slice %arg13[%add3A_93, %dma_start3A_97] : memref<10112x128xf32, #tpu.memory_space<vmem_shared>> -> memref<64x128xf32, #tpu.memory_space<vmem_shared>>
          tpu.enqueue_dma source(%arg9 : memref<64x128xf32, #tpu.memory_space<vmem>>) target(%dma_start3A_98 : memref<64x128xf32, #tpu.memory_space<vmem_shared>>) target_semaphore(%run_scoped3A_95 : memref<!tpu.dma_semaphore, #tpu.memory_space<semaphore_mem>>)
          %dma_wait3A = arith.constant 0 : i32
          %dma_wait3A_99 = tpu.memref_slice %arg13[%add3A_93, %dma_wait3A] : memref<10112x128xf32, #tpu.memory_space<vmem_shared>> -> memref<64x128xf32, #tpu.memory_space<vmem_shared>>
          %dma_wait3A_100 = arith.constant 0 : i32
          %dma_wait3A_101 = tpu.memref_slice %arg13[%add3A_93, %dma_wait3A_100] : memref<10112x128xf32, #tpu.memory_space<vmem_shared>> -> memref<64x128xf32, #tpu.memory_space<vmem_shared>>
          tpu.wait_dma2 semaphore(%run_scoped3A_95 : memref<!tpu.dma_semaphore, #tpu.memory_space<semaphore_mem>>) src(%arg9 : memref<64x128xf32, #tpu.memory_space<vmem>>) dst(%dma_wait3A_101 : memref<64x128xf32, #tpu.memory_space<vmem_shared>>)
          tpu.yield
        }) : () -> ()
        %scan3A_94 = arith.constant 0 : i32
        scf.yield %scan3A_94 : i32
      }
      %scan3A_67 = arith.constant 9 : i32
      %mul3A_68 = arith.constant 632 : i32
      %mul3A_69 = arith.muli %arg1, %mul3A_68 : i32
      %add3A_70 = arith.constant 632 : i32
      %add3A_71 = arith.addi %mul3A_69, %add3A_70 : i32
      %sub3A_72 = arith.constant 56 : i32
      %sub3A_73 = arith.subi %add3A_71, %sub3A_72 : i32
      "tpu.region"() ({
        %run_scoped3A_87 = tpu.sem_alloc : memref<!tpu.dma_semaphore, #tpu.memory_space<semaphore_mem>>
        %dma_start3A = arith.constant 0 : i32
        %dma_start3A_88 = arith.constant 0 : i32
        %dma_start3A_89 = tpu.memref_slice %arg9[%dma_start3A, %dma_start3A_88] : memref<64x128xf32, #tpu.memory_space<vmem>> -> memref<56x128xf32, #tpu.memory_space<vmem>>
        %dma_start3A_90 = arith.constant 0 : i32
        %dma_start3A_91 = tpu.memref_slice %arg13[%sub3A_73, %dma_start3A_90] : memref<10112x128xf32, #tpu.memory_space<vmem_shared>> -> memref<56x128xf32, #tpu.memory_space<vmem_shared>>
        %dma_start3A_92 = arith.constant 0 : i32
        %dma_start3A_93 = tpu.memref_slice %arg13[%sub3A_73, %dma_start3A_92] : memref<10112x128xf32, #tpu.memory_space<vmem_shared>> -> memref<56x128xf32, #tpu.memory_space<vmem_shared>>
        %dma_start3A_94 = arith.constant 0 : i32
        %dma_start3A_95 = arith.constant 0 : i32
        %dma_start3A_96 = tpu.memref_slice %arg9[%dma_start3A_94, %dma_start3A_95] : memref<64x128xf32, #tpu.memory_space<vmem>> -> memref<56x128xf32, #tpu.memory_space<vmem>>
        tpu.enqueue_dma source(%dma_start3A_96 : memref<56x128xf32, #tpu.memory_space<vmem>>) target(%dma_start3A_93 : memref<56x128xf32, #tpu.memory_space<vmem_shared>>) target_semaphore(%run_scoped3A_87 : memref<!tpu.dma_semaphore, #tpu.memory_space<semaphore_mem>>)
        %dma_wait3A = arith.constant 0 : i32
        %dma_wait3A_97 = arith.constant 0 : i32
        %dma_wait3A_98 = tpu.memref_slice %arg9[%dma_wait3A, %dma_wait3A_97] : memref<64x128xf32, #tpu.memory_space<vmem>> -> memref<56x128xf32, #tpu.memory_space<vmem>>
        %dma_wait3A_99 = arith.constant 0 : i32
        %dma_wait3A_100 = tpu.memref_slice %arg13[%sub3A_73, %dma_wait3A_99] : memref<10112x128xf32, #tpu.memory_space<vmem_shared>> -> memref<56x128xf32, #tpu.memory_space<vmem_shared>>
        %dma_wait3A_101 = arith.constant 0 : i32
        %dma_wait3A_102 = tpu.memref_slice %arg13[%sub3A_73, %dma_wait3A_101] : memref<10112x128xf32, #tpu.memory_space<vmem_shared>> -> memref<56x128xf32, #tpu.memory_space<vmem_shared>>
        %dma_wait3A_103 = arith.constant 0 : i32
        %dma_wait3A_104 = arith.constant 0 : i32
        %dma_wait3A_105 = tpu.memref_slice %arg9[%dma_wait3A_103, %dma_wait3A_104] : memref<64x128xf32, #tpu.memory_space<vmem>> -> memref<56x128xf32, #tpu.memory_space<vmem>>
        tpu.wait_dma2 semaphore(%run_scoped3A_87 : memref<!tpu.dma_semaphore, #tpu.memory_space<semaphore_mem>>) src(%dma_wait3A_105 : memref<56x128xf32, #tpu.memory_space<vmem>>) dst(%dma_wait3A_102 : memref<56x128xf32, #tpu.memory_space<vmem_shared>>)
        tpu.yield
      }) : () -> ()
      %barrier3A = arith.constant 0 : index
      tpu.barrier barrier_id(%barrier3A)
      %scan3A_74 = arith.constant 0 : i32
      %scan3A_75 = arith.constant 0 : i32
      %scan3A_76 = arith.constant 5 : i32
      %scan3A_77 = arith.addi %scan3A_75, %scan3A_76 : i32
      %scan3A_78 = arith.constant 1 : i32
      %scan3A_79 = scf.for %scan3A_87 = %scan3A_75 to %scan3A_77 step %scan3A_78 iter_args(%scan3A_88 = %scan3A_74) -> (i32)  : i32 {
        %mul3A_89 = arith.constant 32 : i32
        %mul3A_90 = arith.muli %scan3A_87, %mul3A_89 : i32
        %run_scoped3A_91 = arith.constant 0 : i32
        "tpu.region"() ({
          %run_scoped3A_133 = tpu.sem_alloc : memref<!tpu.dma_semaphore, #tpu.memory_space<semaphore_mem>>
          %dma_start3A_134 = arith.constant 0 : i32
          %dma_start3A_135 = tpu.memref_slice %arg4[%select_n3A, %run_scoped3A_91, %arg1, %mul3A_90, %dma_start3A_134] : memref<5x2x16x160x64xi32, #tpu.memory_space<hbm>> -> memref<1x1x1x32x64xi32, #tpu.memory_space<hbm>>
          %dma_start3A_136 = tpu.memref_squeeze %dma_start3A_135 : memref<1x1x1x32x64xi32, #tpu.memory_space<hbm>> -> memref<32x64xi32, #tpu.memory_space<hbm>>
          %dma_start3A_137 = arith.constant 0 : i32
          %dma_start3A_138 = tpu.memref_slice %arg4[%select_n3A, %run_scoped3A_91, %arg1, %mul3A_90, %dma_start3A_137] : memref<5x2x16x160x64xi32, #tpu.memory_space<hbm>> -> memref<1x1x1x32x64xi32, #tpu.memory_space<hbm>>
          %dma_start3A_139 = tpu.memref_squeeze %dma_start3A_138 : memref<1x1x1x32x64xi32, #tpu.memory_space<hbm>> -> memref<32x64xi32, #tpu.memory_space<hbm>>
          tpu.enqueue_dma source(%dma_start3A_139 : memref<32x64xi32, #tpu.memory_space<hbm>>) target(%arg6 : memref<32x64xi32, #tpu.memory_space<vmem>>) target_semaphore(%run_scoped3A_133 : memref<!tpu.dma_semaphore, #tpu.memory_space<semaphore_mem>>)
          %dma_wait3A_140 = arith.constant 0 : i32
          %dma_wait3A_141 = tpu.memref_slice %arg4[%select_n3A, %run_scoped3A_91, %arg1, %mul3A_90, %dma_wait3A_140] : memref<5x2x16x160x64xi32, #tpu.memory_space<hbm>> -> memref<1x1x1x32x64xi32, #tpu.memory_space<hbm>>
          %dma_wait3A_142 = tpu.memref_squeeze %dma_wait3A_141 : memref<1x1x1x32x64xi32, #tpu.memory_space<hbm>> -> memref<32x64xi32, #tpu.memory_space<hbm>>
          %dma_wait3A_143 = arith.constant 0 : i32
          %dma_wait3A_144 = tpu.memref_slice %arg4[%select_n3A, %run_scoped3A_91, %arg1, %mul3A_90, %dma_wait3A_143] : memref<5x2x16x160x64xi32, #tpu.memory_space<hbm>> -> memref<1x1x1x32x64xi32, #tpu.memory_space<hbm>>
          %dma_wait3A_145 = tpu.memref_squeeze %dma_wait3A_144 : memref<1x1x1x32x64xi32, #tpu.memory_space<hbm>> -> memref<32x64xi32, #tpu.memory_space<hbm>>
          tpu.wait_dma2 semaphore(%run_scoped3A_133 : memref<!tpu.dma_semaphore, #tpu.memory_space<semaphore_mem>>) src(%dma_wait3A_145 : memref<32x64xi32, #tpu.memory_space<hbm>>) dst(%arg6 : memref<32x64xi32, #tpu.memory_space<vmem>>)
          tpu.yield
        }) : () -> ()
        %mul3A_92 = arith.constant 32 : i32
        %mul3A_93 = arith.muli %scan3A_87, %mul3A_92 : i32
        %run_scoped3A_94 = arith.constant 1 : i32
        "tpu.region"() ({
          %run_scoped3A_133 = tpu.sem_alloc : memref<!tpu.dma_semaphore, #tpu.memory_space<semaphore_mem>>
          %dma_start3A_134 = arith.constant 0 : i32
          %dma_start3A_135 = tpu.memref_slice %arg4[%select_n3A, %run_scoped3A_94, %arg1, %mul3A_93, %dma_start3A_134] : memref<5x2x16x160x64xi32, #tpu.memory_space<hbm>> -> memref<1x1x1x32x64xi32, #tpu.memory_space<hbm>>
          %dma_start3A_136 = tpu.memref_squeeze %dma_start3A_135 : memref<1x1x1x32x64xi32, #tpu.memory_space<hbm>> -> memref<32x64xi32, #tpu.memory_space<hbm>>
          %dma_start3A_137 = arith.constant 0 : i32
          %dma_start3A_138 = tpu.memref_slice %arg4[%select_n3A, %run_scoped3A_94, %arg1, %mul3A_93, %dma_start3A_137] : memref<5x2x16x160x64xi32, #tpu.memory_space<hbm>> -> memref<1x1x1x32x64xi32, #tpu.memory_space<hbm>>
          %dma_start3A_139 = tpu.memref_squeeze %dma_start3A_138 : memref<1x1x1x32x64xi32, #tpu.memory_space<hbm>> -> memref<32x64xi32, #tpu.memory_space<hbm>>
          tpu.enqueue_dma source(%dma_start3A_139 : memref<32x64xi32, #tpu.memory_space<hbm>>) target(%arg7 : memref<32x64xi32, #tpu.memory_space<vmem>>) target_semaphore(%run_scoped3A_133 : memref<!tpu.dma_semaphore, #tpu.memory_space<semaphore_mem>>)
          %dma_wait3A_140 = arith.constant 0 : i32
          %dma_wait3A_141 = tpu.memref_slice %arg4[%select_n3A, %run_scoped3A_94, %arg1, %mul3A_93, %dma_wait3A_140] : memref<5x2x16x160x64xi32, #tpu.memory_space<hbm>> -> memref<1x1x1x32x64xi32, #tpu.memory_space<hbm>>
          %dma_wait3A_142 = tpu.memref_squeeze %dma_wait3A_141 : memref<1x1x1x32x64xi32, #tpu.memory_space<hbm>> -> memref<32x64xi32, #tpu.memory_space<hbm>>
          %dma_wait3A_143 = arith.constant 0 : i32
          %dma_wait3A_144 = tpu.memref_slice %arg4[%select_n3A, %run_scoped3A_94, %arg1, %mul3A_93, %dma_wait3A_143] : memref<5x2x16x160x64xi32, #tpu.memory_space<hbm>> -> memref<1x1x1x32x64xi32, #tpu.memory_space<hbm>>
          %dma_wait3A_145 = tpu.memref_squeeze %dma_wait3A_144 : memref<1x1x1x32x64xi32, #tpu.memory_space<hbm>> -> memref<32x64xi32, #tpu.memory_space<hbm>>
          tpu.wait_dma2 semaphore(%run_scoped3A_133 : memref<!tpu.dma_semaphore, #tpu.memory_space<semaphore_mem>>) src(%dma_wait3A_145 : memref<32x64xi32, #tpu.memory_space<hbm>>) dst(%arg7 : memref<32x64xi32, #tpu.memory_space<vmem>>)
          tpu.yield
        }) : () -> ()
        %dma_start3A = arith.constant 0 : i32
        %dma_start3A_95 = arith.constant 0 : i32
        %dma_start3A_96 = tpu.memref_slice %arg6[%dma_start3A, %dma_start3A_95] : memref<32x64xi32, #tpu.memory_space<vmem>> -> memref<1x64xi32, #tpu.memory_space<vmem>>
        %dma_start3A_97 = tpu.memref_squeeze %dma_start3A_96 : memref<1x64xi32, #tpu.memory_space<vmem>> -> memref<64xi32, #tpu.memory_space<vmem>>
        %dma_start3A_98 = arith.constant 0 : i32
        %dma_start3A_99 = arith.constant 0 : i32
        %dma_start3A_100 = tpu.memref_slice %arg2[%select_n3A_45, %select_n3A_38, %dma_start3A_98, %dma_start3A_99] : memref<8x8x10000x128xf32, #tpu.memory_space<hbm>> -> memref<1x1x10000x128xf32, #tpu.memory_space<hbm>>
        %dma_start3A_101 = tpu.memref_squeeze %dma_start3A_100 : memref<1x1x10000x128xf32, #tpu.memory_space<hbm>> -> memref<10000x128xf32, #tpu.memory_space<hbm>>
        %dma_start3A_102 = arith.constant 0 : i32
        %dma_start3A_103 = arith.constant 0 : i32
        %dma_start3A_104 = tpu.memref_slice %dma_start3A_101[%dma_start3A_102, %dma_start3A_103] : memref<10000x128xf32, #tpu.memory_space<hbm>> -> memref<10000x128xf32, #tpu.memory_space<hbm>>
        tpu.enqueue_indirect_dma source(%dma_start3A_104 : memref<10000x128xf32, #tpu.memory_space<hbm>>) target(%arg9 : memref<64x128xf32, #tpu.memory_space<vmem>>) offsets(%dma_start3A_97 : memref<64xi32, #tpu.memory_space<vmem>>) semaphore(%arg14 : memref<!tpu.dma_semaphore, #tpu.memory_space<semaphore_mem>>)
        %scan3A_105 = arith.constant 0 : i32
        %scan3A_106 = arith.constant 0 : i32
        %scan3A_107 = arith.constant 32 : i32
        %scan3A_108 = arith.addi %scan3A_106, %scan3A_107 : i32
        %scan3A_109 = arith.constant 1 : i32
        %scan3A_110 = scf.for %scan3A_133 = %scan3A_106 to %scan3A_108 step %scan3A_109 iter_args(%scan3A_134 = %scan3A_105) -> (i32)  : i32 {
          %scan3A_135 = arith.constant 0 : i32
          %scan3A_136 = arith.constant 0 : i32
          %scan3A_137 = arith.constant 4 : i32
          %scan3A_138 = arith.addi %scan3A_136, %scan3A_137 : i32
          %scan3A_139 = arith.constant 2 : i32
          %scan3A_140 = scf.for %scan3A_143 = %scan3A_136 to %scan3A_138 step %scan3A_139 iter_args(%scan3A_144 = %scan3A_135) -> (i32)  : i32 {
            %mul3A_145 = arith.constant 16 : i32
            %mul3A_146 = arith.muli %scan3A_143, %mul3A_145 : i32
            %get3A = arith.index_cast %scan3A_133 : i32 to index
            %get3A_147 = arith.index_cast %mul3A_146 : i32 to index
            %get3A_148 = tpu.vector_load %arg6[%get3A, %get3A_147] {strides = array<i32>} : memref<32x64xi32, #tpu.memory_space<vmem>>, vector<16xi32>,
            %mul3A_149 = arith.constant 16 : i32
            %mul3A_150 = arith.muli %scan3A_143, %mul3A_149 : i32
            %get3A_151 = arith.index_cast %scan3A_133 : i32 to index
            %get3A_152 = arith.index_cast %mul3A_150 : i32 to index
            %get3A_153 = tpu.vector_load %arg7[%get3A_151, %get3A_152] {strides = array<i32>} : memref<32x64xi32, #tpu.memory_space<vmem>>, vector<16xi32>,
            %gather3A = tpu.vector_load_idx %arg11[%get3A_148] : memref<10000xf32, #tpu.memory_space<vmem>>[vector<16xi32>], vector<16xf32>,
            %gather3A_154 = tpu.vector_load_idx %arg12[%get3A_153] : memref<10000xf32, #tpu.memory_space<vmem>>[vector<16xi32>], vector<16xf32>,
            %add3A_155 = arith.addf %gather3A, %gather3A_154 : vector<16xf32>
            %mul3A_156 = arith.constant 2.000000e-01 : f32
            %mul3A_157 = vector.broadcast %mul3A_156 : f32 to vector<16xf32>
            %mul3A_158 = arith.mulf %mul3A_157, %add3A_155 : vector<16xf32>
            %max3A = arith.maximumf %add3A_155, %mul3A_158 : vector<16xf32>
            %exp3A = math.exp %max3A : vector<16xf32>
            %mul3A_159 = arith.constant 64 : i32
            %mul3A_160 = arith.muli %scan3A_133, %mul3A_159 : i32
            %mul3A_161 = arith.constant 16 : i32
            %mul3A_162 = arith.muli %scan3A_143, %mul3A_161 : i32
            %add3A_163 = arith.addi %mul3A_160, %mul3A_162 : i32
            %swap3A = arith.index_cast %add3A_163 : i32 to index
            %swap3A_164 = tpu.vector_load %arg8[%swap3A] {strides = array<i32>} : memref<2048xf32, #tpu.memory_space<vmem>>, vector<16xf32>,
            tpu.vector_store %arg8[%swap3A], %exp3A {strides = array<i32>} : memref<2048xf32, #tpu.memory_space<vmem>>, vector<16xf32>,
            %scan3A_165 = arith.constant 0 : i32
            %scan3A_166 = arith.constant 1 : i32
            %scan3A_167 = arith.addi %scan3A_143, %scan3A_166 : i32
            %mul3A_168 = arith.constant 16 : i32
            %mul3A_169 = arith.muli %scan3A_167, %mul3A_168 : i32
            %get3A_170 = arith.index_cast %scan3A_133 : i32 to index
            %get3A_171 = arith.index_cast %mul3A_169 : i32 to index
            %get3A_172 = tpu.vector_load %arg6[%get3A_170, %get3A_171] {strides = array<i32>} : memref<32x64xi32, #tpu.memory_space<vmem>>, vector<16xi32>,
            %mul3A_173 = arith.constant 16 : i32
            %mul3A_174 = arith.muli %scan3A_167, %mul3A_173 : i32
            %get3A_175 = arith.index_cast %scan3A_133 : i32 to index
            %get3A_176 = arith.index_cast %mul3A_174 : i32 to index
            %get3A_177 = tpu.vector_load %arg7[%get3A_175, %get3A_176] {strides = array<i32>} : memref<32x64xi32, #tpu.memory_space<vmem>>, vector<16xi32>,
            %gather3A_178 = tpu.vector_load_idx %arg11[%get3A_172] : memref<10000xf32, #tpu.memory_space<vmem>>[vector<16xi32>], vector<16xf32>,
            %gather3A_179 = tpu.vector_load_idx %arg12[%get3A_177] : memref<10000xf32, #tpu.memory_space<vmem>>[vector<16xi32>], vector<16xf32>,
            %add3A_180 = arith.addf %gather3A_178, %gather3A_179 : vector<16xf32>
            %mul3A_181 = arith.constant 2.000000e-01 : f32
            %mul3A_182 = vector.broadcast %mul3A_181 : f32 to vector<16xf32>
            %mul3A_183 = arith.mulf %mul3A_182, %add3A_180 : vector<16xf32>
            %max3A_184 = arith.maximumf %add3A_180, %mul3A_183 : vector<16xf32>
            %exp3A_185 = math.exp %max3A_184 : vector<16xf32>
            %mul3A_186 = arith.constant 64 : i32
            %mul3A_187 = arith.muli %scan3A_133, %mul3A_186 : i32
            %mul3A_188 = arith.constant 16 : i32
            %mul3A_189 = arith.muli %scan3A_167, %mul3A_188 : i32
            %add3A_190 = arith.addi %mul3A_187, %mul3A_189 : i32
            %swap3A_191 = arith.index_cast %add3A_190 : i32 to index
            %swap3A_192 = tpu.vector_load %arg8[%swap3A_191] {strides = array<i32>} : memref<2048xf32, #tpu.memory_space<vmem>>, vector<16xf32>,
            tpu.vector_store %arg8[%swap3A_191], %exp3A_185 {strides = array<i32>} : memref<2048xf32, #tpu.memory_space<vmem>>, vector<16xf32>,
            %scan3A_193 = arith.constant 0 : i32
            scf.yield %scan3A_193 : i32
          }
          %scan3A_141 = arith.constant 4 : i32
          %scan3A_142 = arith.constant 0 : i32
          scf.yield %scan3A_142 : i32
        }
        %scan3A_111 = arith.constant 32 : i32
        %scan3A_112 = arith.constant 0 : i32
        %scan3A_113 = arith.constant 0 : i32
        %scan3A_114 = arith.constant 16 : i32
        %scan3A_115 = arith.addi %scan3A_113, %scan3A_114 : i32
        %scan3A_116 = arith.constant 1 : i32
        %scan3A_117 = scf.for %scan3A_133 = %scan3A_113 to %scan3A_115 step %scan3A_116 iter_args(%scan3A_134 = %scan3A_112) -> (i32)  : i32 {
          %mul3A_135 = arith.constant 2 : i32
          %mul3A_136 = arith.muli %mul3A_135, %scan3A_133 : i32
          %mul3A_137 = arith.constant 2 : i32
          %mul3A_138 = arith.muli %mul3A_137, %scan3A_133 : i32
          %add3A_139 = arith.constant 1 : i32
          %add3A_140 = arith.addi %mul3A_138, %add3A_139 : i32
          %gt3A = arith.constant 0 : i32
          %gt3A_141 = arith.cmpi sgt, %scan3A_133, %gt3A : i32
          %convert_element_type3A = arith.extui %gt3A_141 : i1 to i32
          %cond3A = arith.constant 0 : i32
          %cond3A_142 = arith.cmpi ne, %convert_element_type3A, %cond3A : i32
          scf.if %cond3A_142 {
            %dma_wait3A_209 = arith.constant 0 : i32
            %dma_wait3A_210 = tpu.memref_slice %arg7[%add3A_140, %dma_wait3A_209] : memref<32x64xi32, #tpu.memory_space<vmem>> -> memref<1x64xi32, #tpu.memory_space<vmem>>
            %dma_wait3A_211 = tpu.memref_squeeze %dma_wait3A_210 : memref<1x64xi32, #tpu.memory_space<vmem>> -> memref<64xi32, #tpu.memory_space<vmem>>
            %dma_wait3A_212 = arith.constant 0 : i32
            %dma_wait3A_213 = arith.constant 0 : i32
            %dma_wait3A_214 = tpu.memref_slice %arg13[%dma_wait3A_212, %dma_wait3A_213] : memref<10112x128xf32, #tpu.memory_space<vmem_shared>> -> memref<10112x128xf32, #tpu.memory_space<vmem_shared>>
            tpu.wait_indirect_dma semaphore(%arg17 : memref<!tpu.dma_semaphore, #tpu.memory_space<semaphore_mem>>) src(%arg10 : memref<64x128xf32, #tpu.memory_space<vmem>>) dst(%dma_wait3A_214 : memref<10112x128xf32, #tpu.memory_space<vmem_shared>>)
          } else {
          }
          %dma_start3A_143 = arith.constant 0 : i32
          %dma_start3A_144 = tpu.memref_slice %arg6[%add3A_140, %dma_start3A_143] : memref<32x64xi32, #tpu.memory_space<vmem>> -> memref<1x64xi32, #tpu.memory_space<vmem>>
          %dma_start3A_145 = tpu.memref_squeeze %dma_start3A_144 : memref<1x64xi32, #tpu.memory_space<vmem>> -> memref<64xi32, #tpu.memory_space<vmem>>
          %dma_start3A_146 = arith.constant 0 : i32
          %dma_start3A_147 = arith.constant 0 : i32
          %dma_start3A_148 = tpu.memref_slice %arg2[%select_n3A_45, %select_n3A_38, %dma_start3A_146, %dma_start3A_147] : memref<8x8x10000x128xf32, #tpu.memory_space<hbm>> -> memref<1x1x10000x128xf32, #tpu.memory_space<hbm>>
          %dma_start3A_149 = tpu.memref_squeeze %dma_start3A_148 : memref<1x1x10000x128xf32, #tpu.memory_space<hbm>> -> memref<10000x128xf32, #tpu.memory_space<hbm>>
          %dma_start3A_150 = arith.constant 0 : i32
          %dma_start3A_151 = arith.constant 0 : i32
          %dma_start3A_152 = tpu.memref_slice %dma_start3A_149[%dma_start3A_150, %dma_start3A_151] : memref<10000x128xf32, #tpu.memory_space<hbm>> -> memref<10000x128xf32, #tpu.memory_space<hbm>>
          tpu.enqueue_indirect_dma source(%dma_start3A_152 : memref<10000x128xf32, #tpu.memory_space<hbm>>) target(%arg10 : memref<64x128xf32, #tpu.memory_space<vmem>>) offsets(%dma_start3A_145 : memref<64xi32, #tpu.memory_space<vmem>>) semaphore(%arg15 : memref<!tpu.dma_semaphore, #tpu.memory_space<semaphore_mem>>)
          %dma_wait3A_153 = arith.constant 0 : i32
          %dma_wait3A_154 = tpu.memref_slice %arg6[%mul3A_136, %dma_wait3A_153] : memref<32x64xi32, #tpu.memory_space<vmem>> -> memref<1x64xi32, #tpu.memory_space<vmem>>
          %dma_wait3A_155 = tpu.memref_squeeze %dma_wait3A_154 : memref<1x64xi32, #tpu.memory_space<vmem>> -> memref<64xi32, #tpu.memory_space<vmem>>
          %dma_wait3A_156 = arith.constant 0 : i32
          %dma_wait3A_157 = arith.constant 0 : i32
          %dma_wait3A_158 = tpu.memref_slice %arg2[%select_n3A_45, %select_n3A_38, %dma_wait3A_156, %dma_wait3A_157] : memref<8x8x10000x128xf32, #tpu.memory_space<hbm>> -> memref<1x1x10000x128xf32, #tpu.memory_space<hbm>>
          %dma_wait3A_159 = tpu.memref_squeeze %dma_wait3A_158 : memref<1x1x10000x128xf32, #tpu.memory_space<hbm>> -> memref<10000x128xf32, #tpu.memory_space<hbm>>
          %dma_wait3A_160 = arith.constant 0 : i32
          %dma_wait3A_161 = arith.constant 0 : i32
          %dma_wait3A_162 = tpu.memref_slice %dma_wait3A_159[%dma_wait3A_160, %dma_wait3A_161] : memref<10000x128xf32, #tpu.memory_space<hbm>> -> memref<10000x128xf32, #tpu.memory_space<hbm>>
          tpu.wait_indirect_dma semaphore(%arg14 : memref<!tpu.dma_semaphore, #tpu.memory_space<semaphore_mem>>) src(%dma_wait3A_162 : memref<10000x128xf32, #tpu.memory_space<hbm>>) dst(%arg9 : memref<64x128xf32, #tpu.memory_space<vmem>>)
          %mul3A_163 = arith.constant 64 : i32
          %mul3A_164 = arith.muli %mul3A_136, %mul3A_163 : i32
          %scan3A_165 = arith.constant 0 : i32
          %scan3A_166 = arith.constant 0 : i32
          %scan3A_167 = arith.constant 64 : i32
          %scan3A_168 = arith.addi %scan3A_166, %scan3A_167 : i32
          %scan3A_169 = arith.constant 8 : i32
          %scan3A_170 = scf.for %scan3A_209 = %scan3A_166 to %scan3A_168 step %scan3A_169 iter_args(%scan3A_210 = %scan3A_165) -> (i32)  : i32 {
            %add3A_211 = arith.addi %mul3A_164, %scan3A_209 : i32
            %broadcast_in_dim3A = vector.broadcast %add3A_211 : i32 to vector<16xi32>
            %gather3A = tpu.vector_load_idx %arg8[%broadcast_in_dim3A] : memref<2048xf32, #tpu.memory_space<vmem>>[vector<16xi32>], vector<16xf32>,
            %get3A = arith.index_cast %scan3A_209 : i32 to index
            %get3A_212 = arith.constant 0 : index
            %get3A_213 = tpu.vector_load %arg9[%get3A, %get3A_212] {strides = array<i32>} : memref<64x128xf32, #tpu.memory_space<vmem>>, vector<16xf32>,
            %mul3A_214 = arith.mulf %get3A_213, %gather3A : vector<16xf32>
            %swap3A = arith.index_cast %scan3A_209 : i32 to index
            %swap3A_215 = arith.constant 0 : index
            %swap3A_216 = tpu.vector_load %arg9[%swap3A, %swap3A_215] {strides = array<i32>} : memref<64x128xf32, #tpu.memory_space<vmem>>, vector<16xf32>,
            tpu.vector_store %arg9[%swap3A, %swap3A_215], %mul3A_214 {strides = array<i32>} : memref<64x128xf32, #tpu.memory_space<vmem>>, vector<16xf32>,
            %get3A_217 = arith.index_cast %scan3A_209 : i32 to index
            %get3A_218 = arith.constant 16 : index
            %get3A_219 = tpu.vector_load %arg9[%get3A_217, %get3A_218] {strides = array<i32>} : memref<64x128xf32, #tpu.memory_space<vmem>>, vector<16xf32>,
            %mul3A_220 = arith.mulf %get3A_219, %gather3A : vector<16xf32>
            %swap3A_221 = arith.index_cast %scan3A_209 : i32 to index
            %swap3A_222 = arith.constant 16 : index
            %swap3A_223 = tpu.vector_load %arg9[%swap3A_221, %swap3A_222] {strides = array<i32>} : memref<64x128xf32, #tpu.memory_space<vmem>>, vector<16xf32>,
            tpu.vector_store %arg9[%swap3A_221, %swap3A_222], %mul3A_220 {strides = array<i32>} : memref<64x128xf32, #tpu.memory_space<vmem>>, vector<16xf32>,
            %get3A_224 = arith.index_cast %scan3A_209 : i32 to index
            %get3A_225 = arith.constant 32 : index
            %get3A_226 = tpu.vector_load %arg9[%get3A_224, %get3A_225] {strides = array<i32>} : memref<64x128xf32, #tpu.memory_space<vmem>>, vector<16xf32>,
            %mul3A_227 = arith.mulf %get3A_226, %gather3A : vector<16xf32>
            %swap3A_228 = arith.index_cast %scan3A_209 : i32 to index
            %swap3A_229 = arith.constant 32 : index
            %swap3A_230 = tpu.vector_load %arg9[%swap3A_228, %swap3A_229] {strides = array<i32>} : memref<64x128xf32, #tpu.memory_space<vmem>>, vector<16xf32>,
            tpu.vector_store %arg9[%swap3A_228, %swap3A_229], %mul3A_227 {strides = array<i32>} : memref<64x128xf32, #tpu.memory_space<vmem>>, vector<16xf32>,
            %get3A_231 = arith.index_cast %scan3A_209 : i32 to index
            %get3A_232 = arith.constant 48 : index
            %get3A_233 = tpu.vector_load %arg9[%get3A_231, %get3A_232] {strides = array<i32>} : memref<64x128xf32, #tpu.memory_space<vmem>>, vector<16xf32>,
            %mul3A_234 = arith.mulf %get3A_233, %gather3A : vector<16xf32>
            %swap3A_235 = arith.index_cast %scan3A_209 : i32 to index
            %swap3A_236 = arith.constant 48 : index
            %swap3A_237 = tpu.vector_load %arg9[%swap3A_235, %swap3A_236] {strides = array<i32>} : memref<64x128xf32, #tpu.memory_space<vmem>>, vector<16xf32>,
            tpu.vector_store %arg9[%swap3A_235, %swap3A_236], %mul3A_234 {strides = array<i32>} : memref<64x128xf32, #tpu.memory_space<vmem>>, vector<16xf32>,
            %get3A_238 = arith.index_cast %scan3A_209 : i32 to index
            %get3A_239 = arith.constant 64 : index
            %get3A_240 = tpu.vector_load %arg9[%get3A_238, %get3A_239] {strides = array<i32>} : memref<64x128xf32, #tpu.memory_space<vmem>>, vector<16xf32>,
            %mul3A_241 = arith.mulf %get3A_240, %gather3A : vector<16xf32>
            %swap3A_242 = arith.index_cast %scan3A_209 : i32 to index
            %swap3A_243 = arith.constant 64 : index
            %swap3A_244 = tpu.vector_load %arg9[%swap3A_242, %swap3A_243] {strides = array<i32>} : memref<64x128xf32, #tpu.memory_space<vmem>>, vector<16xf32>,
            tpu.vector_store %arg9[%swap3A_242, %swap3A_243], %mul3A_241 {strides = array<i32>} : memref<64x128xf32, #tpu.memory_space<vmem>>, vector<16xf32>,
            %scan3A_245 = arith.constant 0 : i32
            %scan3A_246 = arith.constant 1 : i32
            %scan3A_247 = arith.addi %scan3A_209, %scan3A_246 : i32
            %add3A_248 = arith.addi %mul3A_164, %scan3A_247 : i32
            %broadcast_in_dim3A_249 = vector.broadcast %add3A_248 : i32 to vector<16xi32>
            %gather3A_250 = tpu.vector_load_idx %arg8[%broadcast_in_dim3A_249] : memref<2048xf32, #tpu.memory_space<vmem>>[vector<16xi32>], vector<16xf32>,
            %get3A_251 = arith.index_cast %scan3A_247 : i32 to index
            %get3A_252 = arith.constant 0 : index
            %get3A_253 = tpu.vector_load %arg9[%get3A_251, %get3A_252] {strides = array<i32>} : memref<64x128xf32, #tpu.memory_space<vmem>>, vector<16xf32>,
            %mul3A_254 = arith.mulf %get3A_253, %gather3A_250 : vector<16xf32>
            %swap3A_255 = arith.index_cast %scan3A_247 : i32 to index
            %swap3A_256 = arith.constant 0 : index
            %swap3A_257 = tpu.vector_load %arg9[%swap3A_255, %swap3A_256] {strides = array<i32>} : memref<64x128xf32, #tpu.memory_space<vmem>>, vector<16xf32>,
            tpu.vector_store %arg9[%swap3A_255, %swap3A_256], %mul3A_254 {strides = array<i32>} : memref<64x128xf32, #tpu.memory_space<vmem>>, vector<16xf32>,
            %get3A_258 = arith.index_cast %scan3A_247 : i32 to index
            %get3A_259 = arith.constant 16 : index
            %get3A_260 = tpu.vector_load %arg9[%get3A_258, %get3A_259] {strides = array<i32>} : memref<64x128xf32, #tpu.memory_space<vmem>>, vector<16xf32>,
            %mul3A_261 = arith.mulf %get3A_260, %gather3A_250 : vector<16xf32>
            %swap3A_262 = arith.index_cast %scan3A_247 : i32 to index
            %swap3A_263 = arith.constant 16 : index
            %swap3A_264 = tpu.vector_load %arg9[%swap3A_262, %swap3A_263] {strides = array<i32>} : memref<64x128xf32, #tpu.memory_space<vmem>>, vector<16xf32>,
            tpu.vector_store %arg9[%swap3A_262, %swap3A_263], %mul3A_261 {strides = array<i32>} : memref<64x128xf32, #tpu.memory_space<vmem>>, vector<16xf32>,
            %get3A_265 = arith.index_cast %scan3A_247 : i32 to index
            %get3A_266 = arith.constant 32 : index
            %get3A_267 = tpu.vector_load %arg9[%get3A_265, %get3A_266] {strides = array<i32>} : memref<64x128xf32, #tpu.memory_space<vmem>>, vector<16xf32>,
            %mul3A_268 = arith.mulf %get3A_267, %gather3A_250 : vector<16xf32>
            %swap3A_269 = arith.index_cast %scan3A_247 : i32 to index
            %swap3A_270 = arith.constant 32 : index
            %swap3A_271 = tpu.vector_load %arg9[%swap3A_269, %swap3A_270] {strides = array<i32>} : memref<64x128xf32, #tpu.memory_space<vmem>>, vector<16xf32>,
            tpu.vector_store %arg9[%swap3A_269, %swap3A_270], %mul3A_268 {strides = array<i32>} : memref<64x128xf32, #tpu.memory_space<vmem>>, vector<16xf32>,
            %get3A_272 = arith.index_cast %scan3A_247 : i32 to index
            %get3A_273 = arith.constant 48 : index
            %get3A_274 = tpu.vector_load %arg9[%get3A_272, %get3A_273] {strides = array<i32>} : memref<64x128xf32, #tpu.memory_space<vmem>>, vector<16xf32>,
            %mul3A_275 = arith.mulf %get3A_274, %gather3A_250 : vector<16xf32>
            %swap3A_276 = arith.index_cast %scan3A_247 : i32 to index
            %swap3A_277 = arith.constant 48 : index
            %swap3A_278 = tpu.vector_load %arg9[%swap3A_276, %swap3A_277] {strides = array<i32>} : memref<64x128xf32, #tpu.memory_space<vmem>>, vector<16xf32>,
            tpu.vector_store %arg9[%swap3A_276, %swap3A_277], %mul3A_275 {strides = array<i32>} : memref<64x128xf32, #tpu.memory_space<vmem>>, vector<16xf32>,
            %get3A_279 = arith.index_cast %scan3A_247 : i32 to index
            %get3A_280 = arith.constant 64 : index
            %get3A_281 = tpu.vector_load %arg9[%get3A_279, %get3A_280] {strides = array<i32>} : memref<64x128xf32, #tpu.memory_space<vmem>>, vector<16xf32>,
            %mul3A_282 = arith.mulf %get3A_281, %gather3A_250 : vector<16xf32>
            %swap3A_283 = arith.index_cast %scan3A_247 : i32 to index
            %swap3A_284 = arith.constant 64 : index
            %swap3A_285 = tpu.vector_load %arg9[%swap3A_283, %swap3A_284] {strides = array<i32>} : memref<64x128xf32, #tpu.memory_space<vmem>>, vector<16xf32>,
            tpu.vector_store %arg9[%swap3A_283, %swap3A_284], %mul3A_282 {strides = array<i32>} : memref<64x128xf32, #tpu.memory_space<vmem>>, vector<16xf32>,
            %scan3A_286 = arith.constant 0 : i32
            %scan3A_287 = arith.constant 2 : i32
            %scan3A_288 = arith.addi %scan3A_209, %scan3A_287 : i32
            %add3A_289 = arith.addi %mul3A_164, %scan3A_288 : i32
            %broadcast_in_dim3A_290 = vector.broadcast %add3A_289 : i32 to vector<16xi32>
            %gather3A_291 = tpu.vector_load_idx %arg8[%broadcast_in_dim3A_290] : memref<2048xf32, #tpu.memory_space<vmem>>[vector<16xi32>], vector<16xf32>,
            %get3A_292 = arith.index_cast %scan3A_288 : i32 to index
            %get3A_293 = arith.constant 0 : index
            %get3A_294 = tpu.vector_load %arg9[%get3A_292, %get3A_293] {strides = array<i32>} : memref<64x128xf32, #tpu.memory_space<vmem>>, vector<16xf32>,
            %mul3A_295 = arith.mulf %get3A_294, %gather3A_291 : vector<16xf32>
            %swap3A_296 = arith.index_cast %scan3A_288 : i32 to index
            %swap3A_297 = arith.constant 0 : index
            %swap3A_298 = tpu.vector_load %arg9[%swap3A_296, %swap3A_297] {strides = array<i32>} : memref<64x128xf32, #tpu.memory_space<vmem>>, vector<16xf32>,
            tpu.vector_store %arg9[%swap3A_296, %swap3A_297], %mul3A_295 {strides = array<i32>} : memref<64x128xf32, #tpu.memory_space<vmem>>, vector<16xf32>,
            %get3A_299 = arith.index_cast %scan3A_288 : i32 to index
            %get3A_300 = arith.constant 16 : index
            %get3A_301 = tpu.vector_load %arg9[%get3A_299, %get3A_300] {strides = array<i32>} : memref<64x128xf32, #tpu.memory_space<vmem>>, vector<16xf32>,
            %mul3A_302 = arith.mulf %get3A_301, %gather3A_291 : vector<16xf32>
            %swap3A_303 = arith.index_cast %scan3A_288 : i32 to index
            %swap3A_304 = arith.constant 16 : index
            %swap3A_305 = tpu.vector_load %arg9[%swap3A_303, %swap3A_304] {strides = array<i32>} : memref<64x128xf32, #tpu.memory_space<vmem>>, vector<16xf32>,
            tpu.vector_store %arg9[%swap3A_303, %swap3A_304], %mul3A_302 {strides = array<i32>} : memref<64x128xf32, #tpu.memory_space<vmem>>, vector<16xf32>,
            %get3A_306 = arith.index_cast %scan3A_288 : i32 to index
            %get3A_307 = arith.constant 32 : index
            %get3A_308 = tpu.vector_load %arg9[%get3A_306, %get3A_307] {strides = array<i32>} : memref<64x128xf32, #tpu.memory_space<vmem>>, vector<16xf32>,
            %mul3A_309 = arith.mulf %get3A_308, %gather3A_291 : vector<16xf32>
            %swap3A_310 = arith.index_cast %scan3A_288 : i32 to index
            %swap3A_311 = arith.constant 32 : index
            %swap3A_312 = tpu.vector_load %arg9[%swap3A_310, %swap3A_311] {strides = array<i32>} : memref<64x128xf32, #tpu.memory_space<vmem>>, vector<16xf32>,
            tpu.vector_store %arg9[%swap3A_310, %swap3A_311], %mul3A_309 {strides = array<i32>} : memref<64x128xf32, #tpu.memory_space<vmem>>, vector<16xf32>,
            %get3A_313 = arith.index_cast %scan3A_288 : i32 to index
            %get3A_314 = arith.constant 48 : index
            %get3A_315 = tpu.vector_load %arg9[%get3A_313, %get3A_314] {strides = array<i32>} : memref<64x128xf32, #tpu.memory_space<vmem>>, vector<16xf32>,
            %mul3A_316 = arith.mulf %get3A_315, %gather3A_291 : vector<16xf32>
            %swap3A_317 = arith.index_cast %scan3A_288 : i32 to index
            %swap3A_318 = arith.constant 48 : index
            %swap3A_319 = tpu.vector_load %arg9[%swap3A_317, %swap3A_318] {strides = array<i32>} : memref<64x128xf32, #tpu.memory_space<vmem>>, vector<16xf32>,
            tpu.vector_store %arg9[%swap3A_317, %swap3A_318], %mul3A_316 {strides = array<i32>} : memref<64x128xf32, #tpu.memory_space<vmem>>, vector<16xf32>,
            %get3A_320 = arith.index_cast %scan3A_288 : i32 to index
            %get3A_321 = arith.constant 64 : index
            %get3A_322 = tpu.vector_load %arg9[%get3A_320, %get3A_321] {strides = array<i32>} : memref<64x128xf32, #tpu.memory_space<vmem>>, vector<16xf32>,
            %mul3A_323 = arith.mulf %get3A_322, %gather3A_291 : vector<16xf32>
            %swap3A_324 = arith.index_cast %scan3A_288 : i32 to index
            %swap3A_325 = arith.constant 64 : index
            %swap3A_326 = tpu.vector_load %arg9[%swap3A_324, %swap3A_325] {strides = array<i32>} : memref<64x128xf32, #tpu.memory_space<vmem>>, vector<16xf32>,
            tpu.vector_store %arg9[%swap3A_324, %swap3A_325], %mul3A_323 {strides = array<i32>} : memref<64x128xf32, #tpu.memory_space<vmem>>, vector<16xf32>,
            %scan3A_327 = arith.constant 0 : i32
            %scan3A_328 = arith.constant 3 : i32
            %scan3A_329 = arith.addi %scan3A_209, %scan3A_328 : i32
            %add3A_330 = arith.addi %mul3A_164, %scan3A_329 : i32
            %broadcast_in_dim3A_331 = vector.broadcast %add3A_330 : i32 to vector<16xi32>
            %gather3A_332 = tpu.vector_load_idx %arg8[%broadcast_in_dim3A_331] : memref<2048xf32, #tpu.memory_space<vmem>>[vector<16xi32>], vector<16xf32>,
            %get3A_333 = arith.index_cast %scan3A_329 : i32 to index
            %get3A_334 = arith.constant 0 : index
            %get3A_335 = tpu.vector_load %arg9[%get3A_333, %get3A_334] {strides = array<i32>} : memref<64x128xf32, #tpu.memory_space<vmem>>, vector<16xf32>,
            %mul3A_336 = arith.mulf %get3A_335, %gather3A_332 : vector<16xf32>
            %swap3A_337 = arith.index_cast %scan3A_329 : i32 to index
            %swap3A_338 = arith.constant 0 : index
            %swap3A_339 = tpu.vector_load %arg9[%swap3A_337, %swap3A_338] {strides = array<i32>} : memref<64x128xf32, #tpu.memory_space<vmem>>, vector<16xf32>,
            tpu.vector_store %arg9[%swap3A_337, %swap3A_338], %mul3A_336 {strides = array<i32>} : memref<64x128xf32, #tpu.memory_space<vmem>>, vector<16xf32>,
            %get3A_340 = arith.index_cast %scan3A_329 : i32 to index
            %get3A_341 = arith.constant 16 : index
            %get3A_342 = tpu.vector_load %arg9[%get3A_340, %get3A_341] {strides = array<i32>} : memref<64x128xf32, #tpu.memory_space<vmem>>, vector<16xf32>,
            %mul3A_343 = arith.mulf %get3A_342, %gather3A_332 : vector<16xf32>
            %swap3A_344 = arith.index_cast %scan3A_329 : i32 to index
            %swap3A_345 = arith.constant 16 : index
            %swap3A_346 = tpu.vector_load %arg9[%swap3A_344, %swap3A_345] {strides = array<i32>} : memref<64x128xf32, #tpu.memory_space<vmem>>, vector<16xf32>,
            tpu.vector_store %arg9[%swap3A_344, %swap3A_345], %mul3A_343 {strides = array<i32>} : memref<64x128xf32, #tpu.memory_space<vmem>>, vector<16xf32>,
            %get3A_347 = arith.index_cast %scan3A_329 : i32 to index
            %get3A_348 = arith.constant 32 : index
            %get3A_349 = tpu.vector_load %arg9[%get3A_347, %get3A_348] {strides = array<i32>} : memref<64x128xf32, #tpu.memory_space<vmem>>, vector<16xf32>,
            %mul3A_350 = arith.mulf %get3A_349, %gather3A_332 : vector<16xf32>
            %swap3A_351 = arith.index_cast %scan3A_329 : i32 to index
            %swap3A_352 = arith.constant 32 : index
            %swap3A_353 = tpu.vector_load %arg9[%swap3A_351, %swap3A_352] {strides = array<i32>} : memref<64x128xf32, #tpu.memory_space<vmem>>, vector<16xf32>,
            tpu.vector_store %arg9[%swap3A_351, %swap3A_352], %mul3A_350 {strides = array<i32>} : memref<64x128xf32, #tpu.memory_space<vmem>>, vector<16xf32>,
            %get3A_354 = arith.index_cast %scan3A_329 : i32 to index
            %get3A_355 = arith.constant 48 : index
            %get3A_356 = tpu.vector_load %arg9[%get3A_354, %get3A_355] {strides = array<i32>} : memref<64x128xf32, #tpu.memory_space<vmem>>, vector<16xf32>,
            %mul3A_357 = arith.mulf %get3A_356, %gather3A_332 : vector<16xf32>
            %swap3A_358 = arith.index_cast %scan3A_329 : i32 to index
            %swap3A_359 = arith.constant 48 : index
            %swap3A_360 = tpu.vector_load %arg9[%swap3A_358, %swap3A_359] {strides = array<i32>} : memref<64x128xf32, #tpu.memory_space<vmem>>, vector<16xf32>,
            tpu.vector_store %arg9[%swap3A_358, %swap3A_359], %mul3A_357 {strides = array<i32>} : memref<64x128xf32, #tpu.memory_space<vmem>>, vector<16xf32>,
            %get3A_361 = arith.index_cast %scan3A_329 : i32 to index
            %get3A_362 = arith.constant 64 : index
            %get3A_363 = tpu.vector_load %arg9[%get3A_361, %get3A_362] {strides = array<i32>} : memref<64x128xf32, #tpu.memory_space<vmem>>, vector<16xf32>,
            %mul3A_364 = arith.mulf %get3A_363, %gather3A_332 : vector<16xf32>
            %swap3A_365 = arith.index_cast %scan3A_329 : i32 to index
            %swap3A_366 = arith.constant 64 : index
            %swap3A_367 = tpu.vector_load %arg9[%swap3A_365, %swap3A_366] {strides = array<i32>} : memref<64x128xf32, #tpu.memory_space<vmem>>, vector<16xf32>,
            tpu.vector_store %arg9[%swap3A_365, %swap3A_366], %mul3A_364 {strides = array<i32>} : memref<64x128xf32, #tpu.memory_space<vmem>>, vector<16xf32>,
            %scan3A_368 = arith.constant 0 : i32
            %scan3A_369 = arith.constant 4 : i32
            %scan3A_370 = arith.addi %scan3A_209, %scan3A_369 : i32
            %add3A_371 = arith.addi %mul3A_164, %scan3A_370 : i32
            %broadcast_in_dim3A_372 = vector.broadcast %add3A_371 : i32 to vector<16xi32>
            %gather3A_373 = tpu.vector_load_idx %arg8[%broadcast_in_dim3A_372] : memref<2048xf32, #tpu.memory_space<vmem>>[vector<16xi32>], vector<16xf32>,
            %get3A_374 = arith.index_cast %scan3A_370 : i32 to index
            %get3A_375 = arith.constant 0 : index
            %get3A_376 = tpu.vector_load %arg9[%get3A_374, %get3A_375] {strides = array<i32>} : memref<64x128xf32, #tpu.memory_space<vmem>>, vector<16xf32>,
            %mul3A_377 = arith.mulf %get3A_376, %gather3A_373 : vector<16xf32>
            %swap3A_378 = arith.index_cast %scan3A_370 : i32 to index
            %swap3A_379 = arith.constant 0 : index
            %swap3A_380 = tpu.vector_load %arg9[%swap3A_378, %swap3A_379] {strides = array<i32>} : memref<64x128xf32, #tpu.memory_space<vmem>>, vector<16xf32>,
            tpu.vector_store %arg9[%swap3A_378, %swap3A_379], %mul3A_377 {strides = array<i32>} : memref<64x128xf32, #tpu.memory_space<vmem>>, vector<16xf32>,
            %get3A_381 = arith.index_cast %scan3A_370 : i32 to index
            %get3A_382 = arith.constant 16 : index
            %get3A_383 = tpu.vector_load %arg9[%get3A_381, %get3A_382] {strides = array<i32>} : memref<64x128xf32, #tpu.memory_space<vmem>>, vector<16xf32>,
            %mul3A_384 = arith.mulf %get3A_383, %gather3A_373 : vector<16xf32>
            %swap3A_385 = arith.index_cast %scan3A_370 : i32 to index
            %swap3A_386 = arith.constant 16 : index
            %swap3A_387 = tpu.vector_load %arg9[%swap3A_385, %swap3A_386] {strides = array<i32>} : memref<64x128xf32, #tpu.memory_space<vmem>>, vector<16xf32>,
            tpu.vector_store %arg9[%swap3A_385, %swap3A_386], %mul3A_384 {strides = array<i32>} : memref<64x128xf32, #tpu.memory_space<vmem>>, vector<16xf32>,
            %get3A_388 = arith.index_cast %scan3A_370 : i32 to index
            %get3A_389 = arith.constant 32 : index
            %get3A_390 = tpu.vector_load %arg9[%get3A_388, %get3A_389] {strides = array<i32>} : memref<64x128xf32, #tpu.memory_space<vmem>>, vector<16xf32>,
            %mul3A_391 = arith.mulf %get3A_390, %gather3A_373 : vector<16xf32>
            %swap3A_392 = arith.index_cast %scan3A_370 : i32 to index
            %swap3A_393 = arith.constant 32 : index
            %swap3A_394 = tpu.vector_load %arg9[%swap3A_392, %swap3A_393] {strides = array<i32>} : memref<64x128xf32, #tpu.memory_space<vmem>>, vector<16xf32>,
            tpu.vector_store %arg9[%swap3A_392, %swap3A_393], %mul3A_391 {strides = array<i32>} : memref<64x128xf32, #tpu.memory_space<vmem>>, vector<16xf32>,
            %get3A_395 = arith.index_cast %scan3A_370 : i32 to index
            %get3A_396 = arith.constant 48 : index
            %get3A_397 = tpu.vector_load %arg9[%get3A_395, %get3A_396] {strides = array<i32>} : memref<64x128xf32, #tpu.memory_space<vmem>>, vector<16xf32>,
            %mul3A_398 = arith.mulf %get3A_397, %gather3A_373 : vector<16xf32>
            %swap3A_399 = arith.index_cast %scan3A_370 : i32 to index
            %swap3A_400 = arith.constant 48 : index
            %swap3A_401 = tpu.vector_load %arg9[%swap3A_399, %swap3A_400] {strides = array<i32>} : memref<64x128xf32, #tpu.memory_space<vmem>>, vector<16xf32>,
            tpu.vector_store %arg9[%swap3A_399, %swap3A_400], %mul3A_398 {strides = array<i32>} : memref<64x128xf32, #tpu.memory_space<vmem>>, vector<16xf32>,
            %get3A_402 = arith.index_cast %scan3A_370 : i32 to index
            %get3A_403 = arith.constant 64 : index
            %get3A_404 = tpu.vector_load %arg9[%get3A_402, %get3A_403] {strides = array<i32>} : memref<64x128xf32, #tpu.memory_space<vmem>>, vector<16xf32>,
            %mul3A_405 = arith.mulf %get3A_404, %gather3A_373 : vector<16xf32>
            %swap3A_406 = arith.index_cast %scan3A_370 : i32 to index
            %swap3A_407 = arith.constant 64 : index
            %swap3A_408 = tpu.vector_load %arg9[%swap3A_406, %swap3A_407] {strides = array<i32>} : memref<64x128xf32, #tpu.memory_space<vmem>>, vector<16xf32>,
            tpu.vector_store %arg9[%swap3A_406, %swap3A_407], %mul3A_405 {strides = array<i32>} : memref<64x128xf32, #tpu.memory_space<vmem>>, vector<16xf32>,
            %scan3A_409 = arith.constant 0 : i32
            %scan3A_410 = arith.constant 5 : i32
            %scan3A_411 = arith.addi %scan3A_209, %scan3A_410 : i32
            %add3A_412 = arith.addi %mul3A_164, %scan3A_411 : i32
            %broadcast_in_dim3A_413 = vector.broadcast %add3A_412 : i32 to vector<16xi32>
            %gather3A_414 = tpu.vector_load_idx %arg8[%broadcast_in_dim3A_413] : memref<2048xf32, #tpu.memory_space<vmem>>[vector<16xi32>], vector<16xf32>,
            %get3A_415 = arith.index_cast %scan3A_411 : i32 to index
            %get3A_416 = arith.constant 0 : index
            %get3A_417 = tpu.vector_load %arg9[%get3A_415, %get3A_416] {strides = array<i32>} : memref<64x128xf32, #tpu.memory_space<vmem>>, vector<16xf32>,
            %mul3A_418 = arith.mulf %get3A_417, %gather3A_414 : vector<16xf32>
            %swap3A_419 = arith.index_cast %scan3A_411 : i32 to index
            %swap3A_420 = arith.constant 0 : index
            %swap3A_421 = tpu.vector_load %arg9[%swap3A_419, %swap3A_420] {strides = array<i32>} : memref<64x128xf32, #tpu.memory_space<vmem>>, vector<16xf32>,
            tpu.vector_store %arg9[%swap3A_419, %swap3A_420], %mul3A_418 {strides = array<i32>} : memref<64x128xf32, #tpu.memory_space<vmem>>, vector<16xf32>,
            %get3A_422 = arith.index_cast %scan3A_411 : i32 to index
            %get3A_423 = arith.constant 16 : index
            %get3A_424 = tpu.vector_load %arg9[%get3A_422, %get3A_423] {strides = array<i32>} : memref<64x128xf32, #tpu.memory_space<vmem>>, vector<16xf32>,
            %mul3A_425 = arith.mulf %get3A_424, %gather3A_414 : vector<16xf32>
            %swap3A_426 = arith.index_cast %scan3A_411 : i32 to index
            %swap3A_427 = arith.constant 16 : index
            %swap3A_428 = tpu.vector_load %arg9[%swap3A_426, %swap3A_427] {strides = array<i32>} : memref<64x128xf32, #tpu.memory_space<vmem>>, vector<16xf32>,
            tpu.vector_store %arg9[%swap3A_426, %swap3A_427], %mul3A_425 {strides = array<i32>} : memref<64x128xf32, #tpu.memory_space<vmem>>, vector<16xf32>,
            %get3A_429 = arith.index_cast %scan3A_411 : i32 to index
            %get3A_430 = arith.constant 32 : index
            %get3A_431 = tpu.vector_load %arg9[%get3A_429, %get3A_430] {strides = array<i32>} : memref<64x128xf32, #tpu.memory_space<vmem>>, vector<16xf32>,
            %mul3A_432 = arith.mulf %get3A_431, %gather3A_414 : vector<16xf32>
            %swap3A_433 = arith.index_cast %scan3A_411 : i32 to index
            %swap3A_434 = arith.constant 32 : index
            %swap3A_435 = tpu.vector_load %arg9[%swap3A_433, %swap3A_434] {strides = array<i32>} : memref<64x128xf32, #tpu.memory_space<vmem>>, vector<16xf32>,
            tpu.vector_store %arg9[%swap3A_433, %swap3A_434], %mul3A_432 {strides = array<i32>} : memref<64x128xf32, #tpu.memory_space<vmem>>, vector<16xf32>,
            %get3A_436 = arith.index_cast %scan3A_411 : i32 to index
            %get3A_437 = arith.constant 48 : index
            %get3A_438 = tpu.vector_load %arg9[%get3A_436, %get3A_437] {strides = array<i32>} : memref<64x128xf32, #tpu.memory_space<vmem>>, vector<16xf32>,
            %mul3A_439 = arith.mulf %get3A_438, %gather3A_414 : vector<16xf32>
            %swap3A_440 = arith.index_cast %scan3A_411 : i32 to index
            %swap3A_441 = arith.constant 48 : index
            %swap3A_442 = tpu.vector_load %arg9[%swap3A_440, %swap3A_441] {strides = array<i32>} : memref<64x128xf32, #tpu.memory_space<vmem>>, vector<16xf32>,
            tpu.vector_store %arg9[%swap3A_440, %swap3A_441], %mul3A_439 {strides = array<i32>} : memref<64x128xf32, #tpu.memory_space<vmem>>, vector<16xf32>,
            %get3A_443 = arith.index_cast %scan3A_411 : i32 to index
            %get3A_444 = arith.constant 64 : index
            %get3A_445 = tpu.vector_load %arg9[%get3A_443, %get3A_444] {strides = array<i32>} : memref<64x128xf32, #tpu.memory_space<vmem>>, vector<16xf32>,
            %mul3A_446 = arith.mulf %get3A_445, %gather3A_414 : vector<16xf32>
            %swap3A_447 = arith.index_cast %scan3A_411 : i32 to index
            %swap3A_448 = arith.constant 64 : index
            %swap3A_449 = tpu.vector_load %arg9[%swap3A_447, %swap3A_448] {strides = array<i32>} : memref<64x128xf32, #tpu.memory_space<vmem>>, vector<16xf32>,
            tpu.vector_store %arg9[%swap3A_447, %swap3A_448], %mul3A_446 {strides = array<i32>} : memref<64x128xf32, #tpu.memory_space<vmem>>, vector<16xf32>,
            %scan3A_450 = arith.constant 0 : i32
            %scan3A_451 = arith.constant 6 : i32
            %scan3A_452 = arith.addi %scan3A_209, %scan3A_451 : i32
            %add3A_453 = arith.addi %mul3A_164, %scan3A_452 : i32
            %broadcast_in_dim3A_454 = vector.broadcast %add3A_453 : i32 to vector<16xi32>
            %gather3A_455 = tpu.vector_load_idx %arg8[%broadcast_in_dim3A_454] : memref<2048xf32, #tpu.memory_space<vmem>>[vector<16xi32>], vector<16xf32>,
            %get3A_456 = arith.index_cast %scan3A_452 : i32 to index
            %get3A_457 = arith.constant 0 : index
            %get3A_458 = tpu.vector_load %arg9[%get3A_456, %get3A_457] {strides = array<i32>} : memref<64x128xf32, #tpu.memory_space<vmem>>, vector<16xf32>,
            %mul3A_459 = arith.mulf %get3A_458, %gather3A_455 : vector<16xf32>
            %swap3A_460 = arith.index_cast %scan3A_452 : i32 to index
            %swap3A_461 = arith.constant 0 : index
            %swap3A_462 = tpu.vector_load %arg9[%swap3A_460, %swap3A_461] {strides = array<i32>} : memref<64x128xf32, #tpu.memory_space<vmem>>, vector<16xf32>,
            tpu.vector_store %arg9[%swap3A_460, %swap3A_461], %mul3A_459 {strides = array<i32>} : memref<64x128xf32, #tpu.memory_space<vmem>>, vector<16xf32>,
            %get3A_463 = arith.index_cast %scan3A_452 : i32 to index
            %get3A_464 = arith.constant 16 : index
            %get3A_465 = tpu.vector_load %arg9[%get3A_463, %get3A_464] {strides = array<i32>} : memref<64x128xf32, #tpu.memory_space<vmem>>, vector<16xf32>,
            %mul3A_466 = arith.mulf %get3A_465, %gather3A_455 : vector<16xf32>
            %swap3A_467 = arith.index_cast %scan3A_452 : i32 to index
            %swap3A_468 = arith.constant 16 : index
            %swap3A_469 = tpu.vector_load %arg9[%swap3A_467, %swap3A_468] {strides = array<i32>} : memref<64x128xf32, #tpu.memory_space<vmem>>, vector<16xf32>,
            tpu.vector_store %arg9[%swap3A_467, %swap3A_468], %mul3A_466 {strides = array<i32>} : memref<64x128xf32, #tpu.memory_space<vmem>>, vector<16xf32>,
            %get3A_470 = arith.index_cast %scan3A_452 : i32 to index
            %get3A_471 = arith.constant 32 : index
            %get3A_472 = tpu.vector_load %arg9[%get3A_470, %get3A_471] {strides = array<i32>} : memref<64x128xf32, #tpu.memory_space<vmem>>, vector<16xf32>,
            %mul3A_473 = arith.mulf %get3A_472, %gather3A_455 : vector<16xf32>
            %swap3A_474 = arith.index_cast %scan3A_452 : i32 to index
            %swap3A_475 = arith.constant 32 : index
            %swap3A_476 = tpu.vector_load %arg9[%swap3A_474, %swap3A_475] {strides = array<i32>} : memref<64x128xf32, #tpu.memory_space<vmem>>, vector<16xf32>,
            tpu.vector_store %arg9[%swap3A_474, %swap3A_475], %mul3A_473 {strides = array<i32>} : memref<64x128xf32, #tpu.memory_space<vmem>>, vector<16xf32>,
            %get3A_477 = arith.index_cast %scan3A_452 : i32 to index
            %get3A_478 = arith.constant 48 : index
            %get3A_479 = tpu.vector_load %arg9[%get3A_477, %get3A_478] {strides = array<i32>} : memref<64x128xf32, #tpu.memory_space<vmem>>, vector<16xf32>,
            %mul3A_480 = arith.mulf %get3A_479, %gather3A_455 : vector<16xf32>
            %swap3A_481 = arith.index_cast %scan3A_452 : i32 to index
            %swap3A_482 = arith.constant 48 : index
            %swap3A_483 = tpu.vector_load %arg9[%swap3A_481, %swap3A_482] {strides = array<i32>} : memref<64x128xf32, #tpu.memory_space<vmem>>, vector<16xf32>,
            tpu.vector_store %arg9[%swap3A_481, %swap3A_482], %mul3A_480 {strides = array<i32>} : memref<64x128xf32, #tpu.memory_space<vmem>>, vector<16xf32>,
            %get3A_484 = arith.index_cast %scan3A_452 : i32 to index
            %get3A_485 = arith.constant 64 : index
            %get3A_486 = tpu.vector_load %arg9[%get3A_484, %get3A_485] {strides = array<i32>} : memref<64x128xf32, #tpu.memory_space<vmem>>, vector<16xf32>,
            %mul3A_487 = arith.mulf %get3A_486, %gather3A_455 : vector<16xf32>
            %swap3A_488 = arith.index_cast %scan3A_452 : i32 to index
            %swap3A_489 = arith.constant 64 : index
            %swap3A_490 = tpu.vector_load %arg9[%swap3A_488, %swap3A_489] {strides = array<i32>} : memref<64x128xf32, #tpu.memory_space<vmem>>, vector<16xf32>,
            tpu.vector_store %arg9[%swap3A_488, %swap3A_489], %mul3A_487 {strides = array<i32>} : memref<64x128xf32, #tpu.memory_space<vmem>>, vector<16xf32>,
            %scan3A_491 = arith.constant 0 : i32
            %scan3A_492 = arith.constant 7 : i32
            %scan3A_493 = arith.addi %scan3A_209, %scan3A_492 : i32
            %add3A_494 = arith.addi %mul3A_164, %scan3A_493 : i32
            %broadcast_in_dim3A_495 = vector.broadcast %add3A_494 : i32 to vector<16xi32>
            %gather3A_496 = tpu.vector_load_idx %arg8[%broadcast_in_dim3A_495] : memref<2048xf32, #tpu.memory_space<vmem>>[vector<16xi32>], vector<16xf32>,
            %get3A_497 = arith.index_cast %scan3A_493 : i32 to index
            %get3A_498 = arith.constant 0 : index
            %get3A_499 = tpu.vector_load %arg9[%get3A_497, %get3A_498] {strides = array<i32>} : memref<64x128xf32, #tpu.memory_space<vmem>>, vector<16xf32>,
            %mul3A_500 = arith.mulf %get3A_499, %gather3A_496 : vector<16xf32>
            %swap3A_501 = arith.index_cast %scan3A_493 : i32 to index
            %swap3A_502 = arith.constant 0 : index
            %swap3A_503 = tpu.vector_load %arg9[%swap3A_501, %swap3A_502] {strides = array<i32>} : memref<64x128xf32, #tpu.memory_space<vmem>>, vector<16xf32>,
            tpu.vector_store %arg9[%swap3A_501, %swap3A_502], %mul3A_500 {strides = array<i32>} : memref<64x128xf32, #tpu.memory_space<vmem>>, vector<16xf32>,
            %get3A_504 = arith.index_cast %scan3A_493 : i32 to index
            %get3A_505 = arith.constant 16 : index
            %get3A_506 = tpu.vector_load %arg9[%get3A_504, %get3A_505] {strides = array<i32>} : memref<64x128xf32, #tpu.memory_space<vmem>>, vector<16xf32>,
            %mul3A_507 = arith.mulf %get3A_506, %gather3A_496 : vector<16xf32>
            %swap3A_508 = arith.index_cast %scan3A_493 : i32 to index
            %swap3A_509 = arith.constant 16 : index
            %swap3A_510 = tpu.vector_load %arg9[%swap3A_508, %swap3A_509] {strides = array<i32>} : memref<64x128xf32, #tpu.memory_space<vmem>>, vector<16xf32>,
            tpu.vector_store %arg9[%swap3A_508, %swap3A_509], %mul3A_507 {strides = array<i32>} : memref<64x128xf32, #tpu.memory_space<vmem>>, vector<16xf32>,
            %get3A_511 = arith.index_cast %scan3A_493 : i32 to index
            %get3A_512 = arith.constant 32 : index
            %get3A_513 = tpu.vector_load %arg9[%get3A_511, %get3A_512] {strides = array<i32>} : memref<64x128xf32, #tpu.memory_space<vmem>>, vector<16xf32>,
            %mul3A_514 = arith.mulf %get3A_513, %gather3A_496 : vector<16xf32>
            %swap3A_515 = arith.index_cast %scan3A_493 : i32 to index
            %swap3A_516 = arith.constant 32 : index
            %swap3A_517 = tpu.vector_load %arg9[%swap3A_515, %swap3A_516] {strides = array<i32>} : memref<64x128xf32, #tpu.memory_space<vmem>>, vector<16xf32>,
            tpu.vector_store %arg9[%swap3A_515, %swap3A_516], %mul3A_514 {strides = array<i32>} : memref<64x128xf32, #tpu.memory_space<vmem>>, vector<16xf32>,
            %get3A_518 = arith.index_cast %scan3A_493 : i32 to index
            %get3A_519 = arith.constant 48 : index
            %get3A_520 = tpu.vector_load %arg9[%get3A_518, %get3A_519] {strides = array<i32>} : memref<64x128xf32, #tpu.memory_space<vmem>>, vector<16xf32>,
            %mul3A_521 = arith.mulf %get3A_520, %gather3A_496 : vector<16xf32>
            %swap3A_522 = arith.index_cast %scan3A_493 : i32 to index
            %swap3A_523 = arith.constant 48 : index
            %swap3A_524 = tpu.vector_load %arg9[%swap3A_522, %swap3A_523] {strides = array<i32>} : memref<64x128xf32, #tpu.memory_space<vmem>>, vector<16xf32>,
            tpu.vector_store %arg9[%swap3A_522, %swap3A_523], %mul3A_521 {strides = array<i32>} : memref<64x128xf32, #tpu.memory_space<vmem>>, vector<16xf32>,
            %get3A_525 = arith.index_cast %scan3A_493 : i32 to index
            %get3A_526 = arith.constant 64 : index
            %get3A_527 = tpu.vector_load %arg9[%get3A_525, %get3A_526] {strides = array<i32>} : memref<64x128xf32, #tpu.memory_space<vmem>>, vector<16xf32>,
            %mul3A_528 = arith.mulf %get3A_527, %gather3A_496 : vector<16xf32>
            %swap3A_529 = arith.index_cast %scan3A_493 : i32 to index
            %swap3A_530 = arith.constant 64 : index
            %swap3A_531 = tpu.vector_load %arg9[%swap3A_529, %swap3A_530] {strides = array<i32>} : memref<64x128xf32, #tpu.memory_space<vmem>>, vector<16xf32>,
            tpu.vector_store %arg9[%swap3A_529, %swap3A_530], %mul3A_528 {strides = array<i32>} : memref<64x128xf32, #tpu.memory_space<vmem>>, vector<16xf32>,
            %scan3A_532 = arith.constant 0 : i32
            scf.yield %scan3A_532 : i32
          }
          %scan3A_171 = arith.constant 64 : i32
          %dma_start3A_172 = arith.constant 0 : i32
          %dma_start3A_173 = tpu.memref_slice %arg7[%mul3A_136, %dma_start3A_172] : memref<32x64xi32, #tpu.memory_space<vmem>> -> memref<1x64xi32, #tpu.memory_space<vmem>>
          %dma_start3A_174 = tpu.memref_squeeze %dma_start3A_173 : memref<1x64xi32, #tpu.memory_space<vmem>> -> memref<64xi32, #tpu.memory_space<vmem>>
          %dma_start3A_175 = arith.constant 0 : i32
          %dma_start3A_176 = arith.constant 0 : i32
          %dma_start3A_177 = tpu.memref_slice %arg13[%dma_start3A_175, %dma_start3A_176] : memref<10112x128xf32, #tpu.memory_space<vmem_shared>> -> memref<10112x128xf32, #tpu.memory_space<vmem_shared>>
          tpu.enqueue_indirect_dma source(%arg9 : memref<64x128xf32, #tpu.memory_space<vmem>>) target(%dma_start3A_177 : memref<10112x128xf32, #tpu.memory_space<vmem_shared>>) offsets(%dma_start3A_174 : memref<64xi32, #tpu.memory_space<vmem>>) semaphore(%arg16 : memref<!tpu.dma_semaphore, #tpu.memory_space<semaphore_mem>>) {add = true}
          %dma_wait3A_178 = arith.constant 0 : i32
          %dma_wait3A_179 = tpu.memref_slice %arg6[%add3A_140, %dma_wait3A_178] : memref<32x64xi32, #tpu.memory_space<vmem>> -> memref<1x64xi32, #tpu.memory_space<vmem>>
          %dma_wait3A_180 = tpu.memref_squeeze %dma_wait3A_179 : memref<1x64xi32, #tpu.memory_space<vmem>> -> memref<64xi32, #tpu.memory_space<vmem>>
          %dma_wait3A_181 = arith.constant 0 : i32
          %dma_wait3A_182 = arith.constant 0 : i32
          %dma_wait3A_183 = tpu.memref_slice %arg2[%select_n3A_45, %select_n3A_38, %dma_wait3A_181, %dma_wait3A_182] : memref<8x8x10000x128xf32, #tpu.memory_space<hbm>> -> memref<1x1x10000x128xf32, #tpu.memory_space<hbm>>
          %dma_wait3A_184 = tpu.memref_squeeze %dma_wait3A_183 : memref<1x1x10000x128xf32, #tpu.memory_space<hbm>> -> memref<10000x128xf32, #tpu.memory_space<hbm>>
          %dma_wait3A_185 = arith.constant 0 : i32
          %dma_wait3A_186 = arith.constant 0 : i32
          %dma_wait3A_187 = tpu.memref_slice %dma_wait3A_184[%dma_wait3A_185, %dma_wait3A_186] : memref<10000x128xf32, #tpu.memory_space<hbm>> -> memref<10000x128xf32, #tpu.memory_space<hbm>>
          tpu.wait_indirect_dma semaphore(%arg15 : memref<!tpu.dma_semaphore, #tpu.memory_space<semaphore_mem>>) src(%dma_wait3A_187 : memref<10000x128xf32, #tpu.memory_space<hbm>>) dst(%arg10 : memref<64x128xf32, #tpu.memory_space<vmem>>)
          %mul3A_188 = arith.constant 64 : i32
          %mul3A_189 = arith.muli %add3A_140, %mul3A_188 : i32
          %scan3A_190 = arith.constant 0 : i32
          %scan3A_191 = arith.constant 0 : i32
          %scan3A_192 = arith.constant 64 : i32
          %scan3A_193 = arith.addi %scan3A_191, %scan3A_192 : i32
          %scan3A_194 = arith.constant 8 : i32
          %scan3A_195 = scf.for %scan3A_209 = %scan3A_191 to %scan3A_193 step %scan3A_194 iter_args(%scan3A_210 = %scan3A_190) -> (i32)  : i32 {
            %add3A_211 = arith.addi %mul3A_189, %scan3A_209 : i32
            %broadcast_in_dim3A = vector.broadcast %add3A_211 : i32 to vector<16xi32>
            %gather3A = tpu.vector_load_idx %arg8[%broadcast_in_dim3A] : memref<2048xf32, #tpu.memory_space<vmem>>[vector<16xi32>], vector<16xf32>,
            %get3A = arith.index_cast %scan3A_209 : i32 to index
            %get3A_212 = arith.constant 0 : index
            %get3A_213 = tpu.vector_load %arg10[%get3A, %get3A_212] {strides = array<i32>} : memref<64x128xf32, #tpu.memory_space<vmem>>, vector<16xf32>,
            %mul3A_214 = arith.mulf %get3A_213, %gather3A : vector<16xf32>
            %swap3A = arith.index_cast %scan3A_209 : i32 to index
            %swap3A_215 = arith.constant 0 : index
            %swap3A_216 = tpu.vector_load %arg10[%swap3A, %swap3A_215] {strides = array<i32>} : memref<64x128xf32, #tpu.memory_space<vmem>>, vector<16xf32>,
            tpu.vector_store %arg10[%swap3A, %swap3A_215], %mul3A_214 {strides = array<i32>} : memref<64x128xf32, #tpu.memory_space<vmem>>, vector<16xf32>,
            %get3A_217 = arith.index_cast %scan3A_209 : i32 to index
            %get3A_218 = arith.constant 16 : index
            %get3A_219 = tpu.vector_load %arg10[%get3A_217, %get3A_218] {strides = array<i32>} : memref<64x128xf32, #tpu.memory_space<vmem>>, vector<16xf32>,
            %mul3A_220 = arith.mulf %get3A_219, %gather3A : vector<16xf32>
            %swap3A_221 = arith.index_cast %scan3A_209 : i32 to index
            %swap3A_222 = arith.constant 16 : index
            %swap3A_223 = tpu.vector_load %arg10[%swap3A_221, %swap3A_222] {strides = array<i32>} : memref<64x128xf32, #tpu.memory_space<vmem>>, vector<16xf32>,
            tpu.vector_store %arg10[%swap3A_221, %swap3A_222], %mul3A_220 {strides = array<i32>} : memref<64x128xf32, #tpu.memory_space<vmem>>, vector<16xf32>,
            %get3A_224 = arith.index_cast %scan3A_209 : i32 to index
            %get3A_225 = arith.constant 32 : index
            %get3A_226 = tpu.vector_load %arg10[%get3A_224, %get3A_225] {strides = array<i32>} : memref<64x128xf32, #tpu.memory_space<vmem>>, vector<16xf32>,
            %mul3A_227 = arith.mulf %get3A_226, %gather3A : vector<16xf32>
            %swap3A_228 = arith.index_cast %scan3A_209 : i32 to index
            %swap3A_229 = arith.constant 32 : index
            %swap3A_230 = tpu.vector_load %arg10[%swap3A_228, %swap3A_229] {strides = array<i32>} : memref<64x128xf32, #tpu.memory_space<vmem>>, vector<16xf32>,
            tpu.vector_store %arg10[%swap3A_228, %swap3A_229], %mul3A_227 {strides = array<i32>} : memref<64x128xf32, #tpu.memory_space<vmem>>, vector<16xf32>,
            %get3A_231 = arith.index_cast %scan3A_209 : i32 to index
            %get3A_232 = arith.constant 48 : index
            %get3A_233 = tpu.vector_load %arg10[%get3A_231, %get3A_232] {strides = array<i32>} : memref<64x128xf32, #tpu.memory_space<vmem>>, vector<16xf32>,
            %mul3A_234 = arith.mulf %get3A_233, %gather3A : vector<16xf32>
            %swap3A_235 = arith.index_cast %scan3A_209 : i32 to index
            %swap3A_236 = arith.constant 48 : index
            %swap3A_237 = tpu.vector_load %arg10[%swap3A_235, %swap3A_236] {strides = array<i32>} : memref<64x128xf32, #tpu.memory_space<vmem>>, vector<16xf32>,
            tpu.vector_store %arg10[%swap3A_235, %swap3A_236], %mul3A_234 {strides = array<i32>} : memref<64x128xf32, #tpu.memory_space<vmem>>, vector<16xf32>,
            %get3A_238 = arith.index_cast %scan3A_209 : i32 to index
            %get3A_239 = arith.constant 64 : index
            %get3A_240 = tpu.vector_load %arg10[%get3A_238, %get3A_239] {strides = array<i32>} : memref<64x128xf32, #tpu.memory_space<vmem>>, vector<16xf32>,
            %mul3A_241 = arith.mulf %get3A_240, %gather3A : vector<16xf32>
            %swap3A_242 = arith.index_cast %scan3A_209 : i32 to index
            %swap3A_243 = arith.constant 64 : index
            %swap3A_244 = tpu.vector_load %arg10[%swap3A_242, %swap3A_243] {strides = array<i32>} : memref<64x128xf32, #tpu.memory_space<vmem>>, vector<16xf32>,
            tpu.vector_store %arg10[%swap3A_242, %swap3A_243], %mul3A_241 {strides = array<i32>} : memref<64x128xf32, #tpu.memory_space<vmem>>, vector<16xf32>,
            %scan3A_245 = arith.constant 0 : i32
            %scan3A_246 = arith.constant 1 : i32
            %scan3A_247 = arith.addi %scan3A_209, %scan3A_246 : i32
            %add3A_248 = arith.addi %mul3A_189, %scan3A_247 : i32
            %broadcast_in_dim3A_249 = vector.broadcast %add3A_248 : i32 to vector<16xi32>
            %gather3A_250 = tpu.vector_load_idx %arg8[%broadcast_in_dim3A_249] : memref<2048xf32, #tpu.memory_space<vmem>>[vector<16xi32>], vector<16xf32>,
            %get3A_251 = arith.index_cast %scan3A_247 : i32 to index
            %get3A_252 = arith.constant 0 : index
            %get3A_253 = tpu.vector_load %arg10[%get3A_251, %get3A_252] {strides = array<i32>} : memref<64x128xf32, #tpu.memory_space<vmem>>, vector<16xf32>,
            %mul3A_254 = arith.mulf %get3A_253, %gather3A_250 : vector<16xf32>
            %swap3A_255 = arith.index_cast %scan3A_247 : i32 to index
            %swap3A_256 = arith.constant 0 : index
            %swap3A_257 = tpu.vector_load %arg10[%swap3A_255, %swap3A_256] {strides = array<i32>} : memref<64x128xf32, #tpu.memory_space<vmem>>, vector<16xf32>,
            tpu.vector_store %arg10[%swap3A_255, %swap3A_256], %mul3A_254 {strides = array<i32>} : memref<64x128xf32, #tpu.memory_space<vmem>>, vector<16xf32>,
            %get3A_258 = arith.index_cast %scan3A_247 : i32 to index
            %get3A_259 = arith.constant 16 : index
            %get3A_260 = tpu.vector_load %arg10[%get3A_258, %get3A_259] {strides = array<i32>} : memref<64x128xf32, #tpu.memory_space<vmem>>, vector<16xf32>,
            %mul3A_261 = arith.mulf %get3A_260, %gather3A_250 : vector<16xf32>
            %swap3A_262 = arith.index_cast %scan3A_247 : i32 to index
            %swap3A_263 = arith.constant 16 : index
            %swap3A_264 = tpu.vector_load %arg10[%swap3A_262, %swap3A_263] {strides = array<i32>} : memref<64x128xf32, #tpu.memory_space<vmem>>, vector<16xf32>,
            tpu.vector_store %arg10[%swap3A_262, %swap3A_263], %mul3A_261 {strides = array<i32>} : memref<64x128xf32, #tpu.memory_space<vmem>>, vector<16xf32>,
            %get3A_265 = arith.index_cast %scan3A_247 : i32 to index
            %get3A_266 = arith.constant 32 : index
            %get3A_267 = tpu.vector_load %arg10[%get3A_265, %get3A_266] {strides = array<i32>} : memref<64x128xf32, #tpu.memory_space<vmem>>, vector<16xf32>,
            %mul3A_268 = arith.mulf %get3A_267, %gather3A_250 : vector<16xf32>
            %swap3A_269 = arith.index_cast %scan3A_247 : i32 to index
            %swap3A_270 = arith.constant 32 : index
            %swap3A_271 = tpu.vector_load %arg10[%swap3A_269, %swap3A_270] {strides = array<i32>} : memref<64x128xf32, #tpu.memory_space<vmem>>, vector<16xf32>,
            tpu.vector_store %arg10[%swap3A_269, %swap3A_270], %mul3A_268 {strides = array<i32>} : memref<64x128xf32, #tpu.memory_space<vmem>>, vector<16xf32>,
            %get3A_272 = arith.index_cast %scan3A_247 : i32 to index
            %get3A_273 = arith.constant 48 : index
            %get3A_274 = tpu.vector_load %arg10[%get3A_272, %get3A_273] {strides = array<i32>} : memref<64x128xf32, #tpu.memory_space<vmem>>, vector<16xf32>,
            %mul3A_275 = arith.mulf %get3A_274, %gather3A_250 : vector<16xf32>
            %swap3A_276 = arith.index_cast %scan3A_247 : i32 to index
            %swap3A_277 = arith.constant 48 : index
            %swap3A_278 = tpu.vector_load %arg10[%swap3A_276, %swap3A_277] {strides = array<i32>} : memref<64x128xf32, #tpu.memory_space<vmem>>, vector<16xf32>,
            tpu.vector_store %arg10[%swap3A_276, %swap3A_277], %mul3A_275 {strides = array<i32>} : memref<64x128xf32, #tpu.memory_space<vmem>>, vector<16xf32>,
            %get3A_279 = arith.index_cast %scan3A_247 : i32 to index
            %get3A_280 = arith.constant 64 : index
            %get3A_281 = tpu.vector_load %arg10[%get3A_279, %get3A_280] {strides = array<i32>} : memref<64x128xf32, #tpu.memory_space<vmem>>, vector<16xf32>,
            %mul3A_282 = arith.mulf %get3A_281, %gather3A_250 : vector<16xf32>
            %swap3A_283 = arith.index_cast %scan3A_247 : i32 to index
            %swap3A_284 = arith.constant 64 : index
            %swap3A_285 = tpu.vector_load %arg10[%swap3A_283, %swap3A_284] {strides = array<i32>} : memref<64x128xf32, #tpu.memory_space<vmem>>, vector<16xf32>,
            tpu.vector_store %arg10[%swap3A_283, %swap3A_284], %mul3A_282 {strides = array<i32>} : memref<64x128xf32, #tpu.memory_space<vmem>>, vector<16xf32>,
            %scan3A_286 = arith.constant 0 : i32
            %scan3A_287 = arith.constant 2 : i32
            %scan3A_288 = arith.addi %scan3A_209, %scan3A_287 : i32
            %add3A_289 = arith.addi %mul3A_189, %scan3A_288 : i32
            %broadcast_in_dim3A_290 = vector.broadcast %add3A_289 : i32 to vector<16xi32>
            %gather3A_291 = tpu.vector_load_idx %arg8[%broadcast_in_dim3A_290] : memref<2048xf32, #tpu.memory_space<vmem>>[vector<16xi32>], vector<16xf32>,
            %get3A_292 = arith.index_cast %scan3A_288 : i32 to index
            %get3A_293 = arith.constant 0 : index
            %get3A_294 = tpu.vector_load %arg10[%get3A_292, %get3A_293] {strides = array<i32>} : memref<64x128xf32, #tpu.memory_space<vmem>>, vector<16xf32>,
            %mul3A_295 = arith.mulf %get3A_294, %gather3A_291 : vector<16xf32>
            %swap3A_296 = arith.index_cast %scan3A_288 : i32 to index
            %swap3A_297 = arith.constant 0 : index
            %swap3A_298 = tpu.vector_load %arg10[%swap3A_296, %swap3A_297] {strides = array<i32>} : memref<64x128xf32, #tpu.memory_space<vmem>>, vector<16xf32>,
            tpu.vector_store %arg10[%swap3A_296, %swap3A_297], %mul3A_295 {strides = array<i32>} : memref<64x128xf32, #tpu.memory_space<vmem>>, vector<16xf32>,
            %get3A_299 = arith.index_cast %scan3A_288 : i32 to index
            %get3A_300 = arith.constant 16 : index
            %get3A_301 = tpu.vector_load %arg10[%get3A_299, %get3A_300] {strides = array<i32>} : memref<64x128xf32, #tpu.memory_space<vmem>>, vector<16xf32>,
            %mul3A_302 = arith.mulf %get3A_301, %gather3A_291 : vector<16xf32>
            %swap3A_303 = arith.index_cast %scan3A_288 : i32 to index
            %swap3A_304 = arith.constant 16 : index
            %swap3A_305 = tpu.vector_load %arg10[%swap3A_303, %swap3A_304] {strides = array<i32>} : memref<64x128xf32, #tpu.memory_space<vmem>>, vector<16xf32>,
            tpu.vector_store %arg10[%swap3A_303, %swap3A_304], %mul3A_302 {strides = array<i32>} : memref<64x128xf32, #tpu.memory_space<vmem>>, vector<16xf32>,
            %get3A_306 = arith.index_cast %scan3A_288 : i32 to index
            %get3A_307 = arith.constant 32 : index
            %get3A_308 = tpu.vector_load %arg10[%get3A_306, %get3A_307] {strides = array<i32>} : memref<64x128xf32, #tpu.memory_space<vmem>>, vector<16xf32>,
            %mul3A_309 = arith.mulf %get3A_308, %gather3A_291 : vector<16xf32>
            %swap3A_310 = arith.index_cast %scan3A_288 : i32 to index
            %swap3A_311 = arith.constant 32 : index
            %swap3A_312 = tpu.vector_load %arg10[%swap3A_310, %swap3A_311] {strides = array<i32>} : memref<64x128xf32, #tpu.memory_space<vmem>>, vector<16xf32>,
            tpu.vector_store %arg10[%swap3A_310, %swap3A_311], %mul3A_309 {strides = array<i32>} : memref<64x128xf32, #tpu.memory_space<vmem>>, vector<16xf32>,
            %get3A_313 = arith.index_cast %scan3A_288 : i32 to index
            %get3A_314 = arith.constant 48 : index
            %get3A_315 = tpu.vector_load %arg10[%get3A_313, %get3A_314] {strides = array<i32>} : memref<64x128xf32, #tpu.memory_space<vmem>>, vector<16xf32>,
            %mul3A_316 = arith.mulf %get3A_315, %gather3A_291 : vector<16xf32>
            %swap3A_317 = arith.index_cast %scan3A_288 : i32 to index
            %swap3A_318 = arith.constant 48 : index
            %swap3A_319 = tpu.vector_load %arg10[%swap3A_317, %swap3A_318] {strides = array<i32>} : memref<64x128xf32, #tpu.memory_space<vmem>>, vector<16xf32>,
            tpu.vector_store %arg10[%swap3A_317, %swap3A_318], %mul3A_316 {strides = array<i32>} : memref<64x128xf32, #tpu.memory_space<vmem>>, vector<16xf32>,
            %get3A_320 = arith.index_cast %scan3A_288 : i32 to index
            %get3A_321 = arith.constant 64 : index
            %get3A_322 = tpu.vector_load %arg10[%get3A_320, %get3A_321] {strides = array<i32>} : memref<64x128xf32, #tpu.memory_space<vmem>>, vector<16xf32>,
            %mul3A_323 = arith.mulf %get3A_322, %gather3A_291 : vector<16xf32>
            %swap3A_324 = arith.index_cast %scan3A_288 : i32 to index
            %swap3A_325 = arith.constant 64 : index
            %swap3A_326 = tpu.vector_load %arg10[%swap3A_324, %swap3A_325] {strides = array<i32>} : memref<64x128xf32, #tpu.memory_space<vmem>>, vector<16xf32>,
            tpu.vector_store %arg10[%swap3A_324, %swap3A_325], %mul3A_323 {strides = array<i32>} : memref<64x128xf32, #tpu.memory_space<vmem>>, vector<16xf32>,
            %scan3A_327 = arith.constant 0 : i32
            %scan3A_328 = arith.constant 3 : i32
            %scan3A_329 = arith.addi %scan3A_209, %scan3A_328 : i32
            %add3A_330 = arith.addi %mul3A_189, %scan3A_329 : i32
            %broadcast_in_dim3A_331 = vector.broadcast %add3A_330 : i32 to vector<16xi32>
            %gather3A_332 = tpu.vector_load_idx %arg8[%broadcast_in_dim3A_331] : memref<2048xf32, #tpu.memory_space<vmem>>[vector<16xi32>], vector<16xf32>,
            %get3A_333 = arith.index_cast %scan3A_329 : i32 to index
            %get3A_334 = arith.constant 0 : index
            %get3A_335 = tpu.vector_load %arg10[%get3A_333, %get3A_334] {strides = array<i32>} : memref<64x128xf32, #tpu.memory_space<vmem>>, vector<16xf32>,
            %mul3A_336 = arith.mulf %get3A_335, %gather3A_332 : vector<16xf32>
            %swap3A_337 = arith.index_cast %scan3A_329 : i32 to index
            %swap3A_338 = arith.constant 0 : index
            %swap3A_339 = tpu.vector_load %arg10[%swap3A_337, %swap3A_338] {strides = array<i32>} : memref<64x128xf32, #tpu.memory_space<vmem>>, vector<16xf32>,
            tpu.vector_store %arg10[%swap3A_337, %swap3A_338], %mul3A_336 {strides = array<i32>} : memref<64x128xf32, #tpu.memory_space<vmem>>, vector<16xf32>,
            %get3A_340 = arith.index_cast %scan3A_329 : i32 to index
            %get3A_341 = arith.constant 16 : index
            %get3A_342 = tpu.vector_load %arg10[%get3A_340, %get3A_341] {strides = array<i32>} : memref<64x128xf32, #tpu.memory_space<vmem>>, vector<16xf32>,
            %mul3A_343 = arith.mulf %get3A_342, %gather3A_332 : vector<16xf32>
            %swap3A_344 = arith.index_cast %scan3A_329 : i32 to index
            %swap3A_345 = arith.constant 16 : index
            %swap3A_346 = tpu.vector_load %arg10[%swap3A_344, %swap3A_345] {strides = array<i32>} : memref<64x128xf32, #tpu.memory_space<vmem>>, vector<16xf32>,
            tpu.vector_store %arg10[%swap3A_344, %swap3A_345], %mul3A_343 {strides = array<i32>} : memref<64x128xf32, #tpu.memory_space<vmem>>, vector<16xf32>,
            %get3A_347 = arith.index_cast %scan3A_329 : i32 to index
            %get3A_348 = arith.constant 32 : index
            %get3A_349 = tpu.vector_load %arg10[%get3A_347, %get3A_348] {strides = array<i32>} : memref<64x128xf32, #tpu.memory_space<vmem>>, vector<16xf32>,
            %mul3A_350 = arith.mulf %get3A_349, %gather3A_332 : vector<16xf32>
            %swap3A_351 = arith.index_cast %scan3A_329 : i32 to index
            %swap3A_352 = arith.constant 32 : index
            %swap3A_353 = tpu.vector_load %arg10[%swap3A_351, %swap3A_352] {strides = array<i32>} : memref<64x128xf32, #tpu.memory_space<vmem>>, vector<16xf32>,
            tpu.vector_store %arg10[%swap3A_351, %swap3A_352], %mul3A_350 {strides = array<i32>} : memref<64x128xf32, #tpu.memory_space<vmem>>, vector<16xf32>,
            %get3A_354 = arith.index_cast %scan3A_329 : i32 to index
            %get3A_355 = arith.constant 48 : index
            %get3A_356 = tpu.vector_load %arg10[%get3A_354, %get3A_355] {strides = array<i32>} : memref<64x128xf32, #tpu.memory_space<vmem>>, vector<16xf32>,
            %mul3A_357 = arith.mulf %get3A_356, %gather3A_332 : vector<16xf32>
            %swap3A_358 = arith.index_cast %scan3A_329 : i32 to index
            %swap3A_359 = arith.constant 48 : index
            %swap3A_360 = tpu.vector_load %arg10[%swap3A_358, %swap3A_359] {strides = array<i32>} : memref<64x128xf32, #tpu.memory_space<vmem>>, vector<16xf32>,
            tpu.vector_store %arg10[%swap3A_358, %swap3A_359], %mul3A_357 {strides = array<i32>} : memref<64x128xf32, #tpu.memory_space<vmem>>, vector<16xf32>,
            %get3A_361 = arith.index_cast %scan3A_329 : i32 to index
            %get3A_362 = arith.constant 64 : index
            %get3A_363 = tpu.vector_load %arg10[%get3A_361, %get3A_362] {strides = array<i32>} : memref<64x128xf32, #tpu.memory_space<vmem>>, vector<16xf32>,
            %mul3A_364 = arith.mulf %get3A_363, %gather3A_332 : vector<16xf32>
            %swap3A_365 = arith.index_cast %scan3A_329 : i32 to index
            %swap3A_366 = arith.constant 64 : index
            %swap3A_367 = tpu.vector_load %arg10[%swap3A_365, %swap3A_366] {strides = array<i32>} : memref<64x128xf32, #tpu.memory_space<vmem>>, vector<16xf32>,
            tpu.vector_store %arg10[%swap3A_365, %swap3A_366], %mul3A_364 {strides = array<i32>} : memref<64x128xf32, #tpu.memory_space<vmem>>, vector<16xf32>,
            %scan3A_368 = arith.constant 0 : i32
            %scan3A_369 = arith.constant 4 : i32
            %scan3A_370 = arith.addi %scan3A_209, %scan3A_369 : i32
            %add3A_371 = arith.addi %mul3A_189, %scan3A_370 : i32
            %broadcast_in_dim3A_372 = vector.broadcast %add3A_371 : i32 to vector<16xi32>
            %gather3A_373 = tpu.vector_load_idx %arg8[%broadcast_in_dim3A_372] : memref<2048xf32, #tpu.memory_space<vmem>>[vector<16xi32>], vector<16xf32>,
            %get3A_374 = arith.index_cast %scan3A_370 : i32 to index
            %get3A_375 = arith.constant 0 : index
            %get3A_376 = tpu.vector_load %arg10[%get3A_374, %get3A_375] {strides = array<i32>} : memref<64x128xf32, #tpu.memory_space<vmem>>, vector<16xf32>,
            %mul3A_377 = arith.mulf %get3A_376, %gather3A_373 : vector<16xf32>
            %swap3A_378 = arith.index_cast %scan3A_370 : i32 to index
            %swap3A_379 = arith.constant 0 : index
            %swap3A_380 = tpu.vector_load %arg10[%swap3A_378, %swap3A_379] {strides = array<i32>} : memref<64x128xf32, #tpu.memory_space<vmem>>, vector<16xf32>,
            tpu.vector_store %arg10[%swap3A_378, %swap3A_379], %mul3A_377 {strides = array<i32>} : memref<64x128xf32, #tpu.memory_space<vmem>>, vector<16xf32>,
            %get3A_381 = arith.index_cast %scan3A_370 : i32 to index
            %get3A_382 = arith.constant 16 : index
            %get3A_383 = tpu.vector_load %arg10[%get3A_381, %get3A_382] {strides = array<i32>} : memref<64x128xf32, #tpu.memory_space<vmem>>, vector<16xf32>,
            %mul3A_384 = arith.mulf %get3A_383, %gather3A_373 : vector<16xf32>
            %swap3A_385 = arith.index_cast %scan3A_370 : i32 to index
            %swap3A_386 = arith.constant 16 : index
            %swap3A_387 = tpu.vector_load %arg10[%swap3A_385, %swap3A_386] {strides = array<i32>} : memref<64x128xf32, #tpu.memory_space<vmem>>, vector<16xf32>,
            tpu.vector_store %arg10[%swap3A_385, %swap3A_386], %mul3A_384 {strides = array<i32>} : memref<64x128xf32, #tpu.memory_space<vmem>>, vector<16xf32>,
            %get3A_388 = arith.index_cast %scan3A_370 : i32 to index
            %get3A_389 = arith.constant 32 : index
            %get3A_390 = tpu.vector_load %arg10[%get3A_388, %get3A_389] {strides = array<i32>} : memref<64x128xf32, #tpu.memory_space<vmem>>, vector<16xf32>,
            %mul3A_391 = arith.mulf %get3A_390, %gather3A_373 : vector<16xf32>
            %swap3A_392 = arith.index_cast %scan3A_370 : i32 to index
            %swap3A_393 = arith.constant 32 : index
            %swap3A_394 = tpu.vector_load %arg10[%swap3A_392, %swap3A_393] {strides = array<i32>} : memref<64x128xf32, #tpu.memory_space<vmem>>, vector<16xf32>,
            tpu.vector_store %arg10[%swap3A_392, %swap3A_393], %mul3A_391 {strides = array<i32>} : memref<64x128xf32, #tpu.memory_space<vmem>>, vector<16xf32>,
            %get3A_395 = arith.index_cast %scan3A_370 : i32 to index
            %get3A_396 = arith.constant 48 : index
            %get3A_397 = tpu.vector_load %arg10[%get3A_395, %get3A_396] {strides = array<i32>} : memref<64x128xf32, #tpu.memory_space<vmem>>, vector<16xf32>,
            %mul3A_398 = arith.mulf %get3A_397, %gather3A_373 : vector<16xf32>
            %swap3A_399 = arith.index_cast %scan3A_370 : i32 to index
            %swap3A_400 = arith.constant 48 : index
            %swap3A_401 = tpu.vector_load %arg10[%swap3A_399, %swap3A_400] {strides = array<i32>} : memref<64x128xf32, #tpu.memory_space<vmem>>, vector<16xf32>,
            tpu.vector_store %arg10[%swap3A_399, %swap3A_400], %mul3A_398 {strides = array<i32>} : memref<64x128xf32, #tpu.memory_space<vmem>>, vector<16xf32>,
            %get3A_402 = arith.index_cast %scan3A_370 : i32 to index
            %get3A_403 = arith.constant 64 : index
            %get3A_404 = tpu.vector_load %arg10[%get3A_402, %get3A_403] {strides = array<i32>} : memref<64x128xf32, #tpu.memory_space<vmem>>, vector<16xf32>,
            %mul3A_405 = arith.mulf %get3A_404, %gather3A_373 : vector<16xf32>
            %swap3A_406 = arith.index_cast %scan3A_370 : i32 to index
            %swap3A_407 = arith.constant 64 : index
            %swap3A_408 = tpu.vector_load %arg10[%swap3A_406, %swap3A_407] {strides = array<i32>} : memref<64x128xf32, #tpu.memory_space<vmem>>, vector<16xf32>,
            tpu.vector_store %arg10[%swap3A_406, %swap3A_407], %mul3A_405 {strides = array<i32>} : memref<64x128xf32, #tpu.memory_space<vmem>>, vector<16xf32>,
            %scan3A_409 = arith.constant 0 : i32
            %scan3A_410 = arith.constant 5 : i32
            %scan3A_411 = arith.addi %scan3A_209, %scan3A_410 : i32
            %add3A_412 = arith.addi %mul3A_189, %scan3A_411 : i32
            %broadcast_in_dim3A_413 = vector.broadcast %add3A_412 : i32 to vector<16xi32>
            %gather3A_414 = tpu.vector_load_idx %arg8[%broadcast_in_dim3A_413] : memref<2048xf32, #tpu.memory_space<vmem>>[vector<16xi32>], vector<16xf32>,
            %get3A_415 = arith.index_cast %scan3A_411 : i32 to index
            %get3A_416 = arith.constant 0 : index
            %get3A_417 = tpu.vector_load %arg10[%get3A_415, %get3A_416] {strides = array<i32>} : memref<64x128xf32, #tpu.memory_space<vmem>>, vector<16xf32>,
            %mul3A_418 = arith.mulf %get3A_417, %gather3A_414 : vector<16xf32>
            %swap3A_419 = arith.index_cast %scan3A_411 : i32 to index
            %swap3A_420 = arith.constant 0 : index
            %swap3A_421 = tpu.vector_load %arg10[%swap3A_419, %swap3A_420] {strides = array<i32>} : memref<64x128xf32, #tpu.memory_space<vmem>>, vector<16xf32>,
            tpu.vector_store %arg10[%swap3A_419, %swap3A_420], %mul3A_418 {strides = array<i32>} : memref<64x128xf32, #tpu.memory_space<vmem>>, vector<16xf32>,
            %get3A_422 = arith.index_cast %scan3A_411 : i32 to index
            %get3A_423 = arith.constant 16 : index
            %get3A_424 = tpu.vector_load %arg10[%get3A_422, %get3A_423] {strides = array<i32>} : memref<64x128xf32, #tpu.memory_space<vmem>>, vector<16xf32>,
            %mul3A_425 = arith.mulf %get3A_424, %gather3A_414 : vector<16xf32>
            %swap3A_426 = arith.index_cast %scan3A_411 : i32 to index
            %swap3A_427 = arith.constant 16 : index
            %swap3A_428 = tpu.vector_load %arg10[%swap3A_426, %swap3A_427] {strides = array<i32>} : memref<64x128xf32, #tpu.memory_space<vmem>>, vector<16xf32>,
            tpu.vector_store %arg10[%swap3A_426, %swap3A_427], %mul3A_425 {strides = array<i32>} : memref<64x128xf32, #tpu.memory_space<vmem>>, vector<16xf32>,
            %get3A_429 = arith.index_cast %scan3A_411 : i32 to index
            %get3A_430 = arith.constant 32 : index
            %get3A_431 = tpu.vector_load %arg10[%get3A_429, %get3A_430] {strides = array<i32>} : memref<64x128xf32, #tpu.memory_space<vmem>>, vector<16xf32>,
            %mul3A_432 = arith.mulf %get3A_431, %gather3A_414 : vector<16xf32>
            %swap3A_433 = arith.index_cast %scan3A_411 : i32 to index
            %swap3A_434 = arith.constant 32 : index
            %swap3A_435 = tpu.vector_load %arg10[%swap3A_433, %swap3A_434] {strides = array<i32>} : memref<64x128xf32, #tpu.memory_space<vmem>>, vector<16xf32>,
            tpu.vector_store %arg10[%swap3A_433, %swap3A_434], %mul3A_432 {strides = array<i32>} : memref<64x128xf32, #tpu.memory_space<vmem>>, vector<16xf32>,
            %get3A_436 = arith.index_cast %scan3A_411 : i32 to index
            %get3A_437 = arith.constant 48 : index
            %get3A_438 = tpu.vector_load %arg10[%get3A_436, %get3A_437] {strides = array<i32>} : memref<64x128xf32, #tpu.memory_space<vmem>>, vector<16xf32>,
            %mul3A_439 = arith.mulf %get3A_438, %gather3A_414 : vector<16xf32>
            %swap3A_440 = arith.index_cast %scan3A_411 : i32 to index
            %swap3A_441 = arith.constant 48 : index
            %swap3A_442 = tpu.vector_load %arg10[%swap3A_440, %swap3A_441] {strides = array<i32>} : memref<64x128xf32, #tpu.memory_space<vmem>>, vector<16xf32>,
            tpu.vector_store %arg10[%swap3A_440, %swap3A_441], %mul3A_439 {strides = array<i32>} : memref<64x128xf32, #tpu.memory_space<vmem>>, vector<16xf32>,
            %get3A_443 = arith.index_cast %scan3A_411 : i32 to index
            %get3A_444 = arith.constant 64 : index
            %get3A_445 = tpu.vector_load %arg10[%get3A_443, %get3A_444] {strides = array<i32>} : memref<64x128xf32, #tpu.memory_space<vmem>>, vector<16xf32>,
            %mul3A_446 = arith.mulf %get3A_445, %gather3A_414 : vector<16xf32>
            %swap3A_447 = arith.index_cast %scan3A_411 : i32 to index
            %swap3A_448 = arith.constant 64 : index
            %swap3A_449 = tpu.vector_load %arg10[%swap3A_447, %swap3A_448] {strides = array<i32>} : memref<64x128xf32, #tpu.memory_space<vmem>>, vector<16xf32>,
            tpu.vector_store %arg10[%swap3A_447, %swap3A_448], %mul3A_446 {strides = array<i32>} : memref<64x128xf32, #tpu.memory_space<vmem>>, vector<16xf32>,
            %scan3A_450 = arith.constant 0 : i32
            %scan3A_451 = arith.constant 6 : i32
            %scan3A_452 = arith.addi %scan3A_209, %scan3A_451 : i32
            %add3A_453 = arith.addi %mul3A_189, %scan3A_452 : i32
            %broadcast_in_dim3A_454 = vector.broadcast %add3A_453 : i32 to vector<16xi32>
            %gather3A_455 = tpu.vector_load_idx %arg8[%broadcast_in_dim3A_454] : memref<2048xf32, #tpu.memory_space<vmem>>[vector<16xi32>], vector<16xf32>,
            %get3A_456 = arith.index_cast %scan3A_452 : i32 to index
            %get3A_457 = arith.constant 0 : index
            %get3A_458 = tpu.vector_load %arg10[%get3A_456, %get3A_457] {strides = array<i32>} : memref<64x128xf32, #tpu.memory_space<vmem>>, vector<16xf32>,
            %mul3A_459 = arith.mulf %get3A_458, %gather3A_455 : vector<16xf32>
            %swap3A_460 = arith.index_cast %scan3A_452 : i32 to index
            %swap3A_461 = arith.constant 0 : index
            %swap3A_462 = tpu.vector_load %arg10[%swap3A_460, %swap3A_461] {strides = array<i32>} : memref<64x128xf32, #tpu.memory_space<vmem>>, vector<16xf32>,
            tpu.vector_store %arg10[%swap3A_460, %swap3A_461], %mul3A_459 {strides = array<i32>} : memref<64x128xf32, #tpu.memory_space<vmem>>, vector<16xf32>,
            %get3A_463 = arith.index_cast %scan3A_452 : i32 to index
            %get3A_464 = arith.constant 16 : index
            %get3A_465 = tpu.vector_load %arg10[%get3A_463, %get3A_464] {strides = array<i32>} : memref<64x128xf32, #tpu.memory_space<vmem>>, vector<16xf32>,
            %mul3A_466 = arith.mulf %get3A_465, %gather3A_455 : vector<16xf32>
            %swap3A_467 = arith.index_cast %scan3A_452 : i32 to index
            %swap3A_468 = arith.constant 16 : index
            %swap3A_469 = tpu.vector_load %arg10[%swap3A_467, %swap3A_468] {strides = array<i32>} : memref<64x128xf32, #tpu.memory_space<vmem>>, vector<16xf32>,
            tpu.vector_store %arg10[%swap3A_467, %swap3A_468], %mul3A_466 {strides = array<i32>} : memref<64x128xf32, #tpu.memory_space<vmem>>, vector<16xf32>,
            %get3A_470 = arith.index_cast %scan3A_452 : i32 to index
            %get3A_471 = arith.constant 32 : index
            %get3A_472 = tpu.vector_load %arg10[%get3A_470, %get3A_471] {strides = array<i32>} : memref<64x128xf32, #tpu.memory_space<vmem>>, vector<16xf32>,
            %mul3A_473 = arith.mulf %get3A_472, %gather3A_455 : vector<16xf32>
            %swap3A_474 = arith.index_cast %scan3A_452 : i32 to index
            %swap3A_475 = arith.constant 32 : index
            %swap3A_476 = tpu.vector_load %arg10[%swap3A_474, %swap3A_475] {strides = array<i32>} : memref<64x128xf32, #tpu.memory_space<vmem>>, vector<16xf32>,
            tpu.vector_store %arg10[%swap3A_474, %swap3A_475], %mul3A_473 {strides = array<i32>} : memref<64x128xf32, #tpu.memory_space<vmem>>, vector<16xf32>,
            %get3A_477 = arith.index_cast %scan3A_452 : i32 to index
            %get3A_478 = arith.constant 48 : index
            %get3A_479 = tpu.vector_load %arg10[%get3A_477, %get3A_478] {strides = array<i32>} : memref<64x128xf32, #tpu.memory_space<vmem>>, vector<16xf32>,
            %mul3A_480 = arith.mulf %get3A_479, %gather3A_455 : vector<16xf32>
            %swap3A_481 = arith.index_cast %scan3A_452 : i32 to index
            %swap3A_482 = arith.constant 48 : index
            %swap3A_483 = tpu.vector_load %arg10[%swap3A_481, %swap3A_482] {strides = array<i32>} : memref<64x128xf32, #tpu.memory_space<vmem>>, vector<16xf32>,
            tpu.vector_store %arg10[%swap3A_481, %swap3A_482], %mul3A_480 {strides = array<i32>} : memref<64x128xf32, #tpu.memory_space<vmem>>, vector<16xf32>,
            %get3A_484 = arith.index_cast %scan3A_452 : i32 to index
            %get3A_485 = arith.constant 64 : index
            %get3A_486 = tpu.vector_load %arg10[%get3A_484, %get3A_485] {strides = array<i32>} : memref<64x128xf32, #tpu.memory_space<vmem>>, vector<16xf32>,
            %mul3A_487 = arith.mulf %get3A_486, %gather3A_455 : vector<16xf32>
            %swap3A_488 = arith.index_cast %scan3A_452 : i32 to index
            %swap3A_489 = arith.constant 64 : index
            %swap3A_490 = tpu.vector_load %arg10[%swap3A_488, %swap3A_489] {strides = array<i32>} : memref<64x128xf32, #tpu.memory_space<vmem>>, vector<16xf32>,
            tpu.vector_store %arg10[%swap3A_488, %swap3A_489], %mul3A_487 {strides = array<i32>} : memref<64x128xf32, #tpu.memory_space<vmem>>, vector<16xf32>,
            %scan3A_491 = arith.constant 0 : i32
            %scan3A_492 = arith.constant 7 : i32
            %scan3A_493 = arith.addi %scan3A_209, %scan3A_492 : i32
            %add3A_494 = arith.addi %mul3A_189, %scan3A_493 : i32
            %broadcast_in_dim3A_495 = vector.broadcast %add3A_494 : i32 to vector<16xi32>
            %gather3A_496 = tpu.vector_load_idx %arg8[%broadcast_in_dim3A_495] : memref<2048xf32, #tpu.memory_space<vmem>>[vector<16xi32>], vector<16xf32>,
            %get3A_497 = arith.index_cast %scan3A_493 : i32 to index
            %get3A_498 = arith.constant 0 : index
            %get3A_499 = tpu.vector_load %arg10[%get3A_497, %get3A_498] {strides = array<i32>} : memref<64x128xf32, #tpu.memory_space<vmem>>, vector<16xf32>,
            %mul3A_500 = arith.mulf %get3A_499, %gather3A_496 : vector<16xf32>
            %swap3A_501 = arith.index_cast %scan3A_493 : i32 to index
            %swap3A_502 = arith.constant 0 : index
            %swap3A_503 = tpu.vector_load %arg10[%swap3A_501, %swap3A_502] {strides = array<i32>} : memref<64x128xf32, #tpu.memory_space<vmem>>, vector<16xf32>,
            tpu.vector_store %arg10[%swap3A_501, %swap3A_502], %mul3A_500 {strides = array<i32>} : memref<64x128xf32, #tpu.memory_space<vmem>>, vector<16xf32>,
            %get3A_504 = arith.index_cast %scan3A_493 : i32 to index
            %get3A_505 = arith.constant 16 : index
            %get3A_506 = tpu.vector_load %arg10[%get3A_504, %get3A_505] {strides = array<i32>} : memref<64x128xf32, #tpu.memory_space<vmem>>, vector<16xf32>,
            %mul3A_507 = arith.mulf %get3A_506, %gather3A_496 : vector<16xf32>
            %swap3A_508 = arith.index_cast %scan3A_493 : i32 to index
            %swap3A_509 = arith.constant 16 : index
            %swap3A_510 = tpu.vector_load %arg10[%swap3A_508, %swap3A_509] {strides = array<i32>} : memref<64x128xf32, #tpu.memory_space<vmem>>, vector<16xf32>,
            tpu.vector_store %arg10[%swap3A_508, %swap3A_509], %mul3A_507 {strides = array<i32>} : memref<64x128xf32, #tpu.memory_space<vmem>>, vector<16xf32>,
            %get3A_511 = arith.index_cast %scan3A_493 : i32 to index
            %get3A_512 = arith.constant 32 : index
            %get3A_513 = tpu.vector_load %arg10[%get3A_511, %get3A_512] {strides = array<i32>} : memref<64x128xf32, #tpu.memory_space<vmem>>, vector<16xf32>,
            %mul3A_514 = arith.mulf %get3A_513, %gather3A_496 : vector<16xf32>
            %swap3A_515 = arith.index_cast %scan3A_493 : i32 to index
            %swap3A_516 = arith.constant 32 : index
            %swap3A_517 = tpu.vector_load %arg10[%swap3A_515, %swap3A_516] {strides = array<i32>} : memref<64x128xf32, #tpu.memory_space<vmem>>, vector<16xf32>,
            tpu.vector_store %arg10[%swap3A_515, %swap3A_516], %mul3A_514 {strides = array<i32>} : memref<64x128xf32, #tpu.memory_space<vmem>>, vector<16xf32>,
            %get3A_518 = arith.index_cast %scan3A_493 : i32 to index
            %get3A_519 = arith.constant 48 : index
            %get3A_520 = tpu.vector_load %arg10[%get3A_518, %get3A_519] {strides = array<i32>} : memref<64x128xf32, #tpu.memory_space<vmem>>, vector<16xf32>,
            %mul3A_521 = arith.mulf %get3A_520, %gather3A_496 : vector<16xf32>
            %swap3A_522 = arith.index_cast %scan3A_493 : i32 to index
            %swap3A_523 = arith.constant 48 : index
            %swap3A_524 = tpu.vector_load %arg10[%swap3A_522, %swap3A_523] {strides = array<i32>} : memref<64x128xf32, #tpu.memory_space<vmem>>, vector<16xf32>,
            tpu.vector_store %arg10[%swap3A_522, %swap3A_523], %mul3A_521 {strides = array<i32>} : memref<64x128xf32, #tpu.memory_space<vmem>>, vector<16xf32>,
            %get3A_525 = arith.index_cast %scan3A_493 : i32 to index
            %get3A_526 = arith.constant 64 : index
            %get3A_527 = tpu.vector_load %arg10[%get3A_525, %get3A_526] {strides = array<i32>} : memref<64x128xf32, #tpu.memory_space<vmem>>, vector<16xf32>,
            %mul3A_528 = arith.mulf %get3A_527, %gather3A_496 : vector<16xf32>
            %swap3A_529 = arith.index_cast %scan3A_493 : i32 to index
            %swap3A_530 = arith.constant 64 : index
            %swap3A_531 = tpu.vector_load %arg10[%swap3A_529, %swap3A_530] {strides = array<i32>} : memref<64x128xf32, #tpu.memory_space<vmem>>, vector<16xf32>,
            tpu.vector_store %arg10[%swap3A_529, %swap3A_530], %mul3A_528 {strides = array<i32>} : memref<64x128xf32, #tpu.memory_space<vmem>>, vector<16xf32>,
            %scan3A_532 = arith.constant 0 : i32
            scf.yield %scan3A_532 : i32
          }
          %scan3A_196 = arith.constant 64 : i32
          %dma_start3A_197 = arith.constant 0 : i32
          %dma_start3A_198 = tpu.memref_slice %arg7[%add3A_140, %dma_start3A_197] : memref<32x64xi32, #tpu.memory_space<vmem>> -> memref<1x64xi32, #tpu.memory_space<vmem>>
          %dma_start3A_199 = tpu.memref_squeeze %dma_start3A_198 : memref<1x64xi32, #tpu.memory_space<vmem>> -> memref<64xi32, #tpu.memory_space<vmem>>
          %dma_start3A_200 = arith.constant 0 : i32
          %dma_start3A_201 = arith.constant 0 : i32
          %dma_start3A_202 = tpu.memref_slice %arg13[%dma_start3A_200, %dma_start3A_201] : memref<10112x128xf32, #tpu.memory_space<vmem_shared>> -> memref<10112x128xf32, #tpu.memory_space<vmem_shared>>
          tpu.enqueue_indirect_dma source(%arg10 : memref<64x128xf32, #tpu.memory_space<vmem>>) target(%dma_start3A_202 : memref<10112x128xf32, #tpu.memory_space<vmem_shared>>) offsets(%dma_start3A_199 : memref<64xi32, #tpu.memory_space<vmem>>) semaphore(%arg17 : memref<!tpu.dma_semaphore, #tpu.memory_space<semaphore_mem>>) {add = true}
          %lt3A_203 = arith.constant 15 : i32
          %lt3A_204 = arith.cmpi slt, %scan3A_133, %lt3A_203 : i32
          %convert_element_type3A_205 = arith.extui %lt3A_204 : i1 to i32
          %cond3A_206 = arith.constant 0 : i32
          %cond3A_207 = arith.cmpi ne, %convert_element_type3A_205, %cond3A_206 : i32
          scf.if %cond3A_207 {
            %dma_wait3A_209 = arith.constant 0 : i32
            %dma_wait3A_210 = tpu.memref_slice %arg7[%mul3A_136, %dma_wait3A_209] : memref<32x64xi32, #tpu.memory_space<vmem>> -> memref<1x64xi32, #tpu.memory_space<vmem>>
            %dma_wait3A_211 = tpu.memref_squeeze %dma_wait3A_210 : memref<1x64xi32, #tpu.memory_space<vmem>> -> memref<64xi32, #tpu.memory_space<vmem>>
            %dma_wait3A_212 = arith.constant 0 : i32
            %dma_wait3A_213 = arith.constant 0 : i32
            %dma_wait3A_214 = tpu.memref_slice %arg13[%dma_wait3A_212, %dma_wait3A_213] : memref<10112x128xf32, #tpu.memory_space<vmem_shared>> -> memref<10112x128xf32, #tpu.memory_space<vmem_shared>>
            tpu.wait_indirect_dma semaphore(%arg16 : memref<!tpu.dma_semaphore, #tpu.memory_space<semaphore_mem>>) src(%arg9 : memref<64x128xf32, #tpu.memory_space<vmem>>) dst(%dma_wait3A_214 : memref<10112x128xf32, #tpu.memory_space<vmem_shared>>)
            %add3A_215 = arith.constant 2 : i32
            %add3A_216 = arith.addi %mul3A_136, %add3A_215 : i32
            %dma_start3A_217 = arith.constant 0 : i32
            %dma_start3A_218 = tpu.memref_slice %arg6[%add3A_216, %dma_start3A_217] : memref<32x64xi32, #tpu.memory_space<vmem>> -> memref<1x64xi32, #tpu.memory_space<vmem>>
            %dma_start3A_219 = tpu.memref_squeeze %dma_start3A_218 : memref<1x64xi32, #tpu.memory_space<vmem>> -> memref<64xi32, #tpu.memory_space<vmem>>
            %dma_start3A_220 = arith.constant 0 : i32
            %dma_start3A_221 = arith.constant 0 : i32
            %dma_start3A_222 = tpu.memref_slice %arg2[%select_n3A_45, %select_n3A_38, %dma_start3A_220, %dma_start3A_221] : memref<8x8x10000x128xf32, #tpu.memory_space<hbm>> -> memref<1x1x10000x128xf32, #tpu.memory_space<hbm>>
            %dma_start3A_223 = tpu.memref_squeeze %dma_start3A_222 : memref<1x1x10000x128xf32, #tpu.memory_space<hbm>> -> memref<10000x128xf32, #tpu.memory_space<hbm>>
            %dma_start3A_224 = arith.constant 0 : i32
            %dma_start3A_225 = arith.constant 0 : i32
            %dma_start3A_226 = tpu.memref_slice %dma_start3A_223[%dma_start3A_224, %dma_start3A_225] : memref<10000x128xf32, #tpu.memory_space<hbm>> -> memref<10000x128xf32, #tpu.memory_space<hbm>>
            tpu.enqueue_indirect_dma source(%dma_start3A_226 : memref<10000x128xf32, #tpu.memory_space<hbm>>) target(%arg9 : memref<64x128xf32, #tpu.memory_space<vmem>>) offsets(%dma_start3A_219 : memref<64xi32, #tpu.memory_space<vmem>>) semaphore(%arg14 : memref<!tpu.dma_semaphore, #tpu.memory_space<semaphore_mem>>)
          } else {
          }
          %scan3A_208 = arith.constant 0 : i32
          scf.yield %scan3A_208 : i32
        }
        %scan3A_118 = arith.constant 16 : i32
        %dma_wait3A = arith.constant 30 : i32
        %dma_wait3A_119 = arith.constant 0 : i32
        %dma_wait3A_120 = tpu.memref_slice %arg7[%dma_wait3A, %dma_wait3A_119] : memref<32x64xi32, #tpu.memory_space<vmem>> -> memref<1x64xi32, #tpu.memory_space<vmem>>
        %dma_wait3A_121 = tpu.memref_squeeze %dma_wait3A_120 : memref<1x64xi32, #tpu.memory_space<vmem>> -> memref<64xi32, #tpu.memory_space<vmem>>
        %dma_wait3A_122 = arith.constant 0 : i32
        %dma_wait3A_123 = arith.constant 0 : i32
        %dma_wait3A_124 = tpu.memref_slice %arg13[%dma_wait3A_122, %dma_wait3A_123] : memref<10112x128xf32, #tpu.memory_space<vmem_shared>> -> memref<10112x128xf32, #tpu.memory_space<vmem_shared>>
        tpu.wait_indirect_dma semaphore(%arg16 : memref<!tpu.dma_semaphore, #tpu.memory_space<semaphore_mem>>) src(%arg9 : memref<64x128xf32, #tpu.memory_space<vmem>>) dst(%dma_wait3A_124 : memref<10112x128xf32, #tpu.memory_space<vmem_shared>>)
        %dma_wait3A_125 = arith.constant 31 : i32
        %dma_wait3A_126 = arith.constant 0 : i32
        %dma_wait3A_127 = tpu.memref_slice %arg7[%dma_wait3A_125, %dma_wait3A_126] : memref<32x64xi32, #tpu.memory_space<vmem>> -> memref<1x64xi32, #tpu.memory_space<vmem>>
        %dma_wait3A_128 = tpu.memref_squeeze %dma_wait3A_127 : memref<1x64xi32, #tpu.memory_space<vmem>> -> memref<64xi32, #tpu.memory_space<vmem>>
        %dma_wait3A_129 = arith.constant 0 : i32
        %dma_wait3A_130 = arith.constant 0 : i32
        %dma_wait3A_131 = tpu.memref_slice %arg13[%dma_wait3A_129, %dma_wait3A_130] : memref<10112x128xf32, #tpu.memory_space<vmem_shared>> -> memref<10112x128xf32, #tpu.memory_space<vmem_shared>>
        tpu.wait_indirect_dma semaphore(%arg17 : memref<!tpu.dma_semaphore, #tpu.memory_space<semaphore_mem>>) src(%arg10 : memref<64x128xf32, #tpu.memory_space<vmem>>) dst(%dma_wait3A_131 : memref<10112x128xf32, #tpu.memory_space<vmem_shared>>)
        %scan3A_132 = arith.constant 0 : i32
        scf.yield %scan3A_132 : i32
      }
      %scan3A_80 = arith.constant 5 : i32
      %barrier3A_81 = arith.constant 0 : index
      tpu.barrier barrier_id(%barrier3A_81)
      %mul3A_82 = arith.constant 632 : i32
      %mul3A_83 = arith.muli %arg1, %mul3A_82 : i32
      %mul3A_84 = arith.constant 632 : i32
      %mul3A_85 = arith.muli %arg1, %mul3A_84 : i32
      "tpu.region"() ({
        %run_scoped3A_87 = tpu.sem_alloc : memref<!tpu.dma_semaphore, #tpu.memory_space<semaphore_mem>>
        %dma_start3A = arith.constant 0 : i32
        %dma_start3A_88 = tpu.memref_slice %arg5[%add3A, %mul3A_85, %dma_start3A] : memref<40x10112x128xf32, #tpu.memory_space<hbm>> -> memref<1x632x128xf32, #tpu.memory_space<hbm>>
        %dma_start3A_89 = tpu.memref_squeeze %dma_start3A_88 : memref<1x632x128xf32, #tpu.memory_space<hbm>> -> memref<632x128xf32, #tpu.memory_space<hbm>>
        %dma_start3A_90 = arith.constant 0 : i32
        %dma_start3A_91 = tpu.memref_slice %arg13[%mul3A_83, %dma_start3A_90] : memref<10112x128xf32, #tpu.memory_space<vmem_shared>> -> memref<632x128xf32, #tpu.memory_space<vmem_shared>>
        tpu.enqueue_dma source(%dma_start3A_91 : memref<632x128xf32, #tpu.memory_space<vmem_shared>>) target(%dma_start3A_89 : memref<632x128xf32, #tpu.memory_space<hbm>>) target_semaphore(%run_scoped3A_87 : memref<!tpu.dma_semaphore, #tpu.memory_space<semaphore_mem>>)
        %dma_wait3A = arith.constant 0 : i32
        %dma_wait3A_92 = tpu.memref_slice %arg5[%add3A, %mul3A_85, %dma_wait3A] : memref<40x10112x128xf32, #tpu.memory_space<hbm>> -> memref<1x632x128xf32, #tpu.memory_space<hbm>>
        %dma_wait3A_93 = tpu.memref_squeeze %dma_wait3A_92 : memref<1x632x128xf32, #tpu.memory_space<hbm>> -> memref<632x128xf32, #tpu.memory_space<hbm>>
        %dma_wait3A_94 = arith.constant 0 : i32
        %dma_wait3A_95 = tpu.memref_slice %arg13[%mul3A_83, %dma_wait3A_94] : memref<10112x128xf32, #tpu.memory_space<vmem_shared>> -> memref<632x128xf32, #tpu.memory_space<vmem_shared>>
        tpu.wait_dma2 semaphore(%run_scoped3A_87 : memref<!tpu.dma_semaphore, #tpu.memory_space<semaphore_mem>>) src(%dma_wait3A_95 : memref<632x128xf32, #tpu.memory_space<vmem_shared>>) dst(%dma_wait3A_93 : memref<632x128xf32, #tpu.memory_space<hbm>>)
        tpu.yield
      }) : () -> ()
      %scan3A_86 = arith.constant 0 : i32
      scf.yield %scan3A_86 : i32
    }
    %scan3A_5 = arith.constant 20 : i32
    return
  }
}

module attributes {stable_mosaic.version = 14 : i64} {
  func.func @_a_body(%arg0: i32, %arg1: i32, %arg2: memref<1x1024x256xf32, #tpu.memory_space<vmem>>, %arg3: memref<1x256x512xf32, #tpu.memory_space<vmem>>, %arg4: memref<1x256x16xf32, #tpu.memory_space<vmem>>, %arg5: memref<1x8x1024x128xf32, #tpu.memory_space<vmem>>, %arg6: memref<1x2x8x1024xf32, #tpu.memory_space<vmem>>) attributes {dimension_semantics = [#tpu.dimension_semantics<arbitrary>, #tpu.dimension_semantics<arbitrary>], iteration_bounds = array<i64: 8, 10>, scalar_prefetch = 0 : i64, scratch_operands = 0 : i64, tpu.core_type = #tpu.core_type<tc>, window_params = [{transform_indices = @transform_0, window_bounds = array<i64: 1, 1024, 256>}, {transform_indices = @transform_1, window_bounds = array<i64: 1, 256, 512>}, {transform_indices = @transform_2, window_bounds = array<i64: 1, 256, 16>}, {transform_indices = @transform_3, window_bounds = array<i64: 1, 8, 1024, 128>}, {transform_indices = @transform_4, window_bounds = array<i64: 1, 2, 8, 1024>}]} {
    %get3A = arith.constant 0 : index
    %get3A_0 = arith.constant 0 : index
    %get3A_1 = arith.constant 0 : index
    %get3A_2 = vector.load %arg2[%get3A, %get3A_0, %get3A_1] : memref<1x1024x256xf32, #tpu.memory_space<vmem>>, vector<1x1024x256xf32>
    %get3A_3 = vector.shape_cast %get3A_2 : vector<1x1024x256xf32> to vector<1024x256xf32>
    %get3A_4 = arith.constant 0 : index
    %get3A_5 = arith.constant 0 : index
    %get3A_6 = arith.constant 0 : index
    %get3A_7 = vector.load %arg3[%get3A_4, %get3A_5, %get3A_6] : memref<1x256x512xf32, #tpu.memory_space<vmem>>, vector<1x256x512xf32>
    %get3A_8 = vector.shape_cast %get3A_7 : vector<1x256x512xf32> to vector<256x512xf32>
    %dot_general3A = arith.constant dense<0.000000e+00> : vector<1024x512xf32>
    %dot_general3A_9 = tpu.matmul %get3A_3, %get3A_8, %dot_general3A {dimension_numbers = #tpu.dot_dimension_numbers<[1], [0], [0], [1], [0, 0, 1, 1], [], []>, transpose_lhs_hint = false} : vector<1024x256xf32>, vector<256x512xf32>, vector<1024x512xf32> -> vector<1024x512xf32>
    %reshape3A = vector.shape_cast %dot_general3A_9 : vector<1024x512xf32> to vector<1024x8x64xf32>
    %transpose3A = tpu.transpose %reshape3A, [1, 0, 2] : vector<1024x8x64xf32> -> vector<8x1024x64xf32>
    %broadcast_in_dim3A = arith.constant 1.000000e+00 : f32
    %broadcast_in_dim3A_10 = vector.broadcast %broadcast_in_dim3A : f32 to vector<8x1024x1xf32>
    %broadcast_in_dim3A_11 = arith.constant 0.000000e+00 : f32
    %broadcast_in_dim3A_12 = vector.broadcast %broadcast_in_dim3A_11 : f32 to vector<8x1024x63xf32>
    %concatenate3A = tpu.concatenate %transpose3A, %broadcast_in_dim3A_10, %broadcast_in_dim3A_12 in 2 : vector<8x1024x64xf32>, vector<8x1024x1xf32>, vector<8x1024x63xf32> -> vector<8x1024x128xf32>
    %swap3A = arith.constant 0 : index
    %swap3A_13 = arith.constant 0 : index
    %swap3A_14 = arith.constant 0 : index
    %swap3A_15 = arith.constant 0 : index
    %swap3A_16 = vector.load %arg5[%swap3A, %swap3A_13, %swap3A_14, %swap3A_15] : memref<1x8x1024x128xf32, #tpu.memory_space<vmem>>, vector<1x8x1024x128xf32>
    %swap3A_17 = vector.shape_cast %swap3A_16 : vector<1x8x1024x128xf32> to vector<8x1024x128xf32>
    %swap3A_18 = vector.shape_cast %concatenate3A : vector<8x1024x128xf32> to vector<1x8x1024x128xf32>
    tpu.vector_store %arg5[%swap3A, %swap3A_13, %swap3A_14, %swap3A_15], %swap3A_18 {strides = array<i32>} : memref<1x8x1024x128xf32, #tpu.memory_space<vmem>>, vector<1x8x1024x128xf32>,
    %get3A_19 = arith.constant 0 : index
    %get3A_20 = arith.constant 0 : index
    %get3A_21 = arith.constant 0 : index
    %get3A_22 = vector.load %arg2[%get3A_19, %get3A_20, %get3A_21] : memref<1x1024x256xf32, #tpu.memory_space<vmem>>, vector<1x1024x256xf32>
    %get3A_23 = vector.shape_cast %get3A_22 : vector<1x1024x256xf32> to vector<1024x256xf32>
    %get3A_24 = arith.constant 0 : index
    %get3A_25 = arith.constant 0 : index
    %get3A_26 = arith.constant 0 : index
    %get3A_27 = vector.load %arg4[%get3A_24, %get3A_25, %get3A_26] : memref<1x256x16xf32, #tpu.memory_space<vmem>>, vector<1x256x16xf32>
    %get3A_28 = vector.shape_cast %get3A_27 : vector<1x256x16xf32> to vector<256x16xf32>
    %dot_general3A_29 = arith.constant dense<0.000000e+00> : vector<1024x16xf32>
    %dot_general3A_30 = tpu.matmul %get3A_23, %get3A_28, %dot_general3A_29 {dimension_numbers = #tpu.dot_dimension_numbers<[1], [0], [0], [1], [0, 0, 1, 1], [], []>, transpose_lhs_hint = false} : vector<1024x256xf32>, vector<256x16xf32>, vector<1024x16xf32> -> vector<1024x16xf32>
    %transpose3A_31 = tpu.transpose %dot_general3A_30, [1, 0] : vector<1024x16xf32> -> vector<16x1024xf32>
    %reshape3A_32 = vector.shape_cast %transpose3A_31 : vector<16x1024xf32> to vector<2x8x1024xf32>
    %swap3A_33 = arith.constant 0 : index
    %swap3A_34 = arith.constant 0 : index
    %swap3A_35 = arith.constant 0 : index
    %swap3A_36 = arith.constant 0 : index
    %swap3A_37 = vector.load %arg6[%swap3A_33, %swap3A_34, %swap3A_35, %swap3A_36] : memref<1x2x8x1024xf32, #tpu.memory_space<vmem>>, vector<1x2x8x1024xf32>
    %swap3A_38 = vector.shape_cast %swap3A_37 : vector<1x2x8x1024xf32> to vector<2x8x1024xf32>
    %swap3A_39 = vector.shape_cast %reshape3A_32 : vector<2x8x1024xf32> to vector<1x2x8x1024xf32>
    tpu.vector_store %arg6[%swap3A_33, %swap3A_34, %swap3A_35, %swap3A_36], %swap3A_39 {strides = array<i32>} : memref<1x2x8x1024xf32, #tpu.memory_space<vmem>>, vector<1x2x8x1024xf32>,
    return
  }
  func.func @transform_0(%arg0: i32, %arg1: i32) -> (i32, i32, i32) {
    %c0_i32 = arith.constant 0 : i32
    %c0_i32_0 = arith.constant 0 : i32
    return %arg0, %arg1, %c0_i32 : i32, i32, i32
  }
  func.func @transform_1(%arg0: i32, %arg1: i32) -> (i32, i32, i32) {
    %c0_i32 = arith.constant 0 : i32
    %c0_i32_0 = arith.constant 0 : i32
    %c0_i32_1 = arith.constant 0 : i32
    return %arg0, %c0_i32, %c0_i32_0 : i32, i32, i32
  }
  func.func @transform_2(%arg0: i32, %arg1: i32) -> (i32, i32, i32) {
    %c0_i32 = arith.constant 0 : i32
    %c0_i32_0 = arith.constant 0 : i32
    %c0_i32_1 = arith.constant 0 : i32
    return %arg0, %c0_i32, %c0_i32_0 : i32, i32, i32
  }
  func.func @transform_3(%arg0: i32, %arg1: i32) -> (i32, i32, i32, i32) {
    %c0_i32 = arith.constant 0 : i32
    %c0_i32_0 = arith.constant 0 : i32
    %c0_i32_1 = arith.constant 0 : i32
    return %arg0, %c0_i32, %arg1, %c0_i32_0 : i32, i32, i32, i32
  }
  func.func @transform_4(%arg0: i32, %arg1: i32) -> (i32, i32, i32, i32) {
    %c0_i32 = arith.constant 0 : i32
    %c0_i32_0 = arith.constant 0 : i32
    %c0_i32_1 = arith.constant 0 : i32
    return %arg0, %c0_i32, %c0_i32_0, %arg1 : i32, i32, i32, i32
  }
}

module attributes {stable_mosaic.version = 14 : i64} {
  func.func @_c_body(%arg0: i32, %arg1: memref<40x400x128xf32, #tpu.memory_space<vmem>>, %arg2: memref<5x512xf32, #tpu.memory_space<vmem>>, %arg3: memref<512x512xf32, #tpu.memory_space<vmem>>, %arg4: memref<1x512xf32, #tpu.memory_space<vmem>>, %arg5: memref<1x512xf32, #tpu.memory_space<vmem>>, %arg6: memref<400x512xf32, #tpu.memory_space<vmem>>, %arg7: memref<4x400x512xf32, #tpu.memory_space<vmem>>, %arg8: memref<8x128xf32, #tpu.memory_space<vmem>>) attributes {dimension_semantics = [#tpu.dimension_semantics<arbitrary>], iteration_bounds = array<i64: 25>, scalar_prefetch = 0 : i64, scratch_operands = 0 : i64, tpu.core_type = #tpu.core_type<tc>, window_params = [{transform_indices = @transform_0, window_bounds = array<i64: 40, 400, 128>}, {pipeline_mode = #tpu.pipeline_mode<synchronous>, transform_indices = @transform_1, window_bounds = array<i64: 5, 512>}, {pipeline_mode = #tpu.pipeline_mode<synchronous>, transform_indices = @transform_2, window_bounds = array<i64: 512, 512>}, {pipeline_mode = #tpu.pipeline_mode<synchronous>, transform_indices = @transform_3, window_bounds = array<i64: 1, 512>}, {pipeline_mode = #tpu.pipeline_mode<synchronous>, transform_indices = @transform_4, window_bounds = array<i64: 1, 512>}, {transform_indices = @transform_5, window_bounds = array<i64: 400, 512>}, {transform_indices = @transform_6, window_bounds = array<i64: 4, 400, 512>}, {pipeline_mode = #tpu.pipeline_mode<synchronous>, transform_indices = @transform_7, window_bounds = array<i64: 8, 128>}]} {
    %get3A = arith.constant 0 : index
    %get3A_0 = arith.constant 0 : index
    %get3A_1 = arith.constant 0 : index
    %get3A_2 = vector.load %arg1[%get3A, %get3A_0, %get3A_1] : memref<40x400x128xf32, #tpu.memory_space<vmem>>, vector<1x400x128xf32>
    %get3A_3 = vector.shape_cast %get3A_2 : vector<1x400x128xf32> to vector<400x128xf32>
    %slice3A = vector.extract_strided_slice %get3A_3 {offsets = [0, 0], sizes = [400, 64], strides = [1, 1]} : vector<400x128xf32> to vector<400x64xf32>
    %slice3A_4 = vector.extract_strided_slice %get3A_3 {offsets = [0, 64], sizes = [400, 1], strides = [1, 1]} : vector<400x128xf32> to vector<400x1xf32>
    %add3A = arith.constant 9.99999971E-10 : f32
    %add3A_5 = vector.broadcast %add3A : f32 to vector<400x1xf32>
    %add3A_6 = arith.addf %slice3A_4, %add3A_5 : vector<400x1xf32>
    %div3A = vector.broadcast %add3A_6 : vector<400x1xf32> to vector<400x64xf32>
    %div3A_7 = arith.divf %slice3A, %div3A : vector<400x64xf32>
    %get3A_8 = arith.constant 0 : index
    %get3A_9 = arith.constant 0 : index
    %get3A_10 = vector.load %arg2[%get3A_8, %get3A_9] : memref<5x512xf32, #tpu.memory_space<vmem>>, vector<1x64xf32>
    %add3A_11 = vector.broadcast %get3A_10 : vector<1x64xf32> to vector<400x64xf32>
    %add3A_12 = arith.addf %div3A_7, %add3A_11 : vector<400x64xf32>
    %gt3A = arith.constant 0.000000e+00 : f32
    %gt3A_13 = vector.broadcast %gt3A : f32 to vector<400x64xf32>
    %gt3A_14 = arith.cmpf ogt, %add3A_12, %gt3A_13 : vector<400x64xf32>
    %min3A = arith.constant 0.000000e+00 : f32
    %min3A_15 = vector.broadcast %min3A : f32 to vector<400x64xf32>
    %min3A_16 = arith.minimumf %add3A_12, %min3A_15 : vector<400x64xf32>
    %exp3A = math.exp %min3A_16 : vector<400x64xf32>
    %sub3A = arith.constant 1.000000e+00 : f32
    %sub3A_17 = vector.broadcast %sub3A : f32 to vector<400x64xf32>
    %sub3A_18 = arith.subf %exp3A, %sub3A_17 : vector<400x64xf32>
    %select_n3A = arith.select %gt3A_14, %add3A_12, %sub3A_18 : vector<400x64xi1>, vector<400x64xf32>
    %get3A_19 = arith.constant 1 : index
    %get3A_20 = arith.constant 0 : index
    %get3A_21 = arith.constant 0 : index
    %get3A_22 = vector.load %arg1[%get3A_19, %get3A_20, %get3A_21] : memref<40x400x128xf32, #tpu.memory_space<vmem>>, vector<1x400x128xf32>
    %get3A_23 = vector.shape_cast %get3A_22 : vector<1x400x128xf32> to vector<400x128xf32>
    %slice3A_24 = vector.extract_strided_slice %get3A_23 {offsets = [0, 0], sizes = [400, 64], strides = [1, 1]} : vector<400x128xf32> to vector<400x64xf32>
    %slice3A_25 = vector.extract_strided_slice %get3A_23 {offsets = [0, 64], sizes = [400, 1], strides = [1, 1]} : vector<400x128xf32> to vector<400x1xf32>
    %add3A_26 = arith.constant 9.99999971E-10 : f32
    %add3A_27 = vector.broadcast %add3A_26 : f32 to vector<400x1xf32>
    %add3A_28 = arith.addf %slice3A_25, %add3A_27 : vector<400x1xf32>
    %div3A_29 = vector.broadcast %add3A_28 : vector<400x1xf32> to vector<400x64xf32>
    %div3A_30 = arith.divf %slice3A_24, %div3A_29 : vector<400x64xf32>
    %get3A_31 = arith.constant 0 : index
    %get3A_32 = arith.constant 64 : index
    %get3A_33 = vector.load %arg2[%get3A_31, %get3A_32] : memref<5x512xf32, #tpu.memory_space<vmem>>, vector<1x64xf32>
    %add3A_34 = vector.broadcast %get3A_33 : vector<1x64xf32> to vector<400x64xf32>
    %add3A_35 = arith.addf %div3A_30, %add3A_34 : vector<400x64xf32>
    %gt3A_36 = arith.constant 0.000000e+00 : f32
    %gt3A_37 = vector.broadcast %gt3A_36 : f32 to vector<400x64xf32>
    %gt3A_38 = arith.cmpf ogt, %add3A_35, %gt3A_37 : vector<400x64xf32>
    %min3A_39 = arith.constant 0.000000e+00 : f32
    %min3A_40 = vector.broadcast %min3A_39 : f32 to vector<400x64xf32>
    %min3A_41 = arith.minimumf %add3A_35, %min3A_40 : vector<400x64xf32>
    %exp3A_42 = math.exp %min3A_41 : vector<400x64xf32>
    %sub3A_43 = arith.constant 1.000000e+00 : f32
    %sub3A_44 = vector.broadcast %sub3A_43 : f32 to vector<400x64xf32>
    %sub3A_45 = arith.subf %exp3A_42, %sub3A_44 : vector<400x64xf32>
    %select_n3A_46 = arith.select %gt3A_38, %add3A_35, %sub3A_45 : vector<400x64xi1>, vector<400x64xf32>
    %get3A_47 = arith.constant 2 : index
    %get3A_48 = arith.constant 0 : index
    %get3A_49 = arith.constant 0 : index
    %get3A_50 = vector.load %arg1[%get3A_47, %get3A_48, %get3A_49] : memref<40x400x128xf32, #tpu.memory_space<vmem>>, vector<1x400x128xf32>
    %get3A_51 = vector.shape_cast %get3A_50 : vector<1x400x128xf32> to vector<400x128xf32>
    %slice3A_52 = vector.extract_strided_slice %get3A_51 {offsets = [0, 0], sizes = [400, 64], strides = [1, 1]} : vector<400x128xf32> to vector<400x64xf32>
    %slice3A_53 = vector.extract_strided_slice %get3A_51 {offsets = [0, 64], sizes = [400, 1], strides = [1, 1]} : vector<400x128xf32> to vector<400x1xf32>
    %add3A_54 = arith.constant 9.99999971E-10 : f32
    %add3A_55 = vector.broadcast %add3A_54 : f32 to vector<400x1xf32>
    %add3A_56 = arith.addf %slice3A_53, %add3A_55 : vector<400x1xf32>
    %div3A_57 = vector.broadcast %add3A_56 : vector<400x1xf32> to vector<400x64xf32>
    %div3A_58 = arith.divf %slice3A_52, %div3A_57 : vector<400x64xf32>
    %get3A_59 = arith.constant 0 : index
    %get3A_60 = arith.constant 128 : index
    %get3A_61 = vector.load %arg2[%get3A_59, %get3A_60] : memref<5x512xf32, #tpu.memory_space<vmem>>, vector<1x64xf32>
    %add3A_62 = vector.broadcast %get3A_61 : vector<1x64xf32> to vector<400x64xf32>
    %add3A_63 = arith.addf %div3A_58, %add3A_62 : vector<400x64xf32>
    %gt3A_64 = arith.constant 0.000000e+00 : f32
    %gt3A_65 = vector.broadcast %gt3A_64 : f32 to vector<400x64xf32>
    %gt3A_66 = arith.cmpf ogt, %add3A_63, %gt3A_65 : vector<400x64xf32>
    %min3A_67 = arith.constant 0.000000e+00 : f32
    %min3A_68 = vector.broadcast %min3A_67 : f32 to vector<400x64xf32>
    %min3A_69 = arith.minimumf %add3A_63, %min3A_68 : vector<400x64xf32>
    %exp3A_70 = math.exp %min3A_69 : vector<400x64xf32>
    %sub3A_71 = arith.constant 1.000000e+00 : f32
    %sub3A_72 = vector.broadcast %sub3A_71 : f32 to vector<400x64xf32>
    %sub3A_73 = arith.subf %exp3A_70, %sub3A_72 : vector<400x64xf32>
    %select_n3A_74 = arith.select %gt3A_66, %add3A_63, %sub3A_73 : vector<400x64xi1>, vector<400x64xf32>
    %get3A_75 = arith.constant 3 : index
    %get3A_76 = arith.constant 0 : index
    %get3A_77 = arith.constant 0 : index
    %get3A_78 = vector.load %arg1[%get3A_75, %get3A_76, %get3A_77] : memref<40x400x128xf32, #tpu.memory_space<vmem>>, vector<1x400x128xf32>
    %get3A_79 = vector.shape_cast %get3A_78 : vector<1x400x128xf32> to vector<400x128xf32>
    %slice3A_80 = vector.extract_strided_slice %get3A_79 {offsets = [0, 0], sizes = [400, 64], strides = [1, 1]} : vector<400x128xf32> to vector<400x64xf32>
    %slice3A_81 = vector.extract_strided_slice %get3A_79 {offsets = [0, 64], sizes = [400, 1], strides = [1, 1]} : vector<400x128xf32> to vector<400x1xf32>
    %add3A_82 = arith.constant 9.99999971E-10 : f32
    %add3A_83 = vector.broadcast %add3A_82 : f32 to vector<400x1xf32>
    %add3A_84 = arith.addf %slice3A_81, %add3A_83 : vector<400x1xf32>
    %div3A_85 = vector.broadcast %add3A_84 : vector<400x1xf32> to vector<400x64xf32>
    %div3A_86 = arith.divf %slice3A_80, %div3A_85 : vector<400x64xf32>
    %get3A_87 = arith.constant 0 : index
    %get3A_88 = arith.constant 192 : index
    %get3A_89 = vector.load %arg2[%get3A_87, %get3A_88] : memref<5x512xf32, #tpu.memory_space<vmem>>, vector<1x64xf32>
    %add3A_90 = vector.broadcast %get3A_89 : vector<1x64xf32> to vector<400x64xf32>
    %add3A_91 = arith.addf %div3A_86, %add3A_90 : vector<400x64xf32>
    %gt3A_92 = arith.constant 0.000000e+00 : f32
    %gt3A_93 = vector.broadcast %gt3A_92 : f32 to vector<400x64xf32>
    %gt3A_94 = arith.cmpf ogt, %add3A_91, %gt3A_93 : vector<400x64xf32>
    %min3A_95 = arith.constant 0.000000e+00 : f32
    %min3A_96 = vector.broadcast %min3A_95 : f32 to vector<400x64xf32>
    %min3A_97 = arith.minimumf %add3A_91, %min3A_96 : vector<400x64xf32>
    %exp3A_98 = math.exp %min3A_97 : vector<400x64xf32>
    %sub3A_99 = arith.constant 1.000000e+00 : f32
    %sub3A_100 = vector.broadcast %sub3A_99 : f32 to vector<400x64xf32>
    %sub3A_101 = arith.subf %exp3A_98, %sub3A_100 : vector<400x64xf32>
    %select_n3A_102 = arith.select %gt3A_94, %add3A_91, %sub3A_101 : vector<400x64xi1>, vector<400x64xf32>
    %get3A_103 = arith.constant 4 : index
    %get3A_104 = arith.constant 0 : index
    %get3A_105 = arith.constant 0 : index
    %get3A_106 = vector.load %arg1[%get3A_103, %get3A_104, %get3A_105] : memref<40x400x128xf32, #tpu.memory_space<vmem>>, vector<1x400x128xf32>
    %get3A_107 = vector.shape_cast %get3A_106 : vector<1x400x128xf32> to vector<400x128xf32>
    %slice3A_108 = vector.extract_strided_slice %get3A_107 {offsets = [0, 0], sizes = [400, 64], strides = [1, 1]} : vector<400x128xf32> to vector<400x64xf32>
    %slice3A_109 = vector.extract_strided_slice %get3A_107 {offsets = [0, 64], sizes = [400, 1], strides = [1, 1]} : vector<400x128xf32> to vector<400x1xf32>
    %add3A_110 = arith.constant 9.99999971E-10 : f32
    %add3A_111 = vector.broadcast %add3A_110 : f32 to vector<400x1xf32>
    %add3A_112 = arith.addf %slice3A_109, %add3A_111 : vector<400x1xf32>
    %div3A_113 = vector.broadcast %add3A_112 : vector<400x1xf32> to vector<400x64xf32>
    %div3A_114 = arith.divf %slice3A_108, %div3A_113 : vector<400x64xf32>
    %get3A_115 = arith.constant 0 : index
    %get3A_116 = arith.constant 256 : index
    %get3A_117 = vector.load %arg2[%get3A_115, %get3A_116] : memref<5x512xf32, #tpu.memory_space<vmem>>, vector<1x64xf32>
    %add3A_118 = vector.broadcast %get3A_117 : vector<1x64xf32> to vector<400x64xf32>
    %add3A_119 = arith.addf %div3A_114, %add3A_118 : vector<400x64xf32>
    %gt3A_120 = arith.constant 0.000000e+00 : f32
    %gt3A_121 = vector.broadcast %gt3A_120 : f32 to vector<400x64xf32>
    %gt3A_122 = arith.cmpf ogt, %add3A_119, %gt3A_121 : vector<400x64xf32>
    %min3A_123 = arith.constant 0.000000e+00 : f32
    %min3A_124 = vector.broadcast %min3A_123 : f32 to vector<400x64xf32>
    %min3A_125 = arith.minimumf %add3A_119, %min3A_124 : vector<400x64xf32>
    %exp3A_126 = math.exp %min3A_125 : vector<400x64xf32>
    %sub3A_127 = arith.constant 1.000000e+00 : f32
    %sub3A_128 = vector.broadcast %sub3A_127 : f32 to vector<400x64xf32>
    %sub3A_129 = arith.subf %exp3A_126, %sub3A_128 : vector<400x64xf32>
    %select_n3A_130 = arith.select %gt3A_122, %add3A_119, %sub3A_129 : vector<400x64xi1>, vector<400x64xf32>
    %get3A_131 = arith.constant 5 : index
    %get3A_132 = arith.constant 0 : index
    %get3A_133 = arith.constant 0 : index
    %get3A_134 = vector.load %arg1[%get3A_131, %get3A_132, %get3A_133] : memref<40x400x128xf32, #tpu.memory_space<vmem>>, vector<1x400x128xf32>
    %get3A_135 = vector.shape_cast %get3A_134 : vector<1x400x128xf32> to vector<400x128xf32>
    %slice3A_136 = vector.extract_strided_slice %get3A_135 {offsets = [0, 0], sizes = [400, 64], strides = [1, 1]} : vector<400x128xf32> to vector<400x64xf32>
    %slice3A_137 = vector.extract_strided_slice %get3A_135 {offsets = [0, 64], sizes = [400, 1], strides = [1, 1]} : vector<400x128xf32> to vector<400x1xf32>
    %add3A_138 = arith.constant 9.99999971E-10 : f32
    %add3A_139 = vector.broadcast %add3A_138 : f32 to vector<400x1xf32>
    %add3A_140 = arith.addf %slice3A_137, %add3A_139 : vector<400x1xf32>
    %div3A_141 = vector.broadcast %add3A_140 : vector<400x1xf32> to vector<400x64xf32>
    %div3A_142 = arith.divf %slice3A_136, %div3A_141 : vector<400x64xf32>
    %get3A_143 = arith.constant 0 : index
    %get3A_144 = arith.constant 320 : index
    %get3A_145 = vector.load %arg2[%get3A_143, %get3A_144] : memref<5x512xf32, #tpu.memory_space<vmem>>, vector<1x64xf32>
    %add3A_146 = vector.broadcast %get3A_145 : vector<1x64xf32> to vector<400x64xf32>
    %add3A_147 = arith.addf %div3A_142, %add3A_146 : vector<400x64xf32>
    %gt3A_148 = arith.constant 0.000000e+00 : f32
    %gt3A_149 = vector.broadcast %gt3A_148 : f32 to vector<400x64xf32>
    %gt3A_150 = arith.cmpf ogt, %add3A_147, %gt3A_149 : vector<400x64xf32>
    %min3A_151 = arith.constant 0.000000e+00 : f32
    %min3A_152 = vector.broadcast %min3A_151 : f32 to vector<400x64xf32>
    %min3A_153 = arith.minimumf %add3A_147, %min3A_152 : vector<400x64xf32>
    %exp3A_154 = math.exp %min3A_153 : vector<400x64xf32>
    %sub3A_155 = arith.constant 1.000000e+00 : f32
    %sub3A_156 = vector.broadcast %sub3A_155 : f32 to vector<400x64xf32>
    %sub3A_157 = arith.subf %exp3A_154, %sub3A_156 : vector<400x64xf32>
    %select_n3A_158 = arith.select %gt3A_150, %add3A_147, %sub3A_157 : vector<400x64xi1>, vector<400x64xf32>
    %get3A_159 = arith.constant 6 : index
    %get3A_160 = arith.constant 0 : index
    %get3A_161 = arith.constant 0 : index
    %get3A_162 = vector.load %arg1[%get3A_159, %get3A_160, %get3A_161] : memref<40x400x128xf32, #tpu.memory_space<vmem>>, vector<1x400x128xf32>
    %get3A_163 = vector.shape_cast %get3A_162 : vector<1x400x128xf32> to vector<400x128xf32>
    %slice3A_164 = vector.extract_strided_slice %get3A_163 {offsets = [0, 0], sizes = [400, 64], strides = [1, 1]} : vector<400x128xf32> to vector<400x64xf32>
    %slice3A_165 = vector.extract_strided_slice %get3A_163 {offsets = [0, 64], sizes = [400, 1], strides = [1, 1]} : vector<400x128xf32> to vector<400x1xf32>
    %add3A_166 = arith.constant 9.99999971E-10 : f32
    %add3A_167 = vector.broadcast %add3A_166 : f32 to vector<400x1xf32>
    %add3A_168 = arith.addf %slice3A_165, %add3A_167 : vector<400x1xf32>
    %div3A_169 = vector.broadcast %add3A_168 : vector<400x1xf32> to vector<400x64xf32>
    %div3A_170 = arith.divf %slice3A_164, %div3A_169 : vector<400x64xf32>
    %get3A_171 = arith.constant 0 : index
    %get3A_172 = arith.constant 384 : index
    %get3A_173 = vector.load %arg2[%get3A_171, %get3A_172] : memref<5x512xf32, #tpu.memory_space<vmem>>, vector<1x64xf32>
    %add3A_174 = vector.broadcast %get3A_173 : vector<1x64xf32> to vector<400x64xf32>
    %add3A_175 = arith.addf %div3A_170, %add3A_174 : vector<400x64xf32>
    %gt3A_176 = arith.constant 0.000000e+00 : f32
    %gt3A_177 = vector.broadcast %gt3A_176 : f32 to vector<400x64xf32>
    %gt3A_178 = arith.cmpf ogt, %add3A_175, %gt3A_177 : vector<400x64xf32>
    %min3A_179 = arith.constant 0.000000e+00 : f32
    %min3A_180 = vector.broadcast %min3A_179 : f32 to vector<400x64xf32>
    %min3A_181 = arith.minimumf %add3A_175, %min3A_180 : vector<400x64xf32>
    %exp3A_182 = math.exp %min3A_181 : vector<400x64xf32>
    %sub3A_183 = arith.constant 1.000000e+00 : f32
    %sub3A_184 = vector.broadcast %sub3A_183 : f32 to vector<400x64xf32>
    %sub3A_185 = arith.subf %exp3A_182, %sub3A_184 : vector<400x64xf32>
    %select_n3A_186 = arith.select %gt3A_178, %add3A_175, %sub3A_185 : vector<400x64xi1>, vector<400x64xf32>
    %get3A_187 = arith.constant 7 : index
    %get3A_188 = arith.constant 0 : index
    %get3A_189 = arith.constant 0 : index
    %get3A_190 = vector.load %arg1[%get3A_187, %get3A_188, %get3A_189] : memref<40x400x128xf32, #tpu.memory_space<vmem>>, vector<1x400x128xf32>
    %get3A_191 = vector.shape_cast %get3A_190 : vector<1x400x128xf32> to vector<400x128xf32>
    %slice3A_192 = vector.extract_strided_slice %get3A_191 {offsets = [0, 0], sizes = [400, 64], strides = [1, 1]} : vector<400x128xf32> to vector<400x64xf32>
    %slice3A_193 = vector.extract_strided_slice %get3A_191 {offsets = [0, 64], sizes = [400, 1], strides = [1, 1]} : vector<400x128xf32> to vector<400x1xf32>
    %add3A_194 = arith.constant 9.99999971E-10 : f32
    %add3A_195 = vector.broadcast %add3A_194 : f32 to vector<400x1xf32>
    %add3A_196 = arith.addf %slice3A_193, %add3A_195 : vector<400x1xf32>
    %div3A_197 = vector.broadcast %add3A_196 : vector<400x1xf32> to vector<400x64xf32>
    %div3A_198 = arith.divf %slice3A_192, %div3A_197 : vector<400x64xf32>
    %get3A_199 = arith.constant 0 : index
    %get3A_200 = arith.constant 448 : index
    %get3A_201 = vector.load %arg2[%get3A_199, %get3A_200] : memref<5x512xf32, #tpu.memory_space<vmem>>, vector<1x64xf32>
    %add3A_202 = vector.broadcast %get3A_201 : vector<1x64xf32> to vector<400x64xf32>
    %add3A_203 = arith.addf %div3A_198, %add3A_202 : vector<400x64xf32>
    %gt3A_204 = arith.constant 0.000000e+00 : f32
    %gt3A_205 = vector.broadcast %gt3A_204 : f32 to vector<400x64xf32>
    %gt3A_206 = arith.cmpf ogt, %add3A_203, %gt3A_205 : vector<400x64xf32>
    %min3A_207 = arith.constant 0.000000e+00 : f32
    %min3A_208 = vector.broadcast %min3A_207 : f32 to vector<400x64xf32>
    %min3A_209 = arith.minimumf %add3A_203, %min3A_208 : vector<400x64xf32>
    %exp3A_210 = math.exp %min3A_209 : vector<400x64xf32>
    %sub3A_211 = arith.constant 1.000000e+00 : f32
    %sub3A_212 = vector.broadcast %sub3A_211 : f32 to vector<400x64xf32>
    %sub3A_213 = arith.subf %exp3A_210, %sub3A_212 : vector<400x64xf32>
    %select_n3A_214 = arith.select %gt3A_206, %add3A_203, %sub3A_213 : vector<400x64xi1>, vector<400x64xf32>
    %reduce_sum3A = arith.constant dense<0.000000e+00> : vector<400xf32>
    %reduce_sum3A_215 = vector.multi_reduction <add>, %select_n3A, %reduce_sum3A [1] : vector<400x64xf32> to vector<400xf32>
    %broadcast_in_dim3A = vector.shape_cast %reduce_sum3A_215 : vector<400xf32> to vector<400x1xf32>
    %add3A_216 = arith.constant 0.000000e+00 : f32
    %add3A_217 = vector.broadcast %add3A_216 : f32 to vector<400x1xf32>
    %add3A_218 = arith.addf %add3A_217, %broadcast_in_dim3A : vector<400x1xf32>
    %reduce_sum3A_219 = arith.constant dense<0.000000e+00> : vector<400xf32>
    %reduce_sum3A_220 = vector.multi_reduction <add>, %select_n3A_46, %reduce_sum3A_219 [1] : vector<400x64xf32> to vector<400xf32>
    %broadcast_in_dim3A_221 = vector.shape_cast %reduce_sum3A_220 : vector<400xf32> to vector<400x1xf32>
    %add3A_222 = arith.addf %add3A_218, %broadcast_in_dim3A_221 : vector<400x1xf32>
    %reduce_sum3A_223 = arith.constant dense<0.000000e+00> : vector<400xf32>
    %reduce_sum3A_224 = vector.multi_reduction <add>, %select_n3A_74, %reduce_sum3A_223 [1] : vector<400x64xf32> to vector<400xf32>
    %broadcast_in_dim3A_225 = vector.shape_cast %reduce_sum3A_224 : vector<400xf32> to vector<400x1xf32>
    %add3A_226 = arith.addf %add3A_222, %broadcast_in_dim3A_225 : vector<400x1xf32>
    %reduce_sum3A_227 = arith.constant dense<0.000000e+00> : vector<400xf32>
    %reduce_sum3A_228 = vector.multi_reduction <add>, %select_n3A_102, %reduce_sum3A_227 [1] : vector<400x64xf32> to vector<400xf32>
    %broadcast_in_dim3A_229 = vector.shape_cast %reduce_sum3A_228 : vector<400xf32> to vector<400x1xf32>
    %add3A_230 = arith.addf %add3A_226, %broadcast_in_dim3A_229 : vector<400x1xf32>
    %reduce_sum3A_231 = arith.constant dense<0.000000e+00> : vector<400xf32>
    %reduce_sum3A_232 = vector.multi_reduction <add>, %select_n3A_130, %reduce_sum3A_231 [1] : vector<400x64xf32> to vector<400xf32>
    %broadcast_in_dim3A_233 = vector.shape_cast %reduce_sum3A_232 : vector<400xf32> to vector<400x1xf32>
    %add3A_234 = arith.addf %add3A_230, %broadcast_in_dim3A_233 : vector<400x1xf32>
    %reduce_sum3A_235 = arith.constant dense<0.000000e+00> : vector<400xf32>
    %reduce_sum3A_236 = vector.multi_reduction <add>, %select_n3A_158, %reduce_sum3A_235 [1] : vector<400x64xf32> to vector<400xf32>
    %broadcast_in_dim3A_237 = vector.shape_cast %reduce_sum3A_236 : vector<400xf32> to vector<400x1xf32>
    %add3A_238 = arith.addf %add3A_234, %broadcast_in_dim3A_237 : vector<400x1xf32>
    %reduce_sum3A_239 = arith.constant dense<0.000000e+00> : vector<400xf32>
    %reduce_sum3A_240 = vector.multi_reduction <add>, %select_n3A_186, %reduce_sum3A_239 [1] : vector<400x64xf32> to vector<400xf32>
    %broadcast_in_dim3A_241 = vector.shape_cast %reduce_sum3A_240 : vector<400xf32> to vector<400x1xf32>
    %add3A_242 = arith.addf %add3A_238, %broadcast_in_dim3A_241 : vector<400x1xf32>
    %reduce_sum3A_243 = arith.constant dense<0.000000e+00> : vector<400xf32>
    %reduce_sum3A_244 = vector.multi_reduction <add>, %select_n3A_214, %reduce_sum3A_243 [1] : vector<400x64xf32> to vector<400xf32>
    %broadcast_in_dim3A_245 = vector.shape_cast %reduce_sum3A_244 : vector<400xf32> to vector<400x1xf32>
    %add3A_246 = arith.addf %add3A_242, %broadcast_in_dim3A_245 : vector<400x1xf32>
    %mul3A = arith.mulf %select_n3A, %select_n3A : vector<400x64xf32>
    %reduce_sum3A_247 = arith.constant dense<0.000000e+00> : vector<400xf32>
    %reduce_sum3A_248 = vector.multi_reduction <add>, %mul3A, %reduce_sum3A_247 [1] : vector<400x64xf32> to vector<400xf32>
    %broadcast_in_dim3A_249 = vector.shape_cast %reduce_sum3A_248 : vector<400xf32> to vector<400x1xf32>
    %add3A_250 = arith.constant 0.000000e+00 : f32
    %add3A_251 = vector.broadcast %add3A_250 : f32 to vector<400x1xf32>
    %add3A_252 = arith.addf %add3A_251, %broadcast_in_dim3A_249 : vector<400x1xf32>
    %mul3A_253 = arith.mulf %select_n3A_46, %select_n3A_46 : vector<400x64xf32>
    %reduce_sum3A_254 = arith.constant dense<0.000000e+00> : vector<400xf32>
    %reduce_sum3A_255 = vector.multi_reduction <add>, %mul3A_253, %reduce_sum3A_254 [1] : vector<400x64xf32> to vector<400xf32>
    %broadcast_in_dim3A_256 = vector.shape_cast %reduce_sum3A_255 : vector<400xf32> to vector<400x1xf32>
    %add3A_257 = arith.addf %add3A_252, %broadcast_in_dim3A_256 : vector<400x1xf32>
    %mul3A_258 = arith.mulf %select_n3A_74, %select_n3A_74 : vector<400x64xf32>
    %reduce_sum3A_259 = arith.constant dense<0.000000e+00> : vector<400xf32>
    %reduce_sum3A_260 = vector.multi_reduction <add>, %mul3A_258, %reduce_sum3A_259 [1] : vector<400x64xf32> to vector<400xf32>
    %broadcast_in_dim3A_261 = vector.shape_cast %reduce_sum3A_260 : vector<400xf32> to vector<400x1xf32>
    %add3A_262 = arith.addf %add3A_257, %broadcast_in_dim3A_261 : vector<400x1xf32>
    %mul3A_263 = arith.mulf %select_n3A_102, %select_n3A_102 : vector<400x64xf32>
    %reduce_sum3A_264 = arith.constant dense<0.000000e+00> : vector<400xf32>
    %reduce_sum3A_265 = vector.multi_reduction <add>, %mul3A_263, %reduce_sum3A_264 [1] : vector<400x64xf32> to vector<400xf32>
    %broadcast_in_dim3A_266 = vector.shape_cast %reduce_sum3A_265 : vector<400xf32> to vector<400x1xf32>
    %add3A_267 = arith.addf %add3A_262, %broadcast_in_dim3A_266 : vector<400x1xf32>
    %mul3A_268 = arith.mulf %select_n3A_130, %select_n3A_130 : vector<400x64xf32>
    %reduce_sum3A_269 = arith.constant dense<0.000000e+00> : vector<400xf32>
    %reduce_sum3A_270 = vector.multi_reduction <add>, %mul3A_268, %reduce_sum3A_269 [1] : vector<400x64xf32> to vector<400xf32>
    %broadcast_in_dim3A_271 = vector.shape_cast %reduce_sum3A_270 : vector<400xf32> to vector<400x1xf32>
    %add3A_272 = arith.addf %add3A_267, %broadcast_in_dim3A_271 : vector<400x1xf32>
    %mul3A_273 = arith.mulf %select_n3A_158, %select_n3A_158 : vector<400x64xf32>
    %reduce_sum3A_274 = arith.constant dense<0.000000e+00> : vector<400xf32>
    %reduce_sum3A_275 = vector.multi_reduction <add>, %mul3A_273, %reduce_sum3A_274 [1] : vector<400x64xf32> to vector<400xf32>
    %broadcast_in_dim3A_276 = vector.shape_cast %reduce_sum3A_275 : vector<400xf32> to vector<400x1xf32>
    %add3A_277 = arith.addf %add3A_272, %broadcast_in_dim3A_276 : vector<400x1xf32>
    %mul3A_278 = arith.mulf %select_n3A_186, %select_n3A_186 : vector<400x64xf32>
    %reduce_sum3A_279 = arith.constant dense<0.000000e+00> : vector<400xf32>
    %reduce_sum3A_280 = vector.multi_reduction <add>, %mul3A_278, %reduce_sum3A_279 [1] : vector<400x64xf32> to vector<400xf32>
    %broadcast_in_dim3A_281 = vector.shape_cast %reduce_sum3A_280 : vector<400xf32> to vector<400x1xf32>
    %add3A_282 = arith.addf %add3A_277, %broadcast_in_dim3A_281 : vector<400x1xf32>
    %mul3A_283 = arith.mulf %select_n3A_214, %select_n3A_214 : vector<400x64xf32>
    %reduce_sum3A_284 = arith.constant dense<0.000000e+00> : vector<400xf32>
    %reduce_sum3A_285 = vector.multi_reduction <add>, %mul3A_283, %reduce_sum3A_284 [1] : vector<400x64xf32> to vector<400xf32>
    %broadcast_in_dim3A_286 = vector.shape_cast %reduce_sum3A_285 : vector<400xf32> to vector<400x1xf32>
    %add3A_287 = arith.addf %add3A_282, %broadcast_in_dim3A_286 : vector<400x1xf32>
    %div3A_288 = arith.constant 5.120000e+02 : f32
    %div3A_289 = vector.broadcast %div3A_288 : f32 to vector<400x1xf32>
    %div3A_290 = arith.divf %add3A_246, %div3A_289 : vector<400x1xf32>
    %div3A_291 = arith.constant 5.120000e+02 : f32
    %div3A_292 = vector.broadcast %div3A_291 : f32 to vector<400x1xf32>
    %div3A_293 = arith.divf %add3A_287, %div3A_292 : vector<400x1xf32>
    %mul3A_294 = arith.mulf %div3A_290, %div3A_290 : vector<400x1xf32>
    %sub3A_295 = arith.subf %div3A_293, %mul3A_294 : vector<400x1xf32>
    %add3A_296 = arith.constant 9.99999974E-6 : f32
    %add3A_297 = vector.broadcast %add3A_296 : f32 to vector<400x1xf32>
    %add3A_298 = arith.addf %sub3A_295, %add3A_297 : vector<400x1xf32>
    %rsqrt3A = math.rsqrt %add3A_298 : vector<400x1xf32>
    %sub3A_299 = vector.broadcast %div3A_290 : vector<400x1xf32> to vector<400x64xf32>
    %sub3A_300 = arith.subf %select_n3A, %sub3A_299 : vector<400x64xf32>
    %mul3A_301 = vector.broadcast %rsqrt3A : vector<400x1xf32> to vector<400x64xf32>
    %mul3A_302 = arith.mulf %sub3A_300, %mul3A_301 : vector<400x64xf32>
    %swap3A = arith.constant 0 : index
    %swap3A_303 = arith.constant 0 : index
    %swap3A_304 = vector.load %arg6[%swap3A, %swap3A_303] : memref<400x512xf32, #tpu.memory_space<vmem>>, vector<400x64xf32>
    tpu.vector_store %arg6[%swap3A, %swap3A_303], %mul3A_302 {strides = array<i32>} : memref<400x512xf32, #tpu.memory_space<vmem>>, vector<400x64xf32>,
    %sub3A_305 = vector.broadcast %div3A_290 : vector<400x1xf32> to vector<400x64xf32>
    %sub3A_306 = arith.subf %select_n3A_46, %sub3A_305 : vector<400x64xf32>
    %mul3A_307 = vector.broadcast %rsqrt3A : vector<400x1xf32> to vector<400x64xf32>
    %mul3A_308 = arith.mulf %sub3A_306, %mul3A_307 : vector<400x64xf32>
    %swap3A_309 = arith.constant 0 : index
    %swap3A_310 = arith.constant 64 : index
    %swap3A_311 = vector.load %arg6[%swap3A_309, %swap3A_310] : memref<400x512xf32, #tpu.memory_space<vmem>>, vector<400x64xf32>
    tpu.vector_store %arg6[%swap3A_309, %swap3A_310], %mul3A_308 {strides = array<i32>} : memref<400x512xf32, #tpu.memory_space<vmem>>, vector<400x64xf32>,
    %sub3A_312 = vector.broadcast %div3A_290 : vector<400x1xf32> to vector<400x64xf32>
    %sub3A_313 = arith.subf %select_n3A_74, %sub3A_312 : vector<400x64xf32>
    %mul3A_314 = vector.broadcast %rsqrt3A : vector<400x1xf32> to vector<400x64xf32>
    %mul3A_315 = arith.mulf %sub3A_313, %mul3A_314 : vector<400x64xf32>
    %swap3A_316 = arith.constant 0 : index
    %swap3A_317 = arith.constant 128 : index
    %swap3A_318 = vector.load %arg6[%swap3A_316, %swap3A_317] : memref<400x512xf32, #tpu.memory_space<vmem>>, vector<400x64xf32>
    tpu.vector_store %arg6[%swap3A_316, %swap3A_317], %mul3A_315 {strides = array<i32>} : memref<400x512xf32, #tpu.memory_space<vmem>>, vector<400x64xf32>,
    %sub3A_319 = vector.broadcast %div3A_290 : vector<400x1xf32> to vector<400x64xf32>
    %sub3A_320 = arith.subf %select_n3A_102, %sub3A_319 : vector<400x64xf32>
    %mul3A_321 = vector.broadcast %rsqrt3A : vector<400x1xf32> to vector<400x64xf32>
    %mul3A_322 = arith.mulf %sub3A_320, %mul3A_321 : vector<400x64xf32>
    %swap3A_323 = arith.constant 0 : index
    %swap3A_324 = arith.constant 192 : index
    %swap3A_325 = vector.load %arg6[%swap3A_323, %swap3A_324] : memref<400x512xf32, #tpu.memory_space<vmem>>, vector<400x64xf32>
    tpu.vector_store %arg6[%swap3A_323, %swap3A_324], %mul3A_322 {strides = array<i32>} : memref<400x512xf32, #tpu.memory_space<vmem>>, vector<400x64xf32>,
    %sub3A_326 = vector.broadcast %div3A_290 : vector<400x1xf32> to vector<400x64xf32>
    %sub3A_327 = arith.subf %select_n3A_130, %sub3A_326 : vector<400x64xf32>
    %mul3A_328 = vector.broadcast %rsqrt3A : vector<400x1xf32> to vector<400x64xf32>
    %mul3A_329 = arith.mulf %sub3A_327, %mul3A_328 : vector<400x64xf32>
    %swap3A_330 = arith.constant 0 : index
    %swap3A_331 = arith.constant 256 : index
    %swap3A_332 = vector.load %arg6[%swap3A_330, %swap3A_331] : memref<400x512xf32, #tpu.memory_space<vmem>>, vector<400x64xf32>
    tpu.vector_store %arg6[%swap3A_330, %swap3A_331], %mul3A_329 {strides = array<i32>} : memref<400x512xf32, #tpu.memory_space<vmem>>, vector<400x64xf32>,
    %sub3A_333 = vector.broadcast %div3A_290 : vector<400x1xf32> to vector<400x64xf32>
    %sub3A_334 = arith.subf %select_n3A_158, %sub3A_333 : vector<400x64xf32>
    %mul3A_335 = vector.broadcast %rsqrt3A : vector<400x1xf32> to vector<400x64xf32>
    %mul3A_336 = arith.mulf %sub3A_334, %mul3A_335 : vector<400x64xf32>
    %swap3A_337 = arith.constant 0 : index
    %swap3A_338 = arith.constant 320 : index
    %swap3A_339 = vector.load %arg6[%swap3A_337, %swap3A_338] : memref<400x512xf32, #tpu.memory_space<vmem>>, vector<400x64xf32>
    tpu.vector_store %arg6[%swap3A_337, %swap3A_338], %mul3A_336 {strides = array<i32>} : memref<400x512xf32, #tpu.memory_space<vmem>>, vector<400x64xf32>,
    %sub3A_340 = vector.broadcast %div3A_290 : vector<400x1xf32> to vector<400x64xf32>
    %sub3A_341 = arith.subf %select_n3A_186, %sub3A_340 : vector<400x64xf32>
    %mul3A_342 = vector.broadcast %rsqrt3A : vector<400x1xf32> to vector<400x64xf32>
    %mul3A_343 = arith.mulf %sub3A_341, %mul3A_342 : vector<400x64xf32>
    %swap3A_344 = arith.constant 0 : index
    %swap3A_345 = arith.constant 384 : index
    %swap3A_346 = vector.load %arg6[%swap3A_344, %swap3A_345] : memref<400x512xf32, #tpu.memory_space<vmem>>, vector<400x64xf32>
    tpu.vector_store %arg6[%swap3A_344, %swap3A_345], %mul3A_343 {strides = array<i32>} : memref<400x512xf32, #tpu.memory_space<vmem>>, vector<400x64xf32>,
    %sub3A_347 = vector.broadcast %div3A_290 : vector<400x1xf32> to vector<400x64xf32>
    %sub3A_348 = arith.subf %select_n3A_214, %sub3A_347 : vector<400x64xf32>
    %mul3A_349 = vector.broadcast %rsqrt3A : vector<400x1xf32> to vector<400x64xf32>
    %mul3A_350 = arith.mulf %sub3A_348, %mul3A_349 : vector<400x64xf32>
    %swap3A_351 = arith.constant 0 : index
    %swap3A_352 = arith.constant 448 : index
    %swap3A_353 = vector.load %arg6[%swap3A_351, %swap3A_352] : memref<400x512xf32, #tpu.memory_space<vmem>>, vector<400x64xf32>
    tpu.vector_store %arg6[%swap3A_351, %swap3A_352], %mul3A_350 {strides = array<i32>} : memref<400x512xf32, #tpu.memory_space<vmem>>, vector<400x64xf32>,
    %get3A_354 = arith.constant 8 : index
    %get3A_355 = arith.constant 0 : index
    %get3A_356 = arith.constant 0 : index
    %get3A_357 = vector.load %arg1[%get3A_354, %get3A_355, %get3A_356] : memref<40x400x128xf32, #tpu.memory_space<vmem>>, vector<1x400x128xf32>
    %get3A_358 = vector.shape_cast %get3A_357 : vector<1x400x128xf32> to vector<400x128xf32>
    %slice3A_359 = vector.extract_strided_slice %get3A_358 {offsets = [0, 0], sizes = [400, 64], strides = [1, 1]} : vector<400x128xf32> to vector<400x64xf32>
    %slice3A_360 = vector.extract_strided_slice %get3A_358 {offsets = [0, 64], sizes = [400, 1], strides = [1, 1]} : vector<400x128xf32> to vector<400x1xf32>
    %add3A_361 = arith.constant 9.99999971E-10 : f32
    %add3A_362 = vector.broadcast %add3A_361 : f32 to vector<400x1xf32>
    %add3A_363 = arith.addf %slice3A_360, %add3A_362 : vector<400x1xf32>
    %div3A_364 = vector.broadcast %add3A_363 : vector<400x1xf32> to vector<400x64xf32>
    %div3A_365 = arith.divf %slice3A_359, %div3A_364 : vector<400x64xf32>
    %get3A_366 = arith.constant 1 : index
    %get3A_367 = arith.constant 0 : index
    %get3A_368 = vector.load %arg2[%get3A_366, %get3A_367] : memref<5x512xf32, #tpu.memory_space<vmem>>, vector<1x64xf32>
    %add3A_369 = vector.broadcast %get3A_368 : vector<1x64xf32> to vector<400x64xf32>
    %add3A_370 = arith.addf %div3A_365, %add3A_369 : vector<400x64xf32>
    %gt3A_371 = arith.constant 0.000000e+00 : f32
    %gt3A_372 = vector.broadcast %gt3A_371 : f32 to vector<400x64xf32>
    %gt3A_373 = arith.cmpf ogt, %add3A_370, %gt3A_372 : vector<400x64xf32>
    %min3A_374 = arith.constant 0.000000e+00 : f32
    %min3A_375 = vector.broadcast %min3A_374 : f32 to vector<400x64xf32>
    %min3A_376 = arith.minimumf %add3A_370, %min3A_375 : vector<400x64xf32>
    %exp3A_377 = math.exp %min3A_376 : vector<400x64xf32>
    %sub3A_378 = arith.constant 1.000000e+00 : f32
    %sub3A_379 = vector.broadcast %sub3A_378 : f32 to vector<400x64xf32>
    %sub3A_380 = arith.subf %exp3A_377, %sub3A_379 : vector<400x64xf32>
    %select_n3A_381 = arith.select %gt3A_373, %add3A_370, %sub3A_380 : vector<400x64xi1>, vector<400x64xf32>
    %get3A_382 = arith.constant 9 : index
    %get3A_383 = arith.constant 0 : index
    %get3A_384 = arith.constant 0 : index
    %get3A_385 = vector.load %arg1[%get3A_382, %get3A_383, %get3A_384] : memref<40x400x128xf32, #tpu.memory_space<vmem>>, vector<1x400x128xf32>
    %get3A_386 = vector.shape_cast %get3A_385 : vector<1x400x128xf32> to vector<400x128xf32>
    %slice3A_387 = vector.extract_strided_slice %get3A_386 {offsets = [0, 0], sizes = [400, 64], strides = [1, 1]} : vector<400x128xf32> to vector<400x64xf32>
    %slice3A_388 = vector.extract_strided_slice %get3A_386 {offsets = [0, 64], sizes = [400, 1], strides = [1, 1]} : vector<400x128xf32> to vector<400x1xf32>
    %add3A_389 = arith.constant 9.99999971E-10 : f32
    %add3A_390 = vector.broadcast %add3A_389 : f32 to vector<400x1xf32>
    %add3A_391 = arith.addf %slice3A_388, %add3A_390 : vector<400x1xf32>
    %div3A_392 = vector.broadcast %add3A_391 : vector<400x1xf32> to vector<400x64xf32>
    %div3A_393 = arith.divf %slice3A_387, %div3A_392 : vector<400x64xf32>
    %get3A_394 = arith.constant 1 : index
    %get3A_395 = arith.constant 64 : index
    %get3A_396 = vector.load %arg2[%get3A_394, %get3A_395] : memref<5x512xf32, #tpu.memory_space<vmem>>, vector<1x64xf32>
    %add3A_397 = vector.broadcast %get3A_396 : vector<1x64xf32> to vector<400x64xf32>
    %add3A_398 = arith.addf %div3A_393, %add3A_397 : vector<400x64xf32>
    %gt3A_399 = arith.constant 0.000000e+00 : f32
    %gt3A_400 = vector.broadcast %gt3A_399 : f32 to vector<400x64xf32>
    %gt3A_401 = arith.cmpf ogt, %add3A_398, %gt3A_400 : vector<400x64xf32>
    %min3A_402 = arith.constant 0.000000e+00 : f32
    %min3A_403 = vector.broadcast %min3A_402 : f32 to vector<400x64xf32>
    %min3A_404 = arith.minimumf %add3A_398, %min3A_403 : vector<400x64xf32>
    %exp3A_405 = math.exp %min3A_404 : vector<400x64xf32>
    %sub3A_406 = arith.constant 1.000000e+00 : f32
    %sub3A_407 = vector.broadcast %sub3A_406 : f32 to vector<400x64xf32>
    %sub3A_408 = arith.subf %exp3A_405, %sub3A_407 : vector<400x64xf32>
    %select_n3A_409 = arith.select %gt3A_401, %add3A_398, %sub3A_408 : vector<400x64xi1>, vector<400x64xf32>
    %get3A_410 = arith.constant 10 : index
    %get3A_411 = arith.constant 0 : index
    %get3A_412 = arith.constant 0 : index
    %get3A_413 = vector.load %arg1[%get3A_410, %get3A_411, %get3A_412] : memref<40x400x128xf32, #tpu.memory_space<vmem>>, vector<1x400x128xf32>
    %get3A_414 = vector.shape_cast %get3A_413 : vector<1x400x128xf32> to vector<400x128xf32>
    %slice3A_415 = vector.extract_strided_slice %get3A_414 {offsets = [0, 0], sizes = [400, 64], strides = [1, 1]} : vector<400x128xf32> to vector<400x64xf32>
    %slice3A_416 = vector.extract_strided_slice %get3A_414 {offsets = [0, 64], sizes = [400, 1], strides = [1, 1]} : vector<400x128xf32> to vector<400x1xf32>
    %add3A_417 = arith.constant 9.99999971E-10 : f32
    %add3A_418 = vector.broadcast %add3A_417 : f32 to vector<400x1xf32>
    %add3A_419 = arith.addf %slice3A_416, %add3A_418 : vector<400x1xf32>
    %div3A_420 = vector.broadcast %add3A_419 : vector<400x1xf32> to vector<400x64xf32>
    %div3A_421 = arith.divf %slice3A_415, %div3A_420 : vector<400x64xf32>
    %get3A_422 = arith.constant 1 : index
    %get3A_423 = arith.constant 128 : index
    %get3A_424 = vector.load %arg2[%get3A_422, %get3A_423] : memref<5x512xf32, #tpu.memory_space<vmem>>, vector<1x64xf32>
    %add3A_425 = vector.broadcast %get3A_424 : vector<1x64xf32> to vector<400x64xf32>
    %add3A_426 = arith.addf %div3A_421, %add3A_425 : vector<400x64xf32>
    %gt3A_427 = arith.constant 0.000000e+00 : f32
    %gt3A_428 = vector.broadcast %gt3A_427 : f32 to vector<400x64xf32>
    %gt3A_429 = arith.cmpf ogt, %add3A_426, %gt3A_428 : vector<400x64xf32>
    %min3A_430 = arith.constant 0.000000e+00 : f32
    %min3A_431 = vector.broadcast %min3A_430 : f32 to vector<400x64xf32>
    %min3A_432 = arith.minimumf %add3A_426, %min3A_431 : vector<400x64xf32>
    %exp3A_433 = math.exp %min3A_432 : vector<400x64xf32>
    %sub3A_434 = arith.constant 1.000000e+00 : f32
    %sub3A_435 = vector.broadcast %sub3A_434 : f32 to vector<400x64xf32>
    %sub3A_436 = arith.subf %exp3A_433, %sub3A_435 : vector<400x64xf32>
    %select_n3A_437 = arith.select %gt3A_429, %add3A_426, %sub3A_436 : vector<400x64xi1>, vector<400x64xf32>
    %get3A_438 = arith.constant 11 : index
    %get3A_439 = arith.constant 0 : index
    %get3A_440 = arith.constant 0 : index
    %get3A_441 = vector.load %arg1[%get3A_438, %get3A_439, %get3A_440] : memref<40x400x128xf32, #tpu.memory_space<vmem>>, vector<1x400x128xf32>
    %get3A_442 = vector.shape_cast %get3A_441 : vector<1x400x128xf32> to vector<400x128xf32>
    %slice3A_443 = vector.extract_strided_slice %get3A_442 {offsets = [0, 0], sizes = [400, 64], strides = [1, 1]} : vector<400x128xf32> to vector<400x64xf32>
    %slice3A_444 = vector.extract_strided_slice %get3A_442 {offsets = [0, 64], sizes = [400, 1], strides = [1, 1]} : vector<400x128xf32> to vector<400x1xf32>
    %add3A_445 = arith.constant 9.99999971E-10 : f32
    %add3A_446 = vector.broadcast %add3A_445 : f32 to vector<400x1xf32>
    %add3A_447 = arith.addf %slice3A_444, %add3A_446 : vector<400x1xf32>
    %div3A_448 = vector.broadcast %add3A_447 : vector<400x1xf32> to vector<400x64xf32>
    %div3A_449 = arith.divf %slice3A_443, %div3A_448 : vector<400x64xf32>
    %get3A_450 = arith.constant 1 : index
    %get3A_451 = arith.constant 192 : index
    %get3A_452 = vector.load %arg2[%get3A_450, %get3A_451] : memref<5x512xf32, #tpu.memory_space<vmem>>, vector<1x64xf32>
    %add3A_453 = vector.broadcast %get3A_452 : vector<1x64xf32> to vector<400x64xf32>
    %add3A_454 = arith.addf %div3A_449, %add3A_453 : vector<400x64xf32>
    %gt3A_455 = arith.constant 0.000000e+00 : f32
    %gt3A_456 = vector.broadcast %gt3A_455 : f32 to vector<400x64xf32>
    %gt3A_457 = arith.cmpf ogt, %add3A_454, %gt3A_456 : vector<400x64xf32>
    %min3A_458 = arith.constant 0.000000e+00 : f32
    %min3A_459 = vector.broadcast %min3A_458 : f32 to vector<400x64xf32>
    %min3A_460 = arith.minimumf %add3A_454, %min3A_459 : vector<400x64xf32>
    %exp3A_461 = math.exp %min3A_460 : vector<400x64xf32>
    %sub3A_462 = arith.constant 1.000000e+00 : f32
    %sub3A_463 = vector.broadcast %sub3A_462 : f32 to vector<400x64xf32>
    %sub3A_464 = arith.subf %exp3A_461, %sub3A_463 : vector<400x64xf32>
    %select_n3A_465 = arith.select %gt3A_457, %add3A_454, %sub3A_464 : vector<400x64xi1>, vector<400x64xf32>
    %get3A_466 = arith.constant 12 : index
    %get3A_467 = arith.constant 0 : index
    %get3A_468 = arith.constant 0 : index
    %get3A_469 = vector.load %arg1[%get3A_466, %get3A_467, %get3A_468] : memref<40x400x128xf32, #tpu.memory_space<vmem>>, vector<1x400x128xf32>
    %get3A_470 = vector.shape_cast %get3A_469 : vector<1x400x128xf32> to vector<400x128xf32>
    %slice3A_471 = vector.extract_strided_slice %get3A_470 {offsets = [0, 0], sizes = [400, 64], strides = [1, 1]} : vector<400x128xf32> to vector<400x64xf32>
    %slice3A_472 = vector.extract_strided_slice %get3A_470 {offsets = [0, 64], sizes = [400, 1], strides = [1, 1]} : vector<400x128xf32> to vector<400x1xf32>
    %add3A_473 = arith.constant 9.99999971E-10 : f32
    %add3A_474 = vector.broadcast %add3A_473 : f32 to vector<400x1xf32>
    %add3A_475 = arith.addf %slice3A_472, %add3A_474 : vector<400x1xf32>
    %div3A_476 = vector.broadcast %add3A_475 : vector<400x1xf32> to vector<400x64xf32>
    %div3A_477 = arith.divf %slice3A_471, %div3A_476 : vector<400x64xf32>
    %get3A_478 = arith.constant 1 : index
    %get3A_479 = arith.constant 256 : index
    %get3A_480 = vector.load %arg2[%get3A_478, %get3A_479] : memref<5x512xf32, #tpu.memory_space<vmem>>, vector<1x64xf32>
    %add3A_481 = vector.broadcast %get3A_480 : vector<1x64xf32> to vector<400x64xf32>
    %add3A_482 = arith.addf %div3A_477, %add3A_481 : vector<400x64xf32>
    %gt3A_483 = arith.constant 0.000000e+00 : f32
    %gt3A_484 = vector.broadcast %gt3A_483 : f32 to vector<400x64xf32>
    %gt3A_485 = arith.cmpf ogt, %add3A_482, %gt3A_484 : vector<400x64xf32>
    %min3A_486 = arith.constant 0.000000e+00 : f32
    %min3A_487 = vector.broadcast %min3A_486 : f32 to vector<400x64xf32>
    %min3A_488 = arith.minimumf %add3A_482, %min3A_487 : vector<400x64xf32>
    %exp3A_489 = math.exp %min3A_488 : vector<400x64xf32>
    %sub3A_490 = arith.constant 1.000000e+00 : f32
    %sub3A_491 = vector.broadcast %sub3A_490 : f32 to vector<400x64xf32>
    %sub3A_492 = arith.subf %exp3A_489, %sub3A_491 : vector<400x64xf32>
    %select_n3A_493 = arith.select %gt3A_485, %add3A_482, %sub3A_492 : vector<400x64xi1>, vector<400x64xf32>
    %get3A_494 = arith.constant 13 : index
    %get3A_495 = arith.constant 0 : index
    %get3A_496 = arith.constant 0 : index
    %get3A_497 = vector.load %arg1[%get3A_494, %get3A_495, %get3A_496] : memref<40x400x128xf32, #tpu.memory_space<vmem>>, vector<1x400x128xf32>
    %get3A_498 = vector.shape_cast %get3A_497 : vector<1x400x128xf32> to vector<400x128xf32>
    %slice3A_499 = vector.extract_strided_slice %get3A_498 {offsets = [0, 0], sizes = [400, 64], strides = [1, 1]} : vector<400x128xf32> to vector<400x64xf32>
    %slice3A_500 = vector.extract_strided_slice %get3A_498 {offsets = [0, 64], sizes = [400, 1], strides = [1, 1]} : vector<400x128xf32> to vector<400x1xf32>
    %add3A_501 = arith.constant 9.99999971E-10 : f32
    %add3A_502 = vector.broadcast %add3A_501 : f32 to vector<400x1xf32>
    %add3A_503 = arith.addf %slice3A_500, %add3A_502 : vector<400x1xf32>
    %div3A_504 = vector.broadcast %add3A_503 : vector<400x1xf32> to vector<400x64xf32>
    %div3A_505 = arith.divf %slice3A_499, %div3A_504 : vector<400x64xf32>
    %get3A_506 = arith.constant 1 : index
    %get3A_507 = arith.constant 320 : index
    %get3A_508 = vector.load %arg2[%get3A_506, %get3A_507] : memref<5x512xf32, #tpu.memory_space<vmem>>, vector<1x64xf32>
    %add3A_509 = vector.broadcast %get3A_508 : vector<1x64xf32> to vector<400x64xf32>
    %add3A_510 = arith.addf %div3A_505, %add3A_509 : vector<400x64xf32>
    %gt3A_511 = arith.constant 0.000000e+00 : f32
    %gt3A_512 = vector.broadcast %gt3A_511 : f32 to vector<400x64xf32>
    %gt3A_513 = arith.cmpf ogt, %add3A_510, %gt3A_512 : vector<400x64xf32>
    %min3A_514 = arith.constant 0.000000e+00 : f32
    %min3A_515 = vector.broadcast %min3A_514 : f32 to vector<400x64xf32>
    %min3A_516 = arith.minimumf %add3A_510, %min3A_515 : vector<400x64xf32>
    %exp3A_517 = math.exp %min3A_516 : vector<400x64xf32>
    %sub3A_518 = arith.constant 1.000000e+00 : f32
    %sub3A_519 = vector.broadcast %sub3A_518 : f32 to vector<400x64xf32>
    %sub3A_520 = arith.subf %exp3A_517, %sub3A_519 : vector<400x64xf32>
    %select_n3A_521 = arith.select %gt3A_513, %add3A_510, %sub3A_520 : vector<400x64xi1>, vector<400x64xf32>
    %get3A_522 = arith.constant 14 : index
    %get3A_523 = arith.constant 0 : index
    %get3A_524 = arith.constant 0 : index
    %get3A_525 = vector.load %arg1[%get3A_522, %get3A_523, %get3A_524] : memref<40x400x128xf32, #tpu.memory_space<vmem>>, vector<1x400x128xf32>
    %get3A_526 = vector.shape_cast %get3A_525 : vector<1x400x128xf32> to vector<400x128xf32>
    %slice3A_527 = vector.extract_strided_slice %get3A_526 {offsets = [0, 0], sizes = [400, 64], strides = [1, 1]} : vector<400x128xf32> to vector<400x64xf32>
    %slice3A_528 = vector.extract_strided_slice %get3A_526 {offsets = [0, 64], sizes = [400, 1], strides = [1, 1]} : vector<400x128xf32> to vector<400x1xf32>
    %add3A_529 = arith.constant 9.99999971E-10 : f32
    %add3A_530 = vector.broadcast %add3A_529 : f32 to vector<400x1xf32>
    %add3A_531 = arith.addf %slice3A_528, %add3A_530 : vector<400x1xf32>
    %div3A_532 = vector.broadcast %add3A_531 : vector<400x1xf32> to vector<400x64xf32>
    %div3A_533 = arith.divf %slice3A_527, %div3A_532 : vector<400x64xf32>
    %get3A_534 = arith.constant 1 : index
    %get3A_535 = arith.constant 384 : index
    %get3A_536 = vector.load %arg2[%get3A_534, %get3A_535] : memref<5x512xf32, #tpu.memory_space<vmem>>, vector<1x64xf32>
    %add3A_537 = vector.broadcast %get3A_536 : vector<1x64xf32> to vector<400x64xf32>
    %add3A_538 = arith.addf %div3A_533, %add3A_537 : vector<400x64xf32>
    %gt3A_539 = arith.constant 0.000000e+00 : f32
    %gt3A_540 = vector.broadcast %gt3A_539 : f32 to vector<400x64xf32>
    %gt3A_541 = arith.cmpf ogt, %add3A_538, %gt3A_540 : vector<400x64xf32>
    %min3A_542 = arith.constant 0.000000e+00 : f32
    %min3A_543 = vector.broadcast %min3A_542 : f32 to vector<400x64xf32>
    %min3A_544 = arith.minimumf %add3A_538, %min3A_543 : vector<400x64xf32>
    %exp3A_545 = math.exp %min3A_544 : vector<400x64xf32>
    %sub3A_546 = arith.constant 1.000000e+00 : f32
    %sub3A_547 = vector.broadcast %sub3A_546 : f32 to vector<400x64xf32>
    %sub3A_548 = arith.subf %exp3A_545, %sub3A_547 : vector<400x64xf32>
    %select_n3A_549 = arith.select %gt3A_541, %add3A_538, %sub3A_548 : vector<400x64xi1>, vector<400x64xf32>
    %get3A_550 = arith.constant 15 : index
    %get3A_551 = arith.constant 0 : index
    %get3A_552 = arith.constant 0 : index
    %get3A_553 = vector.load %arg1[%get3A_550, %get3A_551, %get3A_552] : memref<40x400x128xf32, #tpu.memory_space<vmem>>, vector<1x400x128xf32>
    %get3A_554 = vector.shape_cast %get3A_553 : vector<1x400x128xf32> to vector<400x128xf32>
    %slice3A_555 = vector.extract_strided_slice %get3A_554 {offsets = [0, 0], sizes = [400, 64], strides = [1, 1]} : vector<400x128xf32> to vector<400x64xf32>
    %slice3A_556 = vector.extract_strided_slice %get3A_554 {offsets = [0, 64], sizes = [400, 1], strides = [1, 1]} : vector<400x128xf32> to vector<400x1xf32>
    %add3A_557 = arith.constant 9.99999971E-10 : f32
    %add3A_558 = vector.broadcast %add3A_557 : f32 to vector<400x1xf32>
    %add3A_559 = arith.addf %slice3A_556, %add3A_558 : vector<400x1xf32>
    %div3A_560 = vector.broadcast %add3A_559 : vector<400x1xf32> to vector<400x64xf32>
    %div3A_561 = arith.divf %slice3A_555, %div3A_560 : vector<400x64xf32>
    %get3A_562 = arith.constant 1 : index
    %get3A_563 = arith.constant 448 : index
    %get3A_564 = vector.load %arg2[%get3A_562, %get3A_563] : memref<5x512xf32, #tpu.memory_space<vmem>>, vector<1x64xf32>
    %add3A_565 = vector.broadcast %get3A_564 : vector<1x64xf32> to vector<400x64xf32>
    %add3A_566 = arith.addf %div3A_561, %add3A_565 : vector<400x64xf32>
    %gt3A_567 = arith.constant 0.000000e+00 : f32
    %gt3A_568 = vector.broadcast %gt3A_567 : f32 to vector<400x64xf32>
    %gt3A_569 = arith.cmpf ogt, %add3A_566, %gt3A_568 : vector<400x64xf32>
    %min3A_570 = arith.constant 0.000000e+00 : f32
    %min3A_571 = vector.broadcast %min3A_570 : f32 to vector<400x64xf32>
    %min3A_572 = arith.minimumf %add3A_566, %min3A_571 : vector<400x64xf32>
    %exp3A_573 = math.exp %min3A_572 : vector<400x64xf32>
    %sub3A_574 = arith.constant 1.000000e+00 : f32
    %sub3A_575 = vector.broadcast %sub3A_574 : f32 to vector<400x64xf32>
    %sub3A_576 = arith.subf %exp3A_573, %sub3A_575 : vector<400x64xf32>
    %select_n3A_577 = arith.select %gt3A_569, %add3A_566, %sub3A_576 : vector<400x64xi1>, vector<400x64xf32>
    %broadcast_in_dim3A_578 = arith.constant 0.000000e+00 : f32
    %broadcast_in_dim3A_579 = vector.broadcast %broadcast_in_dim3A_578 : f32 to vector<400x512xf32>
    %swap3A_580 = arith.constant 0 : index
    %swap3A_581 = arith.constant 0 : index
    %swap3A_582 = arith.constant 0 : index
    %swap3A_583 = vector.load %arg7[%swap3A_580, %swap3A_581, %swap3A_582] : memref<4x400x512xf32, #tpu.memory_space<vmem>>, vector<1x400x64xf32>
    %swap3A_584 = vector.shape_cast %swap3A_583 : vector<1x400x64xf32> to vector<400x64xf32>
    %swap3A_585 = vector.shape_cast %select_n3A_381 : vector<400x64xf32> to vector<1x400x64xf32>
    tpu.vector_store %arg7[%swap3A_580, %swap3A_581, %swap3A_582], %swap3A_585 {strides = array<i32>} : memref<4x400x512xf32, #tpu.memory_space<vmem>>, vector<1x400x64xf32>,
    %get3A_586 = arith.constant 0 : index
    %get3A_587 = arith.constant 0 : index
    %get3A_588 = vector.load %arg3[%get3A_586, %get3A_587] : memref<512x512xf32, #tpu.memory_space<vmem>>, vector<64x512xf32>
    %dot_general3A = arith.constant dense<0.000000e+00> : vector<400x512xf32>
    %dot_general3A_589 = tpu.matmul %select_n3A_381, %get3A_588, %dot_general3A {dimension_numbers = #tpu.dot_dimension_numbers<[1], [0], [0], [1], [0, 0, 1, 1], [], []>, transpose_lhs_hint = false} : vector<400x64xf32>, vector<64x512xf32>, vector<400x512xf32> -> vector<400x512xf32>
    %add3A_590 = arith.addf %broadcast_in_dim3A_579, %dot_general3A_589 : vector<400x512xf32>
    %swap3A_591 = arith.constant 0 : index
    %swap3A_592 = arith.constant 0 : index
    %swap3A_593 = arith.constant 64 : index
    %swap3A_594 = vector.load %arg7[%swap3A_591, %swap3A_592, %swap3A_593] : memref<4x400x512xf32, #tpu.memory_space<vmem>>, vector<1x400x64xf32>
    %swap3A_595 = vector.shape_cast %swap3A_594 : vector<1x400x64xf32> to vector<400x64xf32>
    %swap3A_596 = vector.shape_cast %select_n3A_409 : vector<400x64xf32> to vector<1x400x64xf32>
    tpu.vector_store %arg7[%swap3A_591, %swap3A_592, %swap3A_593], %swap3A_596 {strides = array<i32>} : memref<4x400x512xf32, #tpu.memory_space<vmem>>, vector<1x400x64xf32>,
    %get3A_597 = arith.constant 64 : index
    %get3A_598 = arith.constant 0 : index
    %get3A_599 = vector.load %arg3[%get3A_597, %get3A_598] : memref<512x512xf32, #tpu.memory_space<vmem>>, vector<64x512xf32>
    %dot_general3A_600 = arith.constant dense<0.000000e+00> : vector<400x512xf32>
    %dot_general3A_601 = tpu.matmul %select_n3A_409, %get3A_599, %dot_general3A_600 {dimension_numbers = #tpu.dot_dimension_numbers<[1], [0], [0], [1], [0, 0, 1, 1], [], []>, transpose_lhs_hint = false} : vector<400x64xf32>, vector<64x512xf32>, vector<400x512xf32> -> vector<400x512xf32>
    %add3A_602 = arith.addf %add3A_590, %dot_general3A_601 : vector<400x512xf32>
    %swap3A_603 = arith.constant 0 : index
    %swap3A_604 = arith.constant 0 : index
    %swap3A_605 = arith.constant 128 : index
    %swap3A_606 = vector.load %arg7[%swap3A_603, %swap3A_604, %swap3A_605] : memref<4x400x512xf32, #tpu.memory_space<vmem>>, vector<1x400x64xf32>
    %swap3A_607 = vector.shape_cast %swap3A_606 : vector<1x400x64xf32> to vector<400x64xf32>
    %swap3A_608 = vector.shape_cast %select_n3A_437 : vector<400x64xf32> to vector<1x400x64xf32>
    tpu.vector_store %arg7[%swap3A_603, %swap3A_604, %swap3A_605], %swap3A_608 {strides = array<i32>} : memref<4x400x512xf32, #tpu.memory_space<vmem>>, vector<1x400x64xf32>,
    %get3A_609 = arith.constant 128 : index
    %get3A_610 = arith.constant 0 : index
    %get3A_611 = vector.load %arg3[%get3A_609, %get3A_610] : memref<512x512xf32, #tpu.memory_space<vmem>>, vector<64x512xf32>
    %dot_general3A_612 = arith.constant dense<0.000000e+00> : vector<400x512xf32>
    %dot_general3A_613 = tpu.matmul %select_n3A_437, %get3A_611, %dot_general3A_612 {dimension_numbers = #tpu.dot_dimension_numbers<[1], [0], [0], [1], [0, 0, 1, 1], [], []>, transpose_lhs_hint = false} : vector<400x64xf32>, vector<64x512xf32>, vector<400x512xf32> -> vector<400x512xf32>
    %add3A_614 = arith.addf %add3A_602, %dot_general3A_613 : vector<400x512xf32>
    %swap3A_615 = arith.constant 0 : index
    %swap3A_616 = arith.constant 0 : index
    %swap3A_617 = arith.constant 192 : index
    %swap3A_618 = vector.load %arg7[%swap3A_615, %swap3A_616, %swap3A_617] : memref<4x400x512xf32, #tpu.memory_space<vmem>>, vector<1x400x64xf32>
    %swap3A_619 = vector.shape_cast %swap3A_618 : vector<1x400x64xf32> to vector<400x64xf32>
    %swap3A_620 = vector.shape_cast %select_n3A_465 : vector<400x64xf32> to vector<1x400x64xf32>
    tpu.vector_store %arg7[%swap3A_615, %swap3A_616, %swap3A_617], %swap3A_620 {strides = array<i32>} : memref<4x400x512xf32, #tpu.memory_space<vmem>>, vector<1x400x64xf32>,
    %get3A_621 = arith.constant 192 : index
    %get3A_622 = arith.constant 0 : index
    %get3A_623 = vector.load %arg3[%get3A_621, %get3A_622] : memref<512x512xf32, #tpu.memory_space<vmem>>, vector<64x512xf32>
    %dot_general3A_624 = arith.constant dense<0.000000e+00> : vector<400x512xf32>
    %dot_general3A_625 = tpu.matmul %select_n3A_465, %get3A_623, %dot_general3A_624 {dimension_numbers = #tpu.dot_dimension_numbers<[1], [0], [0], [1], [0, 0, 1, 1], [], []>, transpose_lhs_hint = false} : vector<400x64xf32>, vector<64x512xf32>, vector<400x512xf32> -> vector<400x512xf32>
    %add3A_626 = arith.addf %add3A_614, %dot_general3A_625 : vector<400x512xf32>
    %swap3A_627 = arith.constant 0 : index
    %swap3A_628 = arith.constant 0 : index
    %swap3A_629 = arith.constant 256 : index
    %swap3A_630 = vector.load %arg7[%swap3A_627, %swap3A_628, %swap3A_629] : memref<4x400x512xf32, #tpu.memory_space<vmem>>, vector<1x400x64xf32>
    %swap3A_631 = vector.shape_cast %swap3A_630 : vector<1x400x64xf32> to vector<400x64xf32>
    %swap3A_632 = vector.shape_cast %select_n3A_493 : vector<400x64xf32> to vector<1x400x64xf32>
    tpu.vector_store %arg7[%swap3A_627, %swap3A_628, %swap3A_629], %swap3A_632 {strides = array<i32>} : memref<4x400x512xf32, #tpu.memory_space<vmem>>, vector<1x400x64xf32>,
    %get3A_633 = arith.constant 256 : index
    %get3A_634 = arith.constant 0 : index
    %get3A_635 = vector.load %arg3[%get3A_633, %get3A_634] : memref<512x512xf32, #tpu.memory_space<vmem>>, vector<64x512xf32>
    %dot_general3A_636 = arith.constant dense<0.000000e+00> : vector<400x512xf32>
    %dot_general3A_637 = tpu.matmul %select_n3A_493, %get3A_635, %dot_general3A_636 {dimension_numbers = #tpu.dot_dimension_numbers<[1], [0], [0], [1], [0, 0, 1, 1], [], []>, transpose_lhs_hint = false} : vector<400x64xf32>, vector<64x512xf32>, vector<400x512xf32> -> vector<400x512xf32>
    %add3A_638 = arith.addf %add3A_626, %dot_general3A_637 : vector<400x512xf32>
    %swap3A_639 = arith.constant 0 : index
    %swap3A_640 = arith.constant 0 : index
    %swap3A_641 = arith.constant 320 : index
    %swap3A_642 = vector.load %arg7[%swap3A_639, %swap3A_640, %swap3A_641] : memref<4x400x512xf32, #tpu.memory_space<vmem>>, vector<1x400x64xf32>
    %swap3A_643 = vector.shape_cast %swap3A_642 : vector<1x400x64xf32> to vector<400x64xf32>
    %swap3A_644 = vector.shape_cast %select_n3A_521 : vector<400x64xf32> to vector<1x400x64xf32>
    tpu.vector_store %arg7[%swap3A_639, %swap3A_640, %swap3A_641], %swap3A_644 {strides = array<i32>} : memref<4x400x512xf32, #tpu.memory_space<vmem>>, vector<1x400x64xf32>,
    %get3A_645 = arith.constant 320 : index
    %get3A_646 = arith.constant 0 : index
    %get3A_647 = vector.load %arg3[%get3A_645, %get3A_646] : memref<512x512xf32, #tpu.memory_space<vmem>>, vector<64x512xf32>
    %dot_general3A_648 = arith.constant dense<0.000000e+00> : vector<400x512xf32>
    %dot_general3A_649 = tpu.matmul %select_n3A_521, %get3A_647, %dot_general3A_648 {dimension_numbers = #tpu.dot_dimension_numbers<[1], [0], [0], [1], [0, 0, 1, 1], [], []>, transpose_lhs_hint = false} : vector<400x64xf32>, vector<64x512xf32>, vector<400x512xf32> -> vector<400x512xf32>
    %add3A_650 = arith.addf %add3A_638, %dot_general3A_649 : vector<400x512xf32>
    %swap3A_651 = arith.constant 0 : index
    %swap3A_652 = arith.constant 0 : index
    %swap3A_653 = arith.constant 384 : index
    %swap3A_654 = vector.load %arg7[%swap3A_651, %swap3A_652, %swap3A_653] : memref<4x400x512xf32, #tpu.memory_space<vmem>>, vector<1x400x64xf32>
    %swap3A_655 = vector.shape_cast %swap3A_654 : vector<1x400x64xf32> to vector<400x64xf32>
    %swap3A_656 = vector.shape_cast %select_n3A_549 : vector<400x64xf32> to vector<1x400x64xf32>
    tpu.vector_store %arg7[%swap3A_651, %swap3A_652, %swap3A_653], %swap3A_656 {strides = array<i32>} : memref<4x400x512xf32, #tpu.memory_space<vmem>>, vector<1x400x64xf32>,
    %get3A_657 = arith.constant 384 : index
    %get3A_658 = arith.constant 0 : index
    %get3A_659 = vector.load %arg3[%get3A_657, %get3A_658] : memref<512x512xf32, #tpu.memory_space<vmem>>, vector<64x512xf32>
    %dot_general3A_660 = arith.constant dense<0.000000e+00> : vector<400x512xf32>
    %dot_general3A_661 = tpu.matmul %select_n3A_549, %get3A_659, %dot_general3A_660 {dimension_numbers = #tpu.dot_dimension_numbers<[1], [0], [0], [1], [0, 0, 1, 1], [], []>, transpose_lhs_hint = false} : vector<400x64xf32>, vector<64x512xf32>, vector<400x512xf32> -> vector<400x512xf32>
    %add3A_662 = arith.addf %add3A_650, %dot_general3A_661 : vector<400x512xf32>
    %swap3A_663 = arith.constant 0 : index
    %swap3A_664 = arith.constant 0 : index
    %swap3A_665 = arith.constant 448 : index
    %swap3A_666 = vector.load %arg7[%swap3A_663, %swap3A_664, %swap3A_665] : memref<4x400x512xf32, #tpu.memory_space<vmem>>, vector<1x400x64xf32>
    %swap3A_667 = vector.shape_cast %swap3A_666 : vector<1x400x64xf32> to vector<400x64xf32>
    %swap3A_668 = vector.shape_cast %select_n3A_577 : vector<400x64xf32> to vector<1x400x64xf32>
    tpu.vector_store %arg7[%swap3A_663, %swap3A_664, %swap3A_665], %swap3A_668 {strides = array<i32>} : memref<4x400x512xf32, #tpu.memory_space<vmem>>, vector<1x400x64xf32>,
    %get3A_669 = arith.constant 448 : index
    %get3A_670 = arith.constant 0 : index
    %get3A_671 = vector.load %arg3[%get3A_669, %get3A_670] : memref<512x512xf32, #tpu.memory_space<vmem>>, vector<64x512xf32>
    %dot_general3A_672 = arith.constant dense<0.000000e+00> : vector<400x512xf32>
    %dot_general3A_673 = tpu.matmul %select_n3A_577, %get3A_671, %dot_general3A_672 {dimension_numbers = #tpu.dot_dimension_numbers<[1], [0], [0], [1], [0, 0, 1, 1], [], []>, transpose_lhs_hint = false} : vector<400x64xf32>, vector<64x512xf32>, vector<400x512xf32> -> vector<400x512xf32>
    %add3A_674 = arith.addf %add3A_662, %dot_general3A_673 : vector<400x512xf32>
    %get3A_675 = arith.constant 0 : index
    %get3A_676 = arith.constant 0 : index
    %get3A_677 = vector.load %arg4[%get3A_675, %get3A_676] : memref<1x512xf32, #tpu.memory_space<vmem>>, vector<1x512xf32>
    %add3A_678 = vector.broadcast %get3A_677 : vector<1x512xf32> to vector<400x512xf32>
    %add3A_679 = arith.addf %add3A_674, %add3A_678 : vector<400x512xf32>
    %tanh3A = math.tanh %add3A_679 : vector<400x512xf32>
    %get3A_680 = arith.constant 0 : index
    %get3A_681 = arith.constant 0 : index
    %get3A_682 = vector.load %arg5[%get3A_680, %get3A_681] : memref<1x512xf32, #tpu.memory_space<vmem>>, vector<1x512xf32>
    %mul3A_683 = vector.broadcast %get3A_682 : vector<1x512xf32> to vector<400x512xf32>
    %mul3A_684 = arith.mulf %tanh3A, %mul3A_683 : vector<400x512xf32>
    %reduce_sum3A_685 = vector.shape_cast %mul3A_684 : vector<400x512xf32> to vector<1x400x512xf32>
    %reduce_sum3A_686 = arith.constant dense<0.000000e+00> : vector<1xf32>
    %reduce_sum3A_687 = vector.multi_reduction <add>, %reduce_sum3A_685, %reduce_sum3A_686 [1, 2] : vector<1x400x512xf32> to vector<1xf32>
    %reduce_sum3A_688 = vector.shape_cast %reduce_sum3A_687 : vector<1xf32> to vector<1x1x1xf32>
    %reduce_sum3A_689 = vector.extract %reduce_sum3A_688[0, 0, 0] : f32 from vector<1x1x1xf32>
    %get3A_690 = arith.constant 16 : index
    %get3A_691 = arith.constant 0 : index
    %get3A_692 = arith.constant 0 : index
    %get3A_693 = vector.load %arg1[%get3A_690, %get3A_691, %get3A_692] : memref<40x400x128xf32, #tpu.memory_space<vmem>>, vector<1x400x128xf32>
    %get3A_694 = vector.shape_cast %get3A_693 : vector<1x400x128xf32> to vector<400x128xf32>
    %slice3A_695 = vector.extract_strided_slice %get3A_694 {offsets = [0, 0], sizes = [400, 64], strides = [1, 1]} : vector<400x128xf32> to vector<400x64xf32>
    %slice3A_696 = vector.extract_strided_slice %get3A_694 {offsets = [0, 64], sizes = [400, 1], strides = [1, 1]} : vector<400x128xf32> to vector<400x1xf32>
    %add3A_697 = arith.constant 9.99999971E-10 : f32
    %add3A_698 = vector.broadcast %add3A_697 : f32 to vector<400x1xf32>
    %add3A_699 = arith.addf %slice3A_696, %add3A_698 : vector<400x1xf32>
    %div3A_700 = vector.broadcast %add3A_699 : vector<400x1xf32> to vector<400x64xf32>
    %div3A_701 = arith.divf %slice3A_695, %div3A_700 : vector<400x64xf32>
    %get3A_702 = arith.constant 2 : index
    %get3A_703 = arith.constant 0 : index
    %get3A_704 = vector.load %arg2[%get3A_702, %get3A_703] : memref<5x512xf32, #tpu.memory_space<vmem>>, vector<1x64xf32>
    %add3A_705 = vector.broadcast %get3A_704 : vector<1x64xf32> to vector<400x64xf32>
    %add3A_706 = arith.addf %div3A_701, %add3A_705 : vector<400x64xf32>
    %gt3A_707 = arith.constant 0.000000e+00 : f32
    %gt3A_708 = vector.broadcast %gt3A_707 : f32 to vector<400x64xf32>
    %gt3A_709 = arith.cmpf ogt, %add3A_706, %gt3A_708 : vector<400x64xf32>
    %min3A_710 = arith.constant 0.000000e+00 : f32
    %min3A_711 = vector.broadcast %min3A_710 : f32 to vector<400x64xf32>
    %min3A_712 = arith.minimumf %add3A_706, %min3A_711 : vector<400x64xf32>
    %exp3A_713 = math.exp %min3A_712 : vector<400x64xf32>
    %sub3A_714 = arith.constant 1.000000e+00 : f32
    %sub3A_715 = vector.broadcast %sub3A_714 : f32 to vector<400x64xf32>
    %sub3A_716 = arith.subf %exp3A_713, %sub3A_715 : vector<400x64xf32>
    %select_n3A_717 = arith.select %gt3A_709, %add3A_706, %sub3A_716 : vector<400x64xi1>, vector<400x64xf32>
    %get3A_718 = arith.constant 17 : index
    %get3A_719 = arith.constant 0 : index
    %get3A_720 = arith.constant 0 : index
    %get3A_721 = vector.load %arg1[%get3A_718, %get3A_719, %get3A_720] : memref<40x400x128xf32, #tpu.memory_space<vmem>>, vector<1x400x128xf32>
    %get3A_722 = vector.shape_cast %get3A_721 : vector<1x400x128xf32> to vector<400x128xf32>
    %slice3A_723 = vector.extract_strided_slice %get3A_722 {offsets = [0, 0], sizes = [400, 64], strides = [1, 1]} : vector<400x128xf32> to vector<400x64xf32>
    %slice3A_724 = vector.extract_strided_slice %get3A_722 {offsets = [0, 64], sizes = [400, 1], strides = [1, 1]} : vector<400x128xf32> to vector<400x1xf32>
    %add3A_725 = arith.constant 9.99999971E-10 : f32
    %add3A_726 = vector.broadcast %add3A_725 : f32 to vector<400x1xf32>
    %add3A_727 = arith.addf %slice3A_724, %add3A_726 : vector<400x1xf32>
    %div3A_728 = vector.broadcast %add3A_727 : vector<400x1xf32> to vector<400x64xf32>
    %div3A_729 = arith.divf %slice3A_723, %div3A_728 : vector<400x64xf32>
    %get3A_730 = arith.constant 2 : index
    %get3A_731 = arith.constant 64 : index
    %get3A_732 = vector.load %arg2[%get3A_730, %get3A_731] : memref<5x512xf32, #tpu.memory_space<vmem>>, vector<1x64xf32>
    %add3A_733 = vector.broadcast %get3A_732 : vector<1x64xf32> to vector<400x64xf32>
    %add3A_734 = arith.addf %div3A_729, %add3A_733 : vector<400x64xf32>
    %gt3A_735 = arith.constant 0.000000e+00 : f32
    %gt3A_736 = vector.broadcast %gt3A_735 : f32 to vector<400x64xf32>
    %gt3A_737 = arith.cmpf ogt, %add3A_734, %gt3A_736 : vector<400x64xf32>
    %min3A_738 = arith.constant 0.000000e+00 : f32
    %min3A_739 = vector.broadcast %min3A_738 : f32 to vector<400x64xf32>
    %min3A_740 = arith.minimumf %add3A_734, %min3A_739 : vector<400x64xf32>
    %exp3A_741 = math.exp %min3A_740 : vector<400x64xf32>
    %sub3A_742 = arith.constant 1.000000e+00 : f32
    %sub3A_743 = vector.broadcast %sub3A_742 : f32 to vector<400x64xf32>
    %sub3A_744 = arith.subf %exp3A_741, %sub3A_743 : vector<400x64xf32>
    %select_n3A_745 = arith.select %gt3A_737, %add3A_734, %sub3A_744 : vector<400x64xi1>, vector<400x64xf32>
    %get3A_746 = arith.constant 18 : index
    %get3A_747 = arith.constant 0 : index
    %get3A_748 = arith.constant 0 : index
    %get3A_749 = vector.load %arg1[%get3A_746, %get3A_747, %get3A_748] : memref<40x400x128xf32, #tpu.memory_space<vmem>>, vector<1x400x128xf32>
    %get3A_750 = vector.shape_cast %get3A_749 : vector<1x400x128xf32> to vector<400x128xf32>
    %slice3A_751 = vector.extract_strided_slice %get3A_750 {offsets = [0, 0], sizes = [400, 64], strides = [1, 1]} : vector<400x128xf32> to vector<400x64xf32>
    %slice3A_752 = vector.extract_strided_slice %get3A_750 {offsets = [0, 64], sizes = [400, 1], strides = [1, 1]} : vector<400x128xf32> to vector<400x1xf32>
    %add3A_753 = arith.constant 9.99999971E-10 : f32
    %add3A_754 = vector.broadcast %add3A_753 : f32 to vector<400x1xf32>
    %add3A_755 = arith.addf %slice3A_752, %add3A_754 : vector<400x1xf32>
    %div3A_756 = vector.broadcast %add3A_755 : vector<400x1xf32> to vector<400x64xf32>
    %div3A_757 = arith.divf %slice3A_751, %div3A_756 : vector<400x64xf32>
    %get3A_758 = arith.constant 2 : index
    %get3A_759 = arith.constant 128 : index
    %get3A_760 = vector.load %arg2[%get3A_758, %get3A_759] : memref<5x512xf32, #tpu.memory_space<vmem>>, vector<1x64xf32>
    %add3A_761 = vector.broadcast %get3A_760 : vector<1x64xf32> to vector<400x64xf32>
    %add3A_762 = arith.addf %div3A_757, %add3A_761 : vector<400x64xf32>
    %gt3A_763 = arith.constant 0.000000e+00 : f32
    %gt3A_764 = vector.broadcast %gt3A_763 : f32 to vector<400x64xf32>
    %gt3A_765 = arith.cmpf ogt, %add3A_762, %gt3A_764 : vector<400x64xf32>
    %min3A_766 = arith.constant 0.000000e+00 : f32
    %min3A_767 = vector.broadcast %min3A_766 : f32 to vector<400x64xf32>
    %min3A_768 = arith.minimumf %add3A_762, %min3A_767 : vector<400x64xf32>
    %exp3A_769 = math.exp %min3A_768 : vector<400x64xf32>
    %sub3A_770 = arith.constant 1.000000e+00 : f32
    %sub3A_771 = vector.broadcast %sub3A_770 : f32 to vector<400x64xf32>
    %sub3A_772 = arith.subf %exp3A_769, %sub3A_771 : vector<400x64xf32>
    %select_n3A_773 = arith.select %gt3A_765, %add3A_762, %sub3A_772 : vector<400x64xi1>, vector<400x64xf32>
    %get3A_774 = arith.constant 19 : index
    %get3A_775 = arith.constant 0 : index
    %get3A_776 = arith.constant 0 : index
    %get3A_777 = vector.load %arg1[%get3A_774, %get3A_775, %get3A_776] : memref<40x400x128xf32, #tpu.memory_space<vmem>>, vector<1x400x128xf32>
    %get3A_778 = vector.shape_cast %get3A_777 : vector<1x400x128xf32> to vector<400x128xf32>
    %slice3A_779 = vector.extract_strided_slice %get3A_778 {offsets = [0, 0], sizes = [400, 64], strides = [1, 1]} : vector<400x128xf32> to vector<400x64xf32>
    %slice3A_780 = vector.extract_strided_slice %get3A_778 {offsets = [0, 64], sizes = [400, 1], strides = [1, 1]} : vector<400x128xf32> to vector<400x1xf32>
    %add3A_781 = arith.constant 9.99999971E-10 : f32
    %add3A_782 = vector.broadcast %add3A_781 : f32 to vector<400x1xf32>
    %add3A_783 = arith.addf %slice3A_780, %add3A_782 : vector<400x1xf32>
    %div3A_784 = vector.broadcast %add3A_783 : vector<400x1xf32> to vector<400x64xf32>
    %div3A_785 = arith.divf %slice3A_779, %div3A_784 : vector<400x64xf32>
    %get3A_786 = arith.constant 2 : index
    %get3A_787 = arith.constant 192 : index
    %get3A_788 = vector.load %arg2[%get3A_786, %get3A_787] : memref<5x512xf32, #tpu.memory_space<vmem>>, vector<1x64xf32>
    %add3A_789 = vector.broadcast %get3A_788 : vector<1x64xf32> to vector<400x64xf32>
    %add3A_790 = arith.addf %div3A_785, %add3A_789 : vector<400x64xf32>
    %gt3A_791 = arith.constant 0.000000e+00 : f32
    %gt3A_792 = vector.broadcast %gt3A_791 : f32 to vector<400x64xf32>
    %gt3A_793 = arith.cmpf ogt, %add3A_790, %gt3A_792 : vector<400x64xf32>
    %min3A_794 = arith.constant 0.000000e+00 : f32
    %min3A_795 = vector.broadcast %min3A_794 : f32 to vector<400x64xf32>
    %min3A_796 = arith.minimumf %add3A_790, %min3A_795 : vector<400x64xf32>
    %exp3A_797 = math.exp %min3A_796 : vector<400x64xf32>
    %sub3A_798 = arith.constant 1.000000e+00 : f32
    %sub3A_799 = vector.broadcast %sub3A_798 : f32 to vector<400x64xf32>
    %sub3A_800 = arith.subf %exp3A_797, %sub3A_799 : vector<400x64xf32>
    %select_n3A_801 = arith.select %gt3A_793, %add3A_790, %sub3A_800 : vector<400x64xi1>, vector<400x64xf32>
    %get3A_802 = arith.constant 20 : index
    %get3A_803 = arith.constant 0 : index
    %get3A_804 = arith.constant 0 : index
    %get3A_805 = vector.load %arg1[%get3A_802, %get3A_803, %get3A_804] : memref<40x400x128xf32, #tpu.memory_space<vmem>>, vector<1x400x128xf32>
    %get3A_806 = vector.shape_cast %get3A_805 : vector<1x400x128xf32> to vector<400x128xf32>
    %slice3A_807 = vector.extract_strided_slice %get3A_806 {offsets = [0, 0], sizes = [400, 64], strides = [1, 1]} : vector<400x128xf32> to vector<400x64xf32>
    %slice3A_808 = vector.extract_strided_slice %get3A_806 {offsets = [0, 64], sizes = [400, 1], strides = [1, 1]} : vector<400x128xf32> to vector<400x1xf32>
    %add3A_809 = arith.constant 9.99999971E-10 : f32
    %add3A_810 = vector.broadcast %add3A_809 : f32 to vector<400x1xf32>
    %add3A_811 = arith.addf %slice3A_808, %add3A_810 : vector<400x1xf32>
    %div3A_812 = vector.broadcast %add3A_811 : vector<400x1xf32> to vector<400x64xf32>
    %div3A_813 = arith.divf %slice3A_807, %div3A_812 : vector<400x64xf32>
    %get3A_814 = arith.constant 2 : index
    %get3A_815 = arith.constant 256 : index
    %get3A_816 = vector.load %arg2[%get3A_814, %get3A_815] : memref<5x512xf32, #tpu.memory_space<vmem>>, vector<1x64xf32>
    %add3A_817 = vector.broadcast %get3A_816 : vector<1x64xf32> to vector<400x64xf32>
    %add3A_818 = arith.addf %div3A_813, %add3A_817 : vector<400x64xf32>
    %gt3A_819 = arith.constant 0.000000e+00 : f32
    %gt3A_820 = vector.broadcast %gt3A_819 : f32 to vector<400x64xf32>
    %gt3A_821 = arith.cmpf ogt, %add3A_818, %gt3A_820 : vector<400x64xf32>
    %min3A_822 = arith.constant 0.000000e+00 : f32
    %min3A_823 = vector.broadcast %min3A_822 : f32 to vector<400x64xf32>
    %min3A_824 = arith.minimumf %add3A_818, %min3A_823 : vector<400x64xf32>
    %exp3A_825 = math.exp %min3A_824 : vector<400x64xf32>
    %sub3A_826 = arith.constant 1.000000e+00 : f32
    %sub3A_827 = vector.broadcast %sub3A_826 : f32 to vector<400x64xf32>
    %sub3A_828 = arith.subf %exp3A_825, %sub3A_827 : vector<400x64xf32>
    %select_n3A_829 = arith.select %gt3A_821, %add3A_818, %sub3A_828 : vector<400x64xi1>, vector<400x64xf32>
    %get3A_830 = arith.constant 21 : index
    %get3A_831 = arith.constant 0 : index
    %get3A_832 = arith.constant 0 : index
    %get3A_833 = vector.load %arg1[%get3A_830, %get3A_831, %get3A_832] : memref<40x400x128xf32, #tpu.memory_space<vmem>>, vector<1x400x128xf32>
    %get3A_834 = vector.shape_cast %get3A_833 : vector<1x400x128xf32> to vector<400x128xf32>
    %slice3A_835 = vector.extract_strided_slice %get3A_834 {offsets = [0, 0], sizes = [400, 64], strides = [1, 1]} : vector<400x128xf32> to vector<400x64xf32>
    %slice3A_836 = vector.extract_strided_slice %get3A_834 {offsets = [0, 64], sizes = [400, 1], strides = [1, 1]} : vector<400x128xf32> to vector<400x1xf32>
    %add3A_837 = arith.constant 9.99999971E-10 : f32
    %add3A_838 = vector.broadcast %add3A_837 : f32 to vector<400x1xf32>
    %add3A_839 = arith.addf %slice3A_836, %add3A_838 : vector<400x1xf32>
    %div3A_840 = vector.broadcast %add3A_839 : vector<400x1xf32> to vector<400x64xf32>
    %div3A_841 = arith.divf %slice3A_835, %div3A_840 : vector<400x64xf32>
    %get3A_842 = arith.constant 2 : index
    %get3A_843 = arith.constant 320 : index
    %get3A_844 = vector.load %arg2[%get3A_842, %get3A_843] : memref<5x512xf32, #tpu.memory_space<vmem>>, vector<1x64xf32>
    %add3A_845 = vector.broadcast %get3A_844 : vector<1x64xf32> to vector<400x64xf32>
    %add3A_846 = arith.addf %div3A_841, %add3A_845 : vector<400x64xf32>
    %gt3A_847 = arith.constant 0.000000e+00 : f32
    %gt3A_848 = vector.broadcast %gt3A_847 : f32 to vector<400x64xf32>
    %gt3A_849 = arith.cmpf ogt, %add3A_846, %gt3A_848 : vector<400x64xf32>
    %min3A_850 = arith.constant 0.000000e+00 : f32
    %min3A_851 = vector.broadcast %min3A_850 : f32 to vector<400x64xf32>
    %min3A_852 = arith.minimumf %add3A_846, %min3A_851 : vector<400x64xf32>
    %exp3A_853 = math.exp %min3A_852 : vector<400x64xf32>
    %sub3A_854 = arith.constant 1.000000e+00 : f32
    %sub3A_855 = vector.broadcast %sub3A_854 : f32 to vector<400x64xf32>
    %sub3A_856 = arith.subf %exp3A_853, %sub3A_855 : vector<400x64xf32>
    %select_n3A_857 = arith.select %gt3A_849, %add3A_846, %sub3A_856 : vector<400x64xi1>, vector<400x64xf32>
    %get3A_858 = arith.constant 22 : index
    %get3A_859 = arith.constant 0 : index
    %get3A_860 = arith.constant 0 : index
    %get3A_861 = vector.load %arg1[%get3A_858, %get3A_859, %get3A_860] : memref<40x400x128xf32, #tpu.memory_space<vmem>>, vector<1x400x128xf32>
    %get3A_862 = vector.shape_cast %get3A_861 : vector<1x400x128xf32> to vector<400x128xf32>
    %slice3A_863 = vector.extract_strided_slice %get3A_862 {offsets = [0, 0], sizes = [400, 64], strides = [1, 1]} : vector<400x128xf32> to vector<400x64xf32>
    %slice3A_864 = vector.extract_strided_slice %get3A_862 {offsets = [0, 64], sizes = [400, 1], strides = [1, 1]} : vector<400x128xf32> to vector<400x1xf32>
    %add3A_865 = arith.constant 9.99999971E-10 : f32
    %add3A_866 = vector.broadcast %add3A_865 : f32 to vector<400x1xf32>
    %add3A_867 = arith.addf %slice3A_864, %add3A_866 : vector<400x1xf32>
    %div3A_868 = vector.broadcast %add3A_867 : vector<400x1xf32> to vector<400x64xf32>
    %div3A_869 = arith.divf %slice3A_863, %div3A_868 : vector<400x64xf32>
    %get3A_870 = arith.constant 2 : index
    %get3A_871 = arith.constant 384 : index
    %get3A_872 = vector.load %arg2[%get3A_870, %get3A_871] : memref<5x512xf32, #tpu.memory_space<vmem>>, vector<1x64xf32>
    %add3A_873 = vector.broadcast %get3A_872 : vector<1x64xf32> to vector<400x64xf32>
    %add3A_874 = arith.addf %div3A_869, %add3A_873 : vector<400x64xf32>
    %gt3A_875 = arith.constant 0.000000e+00 : f32
    %gt3A_876 = vector.broadcast %gt3A_875 : f32 to vector<400x64xf32>
    %gt3A_877 = arith.cmpf ogt, %add3A_874, %gt3A_876 : vector<400x64xf32>
    %min3A_878 = arith.constant 0.000000e+00 : f32
    %min3A_879 = vector.broadcast %min3A_878 : f32 to vector<400x64xf32>
    %min3A_880 = arith.minimumf %add3A_874, %min3A_879 : vector<400x64xf32>
    %exp3A_881 = math.exp %min3A_880 : vector<400x64xf32>
    %sub3A_882 = arith.constant 1.000000e+00 : f32
    %sub3A_883 = vector.broadcast %sub3A_882 : f32 to vector<400x64xf32>
    %sub3A_884 = arith.subf %exp3A_881, %sub3A_883 : vector<400x64xf32>
    %select_n3A_885 = arith.select %gt3A_877, %add3A_874, %sub3A_884 : vector<400x64xi1>, vector<400x64xf32>
    %get3A_886 = arith.constant 23 : index
    %get3A_887 = arith.constant 0 : index
    %get3A_888 = arith.constant 0 : index
    %get3A_889 = vector.load %arg1[%get3A_886, %get3A_887, %get3A_888] : memref<40x400x128xf32, #tpu.memory_space<vmem>>, vector<1x400x128xf32>
    %get3A_890 = vector.shape_cast %get3A_889 : vector<1x400x128xf32> to vector<400x128xf32>
    %slice3A_891 = vector.extract_strided_slice %get3A_890 {offsets = [0, 0], sizes = [400, 64], strides = [1, 1]} : vector<400x128xf32> to vector<400x64xf32>
    %slice3A_892 = vector.extract_strided_slice %get3A_890 {offsets = [0, 64], sizes = [400, 1], strides = [1, 1]} : vector<400x128xf32> to vector<400x1xf32>
    %add3A_893 = arith.constant 9.99999971E-10 : f32
    %add3A_894 = vector.broadcast %add3A_893 : f32 to vector<400x1xf32>
    %add3A_895 = arith.addf %slice3A_892, %add3A_894 : vector<400x1xf32>
    %div3A_896 = vector.broadcast %add3A_895 : vector<400x1xf32> to vector<400x64xf32>
    %div3A_897 = arith.divf %slice3A_891, %div3A_896 : vector<400x64xf32>
    %get3A_898 = arith.constant 2 : index
    %get3A_899 = arith.constant 448 : index
    %get3A_900 = vector.load %arg2[%get3A_898, %get3A_899] : memref<5x512xf32, #tpu.memory_space<vmem>>, vector<1x64xf32>
    %add3A_901 = vector.broadcast %get3A_900 : vector<1x64xf32> to vector<400x64xf32>
    %add3A_902 = arith.addf %div3A_897, %add3A_901 : vector<400x64xf32>
    %gt3A_903 = arith.constant 0.000000e+00 : f32
    %gt3A_904 = vector.broadcast %gt3A_903 : f32 to vector<400x64xf32>
    %gt3A_905 = arith.cmpf ogt, %add3A_902, %gt3A_904 : vector<400x64xf32>
    %min3A_906 = arith.constant 0.000000e+00 : f32
    %min3A_907 = vector.broadcast %min3A_906 : f32 to vector<400x64xf32>
    %min3A_908 = arith.minimumf %add3A_902, %min3A_907 : vector<400x64xf32>
    %exp3A_909 = math.exp %min3A_908 : vector<400x64xf32>
    %sub3A_910 = arith.constant 1.000000e+00 : f32
    %sub3A_911 = vector.broadcast %sub3A_910 : f32 to vector<400x64xf32>
    %sub3A_912 = arith.subf %exp3A_909, %sub3A_911 : vector<400x64xf32>
    %select_n3A_913 = arith.select %gt3A_905, %add3A_902, %sub3A_912 : vector<400x64xi1>, vector<400x64xf32>
    %broadcast_in_dim3A_914 = arith.constant 0.000000e+00 : f32
    %broadcast_in_dim3A_915 = vector.broadcast %broadcast_in_dim3A_914 : f32 to vector<400x512xf32>
    %swap3A_916 = arith.constant 1 : index
    %swap3A_917 = arith.constant 0 : index
    %swap3A_918 = arith.constant 0 : index
    %swap3A_919 = vector.load %arg7[%swap3A_916, %swap3A_917, %swap3A_918] : memref<4x400x512xf32, #tpu.memory_space<vmem>>, vector<1x400x64xf32>
    %swap3A_920 = vector.shape_cast %swap3A_919 : vector<1x400x64xf32> to vector<400x64xf32>
    %swap3A_921 = vector.shape_cast %select_n3A_717 : vector<400x64xf32> to vector<1x400x64xf32>
    tpu.vector_store %arg7[%swap3A_916, %swap3A_917, %swap3A_918], %swap3A_921 {strides = array<i32>} : memref<4x400x512xf32, #tpu.memory_space<vmem>>, vector<1x400x64xf32>,
    %get3A_922 = arith.constant 0 : index
    %get3A_923 = arith.constant 0 : index
    %get3A_924 = vector.load %arg3[%get3A_922, %get3A_923] : memref<512x512xf32, #tpu.memory_space<vmem>>, vector<64x512xf32>
    %dot_general3A_925 = arith.constant dense<0.000000e+00> : vector<400x512xf32>
    %dot_general3A_926 = tpu.matmul %select_n3A_717, %get3A_924, %dot_general3A_925 {dimension_numbers = #tpu.dot_dimension_numbers<[1], [0], [0], [1], [0, 0, 1, 1], [], []>, transpose_lhs_hint = false} : vector<400x64xf32>, vector<64x512xf32>, vector<400x512xf32> -> vector<400x512xf32>
    %add3A_927 = arith.addf %broadcast_in_dim3A_915, %dot_general3A_926 : vector<400x512xf32>
    %swap3A_928 = arith.constant 1 : index
    %swap3A_929 = arith.constant 0 : index
    %swap3A_930 = arith.constant 64 : index
    %swap3A_931 = vector.load %arg7[%swap3A_928, %swap3A_929, %swap3A_930] : memref<4x400x512xf32, #tpu.memory_space<vmem>>, vector<1x400x64xf32>
    %swap3A_932 = vector.shape_cast %swap3A_931 : vector<1x400x64xf32> to vector<400x64xf32>
    %swap3A_933 = vector.shape_cast %select_n3A_745 : vector<400x64xf32> to vector<1x400x64xf32>
    tpu.vector_store %arg7[%swap3A_928, %swap3A_929, %swap3A_930], %swap3A_933 {strides = array<i32>} : memref<4x400x512xf32, #tpu.memory_space<vmem>>, vector<1x400x64xf32>,
    %get3A_934 = arith.constant 64 : index
    %get3A_935 = arith.constant 0 : index
    %get3A_936 = vector.load %arg3[%get3A_934, %get3A_935] : memref<512x512xf32, #tpu.memory_space<vmem>>, vector<64x512xf32>
    %dot_general3A_937 = arith.constant dense<0.000000e+00> : vector<400x512xf32>
    %dot_general3A_938 = tpu.matmul %select_n3A_745, %get3A_936, %dot_general3A_937 {dimension_numbers = #tpu.dot_dimension_numbers<[1], [0], [0], [1], [0, 0, 1, 1], [], []>, transpose_lhs_hint = false} : vector<400x64xf32>, vector<64x512xf32>, vector<400x512xf32> -> vector<400x512xf32>
    %add3A_939 = arith.addf %add3A_927, %dot_general3A_938 : vector<400x512xf32>
    %swap3A_940 = arith.constant 1 : index
    %swap3A_941 = arith.constant 0 : index
    %swap3A_942 = arith.constant 128 : index
    %swap3A_943 = vector.load %arg7[%swap3A_940, %swap3A_941, %swap3A_942] : memref<4x400x512xf32, #tpu.memory_space<vmem>>, vector<1x400x64xf32>
    %swap3A_944 = vector.shape_cast %swap3A_943 : vector<1x400x64xf32> to vector<400x64xf32>
    %swap3A_945 = vector.shape_cast %select_n3A_773 : vector<400x64xf32> to vector<1x400x64xf32>
    tpu.vector_store %arg7[%swap3A_940, %swap3A_941, %swap3A_942], %swap3A_945 {strides = array<i32>} : memref<4x400x512xf32, #tpu.memory_space<vmem>>, vector<1x400x64xf32>,
    %get3A_946 = arith.constant 128 : index
    %get3A_947 = arith.constant 0 : index
    %get3A_948 = vector.load %arg3[%get3A_946, %get3A_947] : memref<512x512xf32, #tpu.memory_space<vmem>>, vector<64x512xf32>
    %dot_general3A_949 = arith.constant dense<0.000000e+00> : vector<400x512xf32>
    %dot_general3A_950 = tpu.matmul %select_n3A_773, %get3A_948, %dot_general3A_949 {dimension_numbers = #tpu.dot_dimension_numbers<[1], [0], [0], [1], [0, 0, 1, 1], [], []>, transpose_lhs_hint = false} : vector<400x64xf32>, vector<64x512xf32>, vector<400x512xf32> -> vector<400x512xf32>
    %add3A_951 = arith.addf %add3A_939, %dot_general3A_950 : vector<400x512xf32>
    %swap3A_952 = arith.constant 1 : index
    %swap3A_953 = arith.constant 0 : index
    %swap3A_954 = arith.constant 192 : index
    %swap3A_955 = vector.load %arg7[%swap3A_952, %swap3A_953, %swap3A_954] : memref<4x400x512xf32, #tpu.memory_space<vmem>>, vector<1x400x64xf32>
    %swap3A_956 = vector.shape_cast %swap3A_955 : vector<1x400x64xf32> to vector<400x64xf32>
    %swap3A_957 = vector.shape_cast %select_n3A_801 : vector<400x64xf32> to vector<1x400x64xf32>
    tpu.vector_store %arg7[%swap3A_952, %swap3A_953, %swap3A_954], %swap3A_957 {strides = array<i32>} : memref<4x400x512xf32, #tpu.memory_space<vmem>>, vector<1x400x64xf32>,
    %get3A_958 = arith.constant 192 : index
    %get3A_959 = arith.constant 0 : index
    %get3A_960 = vector.load %arg3[%get3A_958, %get3A_959] : memref<512x512xf32, #tpu.memory_space<vmem>>, vector<64x512xf32>
    %dot_general3A_961 = arith.constant dense<0.000000e+00> : vector<400x512xf32>
    %dot_general3A_962 = tpu.matmul %select_n3A_801, %get3A_960, %dot_general3A_961 {dimension_numbers = #tpu.dot_dimension_numbers<[1], [0], [0], [1], [0, 0, 1, 1], [], []>, transpose_lhs_hint = false} : vector<400x64xf32>, vector<64x512xf32>, vector<400x512xf32> -> vector<400x512xf32>
    %add3A_963 = arith.addf %add3A_951, %dot_general3A_962 : vector<400x512xf32>
    %swap3A_964 = arith.constant 1 : index
    %swap3A_965 = arith.constant 0 : index
    %swap3A_966 = arith.constant 256 : index
    %swap3A_967 = vector.load %arg7[%swap3A_964, %swap3A_965, %swap3A_966] : memref<4x400x512xf32, #tpu.memory_space<vmem>>, vector<1x400x64xf32>
    %swap3A_968 = vector.shape_cast %swap3A_967 : vector<1x400x64xf32> to vector<400x64xf32>
    %swap3A_969 = vector.shape_cast %select_n3A_829 : vector<400x64xf32> to vector<1x400x64xf32>
    tpu.vector_store %arg7[%swap3A_964, %swap3A_965, %swap3A_966], %swap3A_969 {strides = array<i32>} : memref<4x400x512xf32, #tpu.memory_space<vmem>>, vector<1x400x64xf32>,
    %get3A_970 = arith.constant 256 : index
    %get3A_971 = arith.constant 0 : index
    %get3A_972 = vector.load %arg3[%get3A_970, %get3A_971] : memref<512x512xf32, #tpu.memory_space<vmem>>, vector<64x512xf32>
    %dot_general3A_973 = arith.constant dense<0.000000e+00> : vector<400x512xf32>
    %dot_general3A_974 = tpu.matmul %select_n3A_829, %get3A_972, %dot_general3A_973 {dimension_numbers = #tpu.dot_dimension_numbers<[1], [0], [0], [1], [0, 0, 1, 1], [], []>, transpose_lhs_hint = false} : vector<400x64xf32>, vector<64x512xf32>, vector<400x512xf32> -> vector<400x512xf32>
    %add3A_975 = arith.addf %add3A_963, %dot_general3A_974 : vector<400x512xf32>
    %swap3A_976 = arith.constant 1 : index
    %swap3A_977 = arith.constant 0 : index
    %swap3A_978 = arith.constant 320 : index
    %swap3A_979 = vector.load %arg7[%swap3A_976, %swap3A_977, %swap3A_978] : memref<4x400x512xf32, #tpu.memory_space<vmem>>, vector<1x400x64xf32>
    %swap3A_980 = vector.shape_cast %swap3A_979 : vector<1x400x64xf32> to vector<400x64xf32>
    %swap3A_981 = vector.shape_cast %select_n3A_857 : vector<400x64xf32> to vector<1x400x64xf32>
    tpu.vector_store %arg7[%swap3A_976, %swap3A_977, %swap3A_978], %swap3A_981 {strides = array<i32>} : memref<4x400x512xf32, #tpu.memory_space<vmem>>, vector<1x400x64xf32>,
    %get3A_982 = arith.constant 320 : index
    %get3A_983 = arith.constant 0 : index
    %get3A_984 = vector.load %arg3[%get3A_982, %get3A_983] : memref<512x512xf32, #tpu.memory_space<vmem>>, vector<64x512xf32>
    %dot_general3A_985 = arith.constant dense<0.000000e+00> : vector<400x512xf32>
    %dot_general3A_986 = tpu.matmul %select_n3A_857, %get3A_984, %dot_general3A_985 {dimension_numbers = #tpu.dot_dimension_numbers<[1], [0], [0], [1], [0, 0, 1, 1], [], []>, transpose_lhs_hint = false} : vector<400x64xf32>, vector<64x512xf32>, vector<400x512xf32> -> vector<400x512xf32>
    %add3A_987 = arith.addf %add3A_975, %dot_general3A_986 : vector<400x512xf32>
    %swap3A_988 = arith.constant 1 : index
    %swap3A_989 = arith.constant 0 : index
    %swap3A_990 = arith.constant 384 : index
    %swap3A_991 = vector.load %arg7[%swap3A_988, %swap3A_989, %swap3A_990] : memref<4x400x512xf32, #tpu.memory_space<vmem>>, vector<1x400x64xf32>
    %swap3A_992 = vector.shape_cast %swap3A_991 : vector<1x400x64xf32> to vector<400x64xf32>
    %swap3A_993 = vector.shape_cast %select_n3A_885 : vector<400x64xf32> to vector<1x400x64xf32>
    tpu.vector_store %arg7[%swap3A_988, %swap3A_989, %swap3A_990], %swap3A_993 {strides = array<i32>} : memref<4x400x512xf32, #tpu.memory_space<vmem>>, vector<1x400x64xf32>,
    %get3A_994 = arith.constant 384 : index
    %get3A_995 = arith.constant 0 : index
    %get3A_996 = vector.load %arg3[%get3A_994, %get3A_995] : memref<512x512xf32, #tpu.memory_space<vmem>>, vector<64x512xf32>
    %dot_general3A_997 = arith.constant dense<0.000000e+00> : vector<400x512xf32>
    %dot_general3A_998 = tpu.matmul %select_n3A_885, %get3A_996, %dot_general3A_997 {dimension_numbers = #tpu.dot_dimension_numbers<[1], [0], [0], [1], [0, 0, 1, 1], [], []>, transpose_lhs_hint = false} : vector<400x64xf32>, vector<64x512xf32>, vector<400x512xf32> -> vector<400x512xf32>
    %add3A_999 = arith.addf %add3A_987, %dot_general3A_998 : vector<400x512xf32>
    %swap3A_1000 = arith.constant 1 : index
    %swap3A_1001 = arith.constant 0 : index
    %swap3A_1002 = arith.constant 448 : index
    %swap3A_1003 = vector.load %arg7[%swap3A_1000, %swap3A_1001, %swap3A_1002] : memref<4x400x512xf32, #tpu.memory_space<vmem>>, vector<1x400x64xf32>
    %swap3A_1004 = vector.shape_cast %swap3A_1003 : vector<1x400x64xf32> to vector<400x64xf32>
    %swap3A_1005 = vector.shape_cast %select_n3A_913 : vector<400x64xf32> to vector<1x400x64xf32>
    tpu.vector_store %arg7[%swap3A_1000, %swap3A_1001, %swap3A_1002], %swap3A_1005 {strides = array<i32>} : memref<4x400x512xf32, #tpu.memory_space<vmem>>, vector<1x400x64xf32>,
    %get3A_1006 = arith.constant 448 : index
    %get3A_1007 = arith.constant 0 : index
    %get3A_1008 = vector.load %arg3[%get3A_1006, %get3A_1007] : memref<512x512xf32, #tpu.memory_space<vmem>>, vector<64x512xf32>
    %dot_general3A_1009 = arith.constant dense<0.000000e+00> : vector<400x512xf32>
    %dot_general3A_1010 = tpu.matmul %select_n3A_913, %get3A_1008, %dot_general3A_1009 {dimension_numbers = #tpu.dot_dimension_numbers<[1], [0], [0], [1], [0, 0, 1, 1], [], []>, transpose_lhs_hint = false} : vector<400x64xf32>, vector<64x512xf32>, vector<400x512xf32> -> vector<400x512xf32>
    %add3A_1011 = arith.addf %add3A_999, %dot_general3A_1010 : vector<400x512xf32>
    %get3A_1012 = arith.constant 0 : index
    %get3A_1013 = arith.constant 0 : index
    %get3A_1014 = vector.load %arg4[%get3A_1012, %get3A_1013] : memref<1x512xf32, #tpu.memory_space<vmem>>, vector<1x512xf32>
    %add3A_1015 = vector.broadcast %get3A_1014 : vector<1x512xf32> to vector<400x512xf32>
    %add3A_1016 = arith.addf %add3A_1011, %add3A_1015 : vector<400x512xf32>
    %tanh3A_1017 = math.tanh %add3A_1016 : vector<400x512xf32>
    %get3A_1018 = arith.constant 0 : index
    %get3A_1019 = arith.constant 0 : index
    %get3A_1020 = vector.load %arg5[%get3A_1018, %get3A_1019] : memref<1x512xf32, #tpu.memory_space<vmem>>, vector<1x512xf32>
    %mul3A_1021 = vector.broadcast %get3A_1020 : vector<1x512xf32> to vector<400x512xf32>
    %mul3A_1022 = arith.mulf %tanh3A_1017, %mul3A_1021 : vector<400x512xf32>
    %reduce_sum3A_1023 = vector.shape_cast %mul3A_1022 : vector<400x512xf32> to vector<1x400x512xf32>
    %reduce_sum3A_1024 = arith.constant dense<0.000000e+00> : vector<1xf32>
    %reduce_sum3A_1025 = vector.multi_reduction <add>, %reduce_sum3A_1023, %reduce_sum3A_1024 [1, 2] : vector<1x400x512xf32> to vector<1xf32>
    %reduce_sum3A_1026 = vector.shape_cast %reduce_sum3A_1025 : vector<1xf32> to vector<1x1x1xf32>
    %reduce_sum3A_1027 = vector.extract %reduce_sum3A_1026[0, 0, 0] : f32 from vector<1x1x1xf32>
    %get3A_1028 = arith.constant 24 : index
    %get3A_1029 = arith.constant 0 : index
    %get3A_1030 = arith.constant 0 : index
    %get3A_1031 = vector.load %arg1[%get3A_1028, %get3A_1029, %get3A_1030] : memref<40x400x128xf32, #tpu.memory_space<vmem>>, vector<1x400x128xf32>
    %get3A_1032 = vector.shape_cast %get3A_1031 : vector<1x400x128xf32> to vector<400x128xf32>
    %slice3A_1033 = vector.extract_strided_slice %get3A_1032 {offsets = [0, 0], sizes = [400, 64], strides = [1, 1]} : vector<400x128xf32> to vector<400x64xf32>
    %slice3A_1034 = vector.extract_strided_slice %get3A_1032 {offsets = [0, 64], sizes = [400, 1], strides = [1, 1]} : vector<400x128xf32> to vector<400x1xf32>
    %add3A_1035 = arith.constant 9.99999971E-10 : f32
    %add3A_1036 = vector.broadcast %add3A_1035 : f32 to vector<400x1xf32>
    %add3A_1037 = arith.addf %slice3A_1034, %add3A_1036 : vector<400x1xf32>
    %div3A_1038 = vector.broadcast %add3A_1037 : vector<400x1xf32> to vector<400x64xf32>
    %div3A_1039 = arith.divf %slice3A_1033, %div3A_1038 : vector<400x64xf32>
    %get3A_1040 = arith.constant 3 : index
    %get3A_1041 = arith.constant 0 : index
    %get3A_1042 = vector.load %arg2[%get3A_1040, %get3A_1041] : memref<5x512xf32, #tpu.memory_space<vmem>>, vector<1x64xf32>
    %add3A_1043 = vector.broadcast %get3A_1042 : vector<1x64xf32> to vector<400x64xf32>
    %add3A_1044 = arith.addf %div3A_1039, %add3A_1043 : vector<400x64xf32>
    %gt3A_1045 = arith.constant 0.000000e+00 : f32
    %gt3A_1046 = vector.broadcast %gt3A_1045 : f32 to vector<400x64xf32>
    %gt3A_1047 = arith.cmpf ogt, %add3A_1044, %gt3A_1046 : vector<400x64xf32>
    %min3A_1048 = arith.constant 0.000000e+00 : f32
    %min3A_1049 = vector.broadcast %min3A_1048 : f32 to vector<400x64xf32>
    %min3A_1050 = arith.minimumf %add3A_1044, %min3A_1049 : vector<400x64xf32>
    %exp3A_1051 = math.exp %min3A_1050 : vector<400x64xf32>
    %sub3A_1052 = arith.constant 1.000000e+00 : f32
    %sub3A_1053 = vector.broadcast %sub3A_1052 : f32 to vector<400x64xf32>
    %sub3A_1054 = arith.subf %exp3A_1051, %sub3A_1053 : vector<400x64xf32>
    %select_n3A_1055 = arith.select %gt3A_1047, %add3A_1044, %sub3A_1054 : vector<400x64xi1>, vector<400x64xf32>
    %get3A_1056 = arith.constant 25 : index
    %get3A_1057 = arith.constant 0 : index
    %get3A_1058 = arith.constant 0 : index
    %get3A_1059 = vector.load %arg1[%get3A_1056, %get3A_1057, %get3A_1058] : memref<40x400x128xf32, #tpu.memory_space<vmem>>, vector<1x400x128xf32>
    %get3A_1060 = vector.shape_cast %get3A_1059 : vector<1x400x128xf32> to vector<400x128xf32>
    %slice3A_1061 = vector.extract_strided_slice %get3A_1060 {offsets = [0, 0], sizes = [400, 64], strides = [1, 1]} : vector<400x128xf32> to vector<400x64xf32>
    %slice3A_1062 = vector.extract_strided_slice %get3A_1060 {offsets = [0, 64], sizes = [400, 1], strides = [1, 1]} : vector<400x128xf32> to vector<400x1xf32>
    %add3A_1063 = arith.constant 9.99999971E-10 : f32
    %add3A_1064 = vector.broadcast %add3A_1063 : f32 to vector<400x1xf32>
    %add3A_1065 = arith.addf %slice3A_1062, %add3A_1064 : vector<400x1xf32>
    %div3A_1066 = vector.broadcast %add3A_1065 : vector<400x1xf32> to vector<400x64xf32>
    %div3A_1067 = arith.divf %slice3A_1061, %div3A_1066 : vector<400x64xf32>
    %get3A_1068 = arith.constant 3 : index
    %get3A_1069 = arith.constant 64 : index
    %get3A_1070 = vector.load %arg2[%get3A_1068, %get3A_1069] : memref<5x512xf32, #tpu.memory_space<vmem>>, vector<1x64xf32>
    %add3A_1071 = vector.broadcast %get3A_1070 : vector<1x64xf32> to vector<400x64xf32>
    %add3A_1072 = arith.addf %div3A_1067, %add3A_1071 : vector<400x64xf32>
    %gt3A_1073 = arith.constant 0.000000e+00 : f32
    %gt3A_1074 = vector.broadcast %gt3A_1073 : f32 to vector<400x64xf32>
    %gt3A_1075 = arith.cmpf ogt, %add3A_1072, %gt3A_1074 : vector<400x64xf32>
    %min3A_1076 = arith.constant 0.000000e+00 : f32
    %min3A_1077 = vector.broadcast %min3A_1076 : f32 to vector<400x64xf32>
    %min3A_1078 = arith.minimumf %add3A_1072, %min3A_1077 : vector<400x64xf32>
    %exp3A_1079 = math.exp %min3A_1078 : vector<400x64xf32>
    %sub3A_1080 = arith.constant 1.000000e+00 : f32
    %sub3A_1081 = vector.broadcast %sub3A_1080 : f32 to vector<400x64xf32>
    %sub3A_1082 = arith.subf %exp3A_1079, %sub3A_1081 : vector<400x64xf32>
    %select_n3A_1083 = arith.select %gt3A_1075, %add3A_1072, %sub3A_1082 : vector<400x64xi1>, vector<400x64xf32>
    %get3A_1084 = arith.constant 26 : index
    %get3A_1085 = arith.constant 0 : index
    %get3A_1086 = arith.constant 0 : index
    %get3A_1087 = vector.load %arg1[%get3A_1084, %get3A_1085, %get3A_1086] : memref<40x400x128xf32, #tpu.memory_space<vmem>>, vector<1x400x128xf32>
    %get3A_1088 = vector.shape_cast %get3A_1087 : vector<1x400x128xf32> to vector<400x128xf32>
    %slice3A_1089 = vector.extract_strided_slice %get3A_1088 {offsets = [0, 0], sizes = [400, 64], strides = [1, 1]} : vector<400x128xf32> to vector<400x64xf32>
    %slice3A_1090 = vector.extract_strided_slice %get3A_1088 {offsets = [0, 64], sizes = [400, 1], strides = [1, 1]} : vector<400x128xf32> to vector<400x1xf32>
    %add3A_1091 = arith.constant 9.99999971E-10 : f32
    %add3A_1092 = vector.broadcast %add3A_1091 : f32 to vector<400x1xf32>
    %add3A_1093 = arith.addf %slice3A_1090, %add3A_1092 : vector<400x1xf32>
    %div3A_1094 = vector.broadcast %add3A_1093 : vector<400x1xf32> to vector<400x64xf32>
    %div3A_1095 = arith.divf %slice3A_1089, %div3A_1094 : vector<400x64xf32>
    %get3A_1096 = arith.constant 3 : index
    %get3A_1097 = arith.constant 128 : index
    %get3A_1098 = vector.load %arg2[%get3A_1096, %get3A_1097] : memref<5x512xf32, #tpu.memory_space<vmem>>, vector<1x64xf32>
    %add3A_1099 = vector.broadcast %get3A_1098 : vector<1x64xf32> to vector<400x64xf32>
    %add3A_1100 = arith.addf %div3A_1095, %add3A_1099 : vector<400x64xf32>
    %gt3A_1101 = arith.constant 0.000000e+00 : f32
    %gt3A_1102 = vector.broadcast %gt3A_1101 : f32 to vector<400x64xf32>
    %gt3A_1103 = arith.cmpf ogt, %add3A_1100, %gt3A_1102 : vector<400x64xf32>
    %min3A_1104 = arith.constant 0.000000e+00 : f32
    %min3A_1105 = vector.broadcast %min3A_1104 : f32 to vector<400x64xf32>
    %min3A_1106 = arith.minimumf %add3A_1100, %min3A_1105 : vector<400x64xf32>
    %exp3A_1107 = math.exp %min3A_1106 : vector<400x64xf32>
    %sub3A_1108 = arith.constant 1.000000e+00 : f32
    %sub3A_1109 = vector.broadcast %sub3A_1108 : f32 to vector<400x64xf32>
    %sub3A_1110 = arith.subf %exp3A_1107, %sub3A_1109 : vector<400x64xf32>
    %select_n3A_1111 = arith.select %gt3A_1103, %add3A_1100, %sub3A_1110 : vector<400x64xi1>, vector<400x64xf32>
    %get3A_1112 = arith.constant 27 : index
    %get3A_1113 = arith.constant 0 : index
    %get3A_1114 = arith.constant 0 : index
    %get3A_1115 = vector.load %arg1[%get3A_1112, %get3A_1113, %get3A_1114] : memref<40x400x128xf32, #tpu.memory_space<vmem>>, vector<1x400x128xf32>
    %get3A_1116 = vector.shape_cast %get3A_1115 : vector<1x400x128xf32> to vector<400x128xf32>
    %slice3A_1117 = vector.extract_strided_slice %get3A_1116 {offsets = [0, 0], sizes = [400, 64], strides = [1, 1]} : vector<400x128xf32> to vector<400x64xf32>
    %slice3A_1118 = vector.extract_strided_slice %get3A_1116 {offsets = [0, 64], sizes = [400, 1], strides = [1, 1]} : vector<400x128xf32> to vector<400x1xf32>
    %add3A_1119 = arith.constant 9.99999971E-10 : f32
    %add3A_1120 = vector.broadcast %add3A_1119 : f32 to vector<400x1xf32>
    %add3A_1121 = arith.addf %slice3A_1118, %add3A_1120 : vector<400x1xf32>
    %div3A_1122 = vector.broadcast %add3A_1121 : vector<400x1xf32> to vector<400x64xf32>
    %div3A_1123 = arith.divf %slice3A_1117, %div3A_1122 : vector<400x64xf32>
    %get3A_1124 = arith.constant 3 : index
    %get3A_1125 = arith.constant 192 : index
    %get3A_1126 = vector.load %arg2[%get3A_1124, %get3A_1125] : memref<5x512xf32, #tpu.memory_space<vmem>>, vector<1x64xf32>
    %add3A_1127 = vector.broadcast %get3A_1126 : vector<1x64xf32> to vector<400x64xf32>
    %add3A_1128 = arith.addf %div3A_1123, %add3A_1127 : vector<400x64xf32>
    %gt3A_1129 = arith.constant 0.000000e+00 : f32
    %gt3A_1130 = vector.broadcast %gt3A_1129 : f32 to vector<400x64xf32>
    %gt3A_1131 = arith.cmpf ogt, %add3A_1128, %gt3A_1130 : vector<400x64xf32>
    %min3A_1132 = arith.constant 0.000000e+00 : f32
    %min3A_1133 = vector.broadcast %min3A_1132 : f32 to vector<400x64xf32>
    %min3A_1134 = arith.minimumf %add3A_1128, %min3A_1133 : vector<400x64xf32>
    %exp3A_1135 = math.exp %min3A_1134 : vector<400x64xf32>
    %sub3A_1136 = arith.constant 1.000000e+00 : f32
    %sub3A_1137 = vector.broadcast %sub3A_1136 : f32 to vector<400x64xf32>
    %sub3A_1138 = arith.subf %exp3A_1135, %sub3A_1137 : vector<400x64xf32>
    %select_n3A_1139 = arith.select %gt3A_1131, %add3A_1128, %sub3A_1138 : vector<400x64xi1>, vector<400x64xf32>
    %get3A_1140 = arith.constant 28 : index
    %get3A_1141 = arith.constant 0 : index
    %get3A_1142 = arith.constant 0 : index
    %get3A_1143 = vector.load %arg1[%get3A_1140, %get3A_1141, %get3A_1142] : memref<40x400x128xf32, #tpu.memory_space<vmem>>, vector<1x400x128xf32>
    %get3A_1144 = vector.shape_cast %get3A_1143 : vector<1x400x128xf32> to vector<400x128xf32>
    %slice3A_1145 = vector.extract_strided_slice %get3A_1144 {offsets = [0, 0], sizes = [400, 64], strides = [1, 1]} : vector<400x128xf32> to vector<400x64xf32>
    %slice3A_1146 = vector.extract_strided_slice %get3A_1144 {offsets = [0, 64], sizes = [400, 1], strides = [1, 1]} : vector<400x128xf32> to vector<400x1xf32>
    %add3A_1147 = arith.constant 9.99999971E-10 : f32
    %add3A_1148 = vector.broadcast %add3A_1147 : f32 to vector<400x1xf32>
    %add3A_1149 = arith.addf %slice3A_1146, %add3A_1148 : vector<400x1xf32>
    %div3A_1150 = vector.broadcast %add3A_1149 : vector<400x1xf32> to vector<400x64xf32>
    %div3A_1151 = arith.divf %slice3A_1145, %div3A_1150 : vector<400x64xf32>
    %get3A_1152 = arith.constant 3 : index
    %get3A_1153 = arith.constant 256 : index
    %get3A_1154 = vector.load %arg2[%get3A_1152, %get3A_1153] : memref<5x512xf32, #tpu.memory_space<vmem>>, vector<1x64xf32>
    %add3A_1155 = vector.broadcast %get3A_1154 : vector<1x64xf32> to vector<400x64xf32>
    %add3A_1156 = arith.addf %div3A_1151, %add3A_1155 : vector<400x64xf32>
    %gt3A_1157 = arith.constant 0.000000e+00 : f32
    %gt3A_1158 = vector.broadcast %gt3A_1157 : f32 to vector<400x64xf32>
    %gt3A_1159 = arith.cmpf ogt, %add3A_1156, %gt3A_1158 : vector<400x64xf32>
    %min3A_1160 = arith.constant 0.000000e+00 : f32
    %min3A_1161 = vector.broadcast %min3A_1160 : f32 to vector<400x64xf32>
    %min3A_1162 = arith.minimumf %add3A_1156, %min3A_1161 : vector<400x64xf32>
    %exp3A_1163 = math.exp %min3A_1162 : vector<400x64xf32>
    %sub3A_1164 = arith.constant 1.000000e+00 : f32
    %sub3A_1165 = vector.broadcast %sub3A_1164 : f32 to vector<400x64xf32>
    %sub3A_1166 = arith.subf %exp3A_1163, %sub3A_1165 : vector<400x64xf32>
    %select_n3A_1167 = arith.select %gt3A_1159, %add3A_1156, %sub3A_1166 : vector<400x64xi1>, vector<400x64xf32>
    %get3A_1168 = arith.constant 29 : index
    %get3A_1169 = arith.constant 0 : index
    %get3A_1170 = arith.constant 0 : index
    %get3A_1171 = vector.load %arg1[%get3A_1168, %get3A_1169, %get3A_1170] : memref<40x400x128xf32, #tpu.memory_space<vmem>>, vector<1x400x128xf32>
    %get3A_1172 = vector.shape_cast %get3A_1171 : vector<1x400x128xf32> to vector<400x128xf32>
    %slice3A_1173 = vector.extract_strided_slice %get3A_1172 {offsets = [0, 0], sizes = [400, 64], strides = [1, 1]} : vector<400x128xf32> to vector<400x64xf32>
    %slice3A_1174 = vector.extract_strided_slice %get3A_1172 {offsets = [0, 64], sizes = [400, 1], strides = [1, 1]} : vector<400x128xf32> to vector<400x1xf32>
    %add3A_1175 = arith.constant 9.99999971E-10 : f32
    %add3A_1176 = vector.broadcast %add3A_1175 : f32 to vector<400x1xf32>
    %add3A_1177 = arith.addf %slice3A_1174, %add3A_1176 : vector<400x1xf32>
    %div3A_1178 = vector.broadcast %add3A_1177 : vector<400x1xf32> to vector<400x64xf32>
    %div3A_1179 = arith.divf %slice3A_1173, %div3A_1178 : vector<400x64xf32>
    %get3A_1180 = arith.constant 3 : index
    %get3A_1181 = arith.constant 320 : index
    %get3A_1182 = vector.load %arg2[%get3A_1180, %get3A_1181] : memref<5x512xf32, #tpu.memory_space<vmem>>, vector<1x64xf32>
    %add3A_1183 = vector.broadcast %get3A_1182 : vector<1x64xf32> to vector<400x64xf32>
    %add3A_1184 = arith.addf %div3A_1179, %add3A_1183 : vector<400x64xf32>
    %gt3A_1185 = arith.constant 0.000000e+00 : f32
    %gt3A_1186 = vector.broadcast %gt3A_1185 : f32 to vector<400x64xf32>
    %gt3A_1187 = arith.cmpf ogt, %add3A_1184, %gt3A_1186 : vector<400x64xf32>
    %min3A_1188 = arith.constant 0.000000e+00 : f32
    %min3A_1189 = vector.broadcast %min3A_1188 : f32 to vector<400x64xf32>
    %min3A_1190 = arith.minimumf %add3A_1184, %min3A_1189 : vector<400x64xf32>
    %exp3A_1191 = math.exp %min3A_1190 : vector<400x64xf32>
    %sub3A_1192 = arith.constant 1.000000e+00 : f32
    %sub3A_1193 = vector.broadcast %sub3A_1192 : f32 to vector<400x64xf32>
    %sub3A_1194 = arith.subf %exp3A_1191, %sub3A_1193 : vector<400x64xf32>
    %select_n3A_1195 = arith.select %gt3A_1187, %add3A_1184, %sub3A_1194 : vector<400x64xi1>, vector<400x64xf32>
    %get3A_1196 = arith.constant 30 : index
    %get3A_1197 = arith.constant 0 : index
    %get3A_1198 = arith.constant 0 : index
    %get3A_1199 = vector.load %arg1[%get3A_1196, %get3A_1197, %get3A_1198] : memref<40x400x128xf32, #tpu.memory_space<vmem>>, vector<1x400x128xf32>
    %get3A_1200 = vector.shape_cast %get3A_1199 : vector<1x400x128xf32> to vector<400x128xf32>
    %slice3A_1201 = vector.extract_strided_slice %get3A_1200 {offsets = [0, 0], sizes = [400, 64], strides = [1, 1]} : vector<400x128xf32> to vector<400x64xf32>
    %slice3A_1202 = vector.extract_strided_slice %get3A_1200 {offsets = [0, 64], sizes = [400, 1], strides = [1, 1]} : vector<400x128xf32> to vector<400x1xf32>
    %add3A_1203 = arith.constant 9.99999971E-10 : f32
    %add3A_1204 = vector.broadcast %add3A_1203 : f32 to vector<400x1xf32>
    %add3A_1205 = arith.addf %slice3A_1202, %add3A_1204 : vector<400x1xf32>
    %div3A_1206 = vector.broadcast %add3A_1205 : vector<400x1xf32> to vector<400x64xf32>
    %div3A_1207 = arith.divf %slice3A_1201, %div3A_1206 : vector<400x64xf32>
    %get3A_1208 = arith.constant 3 : index
    %get3A_1209 = arith.constant 384 : index
    %get3A_1210 = vector.load %arg2[%get3A_1208, %get3A_1209] : memref<5x512xf32, #tpu.memory_space<vmem>>, vector<1x64xf32>
    %add3A_1211 = vector.broadcast %get3A_1210 : vector<1x64xf32> to vector<400x64xf32>
    %add3A_1212 = arith.addf %div3A_1207, %add3A_1211 : vector<400x64xf32>
    %gt3A_1213 = arith.constant 0.000000e+00 : f32
    %gt3A_1214 = vector.broadcast %gt3A_1213 : f32 to vector<400x64xf32>
    %gt3A_1215 = arith.cmpf ogt, %add3A_1212, %gt3A_1214 : vector<400x64xf32>
    %min3A_1216 = arith.constant 0.000000e+00 : f32
    %min3A_1217 = vector.broadcast %min3A_1216 : f32 to vector<400x64xf32>
    %min3A_1218 = arith.minimumf %add3A_1212, %min3A_1217 : vector<400x64xf32>
    %exp3A_1219 = math.exp %min3A_1218 : vector<400x64xf32>
    %sub3A_1220 = arith.constant 1.000000e+00 : f32
    %sub3A_1221 = vector.broadcast %sub3A_1220 : f32 to vector<400x64xf32>
    %sub3A_1222 = arith.subf %exp3A_1219, %sub3A_1221 : vector<400x64xf32>
    %select_n3A_1223 = arith.select %gt3A_1215, %add3A_1212, %sub3A_1222 : vector<400x64xi1>, vector<400x64xf32>
    %get3A_1224 = arith.constant 31 : index
    %get3A_1225 = arith.constant 0 : index
    %get3A_1226 = arith.constant 0 : index
    %get3A_1227 = vector.load %arg1[%get3A_1224, %get3A_1225, %get3A_1226] : memref<40x400x128xf32, #tpu.memory_space<vmem>>, vector<1x400x128xf32>
    %get3A_1228 = vector.shape_cast %get3A_1227 : vector<1x400x128xf32> to vector<400x128xf32>
    %slice3A_1229 = vector.extract_strided_slice %get3A_1228 {offsets = [0, 0], sizes = [400, 64], strides = [1, 1]} : vector<400x128xf32> to vector<400x64xf32>
    %slice3A_1230 = vector.extract_strided_slice %get3A_1228 {offsets = [0, 64], sizes = [400, 1], strides = [1, 1]} : vector<400x128xf32> to vector<400x1xf32>
    %add3A_1231 = arith.constant 9.99999971E-10 : f32
    %add3A_1232 = vector.broadcast %add3A_1231 : f32 to vector<400x1xf32>
    %add3A_1233 = arith.addf %slice3A_1230, %add3A_1232 : vector<400x1xf32>
    %div3A_1234 = vector.broadcast %add3A_1233 : vector<400x1xf32> to vector<400x64xf32>
    %div3A_1235 = arith.divf %slice3A_1229, %div3A_1234 : vector<400x64xf32>
    %get3A_1236 = arith.constant 3 : index
    %get3A_1237 = arith.constant 448 : index
    %get3A_1238 = vector.load %arg2[%get3A_1236, %get3A_1237] : memref<5x512xf32, #tpu.memory_space<vmem>>, vector<1x64xf32>
    %add3A_1239 = vector.broadcast %get3A_1238 : vector<1x64xf32> to vector<400x64xf32>
    %add3A_1240 = arith.addf %div3A_1235, %add3A_1239 : vector<400x64xf32>
    %gt3A_1241 = arith.constant 0.000000e+00 : f32
    %gt3A_1242 = vector.broadcast %gt3A_1241 : f32 to vector<400x64xf32>
    %gt3A_1243 = arith.cmpf ogt, %add3A_1240, %gt3A_1242 : vector<400x64xf32>
    %min3A_1244 = arith.constant 0.000000e+00 : f32
    %min3A_1245 = vector.broadcast %min3A_1244 : f32 to vector<400x64xf32>
    %min3A_1246 = arith.minimumf %add3A_1240, %min3A_1245 : vector<400x64xf32>
    %exp3A_1247 = math.exp %min3A_1246 : vector<400x64xf32>
    %sub3A_1248 = arith.constant 1.000000e+00 : f32
    %sub3A_1249 = vector.broadcast %sub3A_1248 : f32 to vector<400x64xf32>
    %sub3A_1250 = arith.subf %exp3A_1247, %sub3A_1249 : vector<400x64xf32>
    %select_n3A_1251 = arith.select %gt3A_1243, %add3A_1240, %sub3A_1250 : vector<400x64xi1>, vector<400x64xf32>
    %broadcast_in_dim3A_1252 = arith.constant 0.000000e+00 : f32
    %broadcast_in_dim3A_1253 = vector.broadcast %broadcast_in_dim3A_1252 : f32 to vector<400x512xf32>
    %swap3A_1254 = arith.constant 2 : index
    %swap3A_1255 = arith.constant 0 : index
    %swap3A_1256 = arith.constant 0 : index
    %swap3A_1257 = vector.load %arg7[%swap3A_1254, %swap3A_1255, %swap3A_1256] : memref<4x400x512xf32, #tpu.memory_space<vmem>>, vector<1x400x64xf32>
    %swap3A_1258 = vector.shape_cast %swap3A_1257 : vector<1x400x64xf32> to vector<400x64xf32>
    %swap3A_1259 = vector.shape_cast %select_n3A_1055 : vector<400x64xf32> to vector<1x400x64xf32>
    tpu.vector_store %arg7[%swap3A_1254, %swap3A_1255, %swap3A_1256], %swap3A_1259 {strides = array<i32>} : memref<4x400x512xf32, #tpu.memory_space<vmem>>, vector<1x400x64xf32>,
    %get3A_1260 = arith.constant 0 : index
    %get3A_1261 = arith.constant 0 : index
    %get3A_1262 = vector.load %arg3[%get3A_1260, %get3A_1261] : memref<512x512xf32, #tpu.memory_space<vmem>>, vector<64x512xf32>
    %dot_general3A_1263 = arith.constant dense<0.000000e+00> : vector<400x512xf32>
    %dot_general3A_1264 = tpu.matmul %select_n3A_1055, %get3A_1262, %dot_general3A_1263 {dimension_numbers = #tpu.dot_dimension_numbers<[1], [0], [0], [1], [0, 0, 1, 1], [], []>, transpose_lhs_hint = false} : vector<400x64xf32>, vector<64x512xf32>, vector<400x512xf32> -> vector<400x512xf32>
    %add3A_1265 = arith.addf %broadcast_in_dim3A_1253, %dot_general3A_1264 : vector<400x512xf32>
    %swap3A_1266 = arith.constant 2 : index
    %swap3A_1267 = arith.constant 0 : index
    %swap3A_1268 = arith.constant 64 : index
    %swap3A_1269 = vector.load %arg7[%swap3A_1266, %swap3A_1267, %swap3A_1268] : memref<4x400x512xf32, #tpu.memory_space<vmem>>, vector<1x400x64xf32>
    %swap3A_1270 = vector.shape_cast %swap3A_1269 : vector<1x400x64xf32> to vector<400x64xf32>
    %swap3A_1271 = vector.shape_cast %select_n3A_1083 : vector<400x64xf32> to vector<1x400x64xf32>
    tpu.vector_store %arg7[%swap3A_1266, %swap3A_1267, %swap3A_1268], %swap3A_1271 {strides = array<i32>} : memref<4x400x512xf32, #tpu.memory_space<vmem>>, vector<1x400x64xf32>,
    %get3A_1272 = arith.constant 64 : index
    %get3A_1273 = arith.constant 0 : index
    %get3A_1274 = vector.load %arg3[%get3A_1272, %get3A_1273] : memref<512x512xf32, #tpu.memory_space<vmem>>, vector<64x512xf32>
    %dot_general3A_1275 = arith.constant dense<0.000000e+00> : vector<400x512xf32>
    %dot_general3A_1276 = tpu.matmul %select_n3A_1083, %get3A_1274, %dot_general3A_1275 {dimension_numbers = #tpu.dot_dimension_numbers<[1], [0], [0], [1], [0, 0, 1, 1], [], []>, transpose_lhs_hint = false} : vector<400x64xf32>, vector<64x512xf32>, vector<400x512xf32> -> vector<400x512xf32>
    %add3A_1277 = arith.addf %add3A_1265, %dot_general3A_1276 : vector<400x512xf32>
    %swap3A_1278 = arith.constant 2 : index
    %swap3A_1279 = arith.constant 0 : index
    %swap3A_1280 = arith.constant 128 : index
    %swap3A_1281 = vector.load %arg7[%swap3A_1278, %swap3A_1279, %swap3A_1280] : memref<4x400x512xf32, #tpu.memory_space<vmem>>, vector<1x400x64xf32>
    %swap3A_1282 = vector.shape_cast %swap3A_1281 : vector<1x400x64xf32> to vector<400x64xf32>
    %swap3A_1283 = vector.shape_cast %select_n3A_1111 : vector<400x64xf32> to vector<1x400x64xf32>
    tpu.vector_store %arg7[%swap3A_1278, %swap3A_1279, %swap3A_1280], %swap3A_1283 {strides = array<i32>} : memref<4x400x512xf32, #tpu.memory_space<vmem>>, vector<1x400x64xf32>,
    %get3A_1284 = arith.constant 128 : index
    %get3A_1285 = arith.constant 0 : index
    %get3A_1286 = vector.load %arg3[%get3A_1284, %get3A_1285] : memref<512x512xf32, #tpu.memory_space<vmem>>, vector<64x512xf32>
    %dot_general3A_1287 = arith.constant dense<0.000000e+00> : vector<400x512xf32>
    %dot_general3A_1288 = tpu.matmul %select_n3A_1111, %get3A_1286, %dot_general3A_1287 {dimension_numbers = #tpu.dot_dimension_numbers<[1], [0], [0], [1], [0, 0, 1, 1], [], []>, transpose_lhs_hint = false} : vector<400x64xf32>, vector<64x512xf32>, vector<400x512xf32> -> vector<400x512xf32>
    %add3A_1289 = arith.addf %add3A_1277, %dot_general3A_1288 : vector<400x512xf32>
    %swap3A_1290 = arith.constant 2 : index
    %swap3A_1291 = arith.constant 0 : index
    %swap3A_1292 = arith.constant 192 : index
    %swap3A_1293 = vector.load %arg7[%swap3A_1290, %swap3A_1291, %swap3A_1292] : memref<4x400x512xf32, #tpu.memory_space<vmem>>, vector<1x400x64xf32>
    %swap3A_1294 = vector.shape_cast %swap3A_1293 : vector<1x400x64xf32> to vector<400x64xf32>
    %swap3A_1295 = vector.shape_cast %select_n3A_1139 : vector<400x64xf32> to vector<1x400x64xf32>
    tpu.vector_store %arg7[%swap3A_1290, %swap3A_1291, %swap3A_1292], %swap3A_1295 {strides = array<i32>} : memref<4x400x512xf32, #tpu.memory_space<vmem>>, vector<1x400x64xf32>,
    %get3A_1296 = arith.constant 192 : index
    %get3A_1297 = arith.constant 0 : index
    %get3A_1298 = vector.load %arg3[%get3A_1296, %get3A_1297] : memref<512x512xf32, #tpu.memory_space<vmem>>, vector<64x512xf32>
    %dot_general3A_1299 = arith.constant dense<0.000000e+00> : vector<400x512xf32>
    %dot_general3A_1300 = tpu.matmul %select_n3A_1139, %get3A_1298, %dot_general3A_1299 {dimension_numbers = #tpu.dot_dimension_numbers<[1], [0], [0], [1], [0, 0, 1, 1], [], []>, transpose_lhs_hint = false} : vector<400x64xf32>, vector<64x512xf32>, vector<400x512xf32> -> vector<400x512xf32>
    %add3A_1301 = arith.addf %add3A_1289, %dot_general3A_1300 : vector<400x512xf32>
    %swap3A_1302 = arith.constant 2 : index
    %swap3A_1303 = arith.constant 0 : index
    %swap3A_1304 = arith.constant 256 : index
    %swap3A_1305 = vector.load %arg7[%swap3A_1302, %swap3A_1303, %swap3A_1304] : memref<4x400x512xf32, #tpu.memory_space<vmem>>, vector<1x400x64xf32>
    %swap3A_1306 = vector.shape_cast %swap3A_1305 : vector<1x400x64xf32> to vector<400x64xf32>
    %swap3A_1307 = vector.shape_cast %select_n3A_1167 : vector<400x64xf32> to vector<1x400x64xf32>
    tpu.vector_store %arg7[%swap3A_1302, %swap3A_1303, %swap3A_1304], %swap3A_1307 {strides = array<i32>} : memref<4x400x512xf32, #tpu.memory_space<vmem>>, vector<1x400x64xf32>,
    %get3A_1308 = arith.constant 256 : index
    %get3A_1309 = arith.constant 0 : index
    %get3A_1310 = vector.load %arg3[%get3A_1308, %get3A_1309] : memref<512x512xf32, #tpu.memory_space<vmem>>, vector<64x512xf32>
    %dot_general3A_1311 = arith.constant dense<0.000000e+00> : vector<400x512xf32>
    %dot_general3A_1312 = tpu.matmul %select_n3A_1167, %get3A_1310, %dot_general3A_1311 {dimension_numbers = #tpu.dot_dimension_numbers<[1], [0], [0], [1], [0, 0, 1, 1], [], []>, transpose_lhs_hint = false} : vector<400x64xf32>, vector<64x512xf32>, vector<400x512xf32> -> vector<400x512xf32>
    %add3A_1313 = arith.addf %add3A_1301, %dot_general3A_1312 : vector<400x512xf32>
    %swap3A_1314 = arith.constant 2 : index
    %swap3A_1315 = arith.constant 0 : index
    %swap3A_1316 = arith.constant 320 : index
    %swap3A_1317 = vector.load %arg7[%swap3A_1314, %swap3A_1315, %swap3A_1316] : memref<4x400x512xf32, #tpu.memory_space<vmem>>, vector<1x400x64xf32>
    %swap3A_1318 = vector.shape_cast %swap3A_1317 : vector<1x400x64xf32> to vector<400x64xf32>
    %swap3A_1319 = vector.shape_cast %select_n3A_1195 : vector<400x64xf32> to vector<1x400x64xf32>
    tpu.vector_store %arg7[%swap3A_1314, %swap3A_1315, %swap3A_1316], %swap3A_1319 {strides = array<i32>} : memref<4x400x512xf32, #tpu.memory_space<vmem>>, vector<1x400x64xf32>,
    %get3A_1320 = arith.constant 320 : index
    %get3A_1321 = arith.constant 0 : index
    %get3A_1322 = vector.load %arg3[%get3A_1320, %get3A_1321] : memref<512x512xf32, #tpu.memory_space<vmem>>, vector<64x512xf32>
    %dot_general3A_1323 = arith.constant dense<0.000000e+00> : vector<400x512xf32>
    %dot_general3A_1324 = tpu.matmul %select_n3A_1195, %get3A_1322, %dot_general3A_1323 {dimension_numbers = #tpu.dot_dimension_numbers<[1], [0], [0], [1], [0, 0, 1, 1], [], []>, transpose_lhs_hint = false} : vector<400x64xf32>, vector<64x512xf32>, vector<400x512xf32> -> vector<400x512xf32>
    %add3A_1325 = arith.addf %add3A_1313, %dot_general3A_1324 : vector<400x512xf32>
    %swap3A_1326 = arith.constant 2 : index
    %swap3A_1327 = arith.constant 0 : index
    %swap3A_1328 = arith.constant 384 : index
    %swap3A_1329 = vector.load %arg7[%swap3A_1326, %swap3A_1327, %swap3A_1328] : memref<4x400x512xf32, #tpu.memory_space<vmem>>, vector<1x400x64xf32>
    %swap3A_1330 = vector.shape_cast %swap3A_1329 : vector<1x400x64xf32> to vector<400x64xf32>
    %swap3A_1331 = vector.shape_cast %select_n3A_1223 : vector<400x64xf32> to vector<1x400x64xf32>
    tpu.vector_store %arg7[%swap3A_1326, %swap3A_1327, %swap3A_1328], %swap3A_1331 {strides = array<i32>} : memref<4x400x512xf32, #tpu.memory_space<vmem>>, vector<1x400x64xf32>,
    %get3A_1332 = arith.constant 384 : index
    %get3A_1333 = arith.constant 0 : index
    %get3A_1334 = vector.load %arg3[%get3A_1332, %get3A_1333] : memref<512x512xf32, #tpu.memory_space<vmem>>, vector<64x512xf32>
    %dot_general3A_1335 = arith.constant dense<0.000000e+00> : vector<400x512xf32>
    %dot_general3A_1336 = tpu.matmul %select_n3A_1223, %get3A_1334, %dot_general3A_1335 {dimension_numbers = #tpu.dot_dimension_numbers<[1], [0], [0], [1], [0, 0, 1, 1], [], []>, transpose_lhs_hint = false} : vector<400x64xf32>, vector<64x512xf32>, vector<400x512xf32> -> vector<400x512xf32>
    %add3A_1337 = arith.addf %add3A_1325, %dot_general3A_1336 : vector<400x512xf32>
    %swap3A_1338 = arith.constant 2 : index
    %swap3A_1339 = arith.constant 0 : index
    %swap3A_1340 = arith.constant 448 : index
    %swap3A_1341 = vector.load %arg7[%swap3A_1338, %swap3A_1339, %swap3A_1340] : memref<4x400x512xf32, #tpu.memory_space<vmem>>, vector<1x400x64xf32>
    %swap3A_1342 = vector.shape_cast %swap3A_1341 : vector<1x400x64xf32> to vector<400x64xf32>
    %swap3A_1343 = vector.shape_cast %select_n3A_1251 : vector<400x64xf32> to vector<1x400x64xf32>
    tpu.vector_store %arg7[%swap3A_1338, %swap3A_1339, %swap3A_1340], %swap3A_1343 {strides = array<i32>} : memref<4x400x512xf32, #tpu.memory_space<vmem>>, vector<1x400x64xf32>,
    %get3A_1344 = arith.constant 448 : index
    %get3A_1345 = arith.constant 0 : index
    %get3A_1346 = vector.load %arg3[%get3A_1344, %get3A_1345] : memref<512x512xf32, #tpu.memory_space<vmem>>, vector<64x512xf32>
    %dot_general3A_1347 = arith.constant dense<0.000000e+00> : vector<400x512xf32>
    %dot_general3A_1348 = tpu.matmul %select_n3A_1251, %get3A_1346, %dot_general3A_1347 {dimension_numbers = #tpu.dot_dimension_numbers<[1], [0], [0], [1], [0, 0, 1, 1], [], []>, transpose_lhs_hint = false} : vector<400x64xf32>, vector<64x512xf32>, vector<400x512xf32> -> vector<400x512xf32>
    %add3A_1349 = arith.addf %add3A_1337, %dot_general3A_1348 : vector<400x512xf32>
    %get3A_1350 = arith.constant 0 : index
    %get3A_1351 = arith.constant 0 : index
    %get3A_1352 = vector.load %arg4[%get3A_1350, %get3A_1351] : memref<1x512xf32, #tpu.memory_space<vmem>>, vector<1x512xf32>
    %add3A_1353 = vector.broadcast %get3A_1352 : vector<1x512xf32> to vector<400x512xf32>
    %add3A_1354 = arith.addf %add3A_1349, %add3A_1353 : vector<400x512xf32>
    %tanh3A_1355 = math.tanh %add3A_1354 : vector<400x512xf32>
    %get3A_1356 = arith.constant 0 : index
    %get3A_1357 = arith.constant 0 : index
    %get3A_1358 = vector.load %arg5[%get3A_1356, %get3A_1357] : memref<1x512xf32, #tpu.memory_space<vmem>>, vector<1x512xf32>
    %mul3A_1359 = vector.broadcast %get3A_1358 : vector<1x512xf32> to vector<400x512xf32>
    %mul3A_1360 = arith.mulf %tanh3A_1355, %mul3A_1359 : vector<400x512xf32>
    %reduce_sum3A_1361 = vector.shape_cast %mul3A_1360 : vector<400x512xf32> to vector<1x400x512xf32>
    %reduce_sum3A_1362 = arith.constant dense<0.000000e+00> : vector<1xf32>
    %reduce_sum3A_1363 = vector.multi_reduction <add>, %reduce_sum3A_1361, %reduce_sum3A_1362 [1, 2] : vector<1x400x512xf32> to vector<1xf32>
    %reduce_sum3A_1364 = vector.shape_cast %reduce_sum3A_1363 : vector<1xf32> to vector<1x1x1xf32>
    %reduce_sum3A_1365 = vector.extract %reduce_sum3A_1364[0, 0, 0] : f32 from vector<1x1x1xf32>
    %get3A_1366 = arith.constant 32 : index
    %get3A_1367 = arith.constant 0 : index
    %get3A_1368 = arith.constant 0 : index
    %get3A_1369 = vector.load %arg1[%get3A_1366, %get3A_1367, %get3A_1368] : memref<40x400x128xf32, #tpu.memory_space<vmem>>, vector<1x400x128xf32>
    %get3A_1370 = vector.shape_cast %get3A_1369 : vector<1x400x128xf32> to vector<400x128xf32>
    %slice3A_1371 = vector.extract_strided_slice %get3A_1370 {offsets = [0, 0], sizes = [400, 64], strides = [1, 1]} : vector<400x128xf32> to vector<400x64xf32>
    %slice3A_1372 = vector.extract_strided_slice %get3A_1370 {offsets = [0, 64], sizes = [400, 1], strides = [1, 1]} : vector<400x128xf32> to vector<400x1xf32>
    %add3A_1373 = arith.constant 9.99999971E-10 : f32
    %add3A_1374 = vector.broadcast %add3A_1373 : f32 to vector<400x1xf32>
    %add3A_1375 = arith.addf %slice3A_1372, %add3A_1374 : vector<400x1xf32>
    %div3A_1376 = vector.broadcast %add3A_1375 : vector<400x1xf32> to vector<400x64xf32>
    %div3A_1377 = arith.divf %slice3A_1371, %div3A_1376 : vector<400x64xf32>
    %get3A_1378 = arith.constant 4 : index
    %get3A_1379 = arith.constant 0 : index
    %get3A_1380 = vector.load %arg2[%get3A_1378, %get3A_1379] : memref<5x512xf32, #tpu.memory_space<vmem>>, vector<1x64xf32>
    %add3A_1381 = vector.broadcast %get3A_1380 : vector<1x64xf32> to vector<400x64xf32>
    %add3A_1382 = arith.addf %div3A_1377, %add3A_1381 : vector<400x64xf32>
    %gt3A_1383 = arith.constant 0.000000e+00 : f32
    %gt3A_1384 = vector.broadcast %gt3A_1383 : f32 to vector<400x64xf32>
    %gt3A_1385 = arith.cmpf ogt, %add3A_1382, %gt3A_1384 : vector<400x64xf32>
    %min3A_1386 = arith.constant 0.000000e+00 : f32
    %min3A_1387 = vector.broadcast %min3A_1386 : f32 to vector<400x64xf32>
    %min3A_1388 = arith.minimumf %add3A_1382, %min3A_1387 : vector<400x64xf32>
    %exp3A_1389 = math.exp %min3A_1388 : vector<400x64xf32>
    %sub3A_1390 = arith.constant 1.000000e+00 : f32
    %sub3A_1391 = vector.broadcast %sub3A_1390 : f32 to vector<400x64xf32>
    %sub3A_1392 = arith.subf %exp3A_1389, %sub3A_1391 : vector<400x64xf32>
    %select_n3A_1393 = arith.select %gt3A_1385, %add3A_1382, %sub3A_1392 : vector<400x64xi1>, vector<400x64xf32>
    %get3A_1394 = arith.constant 33 : index
    %get3A_1395 = arith.constant 0 : index
    %get3A_1396 = arith.constant 0 : index
    %get3A_1397 = vector.load %arg1[%get3A_1394, %get3A_1395, %get3A_1396] : memref<40x400x128xf32, #tpu.memory_space<vmem>>, vector<1x400x128xf32>
    %get3A_1398 = vector.shape_cast %get3A_1397 : vector<1x400x128xf32> to vector<400x128xf32>
    %slice3A_1399 = vector.extract_strided_slice %get3A_1398 {offsets = [0, 0], sizes = [400, 64], strides = [1, 1]} : vector<400x128xf32> to vector<400x64xf32>
    %slice3A_1400 = vector.extract_strided_slice %get3A_1398 {offsets = [0, 64], sizes = [400, 1], strides = [1, 1]} : vector<400x128xf32> to vector<400x1xf32>
    %add3A_1401 = arith.constant 9.99999971E-10 : f32
    %add3A_1402 = vector.broadcast %add3A_1401 : f32 to vector<400x1xf32>
    %add3A_1403 = arith.addf %slice3A_1400, %add3A_1402 : vector<400x1xf32>
    %div3A_1404 = vector.broadcast %add3A_1403 : vector<400x1xf32> to vector<400x64xf32>
    %div3A_1405 = arith.divf %slice3A_1399, %div3A_1404 : vector<400x64xf32>
    %get3A_1406 = arith.constant 4 : index
    %get3A_1407 = arith.constant 64 : index
    %get3A_1408 = vector.load %arg2[%get3A_1406, %get3A_1407] : memref<5x512xf32, #tpu.memory_space<vmem>>, vector<1x64xf32>
    %add3A_1409 = vector.broadcast %get3A_1408 : vector<1x64xf32> to vector<400x64xf32>
    %add3A_1410 = arith.addf %div3A_1405, %add3A_1409 : vector<400x64xf32>
    %gt3A_1411 = arith.constant 0.000000e+00 : f32
    %gt3A_1412 = vector.broadcast %gt3A_1411 : f32 to vector<400x64xf32>
    %gt3A_1413 = arith.cmpf ogt, %add3A_1410, %gt3A_1412 : vector<400x64xf32>
    %min3A_1414 = arith.constant 0.000000e+00 : f32
    %min3A_1415 = vector.broadcast %min3A_1414 : f32 to vector<400x64xf32>
    %min3A_1416 = arith.minimumf %add3A_1410, %min3A_1415 : vector<400x64xf32>
    %exp3A_1417 = math.exp %min3A_1416 : vector<400x64xf32>
    %sub3A_1418 = arith.constant 1.000000e+00 : f32
    %sub3A_1419 = vector.broadcast %sub3A_1418 : f32 to vector<400x64xf32>
    %sub3A_1420 = arith.subf %exp3A_1417, %sub3A_1419 : vector<400x64xf32>
    %select_n3A_1421 = arith.select %gt3A_1413, %add3A_1410, %sub3A_1420 : vector<400x64xi1>, vector<400x64xf32>
    %get3A_1422 = arith.constant 34 : index
    %get3A_1423 = arith.constant 0 : index
    %get3A_1424 = arith.constant 0 : index
    %get3A_1425 = vector.load %arg1[%get3A_1422, %get3A_1423, %get3A_1424] : memref<40x400x128xf32, #tpu.memory_space<vmem>>, vector<1x400x128xf32>
    %get3A_1426 = vector.shape_cast %get3A_1425 : vector<1x400x128xf32> to vector<400x128xf32>
    %slice3A_1427 = vector.extract_strided_slice %get3A_1426 {offsets = [0, 0], sizes = [400, 64], strides = [1, 1]} : vector<400x128xf32> to vector<400x64xf32>
    %slice3A_1428 = vector.extract_strided_slice %get3A_1426 {offsets = [0, 64], sizes = [400, 1], strides = [1, 1]} : vector<400x128xf32> to vector<400x1xf32>
    %add3A_1429 = arith.constant 9.99999971E-10 : f32
    %add3A_1430 = vector.broadcast %add3A_1429 : f32 to vector<400x1xf32>
    %add3A_1431 = arith.addf %slice3A_1428, %add3A_1430 : vector<400x1xf32>
    %div3A_1432 = vector.broadcast %add3A_1431 : vector<400x1xf32> to vector<400x64xf32>
    %div3A_1433 = arith.divf %slice3A_1427, %div3A_1432 : vector<400x64xf32>
    %get3A_1434 = arith.constant 4 : index
    %get3A_1435 = arith.constant 128 : index
    %get3A_1436 = vector.load %arg2[%get3A_1434, %get3A_1435] : memref<5x512xf32, #tpu.memory_space<vmem>>, vector<1x64xf32>
    %add3A_1437 = vector.broadcast %get3A_1436 : vector<1x64xf32> to vector<400x64xf32>
    %add3A_1438 = arith.addf %div3A_1433, %add3A_1437 : vector<400x64xf32>
    %gt3A_1439 = arith.constant 0.000000e+00 : f32
    %gt3A_1440 = vector.broadcast %gt3A_1439 : f32 to vector<400x64xf32>
    %gt3A_1441 = arith.cmpf ogt, %add3A_1438, %gt3A_1440 : vector<400x64xf32>
    %min3A_1442 = arith.constant 0.000000e+00 : f32
    %min3A_1443 = vector.broadcast %min3A_1442 : f32 to vector<400x64xf32>
    %min3A_1444 = arith.minimumf %add3A_1438, %min3A_1443 : vector<400x64xf32>
    %exp3A_1445 = math.exp %min3A_1444 : vector<400x64xf32>
    %sub3A_1446 = arith.constant 1.000000e+00 : f32
    %sub3A_1447 = vector.broadcast %sub3A_1446 : f32 to vector<400x64xf32>
    %sub3A_1448 = arith.subf %exp3A_1445, %sub3A_1447 : vector<400x64xf32>
    %select_n3A_1449 = arith.select %gt3A_1441, %add3A_1438, %sub3A_1448 : vector<400x64xi1>, vector<400x64xf32>
    %get3A_1450 = arith.constant 35 : index
    %get3A_1451 = arith.constant 0 : index
    %get3A_1452 = arith.constant 0 : index
    %get3A_1453 = vector.load %arg1[%get3A_1450, %get3A_1451, %get3A_1452] : memref<40x400x128xf32, #tpu.memory_space<vmem>>, vector<1x400x128xf32>
    %get3A_1454 = vector.shape_cast %get3A_1453 : vector<1x400x128xf32> to vector<400x128xf32>
    %slice3A_1455 = vector.extract_strided_slice %get3A_1454 {offsets = [0, 0], sizes = [400, 64], strides = [1, 1]} : vector<400x128xf32> to vector<400x64xf32>
    %slice3A_1456 = vector.extract_strided_slice %get3A_1454 {offsets = [0, 64], sizes = [400, 1], strides = [1, 1]} : vector<400x128xf32> to vector<400x1xf32>
    %add3A_1457 = arith.constant 9.99999971E-10 : f32
    %add3A_1458 = vector.broadcast %add3A_1457 : f32 to vector<400x1xf32>
    %add3A_1459 = arith.addf %slice3A_1456, %add3A_1458 : vector<400x1xf32>
    %div3A_1460 = vector.broadcast %add3A_1459 : vector<400x1xf32> to vector<400x64xf32>
    %div3A_1461 = arith.divf %slice3A_1455, %div3A_1460 : vector<400x64xf32>
    %get3A_1462 = arith.constant 4 : index
    %get3A_1463 = arith.constant 192 : index
    %get3A_1464 = vector.load %arg2[%get3A_1462, %get3A_1463] : memref<5x512xf32, #tpu.memory_space<vmem>>, vector<1x64xf32>
    %add3A_1465 = vector.broadcast %get3A_1464 : vector<1x64xf32> to vector<400x64xf32>
    %add3A_1466 = arith.addf %div3A_1461, %add3A_1465 : vector<400x64xf32>
    %gt3A_1467 = arith.constant 0.000000e+00 : f32
    %gt3A_1468 = vector.broadcast %gt3A_1467 : f32 to vector<400x64xf32>
    %gt3A_1469 = arith.cmpf ogt, %add3A_1466, %gt3A_1468 : vector<400x64xf32>
    %min3A_1470 = arith.constant 0.000000e+00 : f32
    %min3A_1471 = vector.broadcast %min3A_1470 : f32 to vector<400x64xf32>
    %min3A_1472 = arith.minimumf %add3A_1466, %min3A_1471 : vector<400x64xf32>
    %exp3A_1473 = math.exp %min3A_1472 : vector<400x64xf32>
    %sub3A_1474 = arith.constant 1.000000e+00 : f32
    %sub3A_1475 = vector.broadcast %sub3A_1474 : f32 to vector<400x64xf32>
    %sub3A_1476 = arith.subf %exp3A_1473, %sub3A_1475 : vector<400x64xf32>
    %select_n3A_1477 = arith.select %gt3A_1469, %add3A_1466, %sub3A_1476 : vector<400x64xi1>, vector<400x64xf32>
    %get3A_1478 = arith.constant 36 : index
    %get3A_1479 = arith.constant 0 : index
    %get3A_1480 = arith.constant 0 : index
    %get3A_1481 = vector.load %arg1[%get3A_1478, %get3A_1479, %get3A_1480] : memref<40x400x128xf32, #tpu.memory_space<vmem>>, vector<1x400x128xf32>
    %get3A_1482 = vector.shape_cast %get3A_1481 : vector<1x400x128xf32> to vector<400x128xf32>
    %slice3A_1483 = vector.extract_strided_slice %get3A_1482 {offsets = [0, 0], sizes = [400, 64], strides = [1, 1]} : vector<400x128xf32> to vector<400x64xf32>
    %slice3A_1484 = vector.extract_strided_slice %get3A_1482 {offsets = [0, 64], sizes = [400, 1], strides = [1, 1]} : vector<400x128xf32> to vector<400x1xf32>
    %add3A_1485 = arith.constant 9.99999971E-10 : f32
    %add3A_1486 = vector.broadcast %add3A_1485 : f32 to vector<400x1xf32>
    %add3A_1487 = arith.addf %slice3A_1484, %add3A_1486 : vector<400x1xf32>
    %div3A_1488 = vector.broadcast %add3A_1487 : vector<400x1xf32> to vector<400x64xf32>
    %div3A_1489 = arith.divf %slice3A_1483, %div3A_1488 : vector<400x64xf32>
    %get3A_1490 = arith.constant 4 : index
    %get3A_1491 = arith.constant 256 : index
    %get3A_1492 = vector.load %arg2[%get3A_1490, %get3A_1491] : memref<5x512xf32, #tpu.memory_space<vmem>>, vector<1x64xf32>
    %add3A_1493 = vector.broadcast %get3A_1492 : vector<1x64xf32> to vector<400x64xf32>
    %add3A_1494 = arith.addf %div3A_1489, %add3A_1493 : vector<400x64xf32>
    %gt3A_1495 = arith.constant 0.000000e+00 : f32
    %gt3A_1496 = vector.broadcast %gt3A_1495 : f32 to vector<400x64xf32>
    %gt3A_1497 = arith.cmpf ogt, %add3A_1494, %gt3A_1496 : vector<400x64xf32>
    %min3A_1498 = arith.constant 0.000000e+00 : f32
    %min3A_1499 = vector.broadcast %min3A_1498 : f32 to vector<400x64xf32>
    %min3A_1500 = arith.minimumf %add3A_1494, %min3A_1499 : vector<400x64xf32>
    %exp3A_1501 = math.exp %min3A_1500 : vector<400x64xf32>
    %sub3A_1502 = arith.constant 1.000000e+00 : f32
    %sub3A_1503 = vector.broadcast %sub3A_1502 : f32 to vector<400x64xf32>
    %sub3A_1504 = arith.subf %exp3A_1501, %sub3A_1503 : vector<400x64xf32>
    %select_n3A_1505 = arith.select %gt3A_1497, %add3A_1494, %sub3A_1504 : vector<400x64xi1>, vector<400x64xf32>
    %get3A_1506 = arith.constant 37 : index
    %get3A_1507 = arith.constant 0 : index
    %get3A_1508 = arith.constant 0 : index
    %get3A_1509 = vector.load %arg1[%get3A_1506, %get3A_1507, %get3A_1508] : memref<40x400x128xf32, #tpu.memory_space<vmem>>, vector<1x400x128xf32>
    %get3A_1510 = vector.shape_cast %get3A_1509 : vector<1x400x128xf32> to vector<400x128xf32>
    %slice3A_1511 = vector.extract_strided_slice %get3A_1510 {offsets = [0, 0], sizes = [400, 64], strides = [1, 1]} : vector<400x128xf32> to vector<400x64xf32>
    %slice3A_1512 = vector.extract_strided_slice %get3A_1510 {offsets = [0, 64], sizes = [400, 1], strides = [1, 1]} : vector<400x128xf32> to vector<400x1xf32>
    %add3A_1513 = arith.constant 9.99999971E-10 : f32
    %add3A_1514 = vector.broadcast %add3A_1513 : f32 to vector<400x1xf32>
    %add3A_1515 = arith.addf %slice3A_1512, %add3A_1514 : vector<400x1xf32>
    %div3A_1516 = vector.broadcast %add3A_1515 : vector<400x1xf32> to vector<400x64xf32>
    %div3A_1517 = arith.divf %slice3A_1511, %div3A_1516 : vector<400x64xf32>
    %get3A_1518 = arith.constant 4 : index
    %get3A_1519 = arith.constant 320 : index
    %get3A_1520 = vector.load %arg2[%get3A_1518, %get3A_1519] : memref<5x512xf32, #tpu.memory_space<vmem>>, vector<1x64xf32>
    %add3A_1521 = vector.broadcast %get3A_1520 : vector<1x64xf32> to vector<400x64xf32>
    %add3A_1522 = arith.addf %div3A_1517, %add3A_1521 : vector<400x64xf32>
    %gt3A_1523 = arith.constant 0.000000e+00 : f32
    %gt3A_1524 = vector.broadcast %gt3A_1523 : f32 to vector<400x64xf32>
    %gt3A_1525 = arith.cmpf ogt, %add3A_1522, %gt3A_1524 : vector<400x64xf32>
    %min3A_1526 = arith.constant 0.000000e+00 : f32
    %min3A_1527 = vector.broadcast %min3A_1526 : f32 to vector<400x64xf32>
    %min3A_1528 = arith.minimumf %add3A_1522, %min3A_1527 : vector<400x64xf32>
    %exp3A_1529 = math.exp %min3A_1528 : vector<400x64xf32>
    %sub3A_1530 = arith.constant 1.000000e+00 : f32
    %sub3A_1531 = vector.broadcast %sub3A_1530 : f32 to vector<400x64xf32>
    %sub3A_1532 = arith.subf %exp3A_1529, %sub3A_1531 : vector<400x64xf32>
    %select_n3A_1533 = arith.select %gt3A_1525, %add3A_1522, %sub3A_1532 : vector<400x64xi1>, vector<400x64xf32>
    %get3A_1534 = arith.constant 38 : index
    %get3A_1535 = arith.constant 0 : index
    %get3A_1536 = arith.constant 0 : index
    %get3A_1537 = vector.load %arg1[%get3A_1534, %get3A_1535, %get3A_1536] : memref<40x400x128xf32, #tpu.memory_space<vmem>>, vector<1x400x128xf32>
    %get3A_1538 = vector.shape_cast %get3A_1537 : vector<1x400x128xf32> to vector<400x128xf32>
    %slice3A_1539 = vector.extract_strided_slice %get3A_1538 {offsets = [0, 0], sizes = [400, 64], strides = [1, 1]} : vector<400x128xf32> to vector<400x64xf32>
    %slice3A_1540 = vector.extract_strided_slice %get3A_1538 {offsets = [0, 64], sizes = [400, 1], strides = [1, 1]} : vector<400x128xf32> to vector<400x1xf32>
    %add3A_1541 = arith.constant 9.99999971E-10 : f32
    %add3A_1542 = vector.broadcast %add3A_1541 : f32 to vector<400x1xf32>
    %add3A_1543 = arith.addf %slice3A_1540, %add3A_1542 : vector<400x1xf32>
    %div3A_1544 = vector.broadcast %add3A_1543 : vector<400x1xf32> to vector<400x64xf32>
    %div3A_1545 = arith.divf %slice3A_1539, %div3A_1544 : vector<400x64xf32>
    %get3A_1546 = arith.constant 4 : index
    %get3A_1547 = arith.constant 384 : index
    %get3A_1548 = vector.load %arg2[%get3A_1546, %get3A_1547] : memref<5x512xf32, #tpu.memory_space<vmem>>, vector<1x64xf32>
    %add3A_1549 = vector.broadcast %get3A_1548 : vector<1x64xf32> to vector<400x64xf32>
    %add3A_1550 = arith.addf %div3A_1545, %add3A_1549 : vector<400x64xf32>
    %gt3A_1551 = arith.constant 0.000000e+00 : f32
    %gt3A_1552 = vector.broadcast %gt3A_1551 : f32 to vector<400x64xf32>
    %gt3A_1553 = arith.cmpf ogt, %add3A_1550, %gt3A_1552 : vector<400x64xf32>
    %min3A_1554 = arith.constant 0.000000e+00 : f32
    %min3A_1555 = vector.broadcast %min3A_1554 : f32 to vector<400x64xf32>
    %min3A_1556 = arith.minimumf %add3A_1550, %min3A_1555 : vector<400x64xf32>
    %exp3A_1557 = math.exp %min3A_1556 : vector<400x64xf32>
    %sub3A_1558 = arith.constant 1.000000e+00 : f32
    %sub3A_1559 = vector.broadcast %sub3A_1558 : f32 to vector<400x64xf32>
    %sub3A_1560 = arith.subf %exp3A_1557, %sub3A_1559 : vector<400x64xf32>
    %select_n3A_1561 = arith.select %gt3A_1553, %add3A_1550, %sub3A_1560 : vector<400x64xi1>, vector<400x64xf32>
    %get3A_1562 = arith.constant 39 : index
    %get3A_1563 = arith.constant 0 : index
    %get3A_1564 = arith.constant 0 : index
    %get3A_1565 = vector.load %arg1[%get3A_1562, %get3A_1563, %get3A_1564] : memref<40x400x128xf32, #tpu.memory_space<vmem>>, vector<1x400x128xf32>
    %get3A_1566 = vector.shape_cast %get3A_1565 : vector<1x400x128xf32> to vector<400x128xf32>
    %slice3A_1567 = vector.extract_strided_slice %get3A_1566 {offsets = [0, 0], sizes = [400, 64], strides = [1, 1]} : vector<400x128xf32> to vector<400x64xf32>
    %slice3A_1568 = vector.extract_strided_slice %get3A_1566 {offsets = [0, 64], sizes = [400, 1], strides = [1, 1]} : vector<400x128xf32> to vector<400x1xf32>
    %add3A_1569 = arith.constant 9.99999971E-10 : f32
    %add3A_1570 = vector.broadcast %add3A_1569 : f32 to vector<400x1xf32>
    %add3A_1571 = arith.addf %slice3A_1568, %add3A_1570 : vector<400x1xf32>
    %div3A_1572 = vector.broadcast %add3A_1571 : vector<400x1xf32> to vector<400x64xf32>
    %div3A_1573 = arith.divf %slice3A_1567, %div3A_1572 : vector<400x64xf32>
    %get3A_1574 = arith.constant 4 : index
    %get3A_1575 = arith.constant 448 : index
    %get3A_1576 = vector.load %arg2[%get3A_1574, %get3A_1575] : memref<5x512xf32, #tpu.memory_space<vmem>>, vector<1x64xf32>
    %add3A_1577 = vector.broadcast %get3A_1576 : vector<1x64xf32> to vector<400x64xf32>
    %add3A_1578 = arith.addf %div3A_1573, %add3A_1577 : vector<400x64xf32>
    %gt3A_1579 = arith.constant 0.000000e+00 : f32
    %gt3A_1580 = vector.broadcast %gt3A_1579 : f32 to vector<400x64xf32>
    %gt3A_1581 = arith.cmpf ogt, %add3A_1578, %gt3A_1580 : vector<400x64xf32>
    %min3A_1582 = arith.constant 0.000000e+00 : f32
    %min3A_1583 = vector.broadcast %min3A_1582 : f32 to vector<400x64xf32>
    %min3A_1584 = arith.minimumf %add3A_1578, %min3A_1583 : vector<400x64xf32>
    %exp3A_1585 = math.exp %min3A_1584 : vector<400x64xf32>
    %sub3A_1586 = arith.constant 1.000000e+00 : f32
    %sub3A_1587 = vector.broadcast %sub3A_1586 : f32 to vector<400x64xf32>
    %sub3A_1588 = arith.subf %exp3A_1585, %sub3A_1587 : vector<400x64xf32>
    %select_n3A_1589 = arith.select %gt3A_1581, %add3A_1578, %sub3A_1588 : vector<400x64xi1>, vector<400x64xf32>
    %broadcast_in_dim3A_1590 = arith.constant 0.000000e+00 : f32
    %broadcast_in_dim3A_1591 = vector.broadcast %broadcast_in_dim3A_1590 : f32 to vector<400x512xf32>
    %swap3A_1592 = arith.constant 3 : index
    %swap3A_1593 = arith.constant 0 : index
    %swap3A_1594 = arith.constant 0 : index
    %swap3A_1595 = vector.load %arg7[%swap3A_1592, %swap3A_1593, %swap3A_1594] : memref<4x400x512xf32, #tpu.memory_space<vmem>>, vector<1x400x64xf32>
    %swap3A_1596 = vector.shape_cast %swap3A_1595 : vector<1x400x64xf32> to vector<400x64xf32>
    %swap3A_1597 = vector.shape_cast %select_n3A_1393 : vector<400x64xf32> to vector<1x400x64xf32>
    tpu.vector_store %arg7[%swap3A_1592, %swap3A_1593, %swap3A_1594], %swap3A_1597 {strides = array<i32>} : memref<4x400x512xf32, #tpu.memory_space<vmem>>, vector<1x400x64xf32>,
    %get3A_1598 = arith.constant 0 : index
    %get3A_1599 = arith.constant 0 : index
    %get3A_1600 = vector.load %arg3[%get3A_1598, %get3A_1599] : memref<512x512xf32, #tpu.memory_space<vmem>>, vector<64x512xf32>
    %dot_general3A_1601 = arith.constant dense<0.000000e+00> : vector<400x512xf32>
    %dot_general3A_1602 = tpu.matmul %select_n3A_1393, %get3A_1600, %dot_general3A_1601 {dimension_numbers = #tpu.dot_dimension_numbers<[1], [0], [0], [1], [0, 0, 1, 1], [], []>, transpose_lhs_hint = false} : vector<400x64xf32>, vector<64x512xf32>, vector<400x512xf32> -> vector<400x512xf32>
    %add3A_1603 = arith.addf %broadcast_in_dim3A_1591, %dot_general3A_1602 : vector<400x512xf32>
    %swap3A_1604 = arith.constant 3 : index
    %swap3A_1605 = arith.constant 0 : index
    %swap3A_1606 = arith.constant 64 : index
    %swap3A_1607 = vector.load %arg7[%swap3A_1604, %swap3A_1605, %swap3A_1606] : memref<4x400x512xf32, #tpu.memory_space<vmem>>, vector<1x400x64xf32>
    %swap3A_1608 = vector.shape_cast %swap3A_1607 : vector<1x400x64xf32> to vector<400x64xf32>
    %swap3A_1609 = vector.shape_cast %select_n3A_1421 : vector<400x64xf32> to vector<1x400x64xf32>
    tpu.vector_store %arg7[%swap3A_1604, %swap3A_1605, %swap3A_1606], %swap3A_1609 {strides = array<i32>} : memref<4x400x512xf32, #tpu.memory_space<vmem>>, vector<1x400x64xf32>,
    %get3A_1610 = arith.constant 64 : index
    %get3A_1611 = arith.constant 0 : index
    %get3A_1612 = vector.load %arg3[%get3A_1610, %get3A_1611] : memref<512x512xf32, #tpu.memory_space<vmem>>, vector<64x512xf32>
    %dot_general3A_1613 = arith.constant dense<0.000000e+00> : vector<400x512xf32>
    %dot_general3A_1614 = tpu.matmul %select_n3A_1421, %get3A_1612, %dot_general3A_1613 {dimension_numbers = #tpu.dot_dimension_numbers<[1], [0], [0], [1], [0, 0, 1, 1], [], []>, transpose_lhs_hint = false} : vector<400x64xf32>, vector<64x512xf32>, vector<400x512xf32> -> vector<400x512xf32>
    %add3A_1615 = arith.addf %add3A_1603, %dot_general3A_1614 : vector<400x512xf32>
    %swap3A_1616 = arith.constant 3 : index
    %swap3A_1617 = arith.constant 0 : index
    %swap3A_1618 = arith.constant 128 : index
    %swap3A_1619 = vector.load %arg7[%swap3A_1616, %swap3A_1617, %swap3A_1618] : memref<4x400x512xf32, #tpu.memory_space<vmem>>, vector<1x400x64xf32>
    %swap3A_1620 = vector.shape_cast %swap3A_1619 : vector<1x400x64xf32> to vector<400x64xf32>
    %swap3A_1621 = vector.shape_cast %select_n3A_1449 : vector<400x64xf32> to vector<1x400x64xf32>
    tpu.vector_store %arg7[%swap3A_1616, %swap3A_1617, %swap3A_1618], %swap3A_1621 {strides = array<i32>} : memref<4x400x512xf32, #tpu.memory_space<vmem>>, vector<1x400x64xf32>,
    %get3A_1622 = arith.constant 128 : index
    %get3A_1623 = arith.constant 0 : index
    %get3A_1624 = vector.load %arg3[%get3A_1622, %get3A_1623] : memref<512x512xf32, #tpu.memory_space<vmem>>, vector<64x512xf32>
    %dot_general3A_1625 = arith.constant dense<0.000000e+00> : vector<400x512xf32>
    %dot_general3A_1626 = tpu.matmul %select_n3A_1449, %get3A_1624, %dot_general3A_1625 {dimension_numbers = #tpu.dot_dimension_numbers<[1], [0], [0], [1], [0, 0, 1, 1], [], []>, transpose_lhs_hint = false} : vector<400x64xf32>, vector<64x512xf32>, vector<400x512xf32> -> vector<400x512xf32>
    %add3A_1627 = arith.addf %add3A_1615, %dot_general3A_1626 : vector<400x512xf32>
    %swap3A_1628 = arith.constant 3 : index
    %swap3A_1629 = arith.constant 0 : index
    %swap3A_1630 = arith.constant 192 : index
    %swap3A_1631 = vector.load %arg7[%swap3A_1628, %swap3A_1629, %swap3A_1630] : memref<4x400x512xf32, #tpu.memory_space<vmem>>, vector<1x400x64xf32>
    %swap3A_1632 = vector.shape_cast %swap3A_1631 : vector<1x400x64xf32> to vector<400x64xf32>
    %swap3A_1633 = vector.shape_cast %select_n3A_1477 : vector<400x64xf32> to vector<1x400x64xf32>
    tpu.vector_store %arg7[%swap3A_1628, %swap3A_1629, %swap3A_1630], %swap3A_1633 {strides = array<i32>} : memref<4x400x512xf32, #tpu.memory_space<vmem>>, vector<1x400x64xf32>,
    %get3A_1634 = arith.constant 192 : index
    %get3A_1635 = arith.constant 0 : index
    %get3A_1636 = vector.load %arg3[%get3A_1634, %get3A_1635] : memref<512x512xf32, #tpu.memory_space<vmem>>, vector<64x512xf32>
    %dot_general3A_1637 = arith.constant dense<0.000000e+00> : vector<400x512xf32>
    %dot_general3A_1638 = tpu.matmul %select_n3A_1477, %get3A_1636, %dot_general3A_1637 {dimension_numbers = #tpu.dot_dimension_numbers<[1], [0], [0], [1], [0, 0, 1, 1], [], []>, transpose_lhs_hint = false} : vector<400x64xf32>, vector<64x512xf32>, vector<400x512xf32> -> vector<400x512xf32>
    %add3A_1639 = arith.addf %add3A_1627, %dot_general3A_1638 : vector<400x512xf32>
    %swap3A_1640 = arith.constant 3 : index
    %swap3A_1641 = arith.constant 0 : index
    %swap3A_1642 = arith.constant 256 : index
    %swap3A_1643 = vector.load %arg7[%swap3A_1640, %swap3A_1641, %swap3A_1642] : memref<4x400x512xf32, #tpu.memory_space<vmem>>, vector<1x400x64xf32>
    %swap3A_1644 = vector.shape_cast %swap3A_1643 : vector<1x400x64xf32> to vector<400x64xf32>
    %swap3A_1645 = vector.shape_cast %select_n3A_1505 : vector<400x64xf32> to vector<1x400x64xf32>
    tpu.vector_store %arg7[%swap3A_1640, %swap3A_1641, %swap3A_1642], %swap3A_1645 {strides = array<i32>} : memref<4x400x512xf32, #tpu.memory_space<vmem>>, vector<1x400x64xf32>,
    %get3A_1646 = arith.constant 256 : index
    %get3A_1647 = arith.constant 0 : index
    %get3A_1648 = vector.load %arg3[%get3A_1646, %get3A_1647] : memref<512x512xf32, #tpu.memory_space<vmem>>, vector<64x512xf32>
    %dot_general3A_1649 = arith.constant dense<0.000000e+00> : vector<400x512xf32>
    %dot_general3A_1650 = tpu.matmul %select_n3A_1505, %get3A_1648, %dot_general3A_1649 {dimension_numbers = #tpu.dot_dimension_numbers<[1], [0], [0], [1], [0, 0, 1, 1], [], []>, transpose_lhs_hint = false} : vector<400x64xf32>, vector<64x512xf32>, vector<400x512xf32> -> vector<400x512xf32>
    %add3A_1651 = arith.addf %add3A_1639, %dot_general3A_1650 : vector<400x512xf32>
    %swap3A_1652 = arith.constant 3 : index
    %swap3A_1653 = arith.constant 0 : index
    %swap3A_1654 = arith.constant 320 : index
    %swap3A_1655 = vector.load %arg7[%swap3A_1652, %swap3A_1653, %swap3A_1654] : memref<4x400x512xf32, #tpu.memory_space<vmem>>, vector<1x400x64xf32>
    %swap3A_1656 = vector.shape_cast %swap3A_1655 : vector<1x400x64xf32> to vector<400x64xf32>
    %swap3A_1657 = vector.shape_cast %select_n3A_1533 : vector<400x64xf32> to vector<1x400x64xf32>
    tpu.vector_store %arg7[%swap3A_1652, %swap3A_1653, %swap3A_1654], %swap3A_1657 {strides = array<i32>} : memref<4x400x512xf32, #tpu.memory_space<vmem>>, vector<1x400x64xf32>,
    %get3A_1658 = arith.constant 320 : index
    %get3A_1659 = arith.constant 0 : index
    %get3A_1660 = vector.load %arg3[%get3A_1658, %get3A_1659] : memref<512x512xf32, #tpu.memory_space<vmem>>, vector<64x512xf32>
    %dot_general3A_1661 = arith.constant dense<0.000000e+00> : vector<400x512xf32>
    %dot_general3A_1662 = tpu.matmul %select_n3A_1533, %get3A_1660, %dot_general3A_1661 {dimension_numbers = #tpu.dot_dimension_numbers<[1], [0], [0], [1], [0, 0, 1, 1], [], []>, transpose_lhs_hint = false} : vector<400x64xf32>, vector<64x512xf32>, vector<400x512xf32> -> vector<400x512xf32>
    %add3A_1663 = arith.addf %add3A_1651, %dot_general3A_1662 : vector<400x512xf32>
    %swap3A_1664 = arith.constant 3 : index
    %swap3A_1665 = arith.constant 0 : index
    %swap3A_1666 = arith.constant 384 : index
    %swap3A_1667 = vector.load %arg7[%swap3A_1664, %swap3A_1665, %swap3A_1666] : memref<4x400x512xf32, #tpu.memory_space<vmem>>, vector<1x400x64xf32>
    %swap3A_1668 = vector.shape_cast %swap3A_1667 : vector<1x400x64xf32> to vector<400x64xf32>
    %swap3A_1669 = vector.shape_cast %select_n3A_1561 : vector<400x64xf32> to vector<1x400x64xf32>
    tpu.vector_store %arg7[%swap3A_1664, %swap3A_1665, %swap3A_1666], %swap3A_1669 {strides = array<i32>} : memref<4x400x512xf32, #tpu.memory_space<vmem>>, vector<1x400x64xf32>,
    %get3A_1670 = arith.constant 384 : index
    %get3A_1671 = arith.constant 0 : index
    %get3A_1672 = vector.load %arg3[%get3A_1670, %get3A_1671] : memref<512x512xf32, #tpu.memory_space<vmem>>, vector<64x512xf32>
    %dot_general3A_1673 = arith.constant dense<0.000000e+00> : vector<400x512xf32>
    %dot_general3A_1674 = tpu.matmul %select_n3A_1561, %get3A_1672, %dot_general3A_1673 {dimension_numbers = #tpu.dot_dimension_numbers<[1], [0], [0], [1], [0, 0, 1, 1], [], []>, transpose_lhs_hint = false} : vector<400x64xf32>, vector<64x512xf32>, vector<400x512xf32> -> vector<400x512xf32>
    %add3A_1675 = arith.addf %add3A_1663, %dot_general3A_1674 : vector<400x512xf32>
    %swap3A_1676 = arith.constant 3 : index
    %swap3A_1677 = arith.constant 0 : index
    %swap3A_1678 = arith.constant 448 : index
    %swap3A_1679 = vector.load %arg7[%swap3A_1676, %swap3A_1677, %swap3A_1678] : memref<4x400x512xf32, #tpu.memory_space<vmem>>, vector<1x400x64xf32>
    %swap3A_1680 = vector.shape_cast %swap3A_1679 : vector<1x400x64xf32> to vector<400x64xf32>
    %swap3A_1681 = vector.shape_cast %select_n3A_1589 : vector<400x64xf32> to vector<1x400x64xf32>
    tpu.vector_store %arg7[%swap3A_1676, %swap3A_1677, %swap3A_1678], %swap3A_1681 {strides = array<i32>} : memref<4x400x512xf32, #tpu.memory_space<vmem>>, vector<1x400x64xf32>,
    %get3A_1682 = arith.constant 448 : index
    %get3A_1683 = arith.constant 0 : index
    %get3A_1684 = vector.load %arg3[%get3A_1682, %get3A_1683] : memref<512x512xf32, #tpu.memory_space<vmem>>, vector<64x512xf32>
    %dot_general3A_1685 = arith.constant dense<0.000000e+00> : vector<400x512xf32>
    %dot_general3A_1686 = tpu.matmul %select_n3A_1589, %get3A_1684, %dot_general3A_1685 {dimension_numbers = #tpu.dot_dimension_numbers<[1], [0], [0], [1], [0, 0, 1, 1], [], []>, transpose_lhs_hint = false} : vector<400x64xf32>, vector<64x512xf32>, vector<400x512xf32> -> vector<400x512xf32>
    %add3A_1687 = arith.addf %add3A_1675, %dot_general3A_1686 : vector<400x512xf32>
    %get3A_1688 = arith.constant 0 : index
    %get3A_1689 = arith.constant 0 : index
    %get3A_1690 = vector.load %arg4[%get3A_1688, %get3A_1689] : memref<1x512xf32, #tpu.memory_space<vmem>>, vector<1x512xf32>
    %add3A_1691 = vector.broadcast %get3A_1690 : vector<1x512xf32> to vector<400x512xf32>
    %add3A_1692 = arith.addf %add3A_1687, %add3A_1691 : vector<400x512xf32>
    %tanh3A_1693 = math.tanh %add3A_1692 : vector<400x512xf32>
    %get3A_1694 = arith.constant 0 : index
    %get3A_1695 = arith.constant 0 : index
    %get3A_1696 = vector.load %arg5[%get3A_1694, %get3A_1695] : memref<1x512xf32, #tpu.memory_space<vmem>>, vector<1x512xf32>
    %mul3A_1697 = vector.broadcast %get3A_1696 : vector<1x512xf32> to vector<400x512xf32>
    %mul3A_1698 = arith.mulf %tanh3A_1693, %mul3A_1697 : vector<400x512xf32>
    %reduce_sum3A_1699 = vector.shape_cast %mul3A_1698 : vector<400x512xf32> to vector<1x400x512xf32>
    %reduce_sum3A_1700 = arith.constant dense<0.000000e+00> : vector<1xf32>
    %reduce_sum3A_1701 = vector.multi_reduction <add>, %reduce_sum3A_1699, %reduce_sum3A_1700 [1, 2] : vector<1x400x512xf32> to vector<1xf32>
    %reduce_sum3A_1702 = vector.shape_cast %reduce_sum3A_1701 : vector<1xf32> to vector<1x1x1xf32>
    %reduce_sum3A_1703 = vector.extract %reduce_sum3A_1702[0, 0, 0] : f32 from vector<1x1x1xf32>
    %iota3A = tpu.iota {dimensions = array<i32: 1>} : vector<1x128xi32>
    %broadcast_in_dim3A_1704 = arith.constant 0.000000e+00 : f32
    %broadcast_in_dim3A_1705 = vector.broadcast %broadcast_in_dim3A_1704 : f32 to vector<1x128xf32>
    %eq3A = arith.constant 0 : i32
    %eq3A_1706 = vector.broadcast %eq3A : i32 to vector<1x128xi32>
    %eq3A_1707 = arith.cmpi eq, %iota3A, %eq3A_1706 : vector<1x128xi32>
    %jit3A = arith.constant 0.000000e+00 : f32
    %broadcast_in_dim3A_1708 = vector.broadcast %reduce_sum3A_689 : f32 to vector<1x128xf32>
    %broadcast_in_dim3A_1709 = vector.broadcast %jit3A : f32 to vector<1x128xf32>
    %select_n3A_1710 = arith.select %eq3A_1707, %broadcast_in_dim3A_1708, %broadcast_in_dim3A_1709 : vector<1x128xi1>, vector<1x128xf32>
    %add3A_1711 = arith.addf %broadcast_in_dim3A_1705, %select_n3A_1710 : vector<1x128xf32>
    %eq3A_1712 = arith.constant 1 : i32
    %eq3A_1713 = vector.broadcast %eq3A_1712 : i32 to vector<1x128xi32>
    %eq3A_1714 = arith.cmpi eq, %iota3A, %eq3A_1713 : vector<1x128xi32>
    %jit3A_1715 = arith.constant 0.000000e+00 : f32
    %broadcast_in_dim3A_1716 = vector.broadcast %reduce_sum3A_1027 : f32 to vector<1x128xf32>
    %broadcast_in_dim3A_1717 = vector.broadcast %jit3A_1715 : f32 to vector<1x128xf32>
    %select_n3A_1718 = arith.select %eq3A_1714, %broadcast_in_dim3A_1716, %broadcast_in_dim3A_1717 : vector<1x128xi1>, vector<1x128xf32>
    %add3A_1719 = arith.addf %add3A_1711, %select_n3A_1718 : vector<1x128xf32>
    %eq3A_1720 = arith.constant 2 : i32
    %eq3A_1721 = vector.broadcast %eq3A_1720 : i32 to vector<1x128xi32>
    %eq3A_1722 = arith.cmpi eq, %iota3A, %eq3A_1721 : vector<1x128xi32>
    %jit3A_1723 = arith.constant 0.000000e+00 : f32
    %broadcast_in_dim3A_1724 = vector.broadcast %reduce_sum3A_1365 : f32 to vector<1x128xf32>
    %broadcast_in_dim3A_1725 = vector.broadcast %jit3A_1723 : f32 to vector<1x128xf32>
    %select_n3A_1726 = arith.select %eq3A_1722, %broadcast_in_dim3A_1724, %broadcast_in_dim3A_1725 : vector<1x128xi1>, vector<1x128xf32>
    %add3A_1727 = arith.addf %add3A_1719, %select_n3A_1726 : vector<1x128xf32>
    %eq3A_1728 = arith.constant 3 : i32
    %eq3A_1729 = vector.broadcast %eq3A_1728 : i32 to vector<1x128xi32>
    %eq3A_1730 = arith.cmpi eq, %iota3A, %eq3A_1729 : vector<1x128xi32>
    %jit3A_1731 = arith.constant 0.000000e+00 : f32
    %broadcast_in_dim3A_1732 = vector.broadcast %reduce_sum3A_1703 : f32 to vector<1x128xf32>
    %broadcast_in_dim3A_1733 = vector.broadcast %jit3A_1731 : f32 to vector<1x128xf32>
    %select_n3A_1734 = arith.select %eq3A_1730, %broadcast_in_dim3A_1732, %broadcast_in_dim3A_1733 : vector<1x128xi1>, vector<1x128xf32>
    %add3A_1735 = arith.addf %add3A_1727, %select_n3A_1734 : vector<1x128xf32>
    %eq3A_1736 = arith.constant 0 : i32
    %eq3A_1737 = arith.cmpi eq, %arg0, %eq3A_1736 : i32
    %convert_element_type3A = arith.extui %eq3A_1737 : i1 to i32
    %cond3A = arith.constant 0 : i32
    %cond3A_1738 = arith.cmpi ne, %convert_element_type3A, %cond3A : i32
    scf.if %cond3A_1738 {
      %broadcast_in_dim3A_1746 = arith.constant 0.000000e+00 : f32
      %broadcast_in_dim3A_1747 = vector.broadcast %broadcast_in_dim3A_1746 : f32 to vector<8x128xf32>
      %swap3A_1748 = arith.constant 0 : index
      %swap3A_1749 = arith.constant 0 : index
      %swap3A_1750 = vector.load %arg8[%swap3A_1748, %swap3A_1749] : memref<8x128xf32, #tpu.memory_space<vmem>>, vector<8x128xf32>
      tpu.vector_store %arg8[%swap3A_1748, %swap3A_1749], %broadcast_in_dim3A_1747 {strides = array<i32>} : memref<8x128xf32, #tpu.memory_space<vmem>>, vector<8x128xf32>,
    } else {
    }
    %get3A_1739 = arith.constant 0 : index
    %get3A_1740 = arith.constant 0 : index
    %get3A_1741 = vector.load %arg8[%get3A_1739, %get3A_1740] : memref<8x128xf32, #tpu.memory_space<vmem>>, vector<1x128xf32>
    %add3A_1742 = arith.addf %get3A_1741, %add3A_1735 : vector<1x128xf32>
    %swap3A_1743 = arith.constant 0 : index
    %swap3A_1744 = arith.constant 0 : index
    %swap3A_1745 = vector.load %arg8[%swap3A_1743, %swap3A_1744] : memref<8x128xf32, #tpu.memory_space<vmem>>, vector<1x128xf32>
    tpu.vector_store %arg8[%swap3A_1743, %swap3A_1744], %add3A_1742 {strides = array<i32>} : memref<8x128xf32, #tpu.memory_space<vmem>>, vector<1x128xf32>,
    return
  }
  func.func @transform_0(%arg0: i32) -> (i32, i32, i32) {
    %c0_i32 = arith.constant 0 : i32
    %c0_i32_0 = arith.constant 0 : i32
    %c0_i32_1 = arith.constant 0 : i32
    return %c0_i32, %arg0, %c0_i32_0 : i32, i32, i32
  }
  func.func @transform_1(%arg0: i32) -> (i32, i32) {
    %c0_i32 = arith.constant 0 : i32
    %c0_i32_0 = arith.constant 0 : i32
    %c0_i32_1 = arith.constant 0 : i32
    return %c0_i32, %c0_i32_0 : i32, i32
  }
  func.func @transform_2(%arg0: i32) -> (i32, i32) {
    %c0_i32 = arith.constant 0 : i32
    %c0_i32_0 = arith.constant 0 : i32
    %c0_i32_1 = arith.constant 0 : i32
    return %c0_i32, %c0_i32_0 : i32, i32
  }
  func.func @transform_3(%arg0: i32) -> (i32, i32) {
    %c0_i32 = arith.constant 0 : i32
    %c0_i32_0 = arith.constant 0 : i32
    %c0_i32_1 = arith.constant 0 : i32
    return %c0_i32, %c0_i32_0 : i32, i32
  }
  func.func @transform_4(%arg0: i32) -> (i32, i32) {
    %c0_i32 = arith.constant 0 : i32
    %c0_i32_0 = arith.constant 0 : i32
    %c0_i32_1 = arith.constant 0 : i32
    return %c0_i32, %c0_i32_0 : i32, i32
  }
  func.func @transform_5(%arg0: i32) -> (i32, i32) {
    %c0_i32 = arith.constant 0 : i32
    %c0_i32_0 = arith.constant 0 : i32
    return %arg0, %c0_i32 : i32, i32
  }
  func.func @transform_6(%arg0: i32) -> (i32, i32, i32) {
    %c0_i32 = arith.constant 0 : i32
    %c0_i32_0 = arith.constant 0 : i32
    %c0_i32_1 = arith.constant 0 : i32
    return %c0_i32, %arg0, %c0_i32_0 : i32, i32, i32
  }
  func.func @transform_7(%arg0: i32) -> (i32, i32) {
    %c0_i32 = arith.constant 0 : i32
    %c0_i32_0 = arith.constant 0 : i32
    %c0_i32_1 = arith.constant 0 : i32
    return %c0_i32, %c0_i32_0 : i32, i32
  }
}

module attributes {stable_mosaic.version = 14 : i64} {
  func.func @_d_body(%arg0: i32, %arg1: memref<1x128xf32, #tpu.memory_space<vmem>>, %arg2: memref<4x400x512xf32, #tpu.memory_space<vmem>>, %arg3: memref<400x512xf32, #tpu.memory_space<vmem>>, %arg4: memref<400x512xf32, #tpu.memory_space<vmem>>) attributes {dimension_semantics = [#tpu.dimension_semantics<arbitrary>], iteration_bounds = array<i64: 25>, scalar_prefetch = 0 : i64, scratch_operands = 0 : i64, tpu.core_type = #tpu.core_type<tc>, window_params = [{pipeline_mode = #tpu.pipeline_mode<synchronous>, transform_indices = @transform_0, window_bounds = array<i64: 1, 128>}, {transform_indices = @transform_1, window_bounds = array<i64: 4, 400, 512>}, {transform_indices = @transform_2, window_bounds = array<i64: 400, 512>}, {transform_indices = @transform_3, window_bounds = array<i64: 400, 512>}]} {
    %iota3A = tpu.iota {dimensions = array<i32: 1>} : vector<1x128xi32>
    %get3A = arith.constant 0 : index
    %get3A_0 = arith.constant 0 : index
    %get3A_1 = vector.load %arg1[%get3A, %get3A_0] : memref<1x128xf32, #tpu.memory_space<vmem>>, vector<1x128xf32>
    %eq3A = arith.constant 0 : i32
    %eq3A_2 = vector.broadcast %eq3A : i32 to vector<1x128xi32>
    %eq3A_3 = arith.cmpi eq, %iota3A, %eq3A_2 : vector<1x128xi32>
    %jit3A = arith.constant 0.000000e+00 : f32
    %broadcast_in_dim3A = vector.broadcast %jit3A : f32 to vector<1x128xf32>
    %select_n3A = arith.select %eq3A_3, %get3A_1, %broadcast_in_dim3A : vector<1x128xi1>, vector<1x128xf32>
    %reduce_sum3A = vector.shape_cast %select_n3A : vector<1x128xf32> to vector<1x1x128xf32>
    %reduce_sum3A_4 = arith.constant dense<0.000000e+00> : vector<1xf32>
    %reduce_sum3A_5 = vector.multi_reduction <add>, %reduce_sum3A, %reduce_sum3A_4 [1, 2] : vector<1x1x128xf32> to vector<1xf32>
    %reduce_sum3A_6 = vector.shape_cast %reduce_sum3A_5 : vector<1xf32> to vector<1x1x1xf32>
    %reduce_sum3A_7 = vector.extract %reduce_sum3A_6[0, 0, 0] : f32 from vector<1x1x1xf32>
    %get3A_8 = arith.constant 0 : index
    %get3A_9 = arith.constant 0 : index
    %get3A_10 = arith.constant 0 : index
    %get3A_11 = vector.load %arg2[%get3A_8, %get3A_9, %get3A_10] : memref<4x400x512xf32, #tpu.memory_space<vmem>>, vector<1x400x512xf32>
    %get3A_12 = vector.shape_cast %get3A_11 : vector<1x400x512xf32> to vector<400x512xf32>
    %mul3A = vector.broadcast %reduce_sum3A_7 : f32 to vector<400x512xf32>
    %mul3A_13 = arith.mulf %mul3A, %get3A_12 : vector<400x512xf32>
    %eq3A_14 = arith.constant 1 : i32
    %eq3A_15 = vector.broadcast %eq3A_14 : i32 to vector<1x128xi32>
    %eq3A_16 = arith.cmpi eq, %iota3A, %eq3A_15 : vector<1x128xi32>
    %jit3A_17 = arith.constant 0.000000e+00 : f32
    %broadcast_in_dim3A_18 = vector.broadcast %jit3A_17 : f32 to vector<1x128xf32>
    %select_n3A_19 = arith.select %eq3A_16, %get3A_1, %broadcast_in_dim3A_18 : vector<1x128xi1>, vector<1x128xf32>
    %reduce_sum3A_20 = vector.shape_cast %select_n3A_19 : vector<1x128xf32> to vector<1x1x128xf32>
    %reduce_sum3A_21 = arith.constant dense<0.000000e+00> : vector<1xf32>
    %reduce_sum3A_22 = vector.multi_reduction <add>, %reduce_sum3A_20, %reduce_sum3A_21 [1, 2] : vector<1x1x128xf32> to vector<1xf32>
    %reduce_sum3A_23 = vector.shape_cast %reduce_sum3A_22 : vector<1xf32> to vector<1x1x1xf32>
    %reduce_sum3A_24 = vector.extract %reduce_sum3A_23[0, 0, 0] : f32 from vector<1x1x1xf32>
    %get3A_25 = arith.constant 1 : index
    %get3A_26 = arith.constant 0 : index
    %get3A_27 = arith.constant 0 : index
    %get3A_28 = vector.load %arg2[%get3A_25, %get3A_26, %get3A_27] : memref<4x400x512xf32, #tpu.memory_space<vmem>>, vector<1x400x512xf32>
    %get3A_29 = vector.shape_cast %get3A_28 : vector<1x400x512xf32> to vector<400x512xf32>
    %mul3A_30 = vector.broadcast %reduce_sum3A_24 : f32 to vector<400x512xf32>
    %mul3A_31 = arith.mulf %mul3A_30, %get3A_29 : vector<400x512xf32>
    %add3A = arith.addf %mul3A_13, %mul3A_31 : vector<400x512xf32>
    %reduce_sum3A_32 = arith.constant dense<0.000000e+00> : vector<400xf32>
    %reduce_sum3A_33 = vector.multi_reduction <add>, %add3A, %reduce_sum3A_32 [1] : vector<400x512xf32> to vector<400xf32>
    %broadcast_in_dim3A_34 = vector.shape_cast %reduce_sum3A_33 : vector<400xf32> to vector<400x1xf32>
    %div3A = arith.constant 5.120000e+02 : f32
    %div3A_35 = vector.broadcast %div3A : f32 to vector<400x1xf32>
    %div3A_36 = arith.divf %broadcast_in_dim3A_34, %div3A_35 : vector<400x1xf32>
    %mul3A_37 = arith.mulf %add3A, %add3A : vector<400x512xf32>
    %reduce_sum3A_38 = arith.constant dense<0.000000e+00> : vector<400xf32>
    %reduce_sum3A_39 = vector.multi_reduction <add>, %mul3A_37, %reduce_sum3A_38 [1] : vector<400x512xf32> to vector<400xf32>
    %broadcast_in_dim3A_40 = vector.shape_cast %reduce_sum3A_39 : vector<400xf32> to vector<400x1xf32>
    %div3A_41 = arith.constant 5.120000e+02 : f32
    %div3A_42 = vector.broadcast %div3A_41 : f32 to vector<400x1xf32>
    %div3A_43 = arith.divf %broadcast_in_dim3A_40, %div3A_42 : vector<400x1xf32>
    %mul3A_44 = arith.mulf %div3A_36, %div3A_36 : vector<400x1xf32>
    %sub3A = arith.subf %div3A_43, %mul3A_44 : vector<400x1xf32>
    %sub3A_45 = vector.broadcast %div3A_36 : vector<400x1xf32> to vector<400x512xf32>
    %sub3A_46 = arith.subf %add3A, %sub3A_45 : vector<400x512xf32>
    %add3A_47 = arith.constant 9.99999974E-6 : f32
    %add3A_48 = vector.broadcast %add3A_47 : f32 to vector<400x1xf32>
    %add3A_49 = arith.addf %sub3A, %add3A_48 : vector<400x1xf32>
    %rsqrt3A = math.rsqrt %add3A_49 : vector<400x1xf32>
    %mul3A_50 = vector.broadcast %rsqrt3A : vector<400x1xf32> to vector<400x512xf32>
    %mul3A_51 = arith.mulf %sub3A_46, %mul3A_50 : vector<400x512xf32>
    %swap3A = arith.constant 0 : index
    %swap3A_52 = arith.constant 0 : index
    %swap3A_53 = vector.load %arg3[%swap3A, %swap3A_52] : memref<400x512xf32, #tpu.memory_space<vmem>>, vector<400x512xf32>
    tpu.vector_store %arg3[%swap3A, %swap3A_52], %mul3A_51 {strides = array<i32>} : memref<400x512xf32, #tpu.memory_space<vmem>>, vector<400x512xf32>,
    %eq3A_54 = arith.constant 2 : i32
    %eq3A_55 = vector.broadcast %eq3A_54 : i32 to vector<1x128xi32>
    %eq3A_56 = arith.cmpi eq, %iota3A, %eq3A_55 : vector<1x128xi32>
    %jit3A_57 = arith.constant 0.000000e+00 : f32
    %broadcast_in_dim3A_58 = vector.broadcast %jit3A_57 : f32 to vector<1x128xf32>
    %select_n3A_59 = arith.select %eq3A_56, %get3A_1, %broadcast_in_dim3A_58 : vector<1x128xi1>, vector<1x128xf32>
    %reduce_sum3A_60 = vector.shape_cast %select_n3A_59 : vector<1x128xf32> to vector<1x1x128xf32>
    %reduce_sum3A_61 = arith.constant dense<0.000000e+00> : vector<1xf32>
    %reduce_sum3A_62 = vector.multi_reduction <add>, %reduce_sum3A_60, %reduce_sum3A_61 [1, 2] : vector<1x1x128xf32> to vector<1xf32>
    %reduce_sum3A_63 = vector.shape_cast %reduce_sum3A_62 : vector<1xf32> to vector<1x1x1xf32>
    %reduce_sum3A_64 = vector.extract %reduce_sum3A_63[0, 0, 0] : f32 from vector<1x1x1xf32>
    %get3A_65 = arith.constant 2 : index
    %get3A_66 = arith.constant 0 : index
    %get3A_67 = arith.constant 0 : index
    %get3A_68 = vector.load %arg2[%get3A_65, %get3A_66, %get3A_67] : memref<4x400x512xf32, #tpu.memory_space<vmem>>, vector<1x400x512xf32>
    %get3A_69 = vector.shape_cast %get3A_68 : vector<1x400x512xf32> to vector<400x512xf32>
    %mul3A_70 = vector.broadcast %reduce_sum3A_64 : f32 to vector<400x512xf32>
    %mul3A_71 = arith.mulf %mul3A_70, %get3A_69 : vector<400x512xf32>
    %eq3A_72 = arith.constant 3 : i32
    %eq3A_73 = vector.broadcast %eq3A_72 : i32 to vector<1x128xi32>
    %eq3A_74 = arith.cmpi eq, %iota3A, %eq3A_73 : vector<1x128xi32>
    %jit3A_75 = arith.constant 0.000000e+00 : f32
    %broadcast_in_dim3A_76 = vector.broadcast %jit3A_75 : f32 to vector<1x128xf32>
    %select_n3A_77 = arith.select %eq3A_74, %get3A_1, %broadcast_in_dim3A_76 : vector<1x128xi1>, vector<1x128xf32>
    %reduce_sum3A_78 = vector.shape_cast %select_n3A_77 : vector<1x128xf32> to vector<1x1x128xf32>
    %reduce_sum3A_79 = arith.constant dense<0.000000e+00> : vector<1xf32>
    %reduce_sum3A_80 = vector.multi_reduction <add>, %reduce_sum3A_78, %reduce_sum3A_79 [1, 2] : vector<1x1x128xf32> to vector<1xf32>
    %reduce_sum3A_81 = vector.shape_cast %reduce_sum3A_80 : vector<1xf32> to vector<1x1x1xf32>
    %reduce_sum3A_82 = vector.extract %reduce_sum3A_81[0, 0, 0] : f32 from vector<1x1x1xf32>
    %get3A_83 = arith.constant 3 : index
    %get3A_84 = arith.constant 0 : index
    %get3A_85 = arith.constant 0 : index
    %get3A_86 = vector.load %arg2[%get3A_83, %get3A_84, %get3A_85] : memref<4x400x512xf32, #tpu.memory_space<vmem>>, vector<1x400x512xf32>
    %get3A_87 = vector.shape_cast %get3A_86 : vector<1x400x512xf32> to vector<400x512xf32>
    %mul3A_88 = vector.broadcast %reduce_sum3A_82 : f32 to vector<400x512xf32>
    %mul3A_89 = arith.mulf %mul3A_88, %get3A_87 : vector<400x512xf32>
    %add3A_90 = arith.addf %mul3A_71, %mul3A_89 : vector<400x512xf32>
    %reduce_sum3A_91 = arith.constant dense<0.000000e+00> : vector<400xf32>
    %reduce_sum3A_92 = vector.multi_reduction <add>, %add3A_90, %reduce_sum3A_91 [1] : vector<400x512xf32> to vector<400xf32>
    %broadcast_in_dim3A_93 = vector.shape_cast %reduce_sum3A_92 : vector<400xf32> to vector<400x1xf32>
    %div3A_94 = arith.constant 5.120000e+02 : f32
    %div3A_95 = vector.broadcast %div3A_94 : f32 to vector<400x1xf32>
    %div3A_96 = arith.divf %broadcast_in_dim3A_93, %div3A_95 : vector<400x1xf32>
    %mul3A_97 = arith.mulf %add3A_90, %add3A_90 : vector<400x512xf32>
    %reduce_sum3A_98 = arith.constant dense<0.000000e+00> : vector<400xf32>
    %reduce_sum3A_99 = vector.multi_reduction <add>, %mul3A_97, %reduce_sum3A_98 [1] : vector<400x512xf32> to vector<400xf32>
    %broadcast_in_dim3A_100 = vector.shape_cast %reduce_sum3A_99 : vector<400xf32> to vector<400x1xf32>
    %div3A_101 = arith.constant 5.120000e+02 : f32
    %div3A_102 = vector.broadcast %div3A_101 : f32 to vector<400x1xf32>
    %div3A_103 = arith.divf %broadcast_in_dim3A_100, %div3A_102 : vector<400x1xf32>
    %mul3A_104 = arith.mulf %div3A_96, %div3A_96 : vector<400x1xf32>
    %sub3A_105 = arith.subf %div3A_103, %mul3A_104 : vector<400x1xf32>
    %sub3A_106 = vector.broadcast %div3A_96 : vector<400x1xf32> to vector<400x512xf32>
    %sub3A_107 = arith.subf %add3A_90, %sub3A_106 : vector<400x512xf32>
    %add3A_108 = arith.constant 9.99999974E-6 : f32
    %add3A_109 = vector.broadcast %add3A_108 : f32 to vector<400x1xf32>
    %add3A_110 = arith.addf %sub3A_105, %add3A_109 : vector<400x1xf32>
    %rsqrt3A_111 = math.rsqrt %add3A_110 : vector<400x1xf32>
    %mul3A_112 = vector.broadcast %rsqrt3A_111 : vector<400x1xf32> to vector<400x512xf32>
    %mul3A_113 = arith.mulf %sub3A_107, %mul3A_112 : vector<400x512xf32>
    %swap3A_114 = arith.constant 0 : index
    %swap3A_115 = arith.constant 0 : index
    %swap3A_116 = vector.load %arg4[%swap3A_114, %swap3A_115] : memref<400x512xf32, #tpu.memory_space<vmem>>, vector<400x512xf32>
    tpu.vector_store %arg4[%swap3A_114, %swap3A_115], %mul3A_113 {strides = array<i32>} : memref<400x512xf32, #tpu.memory_space<vmem>>, vector<400x512xf32>,
    return
  }
  func.func @transform_0(%arg0: i32) -> (i32, i32) {
    %c0_i32 = arith.constant 0 : i32
    %c0_i32_0 = arith.constant 0 : i32
    %c0_i32_1 = arith.constant 0 : i32
    return %c0_i32, %c0_i32_0 : i32, i32
  }
  func.func @transform_1(%arg0: i32) -> (i32, i32, i32) {
    %c0_i32 = arith.constant 0 : i32
    %c0_i32_0 = arith.constant 0 : i32
    %c0_i32_1 = arith.constant 0 : i32
    return %c0_i32, %arg0, %c0_i32_0 : i32, i32, i32
  }
  func.func @transform_2(%arg0: i32) -> (i32, i32) {
    %c0_i32 = arith.constant 0 : i32
    %c0_i32_0 = arith.constant 0 : i32
    return %arg0, %c0_i32 : i32, i32
  }
  func.func @transform_3(%arg0: i32) -> (i32, i32) {
    %c0_i32 = arith.constant 0 : i32
    %c0_i32_0 = arith.constant 0 : i32
    return %arg0, %c0_i32 : i32, i32
  }
}

</mosaic_0001>

<sc_bundles>
// kernel: kernel.6.cloned.1.call-start
scs
__scs_entry_jumppad:
0x0: {  	(pc) =	sbr.rel $0x88, $3  }
0x1: {  	(tag) =	ssettag $0x0;
	lr =	simm.s32 $0x1  }
0x2: {  	[smem:$0x3F82] =	sst lr;
	_ =	strace $0xD0000000  }
0x3: {  	_ = 	snop  }
0x4: {  	_ = 	snop  }
0x5: {  	_ = 	snop  }
0x6: {  	_ = 	snop  }
0x7: {  	_ = 	snop  }
__scs_overlays_trampoline_lowered:
0x8: {  	[smem:$0x3F91] =	sst s0  }
0x9: {  	[smem:$0x3F92] =	sst s1  }
0xa: {  	[smem:$0x3F93] =	sst s2  }
0xb: {  	[smem:$0x3F94] =	sst s3  }
0xc: {  	[smem:$0x3F95] =	sst s4  }
0xd: {  	[smem:$0x3F96] =	sst s5  }
0xe: {  	[smem:$0x3F97] =	sst s6  }
0xf: {  	[smem:$0x3F98] =	sst s7  }
0x10: {  	[smem:$0x3F99] =	sst s8  }
0x11: {  	[smem:$0x3F9A] =	sst s9;
	s0 =	simm.s32 @!p0 $0x0  }
0x12: {  	s1 =	sld [smem:$0x3F80];
	s0 =	simm.s32 @p0 $0x1  }
0x13: {  	[smem:$0x3F9B] =	sst s0;
	s0 =	simm.s32 @!p1 $0x0  }
0x14: {  	s2 =	sld [smem:$0x3F7F];
	s0 =	simm.s32 @p1 $0x1  }
0x15: {  	[smem:$0x3F9C] =	sst s0;
	s0 =	simm.s32 @!p2 $0x0  }
0x16: {  	s3 =	sld [smem:$0x3FDB];
	s0 =	simm.s32 @p2 $0x1  }
0x17: {  	s4 =	simm.s32 $0x1BF5;
	[smem:$0x3F9E] =	sst s0  }
0x18: {  	s0 =	sld [smem:$0x3F81];
	_ =	swait.ge [sflag:s4], $0x0  }
0x19: {  	s7 =	sld [smem:$0x3F82]  }
0x1a: {  	s8 =	sadd.s32 $0xFFFFE003, lr  }
0x1b: {  	s9 =	sadd.s32 $0xFFFFFEF7, lr;
	s5 =	simm.s32 $0xFFFFFFFF;
	p2 =	slt.u32 s8, $0xFFFFF086  }
0x1c: {  	p1 =	slt.u32 s9, $0xF7A;
	s5 =	simm.s32 @!p2 $0x0  }
0x1d: {  	s5 =	simm.s32 @p1 $0x1;
	p0 =	seq.s32 s7, s2  }
0x1e: {  	s7 =	smul.u32 @!p0 $0xF7A, s2;
	p2 =	seq.s32 @!p0 s5, $0x0  }
0x1f: {  	s9 =	smul.u32 $0xF7A, s1;
	s8 =	simm.s32 @!p0 $0x1BF5;
	p2 =	por !p2, p0  }
0x20: {  	[sflag:s8] =	ssyncset.s32 @!p0 $0xFFFFF086;
	s6 =	sadd.s32 @!p0 s3, s7;
	s7 =	simm.s32 @!p0 $0x108  }
0x21: {  	s3 =	sadd.s32 s3, s9;
	s6 =	sadd.s32 @!p0 $0x88, s6;
	s7 =	simm.s32 @p2 $0x1082  }
0x22: {  	[simem:s7], [sflag:s8] =	dma.local @!p0 [hbm:s6], $0xF7A  }
0x23: {  	s9 =	sor.u32 $0xD0000000, s2;
	s6 =	simm.s32 $0x108;
	_ =	swait.ge @!p0 [sflag:s8], $0x0  }
0x24: {  	s3 =	sadd.s32 $0x88, s3;
	s6 =	simm.s32 @!p1 $0x1082;
	[sflag:s4] =	ssyncset.s32 $0xFFFFF086  }
0x25: {  	[simem:s6], [sflag:s4] =	dma.local [hbm:s3], $0xF7A  }
0x26: {  	[smem:$0x3F82] =	sst s1;
	(tag) =	ssettag s2;
	_ =	strace s9  }
0x27: {  	s1 =	sld [smem:$0x3F92]  }
0x28: {  	s2 =	sld [smem:$0x3F93]  }
0x29: {  	s4 =	sld [smem:$0x3F95]  }
0x2a: {  	p0 =	seq.s32 s5, $0x0;
	s5 =	sld [smem:$0x3F96]  }
0x2b: {  	s6 =	sld [smem:$0x3F97]  }
0x2c: {  	s7 =	sld [smem:$0x3F98]  }
0x2d: {  	s3 =	simm.s32 $0x108;
	s8 =	sld [smem:$0x3F99]  }
0x2e: {  	s3 =	simm.s32 @!p0 $0x1082;
	s9 =	sld [smem:$0x3F9A]  }
0x2f: {  	lr =	sadd.s32 s0, s3;
	s0 =	sld [smem:$0x3F91]  }
0x30: {  	s3 =	sld [smem:$0x3F94]  }
0x31: {  	[smem:$0x3F9D] =	sst s10  }
0x32: {  	s10 =	sld [smem:$0x3F9B];
	_ =	sdelay $0x3  }
0x33: {  	p0 =	seq.s32 s10, $0x1;
	s10 =	sld [smem:$0x3F9D];
	_ =	sdelay $0x3  }
0x34: {  	[smem:$0x3F9D] =	sst s10  }
0x35: {  	s10 =	sld [smem:$0x3F9C];
	_ =	sdelay $0x3  }
0x36: {  	p1 =	seq.s32 s10, $0x1;
	s10 =	sld [smem:$0x3F9D];
	_ =	sdelay $0x3  }
0x37: {  	[smem:$0x3F9D] =	sst s10  }
0x38: {  	s10 =	sld [smem:$0x3F9E]  }
0x39: {  	_ = 	snop;
	(pc) =	sbr.ind lr, $3  }
0x3a: {  	_ = 	snop  }
0x3b: {  	_ = 	snop  }
0x3c: {  	p2 =	seq.s32 s10, $0x1;
	s10 =	sld [smem:$0x3F9D]  }
0x3d: {  	_ =	shalt  }
0x3e: {  	_ =	shalt  }
0x3f: {  	_ =	shalt  }
0x40: {  	_ =	shalt  }
0x41: {  	_ =	shalt  }
0x42: {  	_ =	shalt  }
0x43: {  	_ =	shalt  }
0x44: {  	_ =	shalt  }
0x45: {  	_ =	shalt  }
0x46: {  	_ =	shalt  }
0x47: {  	_ =	shalt  }
0x48: {  	_ =	shalt  }
0x49: {  	_ =	shalt  }
0x4a: {  	_ =	shalt  }
0x4b: {  	_ =	shalt  }
0x4c: {  	_ =	shalt  }
0x4d: {  	_ =	shalt  }
0x4e: {  	_ =	shalt  }
0x4f: {  	_ =	shalt  }
0x50: {  	_ =	shalt  }
0x51: {  	_ =	shalt  }
0x52: {  	_ =	shalt  }
0x53: {  	_ =	shalt  }
0x54: {  	_ =	shalt  }
0x55: {  	_ =	shalt  }
0x56: {  	_ =	shalt  }
0x57: {  	_ =	shalt  }
0x58: {  	_ =	shalt  }
0x59: {  	_ =	shalt  }
0x5a: {  	_ =	shalt  }
0x5b: {  	_ =	shalt  }
0x5c: {  	_ =	shalt  }
0x5d: {  	_ =	shalt  }
0x5e: {  	_ =	shalt  }
0x5f: {  	_ =	shalt  }
0x60: {  	_ =	shalt  }
0x61: {  	_ =	shalt  }
0x62: {  	_ =	shalt  }
0x63: {  	_ =	shalt  }
0x64: {  	_ =	shalt  }
0x65: {  	_ =	shalt  }
0x66: {  	_ =	shalt  }
0x67: {  	_ =	shalt  }
0x68: {  	_ =	shalt  }
0x69: {  	_ =	shalt  }
0x6a: {  	_ =	shalt  }
0x6b: {  	_ =	shalt  }
0x6c: {  	_ =	shalt  }
0x6d: {  	_ =	shalt  }
0x6e: {  	_ =	shalt  }
0x6f: {  	_ =	shalt  }
0x70: {  	_ =	shalt  }
0x71: {  	_ =	shalt  }
0x72: {  	_ =	shalt  }
0x73: {  	_ =	shalt  }
0x74: {  	_ =	shalt  }
0x75: {  	_ =	shalt  }
0x76: {  	_ =	shalt  }
0x77: {  	_ =	shalt  }
0x78: {  	_ =	shalt  }
0x79: {  	_ =	shalt  }
0x7a: {  	_ =	shalt  }
0x7b: {  	_ =	shalt  }
0x7c: {  	_ =	shalt  }
0x7d: {  	_ =	shalt  }
0x7e: {  	_ =	shalt  }
0x7f: {  	_ =	shalt  }
0x80: {  	_ =	shalt  }
0x81: {  	_ =	shalt  }
0x82: {  	_ =	shalt  }
0x83: {  	_ =	shalt  }
0x84: {  	_ =	shalt  }
0x85: {  	_ =	shalt  }
0x86: {  	_ =	shalt  }
0x87: {  	_ =	shalt  }
.Lfunc_end0:
.L_simem_size_0:
called_computation_lowered:
.L_overlay_start_0:
0x88: {  	s2 =	sld [smem:$0x3FD9]  }
0x89: {  	s3 =	sld [smem:$0x3FFE];
	_ =	sdelay $0x1  }
0x8a: {  	s1 =	srdreg.scid  }
0x8b: {  	s0 =	sand.u32 $0x1, s1  }
0x8c: {  	s14 =	sshll.u32 s0, $0xA;
	s2 =	sadd.s32 s3, s2  }
0x8d: {  	s2 =	sadd.s32 s2, s14  }
0x8e: {  	[smem:$0x3FA9] =	sst s2  }
0x8f: {  	_ = 	snop  }
0x90: {  	s2 =	sld [smem:$0x3FD0];
	_ =	sdelay $0x2  }
0x91: {  	s15 =	simm.s32 $0xA;
	s4 =	simm.s32 $0x10  }
0x92: {  	[smem:s4], [sflag:s15] =	dma.local [hbm:s2], $0x1  }
0x93: {  	_ =	swait.eq [sflag:s15], $0x1  }
0x94: {  	[sflag:s15] =	ssyncset.done $0x0  }
0x95: {  	s16 =	sld [smem:$0x11];
	[sflag:s15] =	ssyncadd.s32 $0xFFFFFFFF  }
0x96: {  	s17 =	sld [smem:$0x12];
	(tm) =	ssettm $0x1  }
0x97: {  	s18 =	sld [smem:$0x3FFB];
	_ =	sdelay $0x3  }
0x98: {  	_ =	strace s18  }
0x99: {  	s4 =	sld [smem:$0x3FFC];
	_ =	sdelay $0x3  }
0x9a: {  	_ =	strace s4  }
0x9b: {  	s4 =	sld [smem:$0x3FFD];
	_ =	sdelay $0x3  }
0x9c: {  	_ =	strace s4  }
0x9d: {  	_ =	strace $0x8FFFFFFF  }
0x9e: {  	s19 =	sld [smem:$0x3FDB];
	_ =	sdelay $0x1  }
0x9f: {  	s5 =	simm.s32 $_scs_section_size  }
0xa0: {  	s6 =	simm.s32 $_size__tile_overlayer_lowered;
	s7 =	simm.s32 $_tile_overlayer_lowered  }
0xa1: {  	s22 =	simm.s32 $0x1BFF;
	s21 =	sshll.u32 s7, $0x1;
	s4 =	sadd.s32 s5, s19  }
0xa2: {  	s8 =	simm.s32 $0x0;
	s20 =	sshll.u32 s6, $0x1;
	s6 =	sadd.s32 s21, s4  }
0xa3: {  	[timem:s8], [sflag:s22] =	dma.local [hbm:s6], s20  }
0xa4: {  	_ =	swait.ge [sflag:s22], s20  }
0xa5: {  	s5 =	ssub.s32 $0x0, s20;
	[sflag:s22] =	ssyncset.done $0x0  }
0xa6: {  	[sflag:s22] =	ssyncadd.s32 s5;
	_ =	sdelay $0x1  }
0xa7: {  	s23 =	simm.s32 $0x1B8B  }
0xa8: {  	_ =	swait.ge [sflag:s23], $0x1  }
0xa9: {  	[sflag:s23] =	ssyncset.done $0x0  }
0xaa: {  	s25 =	simm.s32 $0x1B8E;
	s24 =	sld [smem:$0x3FFE];
	[sflag:s23] =	ssyncadd.s32 $0xFFFFFFFF  }
0xab: {  	s26 =	simm.s32 $execute0_lowered;
	[smem:$0x3FD2] =	sst s25  }
0xac: {  	s6 =	sshll.u32 s26, $0x1;
	_ =	strace $0x80000046;
	[dreg:$0x1] =	wrdreg $0xFFFFFFFF  }
0xad: {  	s28 =	simm.s32 $_size_execute0_lowered;
	s4 =	sadd.s32 s4, s6;
	[dreg:$0x0] =	wrdreg $0x0  }
0xae: {  	s6 =	sshll.u32 s28, $0x1;
	[dreg:$0x2] =	wrdreg s4  }
0xaf: {  	[dreg:$0x3] =	wrdreg s6  }
0xb0: {  	[dreg:$0x4] =	wrdreg $0xC0  }
0xb1: {  	_ =	task [dreg:s8], $0x5FFFF  }
0xb2: {  	[dreg:$0x1] =	wrdreg $0xFFFFFFFF  }
0xb3: {  	[dreg:$0x0] =	wrdreg $0x60  }
0xb4: {  	[dreg:$0x2] =	wrdreg s24  }
0xb5: {  	[dreg:$0x3] =	wrdreg s17  }
0xb6: {  	[dreg:$0x4] =	wrdreg s16  }
0xb7: {  	[dreg:$0x5] =	wrdreg $0xB7000  }
0xb8: {  	[dreg:$0x6] =	wrdreg $0x9  }
0xb9: {  	_ =	task.clear_ibuf [dreg:s8], $0x7FFFF;
	_ =	strace $0x90000046  }
0xba: {  	s29 =	simm.s32 $0x9;
	_ =	strace $0x80000048  }
0xbb: {  	_ =	swait.ge [sflag:s29], $0x1  }
0xbc: {  	[sflag:s29] =	ssyncadd.s32 $0xFFFFFFFF  }
0xbd: {  	_ =	strace $0x90000048  }
0xbe: {  	_ =	sfence  }
0xbf: {  	s30 =	sld [smem:$0x0];
	_ =	sdelay $0x2  }
0xc0: {  	s31 =	sshll.u32 s1, $0xD;
	s1 =	sshrl.u32 s1, $0x2  }
0xc1: {  	s3 =	sand.u32 $0x4000, s31;
	s1 =	sadd.s32 s1, s30  }
0xc2: {  	s0 =	sor.u32 s3, s0;
	s1 =	sshll.u32 s1, $0x11  }
0xc3: {  	s0 =	sor.u32 s1, s0  }
0xc4: {  	s0 =	sadd.s32 $0x8F2B, s0  }
0xc5: {  	[sflag:s0] =	ssyncadd.remote.s32 $0x1  }
0xc6: {  	_ =	sfence.sel $0xFFFF  }
0xc7: {  	[dreg:$0x0] =	wrdreg $0xFFFFFFFF;
	(pc) =	sbr.abs _section_cstart, $3  }
0xc8: {  	[dreg:$0x1] =	wrdreg $0xFFFFFFFF  }
0xc9: {  	_ =	task.clear_ibuf [dreg:s8], $0x2FFFF;
	_ =	strace $0x9FFFFFFF  }
0xca: {  	(tm) =	ssettm $0x7FFFFFFF  }
0xcb: {  	_ =	shalt  }
tec
execute0_lowered:
.L_overlay_start_1:
0x0: {  	(tag) =	ssettag $0x1  }
0x1: {  	s0 =	rddreg [dreg:$0x0]  }
0x2: {  	s2 =	rddreg [dreg:$0x2]  }
0x3: {  	s4 =	rddreg [dreg:$0x3];
	s7 =	simm.s32 $0x0;
	s6 =	stileid.u32  }
0x4: {  	[smem:$0x7FF] =	sst s7;
	s3 =	smul.u32 $0x4F000, s6  }
0x5: {  	s1 =	srdreg.scid;
	s5 =	sadd.s32 $0x273400, s0;
	s0 =	sadd.s32 $0xC37400, s0  }
0x6: {  	s17 =	smul.u32 $0x5000, s6;
	_ =	strace $0x80000047;
	[dreg:$0x6] =	wrdreg s5  }
0x7: {  	s1 =	sand.u32 $0x1, s1;
	s18 =	smul.u32 $0x13C00, s6;
	[dreg:$0x7] =	wrdreg s0  }
0x8: {  	s14 =	ssub.s32 $0x2, s1;
	s1 =	smul.u32 $0x14, s1;
	[dreg:$0xb] =	wrdreg s17  }
0x9: {  	s3 =	sshrl.u32 s3, $0x2;
	[dreg:$0xc] =	wrdreg s18  }
0xa: {  	s15 =	sshrl.u32 s14, $0x1;
	[dreg:$0x8] =	wrdreg s1;
	s9 =	sadd.s32 s3, s4  }
0xb: {  	s0 =	ssub.s32 s14, s15;
	s16 =	sadd.s32 $0x12000, s9;
	[dreg:$0x9] =	wrdreg s9  }
0xc: {  	s0 =	smax.u32 s0, $0x1;
	[dreg:$0xa] =	wrdreg s16  }
0xd: {  	s28 =	simm.s32 $0x2800;
	s19 =	sadd.s32 $0x2000, s9;
	[dreg:$0xd] =	wrdreg s0  }
0xe: {  	s29 =	simm.s32 $0x1000;
	s20 =	sadd.s32 $0x4000, s9;
	[dreg:$0xe] =	wrdreg s19  }
0xf: {  	s30 =	simm.s32 $0x40;
	s21 =	sadd.s32 $0x6000, s9;
	[dreg:$0xf] =	wrdreg s20  }
0x10: {  	s31 =	simm.s32 $0x4800;
	s22 =	sadd.s32 $0x8000, s9;
	[dreg:$0x10] =	wrdreg s21  }
0x11: {  	s13 =	simm.s32 $0x2000;
	s23 =	sadd.s32 $0xA000, s9;
	[dreg:$0x11] =	wrdreg s22  }
.Ltmp0:
0x12: {  	s24 =	sadd.s32 $0xC000, s9;
	[dreg:$0x12] =	wrdreg s23;
	(pc) =	sbr.rel .LBB2_1-.Ltmp0, $4  }
0x13: {  	s5 =	simm.s32 $0x2;
	s25 =	sadd.s32 $0xE000, s9;
	[dreg:$0x13] =	wrdreg s24  }
0x14: {  	s3 =	simm.s32 $0x3;
	s26 =	sadd.s32 $0x10000, s9;
	[dreg:$0x14] =	wrdreg s25  }
0x15: {  	s1 =	simm.s32 $0x4;
	[dreg:$0x15] =	wrdreg s26;
	s24 =	simm.s32 $0x6800  }
0x16: {  	v0 =	vimm.f32 $0.0e+00;
	s25 =	simm.s32 $0x5;
	s26 =	simm.s32 $0x8F80;
	s0 =	simm.s32 $0x1  }
.LBB2_16:
0x17: {  	s7 =	rddreg [dreg:$0x5]  }
0x18: {  	s6 =	rddreg [dreg:$0xd];
	s7 =	sadd.s32 $0x1, s7  }
0x19: {  	p0 =	sne.s32 s7, s6  }
.Ltmp1:
0x1a: {  	_ = 	snop;
	(pc) =	sbr.rel @!p0 .LBB2_17-.Ltmp1, $1  }
0x1b: {  	_ =	sdelay $0x3  }
.LBB2_1:
.Ltmp2:
0x1c: {  	(pc) =	sbr.rel .LBB2_2-.Ltmp2, $2  }
0x1d: {  	_ =	sdelay $0x2  }
0x1e: {  	[dreg:$0x5] =	wrdreg s7;
	s7 =	simm.s32 $0x0  }
.LBB2_15:
0x1f: {  	s6 =	rddreg [dreg:$0x17]  }
0x20: {  	s6 =	smul.u32 $0x13C000, s6  }
0x21: {  	s7 =	rddreg [dreg:$0xc];
	[bflag:$0x0] =	sbarrier.arrive $0xFFFF  }
0x22: {  	s21 =	stileid.u32;
	s8 =	rddreg [dreg:$0x7];
	s6 =	sadd.s32 s7, s6  }
0x23: {  	s9 =	rddreg [dreg:$0x9];
	s7 =	sshll.u32 s21, $0x6;
	s6 =	sshrl.u32 s6, $0x3  }
0x24: {  	s22 =	sshrl.u32 s9, $0x3;
	s7 =	sor.u32 $0x1C05, s7;
	s6 =	sadd.s32 s8, s6  }
0x25: {  	[hbm:s6], [sflag:s7] =	dma.local [spmem:s22], $0x2780  }
0x26: {  	_ =	swait.ge [sflag:s25], $0x2780  }
0x27: {  	s23 =	rddreg [dreg:$0x16]  }
0x28: {  	s7 =	sadd.s32 $0x1, s23  }
0x29: {  	p0 =	sne.s32 s7, $0x14  }
.Ltmp3:
0x2a: {  	_ = 	snop;
	(pc) =	sbr.rel @!p0 .LBB2_16-.Ltmp3, $3  }
0x2b: {  	_ =	sdelay $0x1  }
0x2c: {  	[sflag:s25] =	ssyncset.done $0x0  }
0x2d: {  	[sflag:s25] =	ssyncadd.s32 $0xFFFFD880  }
.LBB2_2:
0x2e: {  	s6 =	rddreg [dreg:$0x8]  }
0x2f: {  	s6 =	sadd.s32 s6, s7  }
0x30: {  	s8 =	sshrl.u32 s6, $0x3  }
0x31: {  	s12 =	sshll.u32 s8, $0x1  }
0x32: {  	p0 =	slt.u32 s6, $0x10;
	s11 =	sadd.s32 $0xFFFFFFFE, s12  }
0x33: {  	s11 =	smov.u32 @p0 s8  }
0x34: {  	s10 =	sand.u32 $0x7, s6;
	s12 =	sadd.s32 $0xFFFFFFFF, s12;
	s14 =	smul.u32 $0x27800, s11  }
0x35: {  	[dreg:$0x16] =	wrdreg s7;
	s15 =	sshll.u32 s10, $0x7;
	s12 =	smov.u32 @p0 s8  }
0x36: {  	s22 =	rddreg [dreg:$0x1];
	s12 =	smul.u32 $0x27800, s12;
	s14 =	sor.u32 s15, s14  }
0x37: {  	s23 =	simm.s32 $0x80;
	s16 =	simm.s32 $0x400;
	s14 =	sshrl.u32 s14, $0x3  }
0x38: {  	[dreg:$0x17] =	wrdreg s6;
	s12 =	sor.u32 s15, s12;
	s14 =	sadd.s32 s22, s14  }
0x39: {  	[tilespmem:s24], [sflag:$0x5] =	stream.strided.gather [hbm4b:s14+s23], $0x2780, s16, s23, $0x38;
	[tilespmem:$0x1F300] =	vst v63  }
0x3a: {  	s12 =	sadd.s32 $0x13C00, s12;
	_ =	swait.ge [sflag:s25], $0x2780  }
0x3b: {  	s12 =	sshrl.u32 s12, $0x3;
	[sflag:s25] =	ssyncset.done $0x0  }
0x3c: {  	s12 =	sadd.s32 s22, s12;
	[sflag:s25] =	ssyncadd.s32 $0xFFFFD880  }
0x3d: {  	[tilespmem:s26], [sflag:$0x5] =	stream.strided.gather [hbm4b:s12+s23], $0x2780, s16, s23, $0x38;
	[tilespmem:$0x1F300] =	vst v63  }
0x3e: {  	_ =	swait.ge [sflag:s25], $0x2780  }
0x3f: {  	[sflag:s25] =	ssyncset.done $0x0  }
0x40: {  	s14 =	simm.s32 $0x200;
	s12 =	simm.s32 $0x0;
	[sflag:s25] =	ssyncadd.s32 $0xFFFFD880  }
.LBB2_3:
0x41: {  	p0 =	sne.s32 s14, $0x7E00;
	[tilespmem:s12+$0x2870] =	vst v0  }
0x42: {  	[tilespmem:s12+$0x2800] =	vst v0  }
0x43: {  	[tilespmem:s12+$0x2810] =	vst v0  }
.Ltmp4:
0x44: {  	[tilespmem:s12+$0x2820] =	vst v0;
	(pc) =	sbr.rel @p0 .LBB2_3-.Ltmp4, $4  }
0x45: {  	[tilespmem:s12+$0x2830] =	vst v0  }
0x46: {  	[tilespmem:s12+$0x2840] =	vst v0  }
0x47: {  	[tilespmem:s12+$0x2850] =	vst v0  }
0x48: {  	[tilespmem:s12+$0x2860] =	vst v0;
	s12 =	sshra.s32 s14, $0x2;
	s14 =	sadd.s32 $0x200, s14  }
0x49: {  	[tilespmem:s12+$0x2870] =	vst v0  }
0x4a: {  	[tilespmem:s12+$0x2800] =	vst v0  }
0x4b: {  	[tilespmem:s12+$0x2810] =	vst v0  }
0x4c: {  	[tilespmem:s12+$0x2820] =	vst v0  }
0x4d: {  	[tilespmem:s12+$0x2830] =	vst v0  }
0x4e: {  	[tilespmem:s12+$0x2840] =	vst v0  }
0x4f: {  	[tilespmem:s12+$0x2850] =	vst v0  }
0x50: {  	[tilespmem:s12+$0x2860] =	vst v0  }
0x51: {  	[spmem:s9] =	stream.linear.scatter [tilespmem:s28], [sflag:$0x5], $0x2000, $0x38;
	[tilespmem:$0x1F300] =	vst v63  }
0x52: {  	_ =	swait.ge [sflag:s25], $0x2000  }
0x53: {  	[sflag:s25] =	ssyncset.done $0x0  }
0x54: {  	s6 =	rddreg [dreg:$0xe];
	[sflag:s25] =	ssyncadd.s32 $0xFFFFE000  }
0x55: {  	[spmem:s6] =	stream.linear.scatter [tilespmem:s28], [sflag:$0x5], $0x2000, $0x38;
	[tilespmem:$0x1F300] =	vst v63  }
0x56: {  	_ =	swait.ge [sflag:s25], $0x2000  }
0x57: {  	[sflag:s25] =	ssyncset.done $0x0  }
0x58: {  	s14 =	rddreg [dreg:$0xf];
	[sflag:s25] =	ssyncadd.s32 $0xFFFFE000  }
0x59: {  	[spmem:s14] =	stream.linear.scatter [tilespmem:s28], [sflag:$0x5], $0x2000, $0x38;
	[tilespmem:$0x1F300] =	vst v63  }
0x5a: {  	_ =	swait.ge [sflag:s25], $0x2000  }
0x5b: {  	[sflag:s25] =	ssyncset.done $0x0  }
0x5c: {  	s15 =	rddreg [dreg:$0x10];
	[sflag:s25] =	ssyncadd.s32 $0xFFFFE000  }
0x5d: {  	[spmem:s15] =	stream.linear.scatter [tilespmem:s28], [sflag:$0x5], $0x2000, $0x38;
	[tilespmem:$0x1F300] =	vst v63  }
0x5e: {  	_ =	swait.ge [sflag:s25], $0x2000  }
0x5f: {  	[sflag:s25] =	ssyncset.done $0x0  }
0x60: {  	s16 =	rddreg [dreg:$0x11];
	[sflag:s25] =	ssyncadd.s32 $0xFFFFE000  }
0x61: {  	[spmem:s16] =	stream.linear.scatter [tilespmem:s28], [sflag:$0x5], $0x2000, $0x38;
	[tilespmem:$0x1F300] =	vst v63  }
0x62: {  	_ =	swait.ge [sflag:s25], $0x2000  }
0x63: {  	[sflag:s25] =	ssyncset.done $0x0  }
0x64: {  	s17 =	rddreg [dreg:$0x12];
	[sflag:s25] =	ssyncadd.s32 $0xFFFFE000  }
0x65: {  	[spmem:s17] =	stream.linear.scatter [tilespmem:s28], [sflag:$0x5], $0x2000, $0x38;
	[tilespmem:$0x1F300] =	vst v63  }
0x66: {  	_ =	swait.ge [sflag:s25], $0x2000  }
0x67: {  	[sflag:s25] =	ssyncset.done $0x0  }
0x68: {  	s18 =	rddreg [dreg:$0x13];
	[sflag:s25] =	ssyncadd.s32 $0xFFFFE000  }
0x69: {  	[spmem:s18] =	stream.linear.scatter [tilespmem:s28], [sflag:$0x5], $0x2000, $0x38;
	[tilespmem:$0x1F300] =	vst v63  }
0x6a: {  	_ =	swait.ge [sflag:s25], $0x2000  }
0x6b: {  	[sflag:s25] =	ssyncset.done $0x0  }
0x6c: {  	s19 =	rddreg [dreg:$0x14];
	[sflag:s25] =	ssyncadd.s32 $0xFFFFE000  }
0x6d: {  	[spmem:s19] =	stream.linear.scatter [tilespmem:s28], [sflag:$0x5], $0x2000, $0x38;
	[tilespmem:$0x1F300] =	vst v63  }
0x6e: {  	_ =	swait.ge [sflag:s25], $0x2000  }
0x6f: {  	[sflag:s25] =	ssyncset.done $0x0  }
0x70: {  	s20 =	rddreg [dreg:$0x15];
	[sflag:s25] =	ssyncadd.s32 $0xFFFFE000  }
0x71: {  	[spmem:s20] =	stream.linear.scatter [tilespmem:s28], [sflag:$0x5], $0x2000, $0x38;
	[tilespmem:$0x1F300] =	vst v63  }
0x72: {  	_ =	swait.ge [sflag:s25], $0x2000  }
0x73: {  	[sflag:s25] =	ssyncset.done $0x0  }
0x74: {  	s21 =	rddreg [dreg:$0xa];
	[sflag:s25] =	ssyncadd.s32 $0xFFFFE000  }
0x75: {  	[spmem:s21] =	stream.linear.scatter [tilespmem:s28], [sflag:$0x5], $0x1C00, $0x38;
	[tilespmem:$0x1F300] =	vst v63  }
0x76: {  	s11 =	smul.u32 $0x9C4000, s11;
	_ =	swait.ge [sflag:s25], $0x1C00  }
0x77: {  	s10 =	smul.u32 $0x138800, s10;
	[sflag:s25] =	ssyncset.done $0x0  }
.Ltmp5:
0x78: {  	[sflag:s25] =	ssyncadd.s32 $0xFFFFE400;
	(pc) =	sbr.rel .LBB2_5-.Ltmp5, $4  }
0x79: {  	[bflag:$0x0] =	sbarrier.arrive $0xFFFF  }
0x7a: {  	s8 =	smul.u32 $0xA0000, s8;
	s10 =	sadd.s32 s10, s11;
	s22 =	rddreg [dreg:$0xb]  }
0x7b: {  	s12 =	simm.s32 $0x0;
	s10 =	sshrl.u32 s10, $0x3;
	s23 =	rddreg [dreg:$0x6]  }
0x7c: {  	s11 =	simm.s32 $0x0;
	s8 =	sadd.s32 s22, s8;
	s10 =	sadd.s32 s23, s10  }
.LBB2_14:
0x7d: {  	s12 =	sadd.s32 $0x1, s12  }
0x7e: {  	p0 =	sne.s32 s12, $0x5  }
.Ltmp6:
0x7f: {  	_ = 	snop;
	(pc) =	sbr.rel @!p0 .LBB2_15-.Ltmp6, $4  }
0x80: {  	_ = 	snop  }
0x81: {  	_ =	swait.ge [sflag:s1], $0x2000  }
0x82: {  	[sflag:s1] =	ssyncset.done $0x0  }
0x83: {  	[sflag:s1] =	ssyncadd.s32 $0xFFFFE000  }
.LBB2_5:
0x84: {  	s14 =	sshll.u32 s12, $0xC  }
0x85: {  	s14 =	sadd.s32 s14, s8  }
0x86: {  	s14 =	sshrl.u32 s14, $0x3  }
0x87: {  	s14 =	sadd.s32 s2, s14  }
0x88: {  	[tilespmem:s11], [sflag:$0x5] =	stream.linear.gather [hbm4b:s14+s11], $0x1000, $0x38;
	[tilespmem:$0x1F300] =	vst v63  }
0x89: {  	_ =	swait.ge [sflag:s25], $0x1000  }
0x8a: {  	[sflag:s25] =	ssyncset.done $0x0  }
0x8b: {  	s14 =	sadd.s32 $0xA000, s14;
	[sflag:s25] =	ssyncadd.s32 $0xFFFFF000  }
0x8c: {  	[tilespmem:s29], [sflag:$0x5] =	stream.linear.gather [hbm4b:s14+s11], $0x1000, $0x38;
	[tilespmem:$0x1F300] =	vst v63  }
0x8d: {  	_ =	swait.ge [sflag:s25], $0x1000  }
0x8e: {  	[sflag:s25] =	ssyncset.done $0x0  }
0x8f: {  	s15 =	simm.s32 $0x0;
	s14 =	simm.s32 $0x2020;
	[sflag:s25] =	ssyncadd.s32 $0xFFFFF000  }
0x90: {  	[tilespmem:s28], [sflag:$0x1] =	stream.indirect.gather [hbm4b:s10+s30], $0x80, s11, s30, $0xb8;
	[tilespmem:$0x1F300] =	vst v63  }
.LBB2_6:
0x91: {  	s16 =	sshra.s32 s15, $0x2  }
0x92: {  	v1 =	vld [tilespmem:s16+$0x0]  }
0x93: {  	v2 =	vld [tilespmem:s16+$0x1000];
	_ =	sdelay $0x6  }
0x94: {  	v1 =	vld.idx.msk [tilespmem:v1+s24+$0x0], $0xffff  }
0x95: {  	v2 =	vld.idx.msk [tilespmem:v2+s26+$0x0], $0xffff;
	_ =	sdelay $0x4  }
0x96: {  	v1 =	vadd.f32 v2, v1;
	_ =	sdelay $0x1  }
0x97: {  	v2 =	vmul.f32 $2.000000030e-01, v1;
	_ =	sdelay $0x1  }
0x98: {  	v1 =	vmax.f32 v1, v2  }
0x99: {  	v1 =	vmul.f32 $1.442695020e+00, v1;
	_ =	sdelay $0x1  }
0x9a: {  	(erf) = vpow2.f32 v1;
	_ =	sdelay $0x8  }
0x9b: {  	v1 =	vpop (erf)  }
0x9c: {  	[tilespmem:s14+$0xFFFFFFE0] =	vst v1  }
0x9d: {  	v1 =	vld [tilespmem:s16+$0x10]  }
0x9e: {  	v2 =	vld [tilespmem:s16+$0x1010];
	_ =	sdelay $0x6  }
0x9f: {  	v1 =	vld.idx.msk [tilespmem:v1+s24+$0x0], $0xffff  }
0xa0: {  	v2 =	vld.idx.msk [tilespmem:v2+s26+$0x0], $0xffff;
	_ =	sdelay $0x4  }
0xa1: {  	v1 =	vadd.f32 v2, v1;
	_ =	sdelay $0x1  }
0xa2: {  	v2 =	vmul.f32 $2.000000030e-01, v1;
	_ =	sdelay $0x1  }
0xa3: {  	v1 =	vmax.f32 v1, v2  }
0xa4: {  	v1 =	vmul.f32 $1.442695020e+00, v1;
	_ =	sdelay $0x1  }
0xa5: {  	(erf) = vpow2.f32 v1;
	_ =	sdelay $0x8  }
0xa6: {  	v1 =	vpop (erf)  }
0xa7: {  	[tilespmem:s14+$0xFFFFFFF0] =	vst v1  }
0xa8: {  	v1 =	vld [tilespmem:s16+$0x20]  }
0xa9: {  	v2 =	vld [tilespmem:s16+$0x1020];
	_ =	sdelay $0x6  }
0xaa: {  	v1 =	vld.idx.msk [tilespmem:v1+s24+$0x0], $0xffff  }
0xab: {  	v2 =	vld.idx.msk [tilespmem:v2+s26+$0x0], $0xffff;
	_ =	sdelay $0x4  }
0xac: {  	v1 =	vadd.f32 v2, v1;
	_ =	sdelay $0x1  }
0xad: {  	v2 =	vmul.f32 $2.000000030e-01, v1;
	_ =	sdelay $0x1  }
0xae: {  	v1 =	vmax.f32 v1, v2  }
0xaf: {  	v1 =	vmul.f32 $1.442695020e+00, v1;
	_ =	sdelay $0x1  }
0xb0: {  	(erf) = vpow2.f32 v1;
	_ =	sdelay $0x8  }
0xb1: {  	v1 =	vpop (erf)  }
0xb2: {  	[tilespmem:s14+$0x0] =	vst v1  }
0xb3: {  	v1 =	vld [tilespmem:s16+$0x30]  }
0xb4: {  	v2 =	vld [tilespmem:s16+$0x1030];
	_ =	sdelay $0x6  }
0xb5: {  	v1 =	vld.idx.msk [tilespmem:v1+s24+$0x0], $0xffff  }
0xb6: {  	v2 =	vld.idx.msk [tilespmem:v2+s26+$0x0], $0xffff;
	_ =	sdelay $0x4  }
0xb7: {  	v1 =	vadd.f32 v2, v1;
	_ =	sdelay $0x1  }
0xb8: {  	v2 =	vmul.f32 $2.000000030e-01, v1;
	_ =	sdelay $0x1  }
0xb9: {  	v1 =	vmax.f32 v1, v2  }
0xba: {  	v1 =	vmul.f32 $1.442695020e+00, v1;
	_ =	sdelay $0x1  }
0xbb: {  	(erf) = vpow2.f32 v1;
	_ =	sdelay $0x4  }
0xbc: {  	p0 =	sne.s32 s15, $0x3E00  }
.Ltmp7:
0xbd: {  	_ = 	snop;
	(pc) =	sbr.rel @p0 .LBB2_6-.Ltmp7, $3  }
0xbe: {  	_ =	sdelay $0x1  }
0xbf: {  	v1 =	vpop (erf)  }
0xc0: {  	s15 =	sadd.s32 $0x200, s15;
	[tilespmem:s14+$0x10] =	vst v1;
	s14 =	sadd.s32 $0x40, s14  }
0xc1: {  	s14 =	simm.s32 $0x0;
	s15 =	simm.s32 $0x0  }
.LBB2_8:
0xc2: {  	p0 =	seq.s32 s15, $0x0;
	s18 =	sadd.s32 $0xFFFFFFF8, s14  }
0xc3: {  	s16 =	simm.s32 @!p0 $0x4;
	s17 =	sadd.s32 $0x8, s18  }
0xc4: {  	_ =	swait.ge @!p0 [sflag:s16], $0x2000;
	v1 =	vmov s17  }
0xc5: {  	s7 =	sshllo.u32 s15, $0x1;
	[sflag:s16] =	ssyncset.done @!p0 $0x0;
	v1 =	vand.u32 $0xFFFFFFF8, v1  }
0xc6: {  	[sflag:s16] =	ssyncadd.s32 @!p0 $0xFFFFE000;
	s16 =	sshll.u32 s7, $0x7;
	v1 =	vbroadcast v1, $0x0  }
0xc7: {  	[tilespmem:s31], [sflag:$0x2] =	stream.indirect.gather [hbm4b:s10+s30], $0x80, s16, s30, $0xb8;
	[tilespmem:$0x1F300] =	vst v63  }
0xc8: {  	_ =	swait.ge [sflag:s0], $0x2000  }
0xc9: {  	[sflag:s0] =	ssyncset.done $0x0  }
0xca: {  	s17 =	simm.s32 $0x2A00;
	[sflag:s0] =	ssyncadd.s32 $0xFFFFE000  }
0xcb: {  	v2 =	vld [tilespmem:s17+$0xFFFFFE30]  }
0xcc: {  	v1 =	vld.idx.msk [tilespmem:v1+s13+$0x0], $0xffff  }
0xcd: {  	v3 =	vld [tilespmem:s17+$0xFFFFFE40]  }
0xce: {  	v4 =	vld [tilespmem:s17+$0xFFFFFE00]  }
0xcf: {  	s19 =	sadd.s32 $0x9, s18;
	v5 =	vld [tilespmem:s17+$0xFFFFFE10]  }
0xd0: {  	v6 =	vmov s19;
	v7 =	vld [tilespmem:s17+$0xFFFFFE20]  }
0xd1: {  	v6 =	vand.u32 $0xFFFFFFF9, v6;
	v2 =	vmul.f32 v2, v1  }
0xd2: {  	v6 =	vbroadcast v6, $0x0;
	v3 =	vmul.f32 v3, v1  }
0xd3: {  	v4 =	vmul.f32 v4, v1;
	[tilespmem:s17+$0xFFFFFE30] =	vst v2  }
0xd4: {  	v2 =	vmul.f32 v5, v1;
	[tilespmem:s17+$0xFFFFFE40] =	vst v3  }
0xd5: {  	v1 =	vmul.f32 v7, v1;
	[tilespmem:s17+$0xFFFFFE00] =	vst v4  }
0xd6: {  	[tilespmem:s17+$0xFFFFFE10] =	vst v2  }
0xd7: {  	[tilespmem:s17+$0xFFFFFE20] =	vst v1;
	v1 =	vld [tilespmem:s17+$0xFFFFFE90]  }
0xd8: {  	v2 =	vld.idx.msk [tilespmem:v6+s13+$0x0], $0xffff  }
0xd9: {  	v3 =	vld [tilespmem:s17+$0xFFFFFEB0]  }
0xda: {  	v4 =	vld [tilespmem:s17+$0xFFFFFEA0]  }
0xdb: {  	s9 =	sadd.s32 $0xA, s18;
	v5 =	vld [tilespmem:s17+$0xFFFFFE80]  }
0xdc: {  	v7 =	vld [tilespmem:s17+$0xFFFFFEC0];
	v6 =	vmov s9  }
0xdd: {  	v6 =	vand.u32 $0xFFFFFFFA, v6;
	v1 =	vmul.f32 v1, v2  }
0xde: {  	v6 =	vbroadcast v6, $0x0;
	v3 =	vmul.f32 v3, v2  }
0xdf: {  	v4 =	vmul.f32 v4, v2;
	[tilespmem:s17+$0xFFFFFE90] =	vst v1  }
0xe0: {  	v1 =	vmul.f32 v5, v2;
	[tilespmem:s17+$0xFFFFFEB0] =	vst v3  }
0xe1: {  	v2 =	vmul.f32 v7, v2;
	[tilespmem:s17+$0xFFFFFEA0] =	vst v4  }
0xe2: {  	[tilespmem:s17+$0xFFFFFE80] =	vst v1  }
0xe3: {  	[tilespmem:s17+$0xFFFFFEC0] =	vst v2;
	v2 =	vld [tilespmem:s17+$0xFFFFFF00]  }
0xe4: {  	v1 =	vld.idx.msk [tilespmem:v6+s13+$0x0], $0xffff  }
0xe5: {  	v3 =	vld [tilespmem:s17+$0xFFFFFF20]  }
0xe6: {  	v4 =	vld [tilespmem:s17+$0xFFFFFF10]  }
0xe7: {  	s20 =	sadd.s32 $0xB, s18;
	v5 =	vld [tilespmem:s17+$0xFFFFFF40]  }
0xe8: {  	v7 =	vld [tilespmem:s17+$0xFFFFFF30];
	v6 =	vmov s20  }
0xe9: {  	v6 =	vand.u32 $0xFFFFFFFB, v6;
	v2 =	vmul.f32 v2, v1  }
0xea: {  	v6 =	vbroadcast v6, $0x0;
	v3 =	vmul.f32 v3, v1  }
0xeb: {  	v4 =	vmul.f32 v4, v1;
	[tilespmem:s17+$0xFFFFFF00] =	vst v2  }
0xec: {  	v2 =	vmul.f32 v5, v1;
	[tilespmem:s17+$0xFFFFFF20] =	vst v3  }
0xed: {  	v1 =	vmul.f32 v7, v1;
	[tilespmem:s17+$0xFFFFFF10] =	vst v4  }
0xee: {  	[tilespmem:s17+$0xFFFFFF40] =	vst v2  }
0xef: {  	[tilespmem:s17+$0xFFFFFF30] =	vst v1;
	v2 =	vld [tilespmem:s17+$0xFFFFFF80]  }
0xf0: {  	v1 =	vld.idx.msk [tilespmem:v6+s13+$0x0], $0xffff  }
0xf1: {  	v3 =	vld [tilespmem:s17+$0xFFFFFF90]  }
0xf2: {  	v4 =	vld [tilespmem:s17+$0xFFFFFFA0]  }
0xf3: {  	s21 =	sadd.s32 $0xC, s18;
	v5 =	vld [tilespmem:s17+$0xFFFFFFC0]  }
0xf4: {  	v7 =	vld [tilespmem:s17+$0xFFFFFFB0];
	v6 =	vmov s21  }
0xf5: {  	v6 =	vand.u32 $0xFFFFFFFC, v6;
	v2 =	vmul.f32 v2, v1  }
0xf6: {  	v6 =	vbroadcast v6, $0x0;
	v3 =	vmul.f32 v3, v1  }
0xf7: {  	v4 =	vmul.f32 v4, v1;
	[tilespmem:s17+$0xFFFFFF80] =	vst v2  }
0xf8: {  	v2 =	vmul.f32 v5, v1;
	[tilespmem:s17+$0xFFFFFF90] =	vst v3  }
0xf9: {  	v1 =	vmul.f32 v7, v1;
	[tilespmem:s17+$0xFFFFFFA0] =	vst v4  }
0xfa: {  	[tilespmem:s17+$0xFFFFFFC0] =	vst v2  }
0xfb: {  	[tilespmem:s17+$0xFFFFFFB0] =	vst v1;
	v2 =	vld [tilespmem:s17+$0x0]  }
0xfc: {  	v1 =	vld.idx.msk [tilespmem:v6+s13+$0x0], $0xffff  }
0xfd: {  	v3 =	vld [tilespmem:s17+$0x20]  }
0xfe: {  	v4 =	vld [tilespmem:s17+$0x10]  }
0xff: {  	s22 =	sadd.s32 $0xD, s18;
	v5 =	vld [tilespmem:s17+$0x30]  }
0x100: {  	v7 =	vld [tilespmem:s17+$0x40];
	v6 =	vmov s22  }
0x101: {  	v6 =	vand.u32 $0xFFFFFFFD, v6;
	v2 =	vmul.f32 v2, v1  }
0x102: {  	v6 =	vbroadcast v6, $0x0;
	v3 =	vmul.f32 v3, v1  }
0x103: {  	v4 =	vmul.f32 v4, v1;
	[tilespmem:s17+$0x0] =	vst v2  }
0x104: {  	v2 =	vmul.f32 v5, v1;
	[tilespmem:s17+$0x20] =	vst v3  }
0x105: {  	v1 =	vmul.f32 v7, v1;
	[tilespmem:s17+$0x10] =	vst v4  }
0x106: {  	v3 =	vld [tilespmem:s17+$0xA0];
	[tilespmem:s17+$0x30] =	vst v2  }
0x107: {  	v4 =	vld [tilespmem:s17+$0x90];
	[tilespmem:s17+$0x40] =	vst v1  }
0x108: {  	v2 =	vld.idx.msk [tilespmem:v6+s13+$0x0], $0xffff  }
0x109: {  	s23 =	sadd.s32 $0xE, s18;
	v6 =	vld [tilespmem:s17+$0x80]  }
0x10a: {  	v5 =	vld [tilespmem:s17+$0xB0];
	v1 =	vmov s23  }
0x10b: {  	s19 =	simm.s32 $0x0;
	s20 =	sadd.s32 $0xF, s18;
	s18 =	simm.s32 $0x2A00;
	v7 =	vld [tilespmem:s17+$0xC0];
	v1 =	vand.u32 $0xFFFFFFFE, v1  }
.LBB2_9:
0x10c: {  	s17 =	sadd.s32 $0x400, s17;
	s21 =	smov.u32 s19;
	s19 =	sadd.s32 $0x8, s19  }
0x10d: {  	v1 =	vbroadcast v1, $0x0;
	p0 =	slt.u32 s19, $0x38  }
0x10e: {  	v4 =	vmul.f32 v4, v2;
	v6 =	vmul.f32 v6, v2  }
0x10f: {  	v3 =	vmul.f32 v3, v2;
	v5 =	vmul.f32 v5, v2  }
0x110: {  	[tilespmem:s18+$0x90] =	vst v4;
	v2 =	vmul.f32 v7, v2  }
0x111: {  	[tilespmem:s18+$0xA0] =	vst v3  }
0x112: {  	[tilespmem:s18+$0xC0] =	vst v2  }
0x113: {  	[tilespmem:s18+$0x80] =	vst v6;
	v2 =	vld [tilespmem:s18+$0x100]  }
0x114: {  	[tilespmem:s18+$0xB0] =	vst v5;
	v3 =	vld [tilespmem:s18+$0x130]  }
0x115: {  	v1 =	vld.idx.msk [tilespmem:v1+s13+$0x0], $0xffff  }
0x116: {  	v4 =	vld [tilespmem:s18+$0x110]  }
0x117: {  	v5 =	vld [tilespmem:s18+$0x120]  }
0x118: {  	v6 =	vld [tilespmem:s18+$0x140];
	_ =	sdelay $0x2  }
0x119: {  	v2 =	vmul.f32 v2, v1;
	v4 =	vmul.f32 v4, v1  }
0x11a: {  	v3 =	vmul.f32 v3, v1;
	v5 =	vmul.f32 v5, v1  }
0x11b: {  	[tilespmem:s18+$0x100] =	vst v2;
	v1 =	vmul.f32 v6, v1  }
0x11c: {  	v2 =	vmov s20;
	[tilespmem:s18+$0x120] =	vst v5  }
0x11d: {  	[tilespmem:s18+$0x110] =	vst v4  }
0x11e: {  	[tilespmem:s18+$0x140] =	vst v1;
	_ =	sdelay $0x1  }
0x11f: {  	[tilespmem:s18+$0x130] =	vst v3;
	v1 =	vld [tilespmem:s18+$0x1A0]  }
0x120: {  	v2 =	vld.idx.msk [tilespmem:v2+s13+$0x0], $0xffff  }
0x121: {  	v3 =	vld [tilespmem:s18+$0x180]  }
0x122: {  	v4 =	vld [tilespmem:s18+$0x190]  }
0x123: {  	s20 =	sadd.s32 s21, s14;
	v5 =	vld [tilespmem:s18+$0x1B0]  }
0x124: {  	s21 =	sadd.s32 $0x8, s20;
	s22 =	sadd.s32 $0x9, s20;
	s23 =	sadd.s32 $0xA, s20;
	v6 =	vld [tilespmem:s18+$0x1C0]  }
0x125: {  	v7 =	vmov s21;
	v8 =	vmov s22;
	v9 =	vmov s23;
	s21 =	sadd.s32 $0xB, s20;
	s22 =	sadd.s32 $0xC, s20;
	s23 =	sadd.s32 $0xD, s20  }
0x126: {  	s9 =	sadd.s32 $0xE, s20;
	s20 =	sadd.s32 $0xF, s20;
	v7 =	vand.u32 $0xFFFFFFF8, v7;
	v8 =	vand.u32 $0xFFFFFFF9, v8;
	v3 =	vmul.f32 v3, v2  }
0x127: {  	v9 =	vand.u32 $0xFFFFFFFA, v9;
	v7 =	vbroadcast v7, $0x0;
	v4 =	vmul.f32 v4, v2  }
0x128: {  	v10 =	vmov s21;
	[tilespmem:s18+$0x180] =	vst v3;
	v3 =	vmul.f32 v1, v2;
	v1 =	vmul.f32 v5, v2  }
0x129: {  	v5 =	vand.u32 $0xFFFFFFFB, v10;
	v10 =	vmov s22;
	[tilespmem:s18+$0x190] =	vst v4;
	v4 =	vmul.f32 v6, v2  }
0x12a: {  	v6 =	vand.u32 $0xFFFFFFFC, v10;
	v2 =	vmov s23;
	v10 =	vmov s9;
	[tilespmem:s18+$0x1B0] =	vst v1  }
0x12b: {  	v2 =	vand.u32 $0xFFFFFFFD, v2;
	v1 =	vand.u32 $0xFFFFFFFE, v10;
	[tilespmem:s18+$0x1C0] =	vst v4  }
0x12c: {  	[tilespmem:s18+$0x1A0] =	vst v3;
	s18 =	smov.u32 s17  }
0x12d: {  	v3 =	vld [tilespmem:s17+$0xFFFFFE40]  }
0x12e: {  	v4 =	vld [tilespmem:s17+$0xFFFFFE30]  }
0x12f: {  	v7 =	vld.idx.msk [tilespmem:v7+s13+$0x0], $0xffff  }
0x130: {  	v10 =	vld [tilespmem:s17+$0xFFFFFE10]  }
0x131: {  	v11 =	vld [tilespmem:s17+$0xFFFFFE00];
	_ =	sdelay $0x1  }
0x132: {  	v8 =	vbroadcast v8, $0x0;
	v12 =	vld [tilespmem:s17+$0xFFFFFE20];
	_ =	sdelay $0x1  }
0x133: {  	v4 =	vmul.f32 v4, v7;
	v10 =	vmul.f32 v10, v7  }
0x134: {  	v3 =	vmul.f32 v3, v7;
	v11 =	vmul.f32 v11, v7  }
0x135: {  	[tilespmem:s17+$0xFFFFFE30] =	vst v4  }
0x136: {  	v4 =	vmul.f32 v12, v7;
	[tilespmem:s17+$0xFFFFFE40] =	vst v3  }
0x137: {  	[tilespmem:s17+$0xFFFFFE00] =	vst v11  }
0x138: {  	[tilespmem:s17+$0xFFFFFE10] =	vst v10;
	v3 =	vld [tilespmem:s17+$0xFFFFFEB0]  }
0x139: {  	[tilespmem:s17+$0xFFFFFE20] =	vst v4;
	v4 =	vld [tilespmem:s17+$0xFFFFFE90]  }
0x13a: {  	v7 =	vld.idx.msk [tilespmem:v8+s13+$0x0], $0xffff  }
0x13b: {  	v8 =	vld [tilespmem:s17+$0xFFFFFE80]  }
0x13c: {  	v10 =	vld [tilespmem:s17+$0xFFFFFEA0]  }
0x13d: {  	v11 =	vld [tilespmem:s17+$0xFFFFFEC0];
	_ =	sdelay $0x1  }
0x13e: {  	v9 =	vbroadcast v9, $0x0  }
0x13f: {  	v4 =	vmul.f32 v4, v7;
	v8 =	vmul.f32 v8, v7  }
0x140: {  	v3 =	vmul.f32 v3, v7;
	v10 =	vmul.f32 v10, v7  }
0x141: {  	[tilespmem:s17+$0xFFFFFE90] =	vst v4;
	v4 =	vmul.f32 v11, v7  }
0x142: {  	[tilespmem:s17+$0xFFFFFEB0] =	vst v3  }
0x143: {  	[tilespmem:s17+$0xFFFFFEA0] =	vst v10  }
0x144: {  	[tilespmem:s17+$0xFFFFFE80] =	vst v8;
	v3 =	vld [tilespmem:s17+$0xFFFFFF30]  }
0x145: {  	[tilespmem:s17+$0xFFFFFEC0] =	vst v4;
	v4 =	vld [tilespmem:s17+$0xFFFFFF10]  }
0x146: {  	v7 =	vld.idx.msk [tilespmem:v9+s13+$0x0], $0xffff  }
0x147: {  	v8 =	vld [tilespmem:s17+$0xFFFFFF00]  }
0x148: {  	v9 =	vld [tilespmem:s17+$0xFFFFFF20]  }
0x149: {  	v10 =	vld [tilespmem:s17+$0xFFFFFF40];
	_ =	sdelay $0x1  }
0x14a: {  	v5 =	vbroadcast v5, $0x0  }
0x14b: {  	v4 =	vmul.f32 v4, v7;
	v8 =	vmul.f32 v8, v7  }
0x14c: {  	v3 =	vmul.f32 v3, v7;
	v9 =	vmul.f32 v9, v7  }
0x14d: {  	[tilespmem:s17+$0xFFFFFF00] =	vst v8;
	v7 =	vmul.f32 v10, v7  }
0x14e: {  	[tilespmem:s17+$0xFFFFFF20] =	vst v9  }
0x14f: {  	[tilespmem:s17+$0xFFFFFF10] =	vst v4  }
0x150: {  	[tilespmem:s17+$0xFFFFFF40] =	vst v7;
	v4 =	vld [tilespmem:s17+$0xFFFFFFB0]  }
0x151: {  	[tilespmem:s17+$0xFFFFFF30] =	vst v3;
	v3 =	vld [tilespmem:s17+$0xFFFFFF90]  }
0x152: {  	v5 =	vld.idx.msk [tilespmem:v5+s13+$0x0], $0xffff  }
0x153: {  	v7 =	vld [tilespmem:s17+$0xFFFFFF80]  }
0x154: {  	v8 =	vld [tilespmem:s17+$0xFFFFFFA0]  }
0x155: {  	v9 =	vld [tilespmem:s17+$0xFFFFFFC0];
	_ =	sdelay $0x1  }
0x156: {  	v6 =	vbroadcast v6, $0x0  }
0x157: {  	v3 =	vmul.f32 v3, v5;
	v7 =	vmul.f32 v7, v5  }
0x158: {  	v4 =	vmul.f32 v4, v5;
	v8 =	vmul.f32 v8, v5  }
0x159: {  	[tilespmem:s17+$0xFFFFFF80] =	vst v7;
	v5 =	vmul.f32 v9, v5  }
0x15a: {  	[tilespmem:s17+$0xFFFFFF90] =	vst v3  }
0x15b: {  	[tilespmem:s17+$0xFFFFFFA0] =	vst v8  }
0x15c: {  	[tilespmem:s17+$0xFFFFFFC0] =	vst v5;
	v3 =	vld [tilespmem:s17+$0x40]  }
0x15d: {  	[tilespmem:s17+$0xFFFFFFB0] =	vst v4;
	v4 =	vld [tilespmem:s17+$0x10]  }
0x15e: {  	v5 =	vld.idx.msk [tilespmem:v6+s13+$0x0], $0xffff  }
0x15f: {  	v6 =	vld [tilespmem:s17+$0x0]  }
0x160: {  	v7 =	vld [tilespmem:s17+$0x20]  }
0x161: {  	v8 =	vld [tilespmem:s17+$0x30];
	_ =	sdelay $0x1  }
0x162: {  	v2 =	vbroadcast v2, $0x0  }
0x163: {  	v4 =	vmul.f32 v4, v5;
	v6 =	vmul.f32 v6, v5  }
0x164: {  	v9 =	vmul.f32 v3, v5;
	v7 =	vmul.f32 v7, v5  }
0x165: {  	[tilespmem:s17+$0x0] =	vst v6;
	v3 =	vmul.f32 v8, v5  }
0x166: {  	[tilespmem:s17+$0x20] =	vst v7  }
0x167: {  	[tilespmem:s17+$0x10] =	vst v4  }
0x168: {  	[tilespmem:s17+$0x30] =	vst v3;
	v3 =	vld [tilespmem:s17+$0xA0]  }
.Ltmp8:
0x169: {  	[tilespmem:s17+$0x40] =	vst v9;
	v4 =	vld [tilespmem:s17+$0x90];
	(pc) =	sbr.rel @p0 .LBB2_9-.Ltmp8, $4  }
0x16a: {  	v2 =	vld.idx.msk [tilespmem:v2+s13+$0x0], $0xffff  }
0x16b: {  	v6 =	vld [tilespmem:s17+$0x80]  }
0x16c: {  	v5 =	vld [tilespmem:s17+$0xB0]  }
0x16d: {  	v7 =	vld [tilespmem:s17+$0xC0]  }
0x16e: {  	_ = 	snop  }
0x16f: {  	v4 =	vmul.f32 v4, v2  }
0x170: {  	v1 =	vbroadcast v1, $0x0;
	v3 =	vmul.f32 v3, v2  }
0x171: {  	v6 =	vmul.f32 v6, v2;
	[tilespmem:s18+$0x90] =	vst v4  }
0x172: {  	[tilespmem:s18+$0xA0] =	vst v3;
	v4 =	vmul.f32 v7, v2  }
0x173: {  	v2 =	vmul.f32 v5, v2;
	[tilespmem:s18+$0x80] =	vst v6  }
0x174: {  	[tilespmem:s18+$0xC0] =	vst v4  }
0x175: {  	v3 =	vld [tilespmem:s18+$0x100];
	[tilespmem:s18+$0xB0] =	vst v2  }
0x176: {  	v1 =	vld.idx.msk [tilespmem:v1+s13+$0x0], $0xffff  }
0x177: {  	v2 =	vld [tilespmem:s18+$0x120]  }
0x178: {  	v4 =	vld [tilespmem:s18+$0x110]  }
0x179: {  	v5 =	vld [tilespmem:s18+$0x140]  }
0x17a: {  	v6 =	vld [tilespmem:s18+$0x130]  }
0x17b: {  	v3 =	vmul.f32 v3, v1  }
0x17c: {  	v2 =	vmul.f32 v2, v1  }
0x17d: {  	v4 =	vmul.f32 v4, v1;
	[tilespmem:s18+$0x100] =	vst v3;
	v3 =	vmov s20  }
0x17e: {  	v5 =	vmul.f32 v5, v1;
	[tilespmem:s18+$0x120] =	vst v2  }
0x17f: {  	v1 =	vmul.f32 v6, v1;
	[tilespmem:s18+$0x110] =	vst v4  }
0x180: {  	[tilespmem:s18+$0x140] =	vst v5  }
0x181: {  	[tilespmem:s18+$0x130] =	vst v1;
	v2 =	vld [tilespmem:s18+$0x180]  }
0x182: {  	v1 =	vld.idx.msk [tilespmem:v3+s13+$0x0], $0xffff  }
0x183: {  	v3 =	vld [tilespmem:s18+$0x190]  }
0x184: {  	v4 =	vld [tilespmem:s18+$0x1B0]  }
0x185: {  	v5 =	vld [tilespmem:s18+$0x1C0]  }
0x186: {  	v6 =	vld [tilespmem:s18+$0x1A0]  }
0x187: {  	v2 =	vmul.f32 v2, v1  }
0x188: {  	v3 =	vmul.f32 v3, v1  }
0x189: {  	s19 =	sadd.s32 $0xFFFFFFF8, s14;
	[tilespmem:s18+$0x180] =	vst v2;
	v2 =	vmul.f32 v4, v1  }
0x18a: {  	s9 =	sadd.s32 $0x48, s19;
	[tilespmem:s18+$0x190] =	vst v3;
	v3 =	vmul.f32 v5, v1  }
0x18b: {  	s17 =	sshll.u32 s15, $0xA;
	v1 =	vmul.f32 v6, v1;
	[tilespmem:s18+$0x1B0] =	vst v2;
	v2 =	vmov s9  }
0x18c: {  	s17 =	sshrl.u32 s17, $0x2;
	[tilespmem:s18+$0x1C0] =	vst v3;
	v2 =	vand.u32 $0xFFFFFFF8, v2  }
0x18d: {  	s23 =	sadd.s32 $0x1000, s17;
	[tilespmem:s18+$0x1A0] =	vst v1;
	v1 =	vbroadcast v2, $0x0  }
0x18e: {  	[spmem:s4] =	stream.indirect.scatter.add.f32 [tilespmem:s28], [sflag:$0x3], $0x80, s23, s30, $0xb8;
	[tilespmem:$0x1F300] =	vst v63  }
0x18f: {  	_ =	swait.ge [sflag:s5], $0x2000  }
0x190: {  	[sflag:s5] =	ssyncset.done $0x0  }
0x191: {  	s18 =	simm.s32 $0x4A00;
	[sflag:s5] =	ssyncadd.s32 $0xFFFFE000  }
0x192: {  	v2 =	vld [tilespmem:s18+$0xFFFFFE30]  }
0x193: {  	v1 =	vld.idx.msk [tilespmem:v1+s13+$0x0], $0xffff  }
0x194: {  	v3 =	vld [tilespmem:s18+$0xFFFFFE40]  }
0x195: {  	v4 =	vld [tilespmem:s18+$0xFFFFFE00]  }
0x196: {  	s6 =	sadd.s32 $0x49, s19;
	v5 =	vld [tilespmem:s18+$0xFFFFFE10]  }
0x197: {  	v6 =	vmov s6;
	v7 =	vld [tilespmem:s18+$0xFFFFFE20]  }
0x198: {  	v6 =	vand.u32 $0xFFFFFFF9, v6;
	v2 =	vmul.f32 v2, v1  }
0x199: {  	v6 =	vbroadcast v6, $0x0;
	v3 =	vmul.f32 v3, v1  }
0x19a: {  	v4 =	vmul.f32 v4, v1;
	[tilespmem:s18+$0xFFFFFE30] =	vst v2  }
0x19b: {  	v2 =	vmul.f32 v5, v1;
	[tilespmem:s18+$0xFFFFFE40] =	vst v3  }
0x19c: {  	v1 =	vmul.f32 v7, v1;
	[tilespmem:s18+$0xFFFFFE00] =	vst v4  }
0x19d: {  	[tilespmem:s18+$0xFFFFFE10] =	vst v2  }
0x19e: {  	[tilespmem:s18+$0xFFFFFE20] =	vst v1;
	v1 =	vld [tilespmem:s18+$0xFFFFFE90]  }
0x19f: {  	v2 =	vld.idx.msk [tilespmem:v6+s13+$0x0], $0xffff  }
0x1a0: {  	v3 =	vld [tilespmem:s18+$0xFFFFFEB0]  }
0x1a1: {  	v4 =	vld [tilespmem:s18+$0xFFFFFEA0]  }
0x1a2: {  	s7 =	sadd.s32 $0x4A, s19;
	v5 =	vld [tilespmem:s18+$0xFFFFFE80]  }
0x1a3: {  	v7 =	vld [tilespmem:s18+$0xFFFFFEC0];
	v6 =	vmov s7  }
0x1a4: {  	v6 =	vand.u32 $0xFFFFFFFA, v6;
	v1 =	vmul.f32 v1, v2  }
0x1a5: {  	v6 =	vbroadcast v6, $0x0;
	v3 =	vmul.f32 v3, v2  }
0x1a6: {  	v4 =	vmul.f32 v4, v2;
	[tilespmem:s18+$0xFFFFFE90] =	vst v1  }
0x1a7: {  	v1 =	vmul.f32 v5, v2;
	[tilespmem:s18+$0xFFFFFEB0] =	vst v3  }
0x1a8: {  	v2 =	vmul.f32 v7, v2;
	[tilespmem:s18+$0xFFFFFEA0] =	vst v4  }
0x1a9: {  	[tilespmem:s18+$0xFFFFFE80] =	vst v1  }
0x1aa: {  	[tilespmem:s18+$0xFFFFFEC0] =	vst v2;
	v2 =	vld [tilespmem:s18+$0xFFFFFF00]  }
0x1ab: {  	v1 =	vld.idx.msk [tilespmem:v6+s13+$0x0], $0xffff  }
0x1ac: {  	v3 =	vld [tilespmem:s18+$0xFFFFFF20]  }
0x1ad: {  	v4 =	vld [tilespmem:s18+$0xFFFFFF10]  }
0x1ae: {  	s20 =	sadd.s32 $0x4B, s19;
	v5 =	vld [tilespmem:s18+$0xFFFFFF40]  }
0x1af: {  	v7 =	vld [tilespmem:s18+$0xFFFFFF30];
	v6 =	vmov s20  }
0x1b0: {  	v6 =	vand.u32 $0xFFFFFFFB, v6;
	v2 =	vmul.f32 v2, v1  }
0x1b1: {  	v6 =	vbroadcast v6, $0x0;
	v3 =	vmul.f32 v3, v1  }
0x1b2: {  	v4 =	vmul.f32 v4, v1;
	[tilespmem:s18+$0xFFFFFF00] =	vst v2  }
0x1b3: {  	v2 =	vmul.f32 v5, v1;
	[tilespmem:s18+$0xFFFFFF20] =	vst v3  }
0x1b4: {  	v1 =	vmul.f32 v7, v1;
	[tilespmem:s18+$0xFFFFFF10] =	vst v4  }
0x1b5: {  	[tilespmem:s18+$0xFFFFFF40] =	vst v2  }
0x1b6: {  	[tilespmem:s18+$0xFFFFFF30] =	vst v1;
	v2 =	vld [tilespmem:s18+$0xFFFFFF80]  }
0x1b7: {  	v1 =	vld.idx.msk [tilespmem:v6+s13+$0x0], $0xffff  }
0x1b8: {  	v3 =	vld [tilespmem:s18+$0xFFFFFF90]  }
0x1b9: {  	v4 =	vld [tilespmem:s18+$0xFFFFFFA0]  }
0x1ba: {  	s21 =	sadd.s32 $0x4C, s19;
	v5 =	vld [tilespmem:s18+$0xFFFFFFC0]  }
0x1bb: {  	v7 =	vld [tilespmem:s18+$0xFFFFFFB0];
	v6 =	vmov s21  }
0x1bc: {  	v6 =	vand.u32 $0xFFFFFFFC, v6;
	v2 =	vmul.f32 v2, v1  }
0x1bd: {  	v6 =	vbroadcast v6, $0x0;
	v3 =	vmul.f32 v3, v1  }
0x1be: {  	v4 =	vmul.f32 v4, v1;
	[tilespmem:s18+$0xFFFFFF80] =	vst v2  }
0x1bf: {  	v2 =	vmul.f32 v5, v1;
	[tilespmem:s18+$0xFFFFFF90] =	vst v3  }
0x1c0: {  	v1 =	vmul.f32 v7, v1;
	[tilespmem:s18+$0xFFFFFFA0] =	vst v4  }
0x1c1: {  	[tilespmem:s18+$0xFFFFFFC0] =	vst v2  }
0x1c2: {  	[tilespmem:s18+$0xFFFFFFB0] =	vst v1;
	v2 =	vld [tilespmem:s18+$0x0]  }
0x1c3: {  	v1 =	vld.idx.msk [tilespmem:v6+s13+$0x0], $0xffff  }
0x1c4: {  	v3 =	vld [tilespmem:s18+$0x20]  }
0x1c5: {  	v4 =	vld [tilespmem:s18+$0x10]  }
0x1c6: {  	s22 =	sadd.s32 $0x4D, s19;
	v5 =	vld [tilespmem:s18+$0x30]  }
0x1c7: {  	v7 =	vld [tilespmem:s18+$0x40];
	v6 =	vmov s22  }
0x1c8: {  	v6 =	vand.u32 $0xFFFFFFFD, v6;
	v2 =	vmul.f32 v2, v1  }
0x1c9: {  	v6 =	vbroadcast v6, $0x0;
	v3 =	vmul.f32 v3, v1  }
0x1ca: {  	v4 =	vmul.f32 v4, v1;
	[tilespmem:s18+$0x0] =	vst v2  }
0x1cb: {  	v2 =	vmul.f32 v5, v1;
	[tilespmem:s18+$0x20] =	vst v3  }
0x1cc: {  	v1 =	vmul.f32 v7, v1;
	[tilespmem:s18+$0x10] =	vst v4  }
0x1cd: {  	v3 =	vld [tilespmem:s18+$0xA0];
	[tilespmem:s18+$0x30] =	vst v2  }
0x1ce: {  	v4 =	vld [tilespmem:s18+$0x90];
	[tilespmem:s18+$0x40] =	vst v1  }
0x1cf: {  	v2 =	vld.idx.msk [tilespmem:v6+s13+$0x0], $0xffff  }
0x1d0: {  	s23 =	sadd.s32 $0x4E, s19;
	v6 =	vld [tilespmem:s18+$0x80]  }
0x1d1: {  	v5 =	vld [tilespmem:s18+$0xB0];
	v1 =	vmov s23  }
0x1d2: {  	s20 =	simm.s32 $0x0;
	s21 =	sadd.s32 $0x4F, s19;
	s19 =	simm.s32 $0x4A00;
	v7 =	vld [tilespmem:s18+$0xC0];
	v1 =	vand.u32 $0xFFFFFFFE, v1  }
.LBB2_11:
0x1d3: {  	s18 =	sadd.s32 $0x400, s18;
	s9 =	smov.u32 s20;
	s20 =	sadd.s32 $0x8, s20  }
0x1d4: {  	v1 =	vbroadcast v1, $0x0;
	p0 =	slt.u32 s20, $0x38  }
0x1d5: {  	v4 =	vmul.f32 v4, v2;
	v6 =	vmul.f32 v6, v2  }
0x1d6: {  	v3 =	vmul.f32 v3, v2;
	v5 =	vmul.f32 v5, v2  }
0x1d7: {  	[tilespmem:s19+$0x90] =	vst v4;
	v2 =	vmul.f32 v7, v2  }
0x1d8: {  	[tilespmem:s19+$0xA0] =	vst v3  }
0x1d9: {  	[tilespmem:s19+$0xC0] =	vst v2  }
0x1da: {  	[tilespmem:s19+$0x80] =	vst v6;
	v2 =	vld [tilespmem:s19+$0x100]  }
0x1db: {  	[tilespmem:s19+$0xB0] =	vst v5;
	v3 =	vld [tilespmem:s19+$0x130]  }
0x1dc: {  	v1 =	vld.idx.msk [tilespmem:v1+s13+$0x0], $0xffff  }
0x1dd: {  	v4 =	vld [tilespmem:s19+$0x110]  }
0x1de: {  	v5 =	vld [tilespmem:s19+$0x120]  }
0x1df: {  	v6 =	vld [tilespmem:s19+$0x140];
	_ =	sdelay $0x2  }
0x1e0: {  	v2 =	vmul.f32 v2, v1;
	v4 =	vmul.f32 v4, v1  }
0x1e1: {  	v3 =	vmul.f32 v3, v1;
	v5 =	vmul.f32 v5, v1  }
0x1e2: {  	[tilespmem:s19+$0x100] =	vst v2;
	v1 =	vmul.f32 v6, v1  }
0x1e3: {  	v2 =	vmov s21;
	[tilespmem:s19+$0x120] =	vst v5  }
0x1e4: {  	[tilespmem:s19+$0x110] =	vst v4  }
0x1e5: {  	[tilespmem:s19+$0x140] =	vst v1;
	_ =	sdelay $0x1  }
0x1e6: {  	[tilespmem:s19+$0x130] =	vst v3;
	v1 =	vld [tilespmem:s19+$0x1A0]  }
0x1e7: {  	v2 =	vld.idx.msk [tilespmem:v2+s13+$0x0], $0xffff  }
0x1e8: {  	v3 =	vld [tilespmem:s19+$0x180]  }
0x1e9: {  	v4 =	vld [tilespmem:s19+$0x190]  }
0x1ea: {  	s9 =	sadd.s32 s9, s14;
	v5 =	vld [tilespmem:s19+$0x1B0]  }
0x1eb: {  	s22 =	sadd.s32 $0x49, s9;
	s23 =	sadd.s32 $0x4A, s9;
	s21 =	sadd.s32 $0x48, s9;
	v6 =	vld [tilespmem:s19+$0x1C0]  }
0x1ec: {  	s7 =	sadd.s32 $0x4D, s9;
	v8 =	vmov s22;
	v9 =	vmov s23;
	s22 =	sadd.s32 $0x4B, s9;
	s23 =	sadd.s32 $0x4C, s9;
	v7 =	vmov s21  }
0x1ed: {  	s6 =	sadd.s32 $0x4E, s9;
	v8 =	vand.u32 $0xFFFFFFF9, v8;
	s21 =	sadd.s32 $0x4F, s9;
	v7 =	vand.u32 $0xFFFFFFF8, v7;
	v3 =	vmul.f32 v3, v2  }
0x1ee: {  	v9 =	vand.u32 $0xFFFFFFFA, v9;
	v7 =	vbroadcast v7, $0x0;
	v4 =	vmul.f32 v4, v2  }
0x1ef: {  	v10 =	vmov s22;
	[tilespmem:s19+$0x180] =	vst v3;
	v3 =	vmul.f32 v1, v2;
	v1 =	vmul.f32 v5, v2  }
0x1f0: {  	v5 =	vand.u32 $0xFFFFFFFB, v10;
	v10 =	vmov s23;
	[tilespmem:s19+$0x190] =	vst v4;
	v4 =	vmul.f32 v6, v2  }
0x1f1: {  	v6 =	vand.u32 $0xFFFFFFFC, v10;
	v2 =	vmov s7;
	v10 =	vmov s6;
	[tilespmem:s19+$0x1B0] =	vst v1  }
0x1f2: {  	v2 =	vand.u32 $0xFFFFFFFD, v2;
	v1 =	vand.u32 $0xFFFFFFFE, v10;
	[tilespmem:s19+$0x1C0] =	vst v4  }
0x1f3: {  	[tilespmem:s19+$0x1A0] =	vst v3;
	s19 =	smov.u32 s18  }
0x1f4: {  	v3 =	vld [tilespmem:s18+$0xFFFFFE40]  }
0x1f5: {  	v4 =	vld [tilespmem:s18+$0xFFFFFE30]  }
0x1f6: {  	v7 =	vld.idx.msk [tilespmem:v7+s13+$0x0], $0xffff  }
0x1f7: {  	v10 =	vld [tilespmem:s18+$0xFFFFFE10]  }
0x1f8: {  	v11 =	vld [tilespmem:s18+$0xFFFFFE00];
	_ =	sdelay $0x1  }
0x1f9: {  	v8 =	vbroadcast v8, $0x0;
	v12 =	vld [tilespmem:s18+$0xFFFFFE20];
	_ =	sdelay $0x1  }
0x1fa: {  	v4 =	vmul.f32 v4, v7;
	v10 =	vmul.f32 v10, v7  }
0x1fb: {  	v3 =	vmul.f32 v3, v7;
	v11 =	vmul.f32 v11, v7  }
0x1fc: {  	[tilespmem:s18+$0xFFFFFE30] =	vst v4  }
0x1fd: {  	v4 =	vmul.f32 v12, v7;
	[tilespmem:s18+$0xFFFFFE40] =	vst v3  }
0x1fe: {  	[tilespmem:s18+$0xFFFFFE00] =	vst v11  }
0x1ff: {  	[tilespmem:s18+$0xFFFFFE10] =	vst v10;
	v3 =	vld [tilespmem:s18+$0xFFFFFEB0]  }
0x200: {  	[tilespmem:s18+$0xFFFFFE20] =	vst v4;
	v4 =	vld [tilespmem:s18+$0xFFFFFE90]  }
0x201: {  	v7 =	vld.idx.msk [tilespmem:v8+s13+$0x0], $0xffff  }
0x202: {  	v8 =	vld [tilespmem:s18+$0xFFFFFE80]  }
0x203: {  	v10 =	vld [tilespmem:s18+$0xFFFFFEA0]  }
0x204: {  	v11 =	vld [tilespmem:s18+$0xFFFFFEC0];
	_ =	sdelay $0x1  }
0x205: {  	v9 =	vbroadcast v9, $0x0  }
0x206: {  	v4 =	vmul.f32 v4, v7;
	v8 =	vmul.f32 v8, v7  }
0x207: {  	v3 =	vmul.f32 v3, v7;
	v10 =	vmul.f32 v10, v7  }
0x208: {  	[tilespmem:s18+$0xFFFFFE90] =	vst v4;
	v4 =	vmul.f32 v11, v7  }
0x209: {  	[tilespmem:s18+$0xFFFFFEB0] =	vst v3  }
0x20a: {  	[tilespmem:s18+$0xFFFFFEA0] =	vst v10  }
0x20b: {  	[tilespmem:s18+$0xFFFFFE80] =	vst v8;
	v3 =	vld [tilespmem:s18+$0xFFFFFF30]  }
0x20c: {  	[tilespmem:s18+$0xFFFFFEC0] =	vst v4;
	v4 =	vld [tilespmem:s18+$0xFFFFFF10]  }
0x20d: {  	v7 =	vld.idx.msk [tilespmem:v9+s13+$0x0], $0xffff  }
0x20e: {  	v8 =	vld [tilespmem:s18+$0xFFFFFF00]  }
0x20f: {  	v9 =	vld [tilespmem:s18+$0xFFFFFF20]  }
0x210: {  	v10 =	vld [tilespmem:s18+$0xFFFFFF40];
	_ =	sdelay $0x1  }
0x211: {  	v5 =	vbroadcast v5, $0x0  }
0x212: {  	v4 =	vmul.f32 v4, v7;
	v8 =	vmul.f32 v8, v7  }
0x213: {  	v3 =	vmul.f32 v3, v7;
	v9 =	vmul.f32 v9, v7  }
0x214: {  	[tilespmem:s18+$0xFFFFFF00] =	vst v8;
	v7 =	vmul.f32 v10, v7  }
0x215: {  	[tilespmem:s18+$0xFFFFFF20] =	vst v9  }
0x216: {  	[tilespmem:s18+$0xFFFFFF10] =	vst v4  }
0x217: {  	[tilespmem:s18+$0xFFFFFF40] =	vst v7;
	v4 =	vld [tilespmem:s18+$0xFFFFFFB0]  }
0x218: {  	[tilespmem:s18+$0xFFFFFF30] =	vst v3;
	v3 =	vld [tilespmem:s18+$0xFFFFFF90]  }
0x219: {  	v5 =	vld.idx.msk [tilespmem:v5+s13+$0x0], $0xffff  }
0x21a: {  	v7 =	vld [tilespmem:s18+$0xFFFFFF80]  }
0x21b: {  	v8 =	vld [tilespmem:s18+$0xFFFFFFA0]  }
0x21c: {  	v9 =	vld [tilespmem:s18+$0xFFFFFFC0];
	_ =	sdelay $0x1  }
0x21d: {  	v6 =	vbroadcast v6, $0x0  }
0x21e: {  	v3 =	vmul.f32 v3, v5;
	v7 =	vmul.f32 v7, v5  }
0x21f: {  	v4 =	vmul.f32 v4, v5;
	v8 =	vmul.f32 v8, v5  }
0x220: {  	[tilespmem:s18+$0xFFFFFF80] =	vst v7;
	v5 =	vmul.f32 v9, v5  }
0x221: {  	[tilespmem:s18+$0xFFFFFF90] =	vst v3  }
0x222: {  	[tilespmem:s18+$0xFFFFFFA0] =	vst v8  }
0x223: {  	[tilespmem:s18+$0xFFFFFFC0] =	vst v5;
	v3 =	vld [tilespmem:s18+$0x40]  }
0x224: {  	[tilespmem:s18+$0xFFFFFFB0] =	vst v4;
	v4 =	vld [tilespmem:s18+$0x10]  }
0x225: {  	v5 =	vld.idx.msk [tilespmem:v6+s13+$0x0], $0xffff  }
0x226: {  	v6 =	vld [tilespmem:s18+$0x0]  }
0x227: {  	v7 =	vld [tilespmem:s18+$0x20]  }
0x228: {  	v8 =	vld [tilespmem:s18+$0x30];
	_ =	sdelay $0x1  }
0x229: {  	v2 =	vbroadcast v2, $0x0  }
0x22a: {  	v4 =	vmul.f32 v4, v5;
	v6 =	vmul.f32 v6, v5  }
0x22b: {  	v9 =	vmul.f32 v3, v5;
	v7 =	vmul.f32 v7, v5  }
0x22c: {  	[tilespmem:s18+$0x0] =	vst v6;
	v3 =	vmul.f32 v8, v5  }
0x22d: {  	[tilespmem:s18+$0x20] =	vst v7  }
0x22e: {  	[tilespmem:s18+$0x10] =	vst v4  }
0x22f: {  	[tilespmem:s18+$0x30] =	vst v3;
	v3 =	vld [tilespmem:s18+$0xA0]  }
.Ltmp9:
0x230: {  	[tilespmem:s18+$0x40] =	vst v9;
	v4 =	vld [tilespmem:s18+$0x90];
	(pc) =	sbr.rel @p0 .LBB2_11-.Ltmp9, $4  }
0x231: {  	v2 =	vld.idx.msk [tilespmem:v2+s13+$0x0], $0xffff  }
0x232: {  	v6 =	vld [tilespmem:s18+$0x80]  }
0x233: {  	v5 =	vld [tilespmem:s18+$0xB0]  }
0x234: {  	v7 =	vld [tilespmem:s18+$0xC0]  }
0x235: {  	_ = 	snop  }
0x236: {  	v4 =	vmul.f32 v4, v2  }
0x237: {  	v1 =	vbroadcast v1, $0x0;
	v3 =	vmul.f32 v3, v2  }
0x238: {  	v6 =	vmul.f32 v6, v2;
	[tilespmem:s19+$0x90] =	vst v4  }
0x239: {  	[tilespmem:s19+$0xA0] =	vst v3;
	v57 =	vmul.f32 v7, v2  }
0x23a: {  	v2 =	vmul.f32 v5, v2;
	[tilespmem:s19+$0x80] =	vst v6  }
0x23b: {  	[tilespmem:s19+$0xC0] =	vst v57  }
0x23c: {  	v3 =	vld [tilespmem:s19+$0x100];
	[tilespmem:s19+$0xB0] =	vst v2  }
0x23d: {  	v1 =	vld.idx.msk [tilespmem:v1+s13+$0x0], $0xffff  }
0x23e: {  	v2 =	vld [tilespmem:s19+$0x120]  }
0x23f: {  	v58 =	vld [tilespmem:s19+$0x110]  }
0x240: {  	v59 =	vld [tilespmem:s19+$0x140]  }
0x241: {  	v60 =	vld [tilespmem:s19+$0x130]  }
0x242: {  	v3 =	vmul.f32 v3, v1  }
0x243: {  	v2 =	vmul.f32 v2, v1  }
0x244: {  	v4 =	vmul.f32 v58, v1;
	[tilespmem:s19+$0x100] =	vst v3;
	v3 =	vmov s21  }
0x245: {  	v5 =	vmul.f32 v59, v1;
	[tilespmem:s19+$0x120] =	vst v2  }
0x246: {  	v1 =	vmul.f32 v60, v1;
	[tilespmem:s19+$0x110] =	vst v4  }
0x247: {  	[tilespmem:s19+$0x140] =	vst v5  }
0x248: {  	[tilespmem:s19+$0x130] =	vst v1;
	v2 =	vld [tilespmem:s19+$0x180]  }
0x249: {  	v1 =	vld.idx.msk [tilespmem:v3+s13+$0x0], $0xffff  }
0x24a: {  	v3 =	vld [tilespmem:s19+$0x190]  }
0x24b: {  	v61 =	vld [tilespmem:s19+$0x1B0]  }
0x24c: {  	v62 =	vld [tilespmem:s19+$0x1C0]  }
0x24d: {  	v63 =	vld [tilespmem:s19+$0x1A0]  }
0x24e: {  	v2 =	vmul.f32 v2, v1  }
0x24f: {  	v3 =	vmul.f32 v3, v1  }
0x250: {  	[tilespmem:s19+$0x180] =	vst v2;
	v2 =	vmul.f32 v61, v1  }
0x251: {  	[tilespmem:s19+$0x190] =	vst v3;
	v3 =	vmul.f32 v62, v1  }
0x252: {  	v1 =	vmul.f32 v63, v1;
	[tilespmem:s19+$0x1B0] =	vst v2  }
0x253: {  	p0 =	seq.s32 s15, $0xF;
	[tilespmem:s19+$0x1C0] =	vst v3  }
.Ltmp10:
0x254: {  	s6 =	sadd.s32 $0x1000, s16;
	[tilespmem:s19+$0x1A0] =	vst v1;
	(pc) =	sbr.rel @p0 .LBB2_14-.Ltmp10, $4  }
0x255: {  	[spmem:s4] =	stream.indirect.scatter.add.f32 [tilespmem:s31], [sflag:$0x4], $0x80, s6, s30, $0xb8;
	[tilespmem:$0x1F300] =	vst v63  }
0x256: {  	_ =	swait.ge [sflag:s3], $0x2000  }
0x257: {  	[sflag:s3] =	ssyncset.done $0x0  }
0x258: {  	[sflag:s3] =	ssyncadd.s32 $0xFFFFE000  }
.Ltmp11:
0x259: {  	(pc) =	sbr.rel .LBB2_8-.Ltmp11, $3  }
0x25a: {  	_ =	sdelay $0x1  }
0x25b: {  	s6 =	sadd.s32 $0x100, s17;
	s15 =	sadd.s32 $0x1, s15;
	s14 =	sadd.s32 $0x80, s14  }
0x25c: {  	[tilespmem:s28], [sflag:$0x1] =	stream.indirect.gather [hbm4b:s10+s30], $0x80, s6, s30, $0xb8;
	[tilespmem:$0x1F300] =	vst v63  }
.LBB2_17:
0x25d: {  	_ =	sfence.sel $0x180000  }
0x25e: {  	[bflag:$0x0] =	sbarrier.arrive $0xFFFF  }
0x25f: {  	_ =	strace $0x90000047  }
0x260: {  	s0 =	stileid.u32;
	[bflag:$0x2] =	sbarrier.arrive $0xFFFF  }
0x261: {  	p0 =	sne.s32 s0, $0x0;
	s0 =	rddreg [dreg:$0x4]  }
0x262: {  	s0 =	sadd.s32 @!p0 $0x100000, s0  }
0x263: {  	[sflag:s0] =	ssyncadd.tile.s32 @!p0 $0x1;
	_ =	shalt  }
.Lfunc_end2:
_tile_overlayer_lowered:
.L_overlay_start_2:
0x264: {  	(tag) =	ssettag $0x2  }
0x265: {  	s0 =	rddreg [dreg:$0x0];
	s2 =	stileid.u32  }
0x266: {  	s1 =	rddreg [dreg:$0x1];
	p0 =	sne.s32 s2, $0x0  }
0x267: {  	s3 =	rddreg [dreg:$0x2];
	[bflag:$0x3] =	sbarrier.arrive $0xFFFF;
	s2 =	simm.s32 @!p0 $0x1C05  }
0x268: {  	[timem:s3], [sflag:s2] =	dma.local @!p0 [hbm:s0], s1  }
0x269: {  	s0 =	simm.s32 @!p0 $0x5  }
0x26a: {  	_ =	swait.ge @!p0 [sflag:s0], s1  }
0x26b: {  	s1 =	ssub.s32 @!p0 $0x0, s1;
	[sflag:s0] =	ssyncset.done @!p0 $0x0  }
0x26c: {  	[sflag:s0] =	ssyncadd.s32 @!p0 s1  }
0x26d: {  	[bflag:$0x3] =	sbarrier.arrive $0xFFFF  }
0x26e: {  	_ =	shalt  }

</sc_bundles>
